<compile_context>
chip_gen: v7x
topology: tpu7x:2x2x1
jax: 0.10.2.dev20260603
libtpu: 0.0.44.dev20260713+nightly
codegen_flags: <defaults>
</compile_context>

<pallas_src>
import jax
import jax.numpy as jnp
from jax import lax
from jax.experimental import pallas as pl
from jax.experimental.pallas import tpu as pltpu
from jax.experimental.pallas import tpu_sc as plsc

N = 10000
E = 320000
D_IN = 128
D_EDGE = 16
H = 128
NF = 2000
FE = 40000
NB = 64

NC = 2
NS = 16
NW = NC * NS

F32 = jnp.float32



def _mm_bias_body(x_ref, w_ref, b_ref, o_ref):
    o_ref[...] = (
        jnp.dot(x_ref[...], w_ref[...], preferred_element_type=F32) + b_ref[...]
    )


def _mm_bias(x, w, b, row_blk):
    n, k = x.shape
    m = w.shape[1]
    grid = n // row_blk
    return pl.pallas_call(
        _mm_bias_body,
        grid=(grid,),
        in_specs=[
            pl.BlockSpec((row_blk, k), lambda i: (i, 0)),
            pl.BlockSpec((k, m), lambda i: (0, 0)),
            pl.BlockSpec((1, m), lambda i: (0, 0)),
        ],
        out_specs=pl.BlockSpec((row_blk, m), lambda i: (i, 0)),
        out_shape=jax.ShapeDtypeStruct((n, m), F32),
    )(x, w, b.reshape(1, m))


NFP = 2048
NP = 10240


def _enc_combine_body(x_ref, w_ref, b_ref, s_ref, c_ref, o_ref):
    i = pl.program_id(0)
    h0 = jnp.dot(x_ref[...], w_ref[...], preferred_element_type=F32) + b_ref[...]

    @pl.when(i < 2)
    def _():
        s = s_ref[0] + s_ref[1]
        c = c_ref[0, :, 0:1] + c_ref[1, :, 0:1]
        o_ref[...] = h0 + s / jnp.maximum(c, 1.0)

    @pl.when(i >= 2)
    def _():
        o_ref[...] = h0


def _enc_combine(x, w, b, s_part, c_part):
    blk = 1000
    k = x.shape[1]
    return pl.pallas_call(
        _enc_combine_body,
        grid=(N // blk,),
        in_specs=[
            pl.BlockSpec((blk, k), lambda i: (i, 0)),
            pl.BlockSpec((k, H), lambda i: (0, 0)),
            pl.BlockSpec((1, H), lambda i: (0, 0)),
            pl.BlockSpec((2, blk, H), lambda i: (0, jnp.minimum(i, 1), 0)),
            pl.BlockSpec((2, blk, H), lambda i: (0, jnp.minimum(i, 1), 0)),
        ],
        out_specs=pl.BlockSpec((blk, H), lambda i: (i, 0)),
        out_shape=jax.ShapeDtypeStruct((N, H), F32),
    )(x, w, b.reshape(1, H), s_part, c_part)


def _layer_a_body(h_ref, p_ref, w1_ref, b1_ref, eps_ref, z1_ref, st_ref):
    z = (1.0 + eps_ref[0, 0]) * h_ref[...] + p_ref[0] + p_ref[1]
    z1 = jnp.dot(z, w1_ref[...], preferred_element_type=F32) + b1_ref[...]
    z1_ref[...] = z1

    @pl.when(pl.program_id(0) == 0)
    def _():
        st_ref[...] = jnp.zeros_like(st_ref)

    st_ref[0:1, :] += jnp.sum(z1, axis=0, keepdims=True)
    st_ref[1:2, :] += jnp.sum(z1 * z1, axis=0, keepdims=True)


def _layer_a(h, part, w1, b1, eps):
    blk = 1000
    m = w1.shape[1]
    return pl.pallas_call(
        _layer_a_body,
        grid=(N // blk,),
        in_specs=[
            pl.BlockSpec((blk, H), lambda i: (i, 0)),
            pl.BlockSpec((2, blk, H), lambda i: (0, i, 0)),
            pl.BlockSpec((H, m), lambda i: (0, 0)),
            pl.BlockSpec((1, m), lambda i: (0, 0)),
            pl.BlockSpec((1, 1), lambda i: (0, 0)),
        ],
        out_specs=[
            pl.BlockSpec((blk, m), lambda i: (i, 0)),
            pl.BlockSpec((2, m), lambda i: (0, 0)),
        ],
        out_shape=[
            jax.ShapeDtypeStruct((N, m), F32),
            jax.ShapeDtypeStruct((2, m), F32),
        ],
    )(h, part, w1, b1.reshape(1, m), eps.reshape(1, 1))


def _layer_b_body(z1_ref, st_ref, g_ref, be_ref, w2_ref, b2_ref, z2_ref, st2_ref):
    inv_n = 1.0 / N
    m = st_ref[0:1, :] * inv_n
    v = st_ref[1:2, :] * inv_n - m * m
    y = (z1_ref[...] - m) * lax.rsqrt(v + 1e-5) * g_ref[...] + be_ref[...]
    y = jnp.maximum(y, 0.0)
    z2 = jnp.dot(y, w2_ref[...], preferred_element_type=F32) + b2_ref[...]
    z2_ref[...] = z2

    @pl.when(pl.program_id(0) == 0)
    def _():
        st2_ref[...] = jnp.zeros_like(st2_ref)

    st2_ref[0:1, :] += jnp.sum(z2, axis=0, keepdims=True)
    st2_ref[1:2, :] += jnp.sum(z2 * z2, axis=0, keepdims=True)


def _layer_b(z1, st1, g1, be1, w2, b2):
    blk = 1000
    k = z1.shape[1]
    m = w2.shape[1]
    return pl.pallas_call(
        _layer_b_body,
        grid=(N // blk,),
        in_specs=[
            pl.BlockSpec((blk, k), lambda i: (i, 0)),
            pl.BlockSpec((2, k), lambda i: (0, 0)),
            pl.BlockSpec((1, k), lambda i: (0, 0)),
            pl.BlockSpec((1, k), lambda i: (0, 0)),
            pl.BlockSpec((k, m), lambda i: (0, 0)),
            pl.BlockSpec((1, m), lambda i: (0, 0)),
        ],
        out_specs=[
            pl.BlockSpec((blk, m), lambda i: (i, 0)),
            pl.BlockSpec((2, m), lambda i: (0, 0)),
        ],
        out_shape=[
            jax.ShapeDtypeStruct((N, m), F32),
            jax.ShapeDtypeStruct((2, m), F32),
        ],
    )(z1, st1, g1.reshape(1, k), be1.reshape(1, k), w2, b2.reshape(1, m))


def _layer_c_body(z2_ref, st_ref, g_ref, b_ref, o_ref):
    inv_n = 1.0 / N
    m = st_ref[0:1, :] * inv_n
    v = st_ref[1:2, :] * inv_n - m * m
    y = (z2_ref[...] - m) * lax.rsqrt(v + 1e-5) * g_ref[...] + b_ref[...]
    o_ref[...] = jnp.maximum(y, 0.0)


def _layer_c(z2, st2, g, b):
    blk = 1000
    k = z2.shape[1]
    return pl.pallas_call(
        _layer_c_body,
        grid=(N // blk,),
        in_specs=[
            pl.BlockSpec((blk, k), lambda i: (i, 0)),
            pl.BlockSpec((2, k), lambda i: (0, 0)),
            pl.BlockSpec((1, k), lambda i: (0, 0)),
            pl.BlockSpec((1, k), lambda i: (0, 0)),
        ],
        out_specs=pl.BlockSpec((blk, k), lambda i: (i, 0)),
        out_shape=jax.ShapeDtypeStruct((N, k), F32),
    )(z2, st2, g.reshape(1, k), b.reshape(1, k))


def _pool2_body(z2_ref, st_ref, g_ref, b_ref, w1_ref, b1_ref, w2_ref, b2_ref,
                ow1_ref, ob1_ref, ow2_ref, ob2_ref, batch_ref, o_ref,
                gs_s, gc_s):
    i = pl.program_id(0)
    inv_n = 1.0 / N
    m = st_ref[0:1, :] * inv_n
    v = st_ref[1:2, :] * inv_n - m * m
    hh = (z2_ref[...] - m) * lax.rsqrt(v + 1e-5) * g_ref[...] + b_ref[...]
    hh = jnp.maximum(hh, 0.0)
    a = jnp.maximum(
        jnp.dot(hh, w1_ref[...], preferred_element_type=F32) + b1_ref[...], 0.0
    )
    a2 = jnp.maximum(
        jnp.dot(a, w2_ref[...], preferred_element_type=F32) + b2_ref[...], 0.0
    )
    bv = batch_ref[0, 0, :]
    oh = (bv[:, None] == lax.broadcasted_iota(jnp.int32, (bv.shape[0], NB), 1)).astype(
        F32
    )

    @pl.when(i == 0)
    def _():
        gs_s[...] = jnp.zeros_like(gs_s)
        gc_s[...] = jnp.zeros_like(gc_s)

    gs_s[...] += lax.dot_general(
        oh, a2, (((0,), (0,)), ((), ())), preferred_element_type=F32
    )
    gc_s[...] += jnp.broadcast_to(jnp.sum(oh, axis=0)[:, None], (NB, H))

    @pl.when(i == pl.num_programs(0) - 1)
    def _():
        gg = gs_s[...] / jnp.maximum(gc_s[...], 1.0)
        y = jnp.maximum(
            jnp.dot(gg, ow1_ref[...], preferred_element_type=F32) + ob1_ref[...],
            0.0,
        )
        o_ref[...] = (
            jnp.dot(y, ow2_ref[...], preferred_element_type=F32) + ob2_ref[...]
        )


def _pool2(z2, st2, bn_g, bn_b, ao, op, batch3):
    blk = 1000
    out = op["W2"].shape[1]
    return pl.pallas_call(
        _pool2_body,
        grid=(N // blk,),
        in_specs=[
            pl.BlockSpec((blk, H), lambda i: (i, 0)),
            pl.BlockSpec((2, H), lambda i: (0, 0)),
            pl.BlockSpec((1, H), lambda i: (0, 0)),
            pl.BlockSpec((1, H), lambda i: (0, 0)),
            pl.BlockSpec((H, H), lambda i: (0, 0)),
            pl.BlockSpec((1, H), lambda i: (0, 0)),
            pl.BlockSpec((H, H), lambda i: (0, 0)),
            pl.BlockSpec((1, H), lambda i: (0, 0)),
            pl.BlockSpec((H, H), lambda i: (0, 0)),
            pl.BlockSpec((1, H), lambda i: (0, 0)),
            pl.BlockSpec((H, out), lambda i: (0, 0)),
            pl.BlockSpec((1, out), lambda i: (0, 0)),
            pl.BlockSpec((1, 1, blk), lambda i: (i, 0, 0)),
        ],
        out_specs=pl.BlockSpec((NB, out), lambda i: (0, 0)),
        out_shape=jax.ShapeDtypeStruct((NB, out), F32),
        scratch_shapes=[
            pltpu.VMEM((NB, H), F32),
            pltpu.VMEM((NB, H), F32),
        ],
    )(z2, st2, bn_g.reshape(1, H), bn_b.reshape(1, H),
      ao["W1"], ao["b1"].reshape(1, H), ao["W2"], ao["b2"].reshape(1, H),
      op["W1"], op["b1"].reshape(1, H), op["W2"], op["b2"].reshape(1, out),
      batch3)



FEP = 40960
FCH = 128
FPW = FEP // NW


FNCH = FPW // FCH
FGRP = 2


def _frag_body(emb_hbm, frag_hbm, row_hbm, col_hbm, z_hbm, z16_hbm, ones_hbm,
               s_out, c_out,
               colv, rowv, tv, rowsA, rowsB, onesv, sacc, cacc,
               semI, semT, semO, semGA, semGB, semSA, semSB):
    cid = lax.axis_index("c")
    sid = lax.axis_index("s")
    wid = cid * NS + sid
    rpt = NFP // NS
    pltpu.sync_copy(z_hbm.at[pl.ds(sid * rpt, rpt)], sacc.at[pl.ds(sid * rpt, rpt)])
    pltpu.sync_copy(z16_hbm.at[pl.ds(sid * rpt, rpt)], cacc.at[pl.ds(sid * rpt, rpt)])
    pltpu.sync_copy(ones_hbm, onesv)
    base0 = wid * FPW
    ngrp = FNCH // FGRP
    rows = [rowsA, rowsB]
    semG = [semGA, semGB]
    semS = [semSA, semSB]

    idx_ds = []
    for k in range(FNCH):
        idx_ds.append(
            pltpu.async_copy(col_hbm.at[pl.ds(base0 + k * FCH, FCH)],
                             colv.at[k], semI))
        idx_ds.append(
            pltpu.async_copy(row_hbm.at[pl.ds(base0 + k * FCH, FCH)],
                             rowv.at[k], semI))
    for d in idx_ds:
        d.wait()
    plsc.subcore_barrier()
    for k in range(FNCH):
        pltpu.async_copy(onesv, cacc.at[rowv.at[k]], semO, add=True)
    t_ds = [pltpu.async_copy(frag_hbm.at[colv.at[k]], tv.at[k], semT)
            for k in range(FNCH)]
    for d in t_ds:
        d.wait()

    def issue_rows(g):
        b = g % 2
        for k in range(FGRP):
            pltpu.async_copy(emb_hbm.at[tv.at[g * FGRP + k]],
                             rows[b].at[pl.ds(k * FCH, FCH)], semG[b])

    issue_rows(0)
    for g in range(ngrp):
        b = g % 2
        for k in range(FGRP):
            pltpu.make_async_copy(emb_hbm.at[tv.at[g * FGRP + k]],
                                  rows[b].at[pl.ds(k * FCH, FCH)],
                                  semG[b]).wait()
        if g + 1 < ngrp:
            if g >= 1:
                for k in range(FGRP):
                    kk = (g - 1) * FGRP + k
                    pltpu.make_async_copy(rows[1 - b].at[pl.ds(k * FCH, FCH)],
                                          sacc.at[rowv.at[kk]],
                                          semS[1 - b]).wait()
            issue_rows(g + 1)
        for k in range(FGRP):
            pltpu.async_copy(rows[b].at[pl.ds(k * FCH, FCH)],
                             sacc.at[rowv.at[g * FGRP + k]], semS[b], add=True)
    for g in (ngrp - 2, ngrp - 1):
        b = g % 2
        for k in range(FGRP):
            pltpu.make_async_copy(rows[b].at[pl.ds(k * FCH, FCH)],
                                  sacc.at[rowv.at[g * FGRP + k]],
                                  semS[b]).wait()
    for k in range(FNCH):
        pltpu.make_async_copy(onesv, cacc.at[rowv.at[k]], semO).wait()
    plsc.subcore_barrier()
    pltpu.sync_copy(sacc.at[pl.ds(sid * rpt, rpt)],
                    s_out.at[cid, pl.ds(sid * rpt, rpt)])
    pltpu.sync_copy(cacc.at[pl.ds(sid * rpt, rpt)],
                    c_out.at[cid, pl.ds(sid * rpt, rpt)])


def _frag_stage(frag_emb, fragments, frow, fcol):
    mesh = plsc.VectorSubcoreMesh(core_axis_name="c", subcore_axis_name="s")
    row_p = jnp.concatenate([frow, jnp.full((FEP - FE,), NF, jnp.int32)])
    col_p = jnp.concatenate([fcol, jnp.zeros((FEP - FE,), jnp.int32)])
    zeros = jnp.zeros((NFP, H), F32)
    zeros16 = jnp.zeros((NFP, H), F32)
    ones16 = jnp.ones((FCH, H), F32)
    fk = pl.kernel(
        _frag_body,
        out_type=(
            jax.ShapeDtypeStruct((NC, NFP, H), F32),
            jax.ShapeDtypeStruct((NC, NFP, H), F32),
        ),
        mesh=mesh,
        scratch_types=[
            pltpu.VMEM((FNCH, FCH), jnp.int32),
            pltpu.VMEM((FNCH, FCH), jnp.int32),
            pltpu.VMEM((FNCH, FCH), jnp.int32),
            pltpu.VMEM((FGRP * FCH, H), F32),
            pltpu.VMEM((FGRP * FCH, H), F32),
            pltpu.VMEM((FCH, H), F32),
            pltpu.VMEM_SHARED((NFP, H), F32),
            pltpu.VMEM_SHARED((NFP, H), F32),
            pltpu.SemaphoreType.DMA,
            pltpu.SemaphoreType.DMA,
            pltpu.SemaphoreType.DMA,
            pltpu.SemaphoreType.DMA,
            pltpu.SemaphoreType.DMA,
            pltpu.SemaphoreType.DMA,
            pltpu.SemaphoreType.DMA,
        ],
    )
    return fk(frag_emb, fragments, row_p, col_p, zeros, zeros16, ones16)


ECH = 80
EPW = E // NW


NCH = EPW // ECH


def _edge_body(h_hbm, e_hbm, src_hbm, dst_hbm, z_hbm, part_out,
               srcA, dstA, srcB, dstB, hA, eA, hB, eB, acc,
               semGA, semGB, semI, semSA, semSB):
    cid = lax.axis_index("c")
    sid = lax.axis_index("s")
    wid = cid * NS + sid
    rpt = NP // NS
    pltpu.sync_copy(z_hbm.at[pl.ds(sid * rpt, rpt)], acc.at[pl.ds(sid * rpt, rpt)])
    plsc.subcore_barrier()
    base0 = wid * EPW

    def load_idx(c, srcv, dstv):
        d1 = pltpu.async_copy(src_hbm.at[pl.ds(base0 + c * ECH, ECH)], srcv, semI)
        d2 = pltpu.async_copy(dst_hbm.at[pl.ds(base0 + c * ECH, ECH)], dstv, semI)
        d1.wait()
        d2.wait()

    def issue_gather(srcv, hbuf, semG):
        pltpu.async_copy(h_hbm.at[srcv], hbuf, semG)

    def issue_e(c, ebuf, semG):
        pltpu.async_copy(e_hbm.at[pl.ds(base0 + c * ECH, ECH)], ebuf, semG)

    def drain_g(srcv, hbuf, ebuf, semG):
        pltpu.make_async_copy(h_hbm.at[srcv], hbuf, semG).wait()
        pltpu.make_async_copy(e_hbm.at[pl.ds(0, ECH)], ebuf, semG).wait()

    def drain_s(ebuf, dstv, semS):
        pltpu.make_async_copy(ebuf, acc.at[dstv], semS).wait()

    def compute(hbuf, ebuf):
        def rowbody(r, c2):
            for jj in range(H // 16):
                hv = hbuf[r, pl.ds(jj * 16, 16)]
                ev = ebuf[r, pl.ds(jj * 16, 16)]
                ebuf[r, pl.ds(jj * 16, 16)] = jnp.maximum(hv + ev, 0.0)
            return c2

        lax.fori_loop(0, ECH, rowbody, 0)

    bufsA = (srcA, dstA, hA, eA, semGA, semSA)
    bufsB = (srcB, dstB, hB, eB, semGB, semSB)

    def phase(c_cur, cur, nxt):
        srcv_c, dstv_c, h_c, e_c, semG_c, semS_c = cur
        srcv_n, dstv_n, h_n, e_n, semG_n, semS_n = nxt

        @pl.when(c_cur >= 1)
        def _():
            drain_s(e_n, dstv_n, semS_n)

        load_idx(c_cur + 1, srcv_n, dstv_n)
        issue_gather(srcv_n, h_n, semG_n)
        issue_e(c_cur + 1, e_n, semG_n)
        drain_g(srcv_c, h_c, e_c, semG_c)
        compute(h_c, e_c)
        pltpu.async_copy(e_c, acc.at[dstv_c], semS_c, add=True)

    load_idx(0, srcA, dstA)
    issue_gather(srcA, hA, semGA)
    issue_e(0, eA, semGA)

    def body(t, carry):
        phase(2 * t, bufsA, bufsB)
        phase(2 * t + 1, bufsB, bufsA)
        return carry

    lax.fori_loop(0, (NCH - 1) // 2, body, 0)
    drain_g(srcA, hA, eA, semGA)
    compute(hA, eA)
    drain_s(eB, dstB, semSB)
    pltpu.sync_copy(eA, acc.at[dstA], add=True)

    plsc.subcore_barrier()
    pltpu.sync_copy(acc.at[pl.ds(sid * rpt, rpt)],
                    part_out.at[cid, pl.ds(sid * rpt, rpt)])


def _edge_stage(h, e, src, dst, zeros_n):
    mesh = plsc.VectorSubcoreMesh(core_axis_name="c", subcore_axis_name="s")
    ek = pl.kernel(
        _edge_body,
        out_type=jax.ShapeDtypeStruct((NC, NP, H), F32),
        mesh=mesh,
        scratch_types=[
            pltpu.VMEM((ECH,), jnp.int32),
            pltpu.VMEM((ECH,), jnp.int32),
            pltpu.VMEM((ECH,), jnp.int32),
            pltpu.VMEM((ECH,), jnp.int32),
            pltpu.VMEM((ECH, H), F32),
            pltpu.VMEM((ECH, H), F32),
            pltpu.VMEM((ECH, H), F32),
            pltpu.VMEM((ECH, H), F32),
            pltpu.VMEM_SHARED((NP, H), F32),
            pltpu.SemaphoreType.DMA,
            pltpu.SemaphoreType.DMA,
            pltpu.SemaphoreType.DMA,
            pltpu.SemaphoreType.DMA,
            pltpu.SemaphoreType.DMA,
        ],
    )
    return ek(h, e, src, dst, zeros_n)




def kernel(x, edge_index, edge_attr, fragments, fragments_edge_index, batch, params):
    src = edge_index[0]
    dst = edge_index[1]
    frow = fragments_edge_index[0]
    fcol = fragments_edge_index[1]

    s_part, c_part = _frag_stage(params["frag_emb"], fragments, frow, fcol)
    es = [
        _mm_bias(edge_attr, lp["bond_W"], lp["bond_b"], 2000)
        for lp in params["layers"]
    ]
    h = _enc_combine(x, params["atom_W"], params["atom_b"], s_part, c_part)

    zeros_n = jnp.zeros((NP, H), F32)
    batch3 = batch.reshape(N // 1000, 1, 1000)

    z2 = st2 = None
    for li, (lp, e) in enumerate(zip(params["layers"], es)):
        part = _edge_stage(h, e, src, dst, zeros_n)
        z1, st1 = _layer_a(h, part, lp["nn_W1"], lp["nn_b1"], lp["eps"])
        z2, st2 = _layer_b(z1, st1, lp["nn_g1"], lp["nn_be1"], lp["nn_W2"], lp["nn_b2"])
        if li < len(params["layers"]) - 1:
            h = _layer_c(z2, st2, lp["bn_g"], lp["bn_b"])

    last = params["layers"][-1]
    return _pool2(z2, st2, last["bn_g"], last["bn_b"],
                  params["atom_out"], params["out"], batch3)

# --- scband reference (transcript-rebuilt; emitter-appended) ---
"""Pipeline reference for scband-frag-gnn-4432406249778 (READ-ONLY COPY).

The authoritative reference and input builder live on the scoring server;
editing this copy changes nothing except your own understanding.
"""

import jax, jax.numpy as jnp
import numpy as np

N = 10000
E = 320000
D_IN = 128
D_EDGE = 16
H = 128
NF = 2000
FE = 40000
NB = 64
FRAG_VOCAB = 20
OUT = 1
NUM_LAYERS = 2


def _lin(key, din, dout):
    return jax.random.normal(key, (din, dout), jnp.float32) / np.sqrt(din)


def setup_inputs(seed: int = 0):
    key = jax.random.key(seed)
    ks = jax.random.split(key, 64)
    x = jax.random.normal(ks[0], (N, D_IN), jnp.float32)
    edge_index = jax.random.randint(ks[1], (2, E), 0, N)
    edge_attr = jax.random.normal(ks[2], (E, D_EDGE), jnp.float32)
    fragments = jax.random.randint(ks[3], (NF,), 0, FRAG_VOCAB)
    fragments_edge_index = jax.random.randint(ks[4], (2, FE), 0, NF)
    batch = jnp.sort(jax.random.randint(ks[5], (N,), 0, NB))
    i = 6
    layers = []
    for _ in range(NUM_LAYERS):
        lp = {
            'bond_W': _lin(ks[i], D_EDGE, H), 'bond_b': jnp.zeros((H,), jnp.float32),
            'eps': jnp.zeros((), jnp.float32),
            'nn_W1': _lin(ks[i + 1], H, 2 * H), 'nn_b1': jnp.zeros((2 * H,), jnp.float32),
            'nn_g1': jnp.ones((2 * H,), jnp.float32), 'nn_be1': jnp.zeros((2 * H,), jnp.float32),
            'nn_W2': _lin(ks[i + 2], 2 * H, H), 'nn_b2': jnp.zeros((H,), jnp.float32),
            'bn_g': jnp.ones((H,), jnp.float32), 'bn_b': jnp.zeros((H,), jnp.float32),
        }
        layers.append(lp)
        i += 3
    params = {
        'atom_W': _lin(ks[i], D_IN, H), 'atom_b': jnp.zeros((H,), jnp.float32),
        'frag_emb': jax.random.normal(ks[i + 1], (FRAG_VOCAB, H), jnp.float32),
        'layers': layers,
        'atom_out': {'W1': _lin(ks[i + 2], H, H), 'b1': jnp.zeros((H,), jnp.float32),
                     'W2': _lin(ks[i + 3], H, H), 'b2': jnp.zeros((H,), jnp.float32)},
        'out': {'W1': _lin(ks[i + 4], H, H), 'b1': jnp.zeros((H,), jnp.float32),
                'W2': _lin(ks[i + 5], H, OUT), 'b2': jnp.zeros((OUT,), jnp.float32)},
    }
    return {'x': x, 'edge_index': edge_index, 'edge_attr': edge_attr,
            'fragments': fragments, 'fragments_edge_index': fragments_edge_index,
            'batch': batch, 'params': params}


def _batch_norm(h, g, b):
    m = jnp.mean(h, axis=0)
    v = jnp.var(h, axis=0)
    return (h - m) / jnp.sqrt(v + 1e-5) * g + b


def _forward(x, edge_attr, params, edge_index, fragments, fragments_edge_index, batch):
    # atom encoder (linear_atom_encoder=True)
    h = x @ params['atom_W'] + params['atom_b']
    # clique/fragment encoder: embedding of fragment types
    x_frag = params['frag_emb'][fragments]
    # no inter_message_passing, no_frag_info=False: inject fragment info once
    row, col = fragments_edge_index[0], fragments_edge_index[1]
    s = jax.ops.segment_sum(x_frag[col], row, num_segments=N)
    c = jax.ops.segment_sum(jnp.ones((FE, 1), jnp.float32), row, num_segments=N)
    h = h + s / jnp.maximum(c, 1.0)
    src, dst = edge_index[0], edge_index[1]
    for lp in params['layers']:
        # bond encoder per layer
        e = edge_attr @ lp['bond_W'] + lp['bond_b']
        # GINEConv: out = nn((1+eps)*x + sum_j relu(x_j + e_ji))
        msg = jax.nn.relu(h[src] + e)
        agg = jax.ops.segment_sum(msg, dst, num_segments=N)
        z = (1.0 + lp['eps']) * h + agg
        z = z @ lp['nn_W1'] + lp['nn_b1']
        z = jax.nn.relu(_batch_norm(z, lp['nn_g1'], lp['nn_be1']))
        z = z @ lp['nn_W2'] + lp['nn_b2']
        h = jax.nn.relu(_batch_norm(z, lp['bn_g'], lp['bn_b']))
    ao = params['atom_out']
    h = jax.nn.relu(h @ ao['W1'] + ao['b1'])
    h = jax.nn.relu(h @ ao['W2'] + ao['b2'])
    # mean pooling over graphs (reduction='mean')
    gs = jax.ops.segment_sum(h, batch, num_segments=NB)
    gc = jax.ops.segment_sum(jnp.ones((N, 1), jnp.float32), batch, num_segments=NB)
    g = gs / jnp.maximum(gc, 1.0)
    o = params['out']
    g = jax.nn.relu(g @ o['W1'] + o['b1'])
    return g @ o['W2'] + o['b2']


def reference(x, edge_index, edge_attr, fragments, fragments_edge_index, batch, params):
    return _forward(x, edge_attr, params, edge_index, fragments, fragments_edge_index, batch)

if __name__ == "__main__":
    import jax
    _d = setup_inputs()
    print(jax.jit(kernel)(*tuple(_d.values())))

</pallas_src>

<mosaic_0001>
#map = affine_map<(d0, d1) -> (0, 0)>
#map1 = affine_map<(d0, d1) -> (0)>
#map2 = affine_map<(d0, d1) -> (0, 0, 0)>
module attributes {stable_mosaic.version = 14 : i64} {
  func.func @_frag_body(%arg0: i32, %arg1: i32, %arg2: memref<20x128xf32, #tpu.memory_space<hbm>>, %arg3: memref<2000xi32, #tpu.memory_space<hbm>>, %arg4: memref<40960xi32, #tpu.memory_space<hbm>>, %arg5: memref<40960xi32, #tpu.memory_space<hbm>>, %arg6: memref<2048x128xf32, #tpu.memory_space<hbm>>, %arg7: memref<2048x128xf32, #tpu.memory_space<hbm>>, %arg8: memref<128x128xf32, #tpu.memory_space<hbm>>, %arg9: memref<2x2048x128xf32, #tpu.memory_space<hbm>>, %arg10: memref<2x2048x128xf32, #tpu.memory_space<hbm>>, %arg11: memref<10x128xi32, #tpu.memory_space<vmem>>, %arg12: memref<10x128xi32, #tpu.memory_space<vmem>>, %arg13: memref<10x128xi32, #tpu.memory_space<vmem>>, %arg14: memref<256x128xf32, #tpu.memory_space<vmem>>, %arg15: memref<256x128xf32, #tpu.memory_space<vmem>>, %arg16: memref<128x128xf32, #tpu.memory_space<vmem>>, %arg17: memref<2048x128xf32, #tpu.memory_space<vmem_shared>>, %arg18: memref<2048x128xf32, #tpu.memory_space<vmem_shared>>, %arg19: memref<!tpu.dma_semaphore, #tpu.memory_space<semaphore_mem>>, %arg20: memref<!tpu.dma_semaphore, #tpu.memory_space<semaphore_mem>>, %arg21: memref<!tpu.dma_semaphore, #tpu.memory_space<semaphore_mem>>, %arg22: memref<!tpu.dma_semaphore, #tpu.memory_space<semaphore_mem>>, %arg23: memref<!tpu.dma_semaphore, #tpu.memory_space<semaphore_mem>>, %arg24: memref<!tpu.dma_semaphore, #tpu.memory_space<semaphore_mem>>, %arg25: memref<!tpu.dma_semaphore, #tpu.memory_space<semaphore_mem>>) attributes {dimension_semantics = [#tpu.dimension_semantics<core_parallel>, #tpu.dimension_semantics<subcore_parallel>], iteration_bounds = array<i64: 2, 16>, scalar_prefetch = 0 : i64, scratch_operands = 15 : i64, tpu.core_type = #tpu.core_type<sc_vector_subcore>, window_params = [{transform_indices = #map}, {transform_indices = #map1}, {transform_indices = #map1}, {transform_indices = #map1}, {transform_indices = #map}, {transform_indices = #map}, {transform_indices = #map}, {transform_indices = #map2}, {transform_indices = #map2}]} {
    %mul3A = arith.constant 16 : i32
    %mul3A_0 = arith.muli %arg0, %mul3A : i32
    %add3A = arith.addi %mul3A_0, %arg1 : i32
    %mul3A_1 = arith.constant 128 : i32
    %mul3A_2 = arith.muli %arg1, %mul3A_1 : i32
    %mul3A_3 = arith.constant 128 : i32
    %mul3A_4 = arith.muli %arg1, %mul3A_3 : i32
    "tpu.region"() ({
      %run_scoped3A = tpu.sem_alloc : memref<!tpu.dma_semaphore, #tpu.memory_space<semaphore_mem>>
      %dma_start3A_1158 = arith.constant 0 : i32
      %dma_start3A_1159 = tpu.memref_slice %arg17[%mul3A_4, %dma_start3A_1158] : memref<2048x128xf32, #tpu.memory_space<vmem_shared>> -> memref<128x128xf32, #tpu.memory_space<vmem_shared>>
      %dma_start3A_1160 = arith.constant 0 : i32
      %dma_start3A_1161 = tpu.memref_slice %arg6[%mul3A_2, %dma_start3A_1160] : memref<2048x128xf32, #tpu.memory_space<hbm>> -> memref<128x128xf32, #tpu.memory_space<hbm>>
      tpu.enqueue_dma source(%dma_start3A_1161 : memref<128x128xf32, #tpu.memory_space<hbm>>) target(%dma_start3A_1159 : memref<128x128xf32, #tpu.memory_space<vmem_shared>>) target_semaphore(%run_scoped3A : memref<!tpu.dma_semaphore, #tpu.memory_space<semaphore_mem>>)
      %dma_wait3A_1162 = arith.constant 0 : i32
      %dma_wait3A_1163 = tpu.memref_slice %arg17[%mul3A_4, %dma_wait3A_1162] : memref<2048x128xf32, #tpu.memory_space<vmem_shared>> -> memref<128x128xf32, #tpu.memory_space<vmem_shared>>
      %dma_wait3A_1164 = arith.constant 0 : i32
      %dma_wait3A_1165 = tpu.memref_slice %arg6[%mul3A_2, %dma_wait3A_1164] : memref<2048x128xf32, #tpu.memory_space<hbm>> -> memref<128x128xf32, #tpu.memory_space<hbm>>
      tpu.wait_dma2 semaphore(%run_scoped3A : memref<!tpu.dma_semaphore, #tpu.memory_space<semaphore_mem>>) src(%dma_wait3A_1165 : memref<128x128xf32, #tpu.memory_space<hbm>>) dst(%dma_wait3A_1163 : memref<128x128xf32, #tpu.memory_space<vmem_shared>>)
      tpu.yield
    }) : () -> ()
    %mul3A_5 = arith.constant 128 : i32
    %mul3A_6 = arith.muli %arg1, %mul3A_5 : i32
    %mul3A_7 = arith.constant 128 : i32
    %mul3A_8 = arith.muli %arg1, %mul3A_7 : i32
    "tpu.region"() ({
      %run_scoped3A = tpu.sem_alloc : memref<!tpu.dma_semaphore, #tpu.memory_space<semaphore_mem>>
      %dma_start3A_1158 = arith.constant 0 : i32
      %dma_start3A_1159 = tpu.memref_slice %arg18[%mul3A_8, %dma_start3A_1158] : memref<2048x128xf32, #tpu.memory_space<vmem_shared>> -> memref<128x128xf32, #tpu.memory_space<vmem_shared>>
      %dma_start3A_1160 = arith.constant 0 : i32
      %dma_start3A_1161 = tpu.memref_slice %arg7[%mul3A_6, %dma_start3A_1160] : memref<2048x128xf32, #tpu.memory_space<hbm>> -> memref<128x128xf32, #tpu.memory_space<hbm>>
      tpu.enqueue_dma source(%dma_start3A_1161 : memref<128x128xf32, #tpu.memory_space<hbm>>) target(%dma_start3A_1159 : memref<128x128xf32, #tpu.memory_space<vmem_shared>>) target_semaphore(%run_scoped3A : memref<!tpu.dma_semaphore, #tpu.memory_space<semaphore_mem>>)
      %dma_wait3A_1162 = arith.constant 0 : i32
      %dma_wait3A_1163 = tpu.memref_slice %arg18[%mul3A_8, %dma_wait3A_1162] : memref<2048x128xf32, #tpu.memory_space<vmem_shared>> -> memref<128x128xf32, #tpu.memory_space<vmem_shared>>
      %dma_wait3A_1164 = arith.constant 0 : i32
      %dma_wait3A_1165 = tpu.memref_slice %arg7[%mul3A_6, %dma_wait3A_1164] : memref<2048x128xf32, #tpu.memory_space<hbm>> -> memref<128x128xf32, #tpu.memory_space<hbm>>
      tpu.wait_dma2 semaphore(%run_scoped3A : memref<!tpu.dma_semaphore, #tpu.memory_space<semaphore_mem>>) src(%dma_wait3A_1165 : memref<128x128xf32, #tpu.memory_space<hbm>>) dst(%dma_wait3A_1163 : memref<128x128xf32, #tpu.memory_space<vmem_shared>>)
      tpu.yield
    }) : () -> ()
    "tpu.region"() ({
      %run_scoped3A = tpu.sem_alloc : memref<!tpu.dma_semaphore, #tpu.memory_space<semaphore_mem>>
      tpu.enqueue_dma source(%arg8 : memref<128x128xf32, #tpu.memory_space<hbm>>) target(%arg16 : memref<128x128xf32, #tpu.memory_space<vmem>>) target_semaphore(%run_scoped3A : memref<!tpu.dma_semaphore, #tpu.memory_space<semaphore_mem>>)
      tpu.wait_dma2 semaphore(%run_scoped3A : memref<!tpu.dma_semaphore, #tpu.memory_space<semaphore_mem>>) src(%arg8 : memref<128x128xf32, #tpu.memory_space<hbm>>) dst(%arg16 : memref<128x128xf32, #tpu.memory_space<vmem>>)
      tpu.yield
    }) : () -> ()
    %mul3A_9 = arith.constant 1280 : i32
    %mul3A_10 = arith.muli %add3A, %mul3A_9 : i32
    %add3A_11 = arith.constant 0 : i32
    %add3A_12 = arith.addi %mul3A_10, %add3A_11 : i32
    %dma_start3A = arith.constant 0 : i32
    %dma_start3A_13 = arith.constant 0 : i32
    %dma_start3A_14 = tpu.memref_slice %arg11[%dma_start3A, %dma_start3A_13] : memref<10x128xi32, #tpu.memory_space<vmem>> -> memref<1x128xi32, #tpu.memory_space<vmem>>
    %dma_start3A_15 = tpu.memref_squeeze %dma_start3A_14 : memref<1x128xi32, #tpu.memory_space<vmem>> -> memref<128xi32, #tpu.memory_space<vmem>>
    %dma_start3A_16 = tpu.memref_slice %arg5[%add3A_12] : memref<40960xi32, #tpu.memory_space<hbm>> -> memref<128xi32, #tpu.memory_space<hbm>>
    %dma_start3A_17 = arith.constant 0 : i32
    %dma_start3A_18 = tpu.memref_slice %arg11[%dma_start3A, %dma_start3A_17] : memref<10x128xi32, #tpu.memory_space<vmem>> -> memref<1x128xi32, #tpu.memory_space<vmem>>
    %dma_start3A_19 = tpu.memref_squeeze %dma_start3A_18 : memref<1x128xi32, #tpu.memory_space<vmem>> -> memref<128xi32, #tpu.memory_space<vmem>>
    %dma_start3A_20 = tpu.memref_slice %arg5[%add3A_12] : memref<40960xi32, #tpu.memory_space<hbm>> -> memref<128xi32, #tpu.memory_space<hbm>>
    tpu.enqueue_dma source(%dma_start3A_20 : memref<128xi32, #tpu.memory_space<hbm>>) target(%dma_start3A_19 : memref<128xi32, #tpu.memory_space<vmem>>) target_semaphore(%arg19 : memref<!tpu.dma_semaphore, #tpu.memory_space<semaphore_mem>>)
    %add3A_21 = arith.constant 0 : i32
    %add3A_22 = arith.addi %mul3A_10, %add3A_21 : i32
    %dma_start3A_23 = arith.constant 0 : i32
    %dma_start3A_24 = arith.constant 0 : i32
    %dma_start3A_25 = tpu.memref_slice %arg12[%dma_start3A_23, %dma_start3A_24] : memref<10x128xi32, #tpu.memory_space<vmem>> -> memref<1x128xi32, #tpu.memory_space<vmem>>
    %dma_start3A_26 = tpu.memref_squeeze %dma_start3A_25 : memref<1x128xi32, #tpu.memory_space<vmem>> -> memref<128xi32, #tpu.memory_space<vmem>>
    %dma_start3A_27 = tpu.memref_slice %arg4[%add3A_22] : memref<40960xi32, #tpu.memory_space<hbm>> -> memref<128xi32, #tpu.memory_space<hbm>>
    %dma_start3A_28 = arith.constant 0 : i32
    %dma_start3A_29 = tpu.memref_slice %arg12[%dma_start3A_23, %dma_start3A_28] : memref<10x128xi32, #tpu.memory_space<vmem>> -> memref<1x128xi32, #tpu.memory_space<vmem>>
    %dma_start3A_30 = tpu.memref_squeeze %dma_start3A_29 : memref<1x128xi32, #tpu.memory_space<vmem>> -> memref<128xi32, #tpu.memory_space<vmem>>
    %dma_start3A_31 = tpu.memref_slice %arg4[%add3A_22] : memref<40960xi32, #tpu.memory_space<hbm>> -> memref<128xi32, #tpu.memory_space<hbm>>
    tpu.enqueue_dma source(%dma_start3A_31 : memref<128xi32, #tpu.memory_space<hbm>>) target(%dma_start3A_30 : memref<128xi32, #tpu.memory_space<vmem>>) target_semaphore(%arg19 : memref<!tpu.dma_semaphore, #tpu.memory_space<semaphore_mem>>)
    %add3A_32 = arith.constant 128 : i32
    %add3A_33 = arith.addi %mul3A_10, %add3A_32 : i32
    %dma_start3A_34 = arith.constant 1 : i32
    %dma_start3A_35 = arith.constant 0 : i32
    %dma_start3A_36 = tpu.memref_slice %arg11[%dma_start3A_34, %dma_start3A_35] : memref<10x128xi32, #tpu.memory_space<vmem>> -> memref<1x128xi32, #tpu.memory_space<vmem>>
    %dma_start3A_37 = tpu.memref_squeeze %dma_start3A_36 : memref<1x128xi32, #tpu.memory_space<vmem>> -> memref<128xi32, #tpu.memory_space<vmem>>
    %dma_start3A_38 = tpu.memref_slice %arg5[%add3A_33] : memref<40960xi32, #tpu.memory_space<hbm>> -> memref<128xi32, #tpu.memory_space<hbm>>
    %dma_start3A_39 = arith.constant 0 : i32
    %dma_start3A_40 = tpu.memref_slice %arg11[%dma_start3A_34, %dma_start3A_39] : memref<10x128xi32, #tpu.memory_space<vmem>> -> memref<1x128xi32, #tpu.memory_space<vmem>>
    %dma_start3A_41 = tpu.memref_squeeze %dma_start3A_40 : memref<1x128xi32, #tpu.memory_space<vmem>> -> memref<128xi32, #tpu.memory_space<vmem>>
    %dma_start3A_42 = tpu.memref_slice %arg5[%add3A_33] : memref<40960xi32, #tpu.memory_space<hbm>> -> memref<128xi32, #tpu.memory_space<hbm>>
    tpu.enqueue_dma source(%dma_start3A_42 : memref<128xi32, #tpu.memory_space<hbm>>) target(%dma_start3A_41 : memref<128xi32, #tpu.memory_space<vmem>>) target_semaphore(%arg19 : memref<!tpu.dma_semaphore, #tpu.memory_space<semaphore_mem>>)
    %add3A_43 = arith.constant 128 : i32
    %add3A_44 = arith.addi %mul3A_10, %add3A_43 : i32
    %dma_start3A_45 = arith.constant 1 : i32
    %dma_start3A_46 = arith.constant 0 : i32
    %dma_start3A_47 = tpu.memref_slice %arg12[%dma_start3A_45, %dma_start3A_46] : memref<10x128xi32, #tpu.memory_space<vmem>> -> memref<1x128xi32, #tpu.memory_space<vmem>>
    %dma_start3A_48 = tpu.memref_squeeze %dma_start3A_47 : memref<1x128xi32, #tpu.memory_space<vmem>> -> memref<128xi32, #tpu.memory_space<vmem>>
    %dma_start3A_49 = tpu.memref_slice %arg4[%add3A_44] : memref<40960xi32, #tpu.memory_space<hbm>> -> memref<128xi32, #tpu.memory_space<hbm>>
    %dma_start3A_50 = arith.constant 0 : i32
    %dma_start3A_51 = tpu.memref_slice %arg12[%dma_start3A_45, %dma_start3A_50] : memref<10x128xi32, #tpu.memory_space<vmem>> -> memref<1x128xi32, #tpu.memory_space<vmem>>
    %dma_start3A_52 = tpu.memref_squeeze %dma_start3A_51 : memref<1x128xi32, #tpu.memory_space<vmem>> -> memref<128xi32, #tpu.memory_space<vmem>>
    %dma_start3A_53 = tpu.memref_slice %arg4[%add3A_44] : memref<40960xi32, #tpu.memory_space<hbm>> -> memref<128xi32, #tpu.memory_space<hbm>>
    tpu.enqueue_dma source(%dma_start3A_53 : memref<128xi32, #tpu.memory_space<hbm>>) target(%dma_start3A_52 : memref<128xi32, #tpu.memory_space<vmem>>) target_semaphore(%arg19 : memref<!tpu.dma_semaphore, #tpu.memory_space<semaphore_mem>>)
    %add3A_54 = arith.constant 256 : i32
    %add3A_55 = arith.addi %mul3A_10, %add3A_54 : i32
    %dma_start3A_56 = arith.constant 2 : i32
    %dma_start3A_57 = arith.constant 0 : i32
    %dma_start3A_58 = tpu.memref_slice %arg11[%dma_start3A_56, %dma_start3A_57] : memref<10x128xi32, #tpu.memory_space<vmem>> -> memref<1x128xi32, #tpu.memory_space<vmem>>
    %dma_start3A_59 = tpu.memref_squeeze %dma_start3A_58 : memref<1x128xi32, #tpu.memory_space<vmem>> -> memref<128xi32, #tpu.memory_space<vmem>>
    %dma_start3A_60 = tpu.memref_slice %arg5[%add3A_55] : memref<40960xi32, #tpu.memory_space<hbm>> -> memref<128xi32, #tpu.memory_space<hbm>>
    %dma_start3A_61 = arith.constant 0 : i32
    %dma_start3A_62 = tpu.memref_slice %arg11[%dma_start3A_56, %dma_start3A_61] : memref<10x128xi32, #tpu.memory_space<vmem>> -> memref<1x128xi32, #tpu.memory_space<vmem>>
    %dma_start3A_63 = tpu.memref_squeeze %dma_start3A_62 : memref<1x128xi32, #tpu.memory_space<vmem>> -> memref<128xi32, #tpu.memory_space<vmem>>
    %dma_start3A_64 = tpu.memref_slice %arg5[%add3A_55] : memref<40960xi32, #tpu.memory_space<hbm>> -> memref<128xi32, #tpu.memory_space<hbm>>
    tpu.enqueue_dma source(%dma_start3A_64 : memref<128xi32, #tpu.memory_space<hbm>>) target(%dma_start3A_63 : memref<128xi32, #tpu.memory_space<vmem>>) target_semaphore(%arg19 : memref<!tpu.dma_semaphore, #tpu.memory_space<semaphore_mem>>)
    %add3A_65 = arith.constant 256 : i32
    %add3A_66 = arith.addi %mul3A_10, %add3A_65 : i32
    %dma_start3A_67 = arith.constant 2 : i32
    %dma_start3A_68 = arith.constant 0 : i32
    %dma_start3A_69 = tpu.memref_slice %arg12[%dma_start3A_67, %dma_start3A_68] : memref<10x128xi32, #tpu.memory_space<vmem>> -> memref<1x128xi32, #tpu.memory_space<vmem>>
    %dma_start3A_70 = tpu.memref_squeeze %dma_start3A_69 : memref<1x128xi32, #tpu.memory_space<vmem>> -> memref<128xi32, #tpu.memory_space<vmem>>
    %dma_start3A_71 = tpu.memref_slice %arg4[%add3A_66] : memref<40960xi32, #tpu.memory_space<hbm>> -> memref<128xi32, #tpu.memory_space<hbm>>
    %dma_start3A_72 = arith.constant 0 : i32
    %dma_start3A_73 = tpu.memref_slice %arg12[%dma_start3A_67, %dma_start3A_72] : memref<10x128xi32, #tpu.memory_space<vmem>> -> memref<1x128xi32, #tpu.memory_space<vmem>>
    %dma_start3A_74 = tpu.memref_squeeze %dma_start3A_73 : memref<1x128xi32, #tpu.memory_space<vmem>> -> memref<128xi32, #tpu.memory_space<vmem>>
    %dma_start3A_75 = tpu.memref_slice %arg4[%add3A_66] : memref<40960xi32, #tpu.memory_space<hbm>> -> memref<128xi32, #tpu.memory_space<hbm>>
    tpu.enqueue_dma source(%dma_start3A_75 : memref<128xi32, #tpu.memory_space<hbm>>) target(%dma_start3A_74 : memref<128xi32, #tpu.memory_space<vmem>>) target_semaphore(%arg19 : memref<!tpu.dma_semaphore, #tpu.memory_space<semaphore_mem>>)
    %add3A_76 = arith.constant 384 : i32
    %add3A_77 = arith.addi %mul3A_10, %add3A_76 : i32
    %dma_start3A_78 = arith.constant 3 : i32
    %dma_start3A_79 = arith.constant 0 : i32
    %dma_start3A_80 = tpu.memref_slice %arg11[%dma_start3A_78, %dma_start3A_79] : memref<10x128xi32, #tpu.memory_space<vmem>> -> memref<1x128xi32, #tpu.memory_space<vmem>>
    %dma_start3A_81 = tpu.memref_squeeze %dma_start3A_80 : memref<1x128xi32, #tpu.memory_space<vmem>> -> memref<128xi32, #tpu.memory_space<vmem>>
    %dma_start3A_82 = tpu.memref_slice %arg5[%add3A_77] : memref<40960xi32, #tpu.memory_space<hbm>> -> memref<128xi32, #tpu.memory_space<hbm>>
    %dma_start3A_83 = arith.constant 0 : i32
    %dma_start3A_84 = tpu.memref_slice %arg11[%dma_start3A_78, %dma_start3A_83] : memref<10x128xi32, #tpu.memory_space<vmem>> -> memref<1x128xi32, #tpu.memory_space<vmem>>
    %dma_start3A_85 = tpu.memref_squeeze %dma_start3A_84 : memref<1x128xi32, #tpu.memory_space<vmem>> -> memref<128xi32, #tpu.memory_space<vmem>>
    %dma_start3A_86 = tpu.memref_slice %arg5[%add3A_77] : memref<40960xi32, #tpu.memory_space<hbm>> -> memref<128xi32, #tpu.memory_space<hbm>>
    tpu.enqueue_dma source(%dma_start3A_86 : memref<128xi32, #tpu.memory_space<hbm>>) target(%dma_start3A_85 : memref<128xi32, #tpu.memory_space<vmem>>) target_semaphore(%arg19 : memref<!tpu.dma_semaphore, #tpu.memory_space<semaphore_mem>>)
    %add3A_87 = arith.constant 384 : i32
    %add3A_88 = arith.addi %mul3A_10, %add3A_87 : i32
    %dma_start3A_89 = arith.constant 3 : i32
    %dma_start3A_90 = arith.constant 0 : i32
    %dma_start3A_91 = tpu.memref_slice %arg12[%dma_start3A_89, %dma_start3A_90] : memref<10x128xi32, #tpu.memory_space<vmem>> -> memref<1x128xi32, #tpu.memory_space<vmem>>
    %dma_start3A_92 = tpu.memref_squeeze %dma_start3A_91 : memref<1x128xi32, #tpu.memory_space<vmem>> -> memref<128xi32, #tpu.memory_space<vmem>>
    %dma_start3A_93 = tpu.memref_slice %arg4[%add3A_88] : memref<40960xi32, #tpu.memory_space<hbm>> -> memref<128xi32, #tpu.memory_space<hbm>>
    %dma_start3A_94 = arith.constant 0 : i32
    %dma_start3A_95 = tpu.memref_slice %arg12[%dma_start3A_89, %dma_start3A_94] : memref<10x128xi32, #tpu.memory_space<vmem>> -> memref<1x128xi32, #tpu.memory_space<vmem>>
    %dma_start3A_96 = tpu.memref_squeeze %dma_start3A_95 : memref<1x128xi32, #tpu.memory_space<vmem>> -> memref<128xi32, #tpu.memory_space<vmem>>
    %dma_start3A_97 = tpu.memref_slice %arg4[%add3A_88] : memref<40960xi32, #tpu.memory_space<hbm>> -> memref<128xi32, #tpu.memory_space<hbm>>
    tpu.enqueue_dma source(%dma_start3A_97 : memref<128xi32, #tpu.memory_space<hbm>>) target(%dma_start3A_96 : memref<128xi32, #tpu.memory_space<vmem>>) target_semaphore(%arg19 : memref<!tpu.dma_semaphore, #tpu.memory_space<semaphore_mem>>)
    %add3A_98 = arith.constant 512 : i32
    %add3A_99 = arith.addi %mul3A_10, %add3A_98 : i32
    %dma_start3A_100 = arith.constant 4 : i32
    %dma_start3A_101 = arith.constant 0 : i32
    %dma_start3A_102 = tpu.memref_slice %arg11[%dma_start3A_100, %dma_start3A_101] : memref<10x128xi32, #tpu.memory_space<vmem>> -> memref<1x128xi32, #tpu.memory_space<vmem>>
    %dma_start3A_103 = tpu.memref_squeeze %dma_start3A_102 : memref<1x128xi32, #tpu.memory_space<vmem>> -> memref<128xi32, #tpu.memory_space<vmem>>
    %dma_start3A_104 = tpu.memref_slice %arg5[%add3A_99] : memref<40960xi32, #tpu.memory_space<hbm>> -> memref<128xi32, #tpu.memory_space<hbm>>
    %dma_start3A_105 = arith.constant 0 : i32
    %dma_start3A_106 = tpu.memref_slice %arg11[%dma_start3A_100, %dma_start3A_105] : memref<10x128xi32, #tpu.memory_space<vmem>> -> memref<1x128xi32, #tpu.memory_space<vmem>>
    %dma_start3A_107 = tpu.memref_squeeze %dma_start3A_106 : memref<1x128xi32, #tpu.memory_space<vmem>> -> memref<128xi32, #tpu.memory_space<vmem>>
    %dma_start3A_108 = tpu.memref_slice %arg5[%add3A_99] : memref<40960xi32, #tpu.memory_space<hbm>> -> memref<128xi32, #tpu.memory_space<hbm>>
    tpu.enqueue_dma source(%dma_start3A_108 : memref<128xi32, #tpu.memory_space<hbm>>) target(%dma_start3A_107 : memref<128xi32, #tpu.memory_space<vmem>>) target_semaphore(%arg19 : memref<!tpu.dma_semaphore, #tpu.memory_space<semaphore_mem>>)
    %add3A_109 = arith.constant 512 : i32
    %add3A_110 = arith.addi %mul3A_10, %add3A_109 : i32
    %dma_start3A_111 = arith.constant 4 : i32
    %dma_start3A_112 = arith.constant 0 : i32
    %dma_start3A_113 = tpu.memref_slice %arg12[%dma_start3A_111, %dma_start3A_112] : memref<10x128xi32, #tpu.memory_space<vmem>> -> memref<1x128xi32, #tpu.memory_space<vmem>>
    %dma_start3A_114 = tpu.memref_squeeze %dma_start3A_113 : memref<1x128xi32, #tpu.memory_space<vmem>> -> memref<128xi32, #tpu.memory_space<vmem>>
    %dma_start3A_115 = tpu.memref_slice %arg4[%add3A_110] : memref<40960xi32, #tpu.memory_space<hbm>> -> memref<128xi32, #tpu.memory_space<hbm>>
    %dma_start3A_116 = arith.constant 0 : i32
    %dma_start3A_117 = tpu.memref_slice %arg12[%dma_start3A_111, %dma_start3A_116] : memref<10x128xi32, #tpu.memory_space<vmem>> -> memref<1x128xi32, #tpu.memory_space<vmem>>
    %dma_start3A_118 = tpu.memref_squeeze %dma_start3A_117 : memref<1x128xi32, #tpu.memory_space<vmem>> -> memref<128xi32, #tpu.memory_space<vmem>>
    %dma_start3A_119 = tpu.memref_slice %arg4[%add3A_110] : memref<40960xi32, #tpu.memory_space<hbm>> -> memref<128xi32, #tpu.memory_space<hbm>>
    tpu.enqueue_dma source(%dma_start3A_119 : memref<128xi32, #tpu.memory_space<hbm>>) target(%dma_start3A_118 : memref<128xi32, #tpu.memory_space<vmem>>) target_semaphore(%arg19 : memref<!tpu.dma_semaphore, #tpu.memory_space<semaphore_mem>>)
    %add3A_120 = arith.constant 640 : i32
    %add3A_121 = arith.addi %mul3A_10, %add3A_120 : i32
    %dma_start3A_122 = arith.constant 5 : i32
    %dma_start3A_123 = arith.constant 0 : i32
    %dma_start3A_124 = tpu.memref_slice %arg11[%dma_start3A_122, %dma_start3A_123] : memref<10x128xi32, #tpu.memory_space<vmem>> -> memref<1x128xi32, #tpu.memory_space<vmem>>
    %dma_start3A_125 = tpu.memref_squeeze %dma_start3A_124 : memref<1x128xi32, #tpu.memory_space<vmem>> -> memref<128xi32, #tpu.memory_space<vmem>>
    %dma_start3A_126 = tpu.memref_slice %arg5[%add3A_121] : memref<40960xi32, #tpu.memory_space<hbm>> -> memref<128xi32, #tpu.memory_space<hbm>>
    %dma_start3A_127 = arith.constant 0 : i32
    %dma_start3A_128 = tpu.memref_slice %arg11[%dma_start3A_122, %dma_start3A_127] : memref<10x128xi32, #tpu.memory_space<vmem>> -> memref<1x128xi32, #tpu.memory_space<vmem>>
    %dma_start3A_129 = tpu.memref_squeeze %dma_start3A_128 : memref<1x128xi32, #tpu.memory_space<vmem>> -> memref<128xi32, #tpu.memory_space<vmem>>
    %dma_start3A_130 = tpu.memref_slice %arg5[%add3A_121] : memref<40960xi32, #tpu.memory_space<hbm>> -> memref<128xi32, #tpu.memory_space<hbm>>
    tpu.enqueue_dma source(%dma_start3A_130 : memref<128xi32, #tpu.memory_space<hbm>>) target(%dma_start3A_129 : memref<128xi32, #tpu.memory_space<vmem>>) target_semaphore(%arg19 : memref<!tpu.dma_semaphore, #tpu.memory_space<semaphore_mem>>)
    %add3A_131 = arith.constant 640 : i32
    %add3A_132 = arith.addi %mul3A_10, %add3A_131 : i32
    %dma_start3A_133 = arith.constant 5 : i32
    %dma_start3A_134 = arith.constant 0 : i32
    %dma_start3A_135 = tpu.memref_slice %arg12[%dma_start3A_133, %dma_start3A_134] : memref<10x128xi32, #tpu.memory_space<vmem>> -> memref<1x128xi32, #tpu.memory_space<vmem>>
    %dma_start3A_136 = tpu.memref_squeeze %dma_start3A_135 : memref<1x128xi32, #tpu.memory_space<vmem>> -> memref<128xi32, #tpu.memory_space<vmem>>
    %dma_start3A_137 = tpu.memref_slice %arg4[%add3A_132] : memref<40960xi32, #tpu.memory_space<hbm>> -> memref<128xi32, #tpu.memory_space<hbm>>
    %dma_start3A_138 = arith.constant 0 : i32
    %dma_start3A_139 = tpu.memref_slice %arg12[%dma_start3A_133, %dma_start3A_138] : memref<10x128xi32, #tpu.memory_space<vmem>> -> memref<1x128xi32, #tpu.memory_space<vmem>>
    %dma_start3A_140 = tpu.memref_squeeze %dma_start3A_139 : memref<1x128xi32, #tpu.memory_space<vmem>> -> memref<128xi32, #tpu.memory_space<vmem>>
    %dma_start3A_141 = tpu.memref_slice %arg4[%add3A_132] : memref<40960xi32, #tpu.memory_space<hbm>> -> memref<128xi32, #tpu.memory_space<hbm>>
    tpu.enqueue_dma source(%dma_start3A_141 : memref<128xi32, #tpu.memory_space<hbm>>) target(%dma_start3A_140 : memref<128xi32, #tpu.memory_space<vmem>>) target_semaphore(%arg19 : memref<!tpu.dma_semaphore, #tpu.memory_space<semaphore_mem>>)
    %add3A_142 = arith.constant 768 : i32
    %add3A_143 = arith.addi %mul3A_10, %add3A_142 : i32
    %dma_start3A_144 = arith.constant 6 : i32
    %dma_start3A_145 = arith.constant 0 : i32
    %dma_start3A_146 = tpu.memref_slice %arg11[%dma_start3A_144, %dma_start3A_145] : memref<10x128xi32, #tpu.memory_space<vmem>> -> memref<1x128xi32, #tpu.memory_space<vmem>>
    %dma_start3A_147 = tpu.memref_squeeze %dma_start3A_146 : memref<1x128xi32, #tpu.memory_space<vmem>> -> memref<128xi32, #tpu.memory_space<vmem>>
    %dma_start3A_148 = tpu.memref_slice %arg5[%add3A_143] : memref<40960xi32, #tpu.memory_space<hbm>> -> memref<128xi32, #tpu.memory_space<hbm>>
    %dma_start3A_149 = arith.constant 0 : i32
    %dma_start3A_150 = tpu.memref_slice %arg11[%dma_start3A_144, %dma_start3A_149] : memref<10x128xi32, #tpu.memory_space<vmem>> -> memref<1x128xi32, #tpu.memory_space<vmem>>
    %dma_start3A_151 = tpu.memref_squeeze %dma_start3A_150 : memref<1x128xi32, #tpu.memory_space<vmem>> -> memref<128xi32, #tpu.memory_space<vmem>>
    %dma_start3A_152 = tpu.memref_slice %arg5[%add3A_143] : memref<40960xi32, #tpu.memory_space<hbm>> -> memref<128xi32, #tpu.memory_space<hbm>>
    tpu.enqueue_dma source(%dma_start3A_152 : memref<128xi32, #tpu.memory_space<hbm>>) target(%dma_start3A_151 : memref<128xi32, #tpu.memory_space<vmem>>) target_semaphore(%arg19 : memref<!tpu.dma_semaphore, #tpu.memory_space<semaphore_mem>>)
    %add3A_153 = arith.constant 768 : i32
    %add3A_154 = arith.addi %mul3A_10, %add3A_153 : i32
    %dma_start3A_155 = arith.constant 6 : i32
    %dma_start3A_156 = arith.constant 0 : i32
    %dma_start3A_157 = tpu.memref_slice %arg12[%dma_start3A_155, %dma_start3A_156] : memref<10x128xi32, #tpu.memory_space<vmem>> -> memref<1x128xi32, #tpu.memory_space<vmem>>
    %dma_start3A_158 = tpu.memref_squeeze %dma_start3A_157 : memref<1x128xi32, #tpu.memory_space<vmem>> -> memref<128xi32, #tpu.memory_space<vmem>>
    %dma_start3A_159 = tpu.memref_slice %arg4[%add3A_154] : memref<40960xi32, #tpu.memory_space<hbm>> -> memref<128xi32, #tpu.memory_space<hbm>>
    %dma_start3A_160 = arith.constant 0 : i32
    %dma_start3A_161 = tpu.memref_slice %arg12[%dma_start3A_155, %dma_start3A_160] : memref<10x128xi32, #tpu.memory_space<vmem>> -> memref<1x128xi32, #tpu.memory_space<vmem>>
    %dma_start3A_162 = tpu.memref_squeeze %dma_start3A_161 : memref<1x128xi32, #tpu.memory_space<vmem>> -> memref<128xi32, #tpu.memory_space<vmem>>
    %dma_start3A_163 = tpu.memref_slice %arg4[%add3A_154] : memref<40960xi32, #tpu.memory_space<hbm>> -> memref<128xi32, #tpu.memory_space<hbm>>
    tpu.enqueue_dma source(%dma_start3A_163 : memref<128xi32, #tpu.memory_space<hbm>>) target(%dma_start3A_162 : memref<128xi32, #tpu.memory_space<vmem>>) target_semaphore(%arg19 : memref<!tpu.dma_semaphore, #tpu.memory_space<semaphore_mem>>)
    %add3A_164 = arith.constant 896 : i32
    %add3A_165 = arith.addi %mul3A_10, %add3A_164 : i32
    %dma_start3A_166 = arith.constant 7 : i32
    %dma_start3A_167 = arith.constant 0 : i32
    %dma_start3A_168 = tpu.memref_slice %arg11[%dma_start3A_166, %dma_start3A_167] : memref<10x128xi32, #tpu.memory_space<vmem>> -> memref<1x128xi32, #tpu.memory_space<vmem>>
    %dma_start3A_169 = tpu.memref_squeeze %dma_start3A_168 : memref<1x128xi32, #tpu.memory_space<vmem>> -> memref<128xi32, #tpu.memory_space<vmem>>
    %dma_start3A_170 = tpu.memref_slice %arg5[%add3A_165] : memref<40960xi32, #tpu.memory_space<hbm>> -> memref<128xi32, #tpu.memory_space<hbm>>
    %dma_start3A_171 = arith.constant 0 : i32
    %dma_start3A_172 = tpu.memref_slice %arg11[%dma_start3A_166, %dma_start3A_171] : memref<10x128xi32, #tpu.memory_space<vmem>> -> memref<1x128xi32, #tpu.memory_space<vmem>>
    %dma_start3A_173 = tpu.memref_squeeze %dma_start3A_172 : memref<1x128xi32, #tpu.memory_space<vmem>> -> memref<128xi32, #tpu.memory_space<vmem>>
    %dma_start3A_174 = tpu.memref_slice %arg5[%add3A_165] : memref<40960xi32, #tpu.memory_space<hbm>> -> memref<128xi32, #tpu.memory_space<hbm>>
    tpu.enqueue_dma source(%dma_start3A_174 : memref<128xi32, #tpu.memory_space<hbm>>) target(%dma_start3A_173 : memref<128xi32, #tpu.memory_space<vmem>>) target_semaphore(%arg19 : memref<!tpu.dma_semaphore, #tpu.memory_space<semaphore_mem>>)
    %add3A_175 = arith.constant 896 : i32
    %add3A_176 = arith.addi %mul3A_10, %add3A_175 : i32
    %dma_start3A_177 = arith.constant 7 : i32
    %dma_start3A_178 = arith.constant 0 : i32
    %dma_start3A_179 = tpu.memref_slice %arg12[%dma_start3A_177, %dma_start3A_178] : memref<10x128xi32, #tpu.memory_space<vmem>> -> memref<1x128xi32, #tpu.memory_space<vmem>>
    %dma_start3A_180 = tpu.memref_squeeze %dma_start3A_179 : memref<1x128xi32, #tpu.memory_space<vmem>> -> memref<128xi32, #tpu.memory_space<vmem>>
    %dma_start3A_181 = tpu.memref_slice %arg4[%add3A_176] : memref<40960xi32, #tpu.memory_space<hbm>> -> memref<128xi32, #tpu.memory_space<hbm>>
    %dma_start3A_182 = arith.constant 0 : i32
    %dma_start3A_183 = tpu.memref_slice %arg12[%dma_start3A_177, %dma_start3A_182] : memref<10x128xi32, #tpu.memory_space<vmem>> -> memref<1x128xi32, #tpu.memory_space<vmem>>
    %dma_start3A_184 = tpu.memref_squeeze %dma_start3A_183 : memref<1x128xi32, #tpu.memory_space<vmem>> -> memref<128xi32, #tpu.memory_space<vmem>>
    %dma_start3A_185 = tpu.memref_slice %arg4[%add3A_176] : memref<40960xi32, #tpu.memory_space<hbm>> -> memref<128xi32, #tpu.memory_space<hbm>>
    tpu.enqueue_dma source(%dma_start3A_185 : memref<128xi32, #tpu.memory_space<hbm>>) target(%dma_start3A_184 : memref<128xi32, #tpu.memory_space<vmem>>) target_semaphore(%arg19 : memref<!tpu.dma_semaphore, #tpu.memory_space<semaphore_mem>>)
    %add3A_186 = arith.constant 1024 : i32
    %add3A_187 = arith.addi %mul3A_10, %add3A_186 : i32
    %dma_start3A_188 = arith.constant 8 : i32
    %dma_start3A_189 = arith.constant 0 : i32
    %dma_start3A_190 = tpu.memref_slice %arg11[%dma_start3A_188, %dma_start3A_189] : memref<10x128xi32, #tpu.memory_space<vmem>> -> memref<1x128xi32, #tpu.memory_space<vmem>>
    %dma_start3A_191 = tpu.memref_squeeze %dma_start3A_190 : memref<1x128xi32, #tpu.memory_space<vmem>> -> memref<128xi32, #tpu.memory_space<vmem>>
    %dma_start3A_192 = tpu.memref_slice %arg5[%add3A_187] : memref<40960xi32, #tpu.memory_space<hbm>> -> memref<128xi32, #tpu.memory_space<hbm>>
    %dma_start3A_193 = arith.constant 0 : i32
    %dma_start3A_194 = tpu.memref_slice %arg11[%dma_start3A_188, %dma_start3A_193] : memref<10x128xi32, #tpu.memory_space<vmem>> -> memref<1x128xi32, #tpu.memory_space<vmem>>
    %dma_start3A_195 = tpu.memref_squeeze %dma_start3A_194 : memref<1x128xi32, #tpu.memory_space<vmem>> -> memref<128xi32, #tpu.memory_space<vmem>>
    %dma_start3A_196 = tpu.memref_slice %arg5[%add3A_187] : memref<40960xi32, #tpu.memory_space<hbm>> -> memref<128xi32, #tpu.memory_space<hbm>>
    tpu.enqueue_dma source(%dma_start3A_196 : memref<128xi32, #tpu.memory_space<hbm>>) target(%dma_start3A_195 : memref<128xi32, #tpu.memory_space<vmem>>) target_semaphore(%arg19 : memref<!tpu.dma_semaphore, #tpu.memory_space<semaphore_mem>>)
    %add3A_197 = arith.constant 1024 : i32
    %add3A_198 = arith.addi %mul3A_10, %add3A_197 : i32
    %dma_start3A_199 = arith.constant 8 : i32
    %dma_start3A_200 = arith.constant 0 : i32
    %dma_start3A_201 = tpu.memref_slice %arg12[%dma_start3A_199, %dma_start3A_200] : memref<10x128xi32, #tpu.memory_space<vmem>> -> memref<1x128xi32, #tpu.memory_space<vmem>>
    %dma_start3A_202 = tpu.memref_squeeze %dma_start3A_201 : memref<1x128xi32, #tpu.memory_space<vmem>> -> memref<128xi32, #tpu.memory_space<vmem>>
    %dma_start3A_203 = tpu.memref_slice %arg4[%add3A_198] : memref<40960xi32, #tpu.memory_space<hbm>> -> memref<128xi32, #tpu.memory_space<hbm>>
    %dma_start3A_204 = arith.constant 0 : i32
    %dma_start3A_205 = tpu.memref_slice %arg12[%dma_start3A_199, %dma_start3A_204] : memref<10x128xi32, #tpu.memory_space<vmem>> -> memref<1x128xi32, #tpu.memory_space<vmem>>
    %dma_start3A_206 = tpu.memref_squeeze %dma_start3A_205 : memref<1x128xi32, #tpu.memory_space<vmem>> -> memref<128xi32, #tpu.memory_space<vmem>>
    %dma_start3A_207 = tpu.memref_slice %arg4[%add3A_198] : memref<40960xi32, #tpu.memory_space<hbm>> -> memref<128xi32, #tpu.memory_space<hbm>>
    tpu.enqueue_dma source(%dma_start3A_207 : memref<128xi32, #tpu.memory_space<hbm>>) target(%dma_start3A_206 : memref<128xi32, #tpu.memory_space<vmem>>) target_semaphore(%arg19 : memref<!tpu.dma_semaphore, #tpu.memory_space<semaphore_mem>>)
    %add3A_208 = arith.constant 1152 : i32
    %add3A_209 = arith.addi %mul3A_10, %add3A_208 : i32
    %dma_start3A_210 = arith.constant 9 : i32
    %dma_start3A_211 = arith.constant 0 : i32
    %dma_start3A_212 = tpu.memref_slice %arg11[%dma_start3A_210, %dma_start3A_211] : memref<10x128xi32, #tpu.memory_space<vmem>> -> memref<1x128xi32, #tpu.memory_space<vmem>>
    %dma_start3A_213 = tpu.memref_squeeze %dma_start3A_212 : memref<1x128xi32, #tpu.memory_space<vmem>> -> memref<128xi32, #tpu.memory_space<vmem>>
    %dma_start3A_214 = tpu.memref_slice %arg5[%add3A_209] : memref<40960xi32, #tpu.memory_space<hbm>> -> memref<128xi32, #tpu.memory_space<hbm>>
    %dma_start3A_215 = arith.constant 0 : i32
    %dma_start3A_216 = tpu.memref_slice %arg11[%dma_start3A_210, %dma_start3A_215] : memref<10x128xi32, #tpu.memory_space<vmem>> -> memref<1x128xi32, #tpu.memory_space<vmem>>
    %dma_start3A_217 = tpu.memref_squeeze %dma_start3A_216 : memref<1x128xi32, #tpu.memory_space<vmem>> -> memref<128xi32, #tpu.memory_space<vmem>>
    %dma_start3A_218 = tpu.memref_slice %arg5[%add3A_209] : memref<40960xi32, #tpu.memory_space<hbm>> -> memref<128xi32, #tpu.memory_space<hbm>>
    tpu.enqueue_dma source(%dma_start3A_218 : memref<128xi32, #tpu.memory_space<hbm>>) target(%dma_start3A_217 : memref<128xi32, #tpu.memory_space<vmem>>) target_semaphore(%arg19 : memref<!tpu.dma_semaphore, #tpu.memory_space<semaphore_mem>>)
    %add3A_219 = arith.constant 1152 : i32
    %add3A_220 = arith.addi %mul3A_10, %add3A_219 : i32
    %dma_start3A_221 = arith.constant 9 : i32
    %dma_start3A_222 = arith.constant 0 : i32
    %dma_start3A_223 = tpu.memref_slice %arg12[%dma_start3A_221, %dma_start3A_222] : memref<10x128xi32, #tpu.memory_space<vmem>> -> memref<1x128xi32, #tpu.memory_space<vmem>>
    %dma_start3A_224 = tpu.memref_squeeze %dma_start3A_223 : memref<1x128xi32, #tpu.memory_space<vmem>> -> memref<128xi32, #tpu.memory_space<vmem>>
    %dma_start3A_225 = tpu.memref_slice %arg4[%add3A_220] : memref<40960xi32, #tpu.memory_space<hbm>> -> memref<128xi32, #tpu.memory_space<hbm>>
    %dma_start3A_226 = arith.constant 0 : i32
    %dma_start3A_227 = tpu.memref_slice %arg12[%dma_start3A_221, %dma_start3A_226] : memref<10x128xi32, #tpu.memory_space<vmem>> -> memref<1x128xi32, #tpu.memory_space<vmem>>
    %dma_start3A_228 = tpu.memref_squeeze %dma_start3A_227 : memref<1x128xi32, #tpu.memory_space<vmem>> -> memref<128xi32, #tpu.memory_space<vmem>>
    %dma_start3A_229 = tpu.memref_slice %arg4[%add3A_220] : memref<40960xi32, #tpu.memory_space<hbm>> -> memref<128xi32, #tpu.memory_space<hbm>>
    tpu.enqueue_dma source(%dma_start3A_229 : memref<128xi32, #tpu.memory_space<hbm>>) target(%dma_start3A_228 : memref<128xi32, #tpu.memory_space<vmem>>) target_semaphore(%arg19 : memref<!tpu.dma_semaphore, #tpu.memory_space<semaphore_mem>>)
    %dma_wait3A = arith.constant 0 : i32
    %dma_wait3A_230 = arith.constant 0 : i32
    %dma_wait3A_231 = tpu.memref_slice %arg11[%dma_wait3A, %dma_wait3A_230] : memref<10x128xi32, #tpu.memory_space<vmem>> -> memref<1x128xi32, #tpu.memory_space<vmem>>
    %dma_wait3A_232 = tpu.memref_squeeze %dma_wait3A_231 : memref<1x128xi32, #tpu.memory_space<vmem>> -> memref<128xi32, #tpu.memory_space<vmem>>
    %dma_wait3A_233 = tpu.memref_slice %arg5[%add3A_12] : memref<40960xi32, #tpu.memory_space<hbm>> -> memref<128xi32, #tpu.memory_space<hbm>>
    %dma_wait3A_234 = arith.constant 0 : i32
    %dma_wait3A_235 = tpu.memref_slice %arg11[%dma_wait3A, %dma_wait3A_234] : memref<10x128xi32, #tpu.memory_space<vmem>> -> memref<1x128xi32, #tpu.memory_space<vmem>>
    %dma_wait3A_236 = tpu.memref_squeeze %dma_wait3A_235 : memref<1x128xi32, #tpu.memory_space<vmem>> -> memref<128xi32, #tpu.memory_space<vmem>>
    %dma_wait3A_237 = tpu.memref_slice %arg5[%add3A_12] : memref<40960xi32, #tpu.memory_space<hbm>> -> memref<128xi32, #tpu.memory_space<hbm>>
    tpu.wait_dma2 semaphore(%arg19 : memref<!tpu.dma_semaphore, #tpu.memory_space<semaphore_mem>>) src(%dma_wait3A_237 : memref<128xi32, #tpu.memory_space<hbm>>) dst(%dma_wait3A_236 : memref<128xi32, #tpu.memory_space<vmem>>)
    %dma_wait3A_238 = arith.constant 0 : i32
    %dma_wait3A_239 = arith.constant 0 : i32
    %dma_wait3A_240 = tpu.memref_slice %arg12[%dma_wait3A_238, %dma_wait3A_239] : memref<10x128xi32, #tpu.memory_space<vmem>> -> memref<1x128xi32, #tpu.memory_space<vmem>>
    %dma_wait3A_241 = tpu.memref_squeeze %dma_wait3A_240 : memref<1x128xi32, #tpu.memory_space<vmem>> -> memref<128xi32, #tpu.memory_space<vmem>>
    %dma_wait3A_242 = tpu.memref_slice %arg4[%add3A_22] : memref<40960xi32, #tpu.memory_space<hbm>> -> memref<128xi32, #tpu.memory_space<hbm>>
    %dma_wait3A_243 = arith.constant 0 : i32
    %dma_wait3A_244 = tpu.memref_slice %arg12[%dma_wait3A_238, %dma_wait3A_243] : memref<10x128xi32, #tpu.memory_space<vmem>> -> memref<1x128xi32, #tpu.memory_space<vmem>>
    %dma_wait3A_245 = tpu.memref_squeeze %dma_wait3A_244 : memref<1x128xi32, #tpu.memory_space<vmem>> -> memref<128xi32, #tpu.memory_space<vmem>>
    %dma_wait3A_246 = tpu.memref_slice %arg4[%add3A_22] : memref<40960xi32, #tpu.memory_space<hbm>> -> memref<128xi32, #tpu.memory_space<hbm>>
    tpu.wait_dma2 semaphore(%arg19 : memref<!tpu.dma_semaphore, #tpu.memory_space<semaphore_mem>>) src(%dma_wait3A_246 : memref<128xi32, #tpu.memory_space<hbm>>) dst(%dma_wait3A_245 : memref<128xi32, #tpu.memory_space<vmem>>)
    %dma_wait3A_247 = arith.constant 1 : i32
    %dma_wait3A_248 = arith.constant 0 : i32
    %dma_wait3A_249 = tpu.memref_slice %arg11[%dma_wait3A_247, %dma_wait3A_248] : memref<10x128xi32, #tpu.memory_space<vmem>> -> memref<1x128xi32, #tpu.memory_space<vmem>>
    %dma_wait3A_250 = tpu.memref_squeeze %dma_wait3A_249 : memref<1x128xi32, #tpu.memory_space<vmem>> -> memref<128xi32, #tpu.memory_space<vmem>>
    %dma_wait3A_251 = tpu.memref_slice %arg5[%add3A_33] : memref<40960xi32, #tpu.memory_space<hbm>> -> memref<128xi32, #tpu.memory_space<hbm>>
    %dma_wait3A_252 = arith.constant 0 : i32
    %dma_wait3A_253 = tpu.memref_slice %arg11[%dma_wait3A_247, %dma_wait3A_252] : memref<10x128xi32, #tpu.memory_space<vmem>> -> memref<1x128xi32, #tpu.memory_space<vmem>>
    %dma_wait3A_254 = tpu.memref_squeeze %dma_wait3A_253 : memref<1x128xi32, #tpu.memory_space<vmem>> -> memref<128xi32, #tpu.memory_space<vmem>>
    %dma_wait3A_255 = tpu.memref_slice %arg5[%add3A_33] : memref<40960xi32, #tpu.memory_space<hbm>> -> memref<128xi32, #tpu.memory_space<hbm>>
    tpu.wait_dma2 semaphore(%arg19 : memref<!tpu.dma_semaphore, #tpu.memory_space<semaphore_mem>>) src(%dma_wait3A_255 : memref<128xi32, #tpu.memory_space<hbm>>) dst(%dma_wait3A_254 : memref<128xi32, #tpu.memory_space<vmem>>)
    %dma_wait3A_256 = arith.constant 1 : i32
    %dma_wait3A_257 = arith.constant 0 : i32
    %dma_wait3A_258 = tpu.memref_slice %arg12[%dma_wait3A_256, %dma_wait3A_257] : memref<10x128xi32, #tpu.memory_space<vmem>> -> memref<1x128xi32, #tpu.memory_space<vmem>>
    %dma_wait3A_259 = tpu.memref_squeeze %dma_wait3A_258 : memref<1x128xi32, #tpu.memory_space<vmem>> -> memref<128xi32, #tpu.memory_space<vmem>>
    %dma_wait3A_260 = tpu.memref_slice %arg4[%add3A_44] : memref<40960xi32, #tpu.memory_space<hbm>> -> memref<128xi32, #tpu.memory_space<hbm>>
    %dma_wait3A_261 = arith.constant 0 : i32
    %dma_wait3A_262 = tpu.memref_slice %arg12[%dma_wait3A_256, %dma_wait3A_261] : memref<10x128xi32, #tpu.memory_space<vmem>> -> memref<1x128xi32, #tpu.memory_space<vmem>>
    %dma_wait3A_263 = tpu.memref_squeeze %dma_wait3A_262 : memref<1x128xi32, #tpu.memory_space<vmem>> -> memref<128xi32, #tpu.memory_space<vmem>>
    %dma_wait3A_264 = tpu.memref_slice %arg4[%add3A_44] : memref<40960xi32, #tpu.memory_space<hbm>> -> memref<128xi32, #tpu.memory_space<hbm>>
    tpu.wait_dma2 semaphore(%arg19 : memref<!tpu.dma_semaphore, #tpu.memory_space<semaphore_mem>>) src(%dma_wait3A_264 : memref<128xi32, #tpu.memory_space<hbm>>) dst(%dma_wait3A_263 : memref<128xi32, #tpu.memory_space<vmem>>)
    %dma_wait3A_265 = arith.constant 2 : i32
    %dma_wait3A_266 = arith.constant 0 : i32
    %dma_wait3A_267 = tpu.memref_slice %arg11[%dma_wait3A_265, %dma_wait3A_266] : memref<10x128xi32, #tpu.memory_space<vmem>> -> memref<1x128xi32, #tpu.memory_space<vmem>>
    %dma_wait3A_268 = tpu.memref_squeeze %dma_wait3A_267 : memref<1x128xi32, #tpu.memory_space<vmem>> -> memref<128xi32, #tpu.memory_space<vmem>>
    %dma_wait3A_269 = tpu.memref_slice %arg5[%add3A_55] : memref<40960xi32, #tpu.memory_space<hbm>> -> memref<128xi32, #tpu.memory_space<hbm>>
    %dma_wait3A_270 = arith.constant 0 : i32
    %dma_wait3A_271 = tpu.memref_slice %arg11[%dma_wait3A_265, %dma_wait3A_270] : memref<10x128xi32, #tpu.memory_space<vmem>> -> memref<1x128xi32, #tpu.memory_space<vmem>>
    %dma_wait3A_272 = tpu.memref_squeeze %dma_wait3A_271 : memref<1x128xi32, #tpu.memory_space<vmem>> -> memref<128xi32, #tpu.memory_space<vmem>>
    %dma_wait3A_273 = tpu.memref_slice %arg5[%add3A_55] : memref<40960xi32, #tpu.memory_space<hbm>> -> memref<128xi32, #tpu.memory_space<hbm>>
    tpu.wait_dma2 semaphore(%arg19 : memref<!tpu.dma_semaphore, #tpu.memory_space<semaphore_mem>>) src(%dma_wait3A_273 : memref<128xi32, #tpu.memory_space<hbm>>) dst(%dma_wait3A_272 : memref<128xi32, #tpu.memory_space<vmem>>)
    %dma_wait3A_274 = arith.constant 2 : i32
    %dma_wait3A_275 = arith.constant 0 : i32
    %dma_wait3A_276 = tpu.memref_slice %arg12[%dma_wait3A_274, %dma_wait3A_275] : memref<10x128xi32, #tpu.memory_space<vmem>> -> memref<1x128xi32, #tpu.memory_space<vmem>>
    %dma_wait3A_277 = tpu.memref_squeeze %dma_wait3A_276 : memref<1x128xi32, #tpu.memory_space<vmem>> -> memref<128xi32, #tpu.memory_space<vmem>>
    %dma_wait3A_278 = tpu.memref_slice %arg4[%add3A_66] : memref<40960xi32, #tpu.memory_space<hbm>> -> memref<128xi32, #tpu.memory_space<hbm>>
    %dma_wait3A_279 = arith.constant 0 : i32
    %dma_wait3A_280 = tpu.memref_slice %arg12[%dma_wait3A_274, %dma_wait3A_279] : memref<10x128xi32, #tpu.memory_space<vmem>> -> memref<1x128xi32, #tpu.memory_space<vmem>>
    %dma_wait3A_281 = tpu.memref_squeeze %dma_wait3A_280 : memref<1x128xi32, #tpu.memory_space<vmem>> -> memref<128xi32, #tpu.memory_space<vmem>>
    %dma_wait3A_282 = tpu.memref_slice %arg4[%add3A_66] : memref<40960xi32, #tpu.memory_space<hbm>> -> memref<128xi32, #tpu.memory_space<hbm>>
    tpu.wait_dma2 semaphore(%arg19 : memref<!tpu.dma_semaphore, #tpu.memory_space<semaphore_mem>>) src(%dma_wait3A_282 : memref<128xi32, #tpu.memory_space<hbm>>) dst(%dma_wait3A_281 : memref<128xi32, #tpu.memory_space<vmem>>)
    %dma_wait3A_283 = arith.constant 3 : i32
    %dma_wait3A_284 = arith.constant 0 : i32
    %dma_wait3A_285 = tpu.memref_slice %arg11[%dma_wait3A_283, %dma_wait3A_284] : memref<10x128xi32, #tpu.memory_space<vmem>> -> memref<1x128xi32, #tpu.memory_space<vmem>>
    %dma_wait3A_286 = tpu.memref_squeeze %dma_wait3A_285 : memref<1x128xi32, #tpu.memory_space<vmem>> -> memref<128xi32, #tpu.memory_space<vmem>>
    %dma_wait3A_287 = tpu.memref_slice %arg5[%add3A_77] : memref<40960xi32, #tpu.memory_space<hbm>> -> memref<128xi32, #tpu.memory_space<hbm>>
    %dma_wait3A_288 = arith.constant 0 : i32
    %dma_wait3A_289 = tpu.memref_slice %arg11[%dma_wait3A_283, %dma_wait3A_288] : memref<10x128xi32, #tpu.memory_space<vmem>> -> memref<1x128xi32, #tpu.memory_space<vmem>>
    %dma_wait3A_290 = tpu.memref_squeeze %dma_wait3A_289 : memref<1x128xi32, #tpu.memory_space<vmem>> -> memref<128xi32, #tpu.memory_space<vmem>>
    %dma_wait3A_291 = tpu.memref_slice %arg5[%add3A_77] : memref<40960xi32, #tpu.memory_space<hbm>> -> memref<128xi32, #tpu.memory_space<hbm>>
    tpu.wait_dma2 semaphore(%arg19 : memref<!tpu.dma_semaphore, #tpu.memory_space<semaphore_mem>>) src(%dma_wait3A_291 : memref<128xi32, #tpu.memory_space<hbm>>) dst(%dma_wait3A_290 : memref<128xi32, #tpu.memory_space<vmem>>)
    %dma_wait3A_292 = arith.constant 3 : i32
    %dma_wait3A_293 = arith.constant 0 : i32
    %dma_wait3A_294 = tpu.memref_slice %arg12[%dma_wait3A_292, %dma_wait3A_293] : memref<10x128xi32, #tpu.memory_space<vmem>> -> memref<1x128xi32, #tpu.memory_space<vmem>>
    %dma_wait3A_295 = tpu.memref_squeeze %dma_wait3A_294 : memref<1x128xi32, #tpu.memory_space<vmem>> -> memref<128xi32, #tpu.memory_space<vmem>>
    %dma_wait3A_296 = tpu.memref_slice %arg4[%add3A_88] : memref<40960xi32, #tpu.memory_space<hbm>> -> memref<128xi32, #tpu.memory_space<hbm>>
    %dma_wait3A_297 = arith.constant 0 : i32
    %dma_wait3A_298 = tpu.memref_slice %arg12[%dma_wait3A_292, %dma_wait3A_297] : memref<10x128xi32, #tpu.memory_space<vmem>> -> memref<1x128xi32, #tpu.memory_space<vmem>>
    %dma_wait3A_299 = tpu.memref_squeeze %dma_wait3A_298 : memref<1x128xi32, #tpu.memory_space<vmem>> -> memref<128xi32, #tpu.memory_space<vmem>>
    %dma_wait3A_300 = tpu.memref_slice %arg4[%add3A_88] : memref<40960xi32, #tpu.memory_space<hbm>> -> memref<128xi32, #tpu.memory_space<hbm>>
    tpu.wait_dma2 semaphore(%arg19 : memref<!tpu.dma_semaphore, #tpu.memory_space<semaphore_mem>>) src(%dma_wait3A_300 : memref<128xi32, #tpu.memory_space<hbm>>) dst(%dma_wait3A_299 : memref<128xi32, #tpu.memory_space<vmem>>)
    %dma_wait3A_301 = arith.constant 4 : i32
    %dma_wait3A_302 = arith.constant 0 : i32
    %dma_wait3A_303 = tpu.memref_slice %arg11[%dma_wait3A_301, %dma_wait3A_302] : memref<10x128xi32, #tpu.memory_space<vmem>> -> memref<1x128xi32, #tpu.memory_space<vmem>>
    %dma_wait3A_304 = tpu.memref_squeeze %dma_wait3A_303 : memref<1x128xi32, #tpu.memory_space<vmem>> -> memref<128xi32, #tpu.memory_space<vmem>>
    %dma_wait3A_305 = tpu.memref_slice %arg5[%add3A_99] : memref<40960xi32, #tpu.memory_space<hbm>> -> memref<128xi32, #tpu.memory_space<hbm>>
    %dma_wait3A_306 = arith.constant 0 : i32
    %dma_wait3A_307 = tpu.memref_slice %arg11[%dma_wait3A_301, %dma_wait3A_306] : memref<10x128xi32, #tpu.memory_space<vmem>> -> memref<1x128xi32, #tpu.memory_space<vmem>>
    %dma_wait3A_308 = tpu.memref_squeeze %dma_wait3A_307 : memref<1x128xi32, #tpu.memory_space<vmem>> -> memref<128xi32, #tpu.memory_space<vmem>>
    %dma_wait3A_309 = tpu.memref_slice %arg5[%add3A_99] : memref<40960xi32, #tpu.memory_space<hbm>> -> memref<128xi32, #tpu.memory_space<hbm>>
    tpu.wait_dma2 semaphore(%arg19 : memref<!tpu.dma_semaphore, #tpu.memory_space<semaphore_mem>>) src(%dma_wait3A_309 : memref<128xi32, #tpu.memory_space<hbm>>) dst(%dma_wait3A_308 : memref<128xi32, #tpu.memory_space<vmem>>)
    %dma_wait3A_310 = arith.constant 4 : i32
    %dma_wait3A_311 = arith.constant 0 : i32
    %dma_wait3A_312 = tpu.memref_slice %arg12[%dma_wait3A_310, %dma_wait3A_311] : memref<10x128xi32, #tpu.memory_space<vmem>> -> memref<1x128xi32, #tpu.memory_space<vmem>>
    %dma_wait3A_313 = tpu.memref_squeeze %dma_wait3A_312 : memref<1x128xi32, #tpu.memory_space<vmem>> -> memref<128xi32, #tpu.memory_space<vmem>>
    %dma_wait3A_314 = tpu.memref_slice %arg4[%add3A_110] : memref<40960xi32, #tpu.memory_space<hbm>> -> memref<128xi32, #tpu.memory_space<hbm>>
    %dma_wait3A_315 = arith.constant 0 : i32
    %dma_wait3A_316 = tpu.memref_slice %arg12[%dma_wait3A_310, %dma_wait3A_315] : memref<10x128xi32, #tpu.memory_space<vmem>> -> memref<1x128xi32, #tpu.memory_space<vmem>>
    %dma_wait3A_317 = tpu.memref_squeeze %dma_wait3A_316 : memref<1x128xi32, #tpu.memory_space<vmem>> -> memref<128xi32, #tpu.memory_space<vmem>>
    %dma_wait3A_318 = tpu.memref_slice %arg4[%add3A_110] : memref<40960xi32, #tpu.memory_space<hbm>> -> memref<128xi32, #tpu.memory_space<hbm>>
    tpu.wait_dma2 semaphore(%arg19 : memref<!tpu.dma_semaphore, #tpu.memory_space<semaphore_mem>>) src(%dma_wait3A_318 : memref<128xi32, #tpu.memory_space<hbm>>) dst(%dma_wait3A_317 : memref<128xi32, #tpu.memory_space<vmem>>)
    %dma_wait3A_319 = arith.constant 5 : i32
    %dma_wait3A_320 = arith.constant 0 : i32
    %dma_wait3A_321 = tpu.memref_slice %arg11[%dma_wait3A_319, %dma_wait3A_320] : memref<10x128xi32, #tpu.memory_space<vmem>> -> memref<1x128xi32, #tpu.memory_space<vmem>>
    %dma_wait3A_322 = tpu.memref_squeeze %dma_wait3A_321 : memref<1x128xi32, #tpu.memory_space<vmem>> -> memref<128xi32, #tpu.memory_space<vmem>>
    %dma_wait3A_323 = tpu.memref_slice %arg5[%add3A_121] : memref<40960xi32, #tpu.memory_space<hbm>> -> memref<128xi32, #tpu.memory_space<hbm>>
    %dma_wait3A_324 = arith.constant 0 : i32
    %dma_wait3A_325 = tpu.memref_slice %arg11[%dma_wait3A_319, %dma_wait3A_324] : memref<10x128xi32, #tpu.memory_space<vmem>> -> memref<1x128xi32, #tpu.memory_space<vmem>>
    %dma_wait3A_326 = tpu.memref_squeeze %dma_wait3A_325 : memref<1x128xi32, #tpu.memory_space<vmem>> -> memref<128xi32, #tpu.memory_space<vmem>>
    %dma_wait3A_327 = tpu.memref_slice %arg5[%add3A_121] : memref<40960xi32, #tpu.memory_space<hbm>> -> memref<128xi32, #tpu.memory_space<hbm>>
    tpu.wait_dma2 semaphore(%arg19 : memref<!tpu.dma_semaphore, #tpu.memory_space<semaphore_mem>>) src(%dma_wait3A_327 : memref<128xi32, #tpu.memory_space<hbm>>) dst(%dma_wait3A_326 : memref<128xi32, #tpu.memory_space<vmem>>)
    %dma_wait3A_328 = arith.constant 5 : i32
    %dma_wait3A_329 = arith.constant 0 : i32
    %dma_wait3A_330 = tpu.memref_slice %arg12[%dma_wait3A_328, %dma_wait3A_329] : memref<10x128xi32, #tpu.memory_space<vmem>> -> memref<1x128xi32, #tpu.memory_space<vmem>>
    %dma_wait3A_331 = tpu.memref_squeeze %dma_wait3A_330 : memref<1x128xi32, #tpu.memory_space<vmem>> -> memref<128xi32, #tpu.memory_space<vmem>>
    %dma_wait3A_332 = tpu.memref_slice %arg4[%add3A_132] : memref<40960xi32, #tpu.memory_space<hbm>> -> memref<128xi32, #tpu.memory_space<hbm>>
    %dma_wait3A_333 = arith.constant 0 : i32
    %dma_wait3A_334 = tpu.memref_slice %arg12[%dma_wait3A_328, %dma_wait3A_333] : memref<10x128xi32, #tpu.memory_space<vmem>> -> memref<1x128xi32, #tpu.memory_space<vmem>>
    %dma_wait3A_335 = tpu.memref_squeeze %dma_wait3A_334 : memref<1x128xi32, #tpu.memory_space<vmem>> -> memref<128xi32, #tpu.memory_space<vmem>>
    %dma_wait3A_336 = tpu.memref_slice %arg4[%add3A_132] : memref<40960xi32, #tpu.memory_space<hbm>> -> memref<128xi32, #tpu.memory_space<hbm>>
    tpu.wait_dma2 semaphore(%arg19 : memref<!tpu.dma_semaphore, #tpu.memory_space<semaphore_mem>>) src(%dma_wait3A_336 : memref<128xi32, #tpu.memory_space<hbm>>) dst(%dma_wait3A_335 : memref<128xi32, #tpu.memory_space<vmem>>)
    %dma_wait3A_337 = arith.constant 6 : i32
    %dma_wait3A_338 = arith.constant 0 : i32
    %dma_wait3A_339 = tpu.memref_slice %arg11[%dma_wait3A_337, %dma_wait3A_338] : memref<10x128xi32, #tpu.memory_space<vmem>> -> memref<1x128xi32, #tpu.memory_space<vmem>>
    %dma_wait3A_340 = tpu.memref_squeeze %dma_wait3A_339 : memref<1x128xi32, #tpu.memory_space<vmem>> -> memref<128xi32, #tpu.memory_space<vmem>>
    %dma_wait3A_341 = tpu.memref_slice %arg5[%add3A_143] : memref<40960xi32, #tpu.memory_space<hbm>> -> memref<128xi32, #tpu.memory_space<hbm>>
    %dma_wait3A_342 = arith.constant 0 : i32
    %dma_wait3A_343 = tpu.memref_slice %arg11[%dma_wait3A_337, %dma_wait3A_342] : memref<10x128xi32, #tpu.memory_space<vmem>> -> memref<1x128xi32, #tpu.memory_space<vmem>>
    %dma_wait3A_344 = tpu.memref_squeeze %dma_wait3A_343 : memref<1x128xi32, #tpu.memory_space<vmem>> -> memref<128xi32, #tpu.memory_space<vmem>>
    %dma_wait3A_345 = tpu.memref_slice %arg5[%add3A_143] : memref<40960xi32, #tpu.memory_space<hbm>> -> memref<128xi32, #tpu.memory_space<hbm>>
    tpu.wait_dma2 semaphore(%arg19 : memref<!tpu.dma_semaphore, #tpu.memory_space<semaphore_mem>>) src(%dma_wait3A_345 : memref<128xi32, #tpu.memory_space<hbm>>) dst(%dma_wait3A_344 : memref<128xi32, #tpu.memory_space<vmem>>)
    %dma_wait3A_346 = arith.constant 6 : i32
    %dma_wait3A_347 = arith.constant 0 : i32
    %dma_wait3A_348 = tpu.memref_slice %arg12[%dma_wait3A_346, %dma_wait3A_347] : memref<10x128xi32, #tpu.memory_space<vmem>> -> memref<1x128xi32, #tpu.memory_space<vmem>>
    %dma_wait3A_349 = tpu.memref_squeeze %dma_wait3A_348 : memref<1x128xi32, #tpu.memory_space<vmem>> -> memref<128xi32, #tpu.memory_space<vmem>>
    %dma_wait3A_350 = tpu.memref_slice %arg4[%add3A_154] : memref<40960xi32, #tpu.memory_space<hbm>> -> memref<128xi32, #tpu.memory_space<hbm>>
    %dma_wait3A_351 = arith.constant 0 : i32
    %dma_wait3A_352 = tpu.memref_slice %arg12[%dma_wait3A_346, %dma_wait3A_351] : memref<10x128xi32, #tpu.memory_space<vmem>> -> memref<1x128xi32, #tpu.memory_space<vmem>>
    %dma_wait3A_353 = tpu.memref_squeeze %dma_wait3A_352 : memref<1x128xi32, #tpu.memory_space<vmem>> -> memref<128xi32, #tpu.memory_space<vmem>>
    %dma_wait3A_354 = tpu.memref_slice %arg4[%add3A_154] : memref<40960xi32, #tpu.memory_space<hbm>> -> memref<128xi32, #tpu.memory_space<hbm>>
    tpu.wait_dma2 semaphore(%arg19 : memref<!tpu.dma_semaphore, #tpu.memory_space<semaphore_mem>>) src(%dma_wait3A_354 : memref<128xi32, #tpu.memory_space<hbm>>) dst(%dma_wait3A_353 : memref<128xi32, #tpu.memory_space<vmem>>)
    %dma_wait3A_355 = arith.constant 7 : i32
    %dma_wait3A_356 = arith.constant 0 : i32
    %dma_wait3A_357 = tpu.memref_slice %arg11[%dma_wait3A_355, %dma_wait3A_356] : memref<10x128xi32, #tpu.memory_space<vmem>> -> memref<1x128xi32, #tpu.memory_space<vmem>>
    %dma_wait3A_358 = tpu.memref_squeeze %dma_wait3A_357 : memref<1x128xi32, #tpu.memory_space<vmem>> -> memref<128xi32, #tpu.memory_space<vmem>>
    %dma_wait3A_359 = tpu.memref_slice %arg5[%add3A_165] : memref<40960xi32, #tpu.memory_space<hbm>> -> memref<128xi32, #tpu.memory_space<hbm>>
    %dma_wait3A_360 = arith.constant 0 : i32
    %dma_wait3A_361 = tpu.memref_slice %arg11[%dma_wait3A_355, %dma_wait3A_360] : memref<10x128xi32, #tpu.memory_space<vmem>> -> memref<1x128xi32, #tpu.memory_space<vmem>>
    %dma_wait3A_362 = tpu.memref_squeeze %dma_wait3A_361 : memref<1x128xi32, #tpu.memory_space<vmem>> -> memref<128xi32, #tpu.memory_space<vmem>>
    %dma_wait3A_363 = tpu.memref_slice %arg5[%add3A_165] : memref<40960xi32, #tpu.memory_space<hbm>> -> memref<128xi32, #tpu.memory_space<hbm>>
    tpu.wait_dma2 semaphore(%arg19 : memref<!tpu.dma_semaphore, #tpu.memory_space<semaphore_mem>>) src(%dma_wait3A_363 : memref<128xi32, #tpu.memory_space<hbm>>) dst(%dma_wait3A_362 : memref<128xi32, #tpu.memory_space<vmem>>)
    %dma_wait3A_364 = arith.constant 7 : i32
    %dma_wait3A_365 = arith.constant 0 : i32
    %dma_wait3A_366 = tpu.memref_slice %arg12[%dma_wait3A_364, %dma_wait3A_365] : memref<10x128xi32, #tpu.memory_space<vmem>> -> memref<1x128xi32, #tpu.memory_space<vmem>>
    %dma_wait3A_367 = tpu.memref_squeeze %dma_wait3A_366 : memref<1x128xi32, #tpu.memory_space<vmem>> -> memref<128xi32, #tpu.memory_space<vmem>>
    %dma_wait3A_368 = tpu.memref_slice %arg4[%add3A_176] : memref<40960xi32, #tpu.memory_space<hbm>> -> memref<128xi32, #tpu.memory_space<hbm>>
    %dma_wait3A_369 = arith.constant 0 : i32
    %dma_wait3A_370 = tpu.memref_slice %arg12[%dma_wait3A_364, %dma_wait3A_369] : memref<10x128xi32, #tpu.memory_space<vmem>> -> memref<1x128xi32, #tpu.memory_space<vmem>>
    %dma_wait3A_371 = tpu.memref_squeeze %dma_wait3A_370 : memref<1x128xi32, #tpu.memory_space<vmem>> -> memref<128xi32, #tpu.memory_space<vmem>>
    %dma_wait3A_372 = tpu.memref_slice %arg4[%add3A_176] : memref<40960xi32, #tpu.memory_space<hbm>> -> memref<128xi32, #tpu.memory_space<hbm>>
    tpu.wait_dma2 semaphore(%arg19 : memref<!tpu.dma_semaphore, #tpu.memory_space<semaphore_mem>>) src(%dma_wait3A_372 : memref<128xi32, #tpu.memory_space<hbm>>) dst(%dma_wait3A_371 : memref<128xi32, #tpu.memory_space<vmem>>)
    %dma_wait3A_373 = arith.constant 8 : i32
    %dma_wait3A_374 = arith.constant 0 : i32
    %dma_wait3A_375 = tpu.memref_slice %arg11[%dma_wait3A_373, %dma_wait3A_374] : memref<10x128xi32, #tpu.memory_space<vmem>> -> memref<1x128xi32, #tpu.memory_space<vmem>>
    %dma_wait3A_376 = tpu.memref_squeeze %dma_wait3A_375 : memref<1x128xi32, #tpu.memory_space<vmem>> -> memref<128xi32, #tpu.memory_space<vmem>>
    %dma_wait3A_377 = tpu.memref_slice %arg5[%add3A_187] : memref<40960xi32, #tpu.memory_space<hbm>> -> memref<128xi32, #tpu.memory_space<hbm>>
    %dma_wait3A_378 = arith.constant 0 : i32
    %dma_wait3A_379 = tpu.memref_slice %arg11[%dma_wait3A_373, %dma_wait3A_378] : memref<10x128xi32, #tpu.memory_space<vmem>> -> memref<1x128xi32, #tpu.memory_space<vmem>>
    %dma_wait3A_380 = tpu.memref_squeeze %dma_wait3A_379 : memref<1x128xi32, #tpu.memory_space<vmem>> -> memref<128xi32, #tpu.memory_space<vmem>>
    %dma_wait3A_381 = tpu.memref_slice %arg5[%add3A_187] : memref<40960xi32, #tpu.memory_space<hbm>> -> memref<128xi32, #tpu.memory_space<hbm>>
    tpu.wait_dma2 semaphore(%arg19 : memref<!tpu.dma_semaphore, #tpu.memory_space<semaphore_mem>>) src(%dma_wait3A_381 : memref<128xi32, #tpu.memory_space<hbm>>) dst(%dma_wait3A_380 : memref<128xi32, #tpu.memory_space<vmem>>)
    %dma_wait3A_382 = arith.constant 8 : i32
    %dma_wait3A_383 = arith.constant 0 : i32
    %dma_wait3A_384 = tpu.memref_slice %arg12[%dma_wait3A_382, %dma_wait3A_383] : memref<10x128xi32, #tpu.memory_space<vmem>> -> memref<1x128xi32, #tpu.memory_space<vmem>>
    %dma_wait3A_385 = tpu.memref_squeeze %dma_wait3A_384 : memref<1x128xi32, #tpu.memory_space<vmem>> -> memref<128xi32, #tpu.memory_space<vmem>>
    %dma_wait3A_386 = tpu.memref_slice %arg4[%add3A_198] : memref<40960xi32, #tpu.memory_space<hbm>> -> memref<128xi32, #tpu.memory_space<hbm>>
    %dma_wait3A_387 = arith.constant 0 : i32
    %dma_wait3A_388 = tpu.memref_slice %arg12[%dma_wait3A_382, %dma_wait3A_387] : memref<10x128xi32, #tpu.memory_space<vmem>> -> memref<1x128xi32, #tpu.memory_space<vmem>>
    %dma_wait3A_389 = tpu.memref_squeeze %dma_wait3A_388 : memref<1x128xi32, #tpu.memory_space<vmem>> -> memref<128xi32, #tpu.memory_space<vmem>>
    %dma_wait3A_390 = tpu.memref_slice %arg4[%add3A_198] : memref<40960xi32, #tpu.memory_space<hbm>> -> memref<128xi32, #tpu.memory_space<hbm>>
    tpu.wait_dma2 semaphore(%arg19 : memref<!tpu.dma_semaphore, #tpu.memory_space<semaphore_mem>>) src(%dma_wait3A_390 : memref<128xi32, #tpu.memory_space<hbm>>) dst(%dma_wait3A_389 : memref<128xi32, #tpu.memory_space<vmem>>)
    %dma_wait3A_391 = arith.constant 9 : i32
    %dma_wait3A_392 = arith.constant 0 : i32
    %dma_wait3A_393 = tpu.memref_slice %arg11[%dma_wait3A_391, %dma_wait3A_392] : memref<10x128xi32, #tpu.memory_space<vmem>> -> memref<1x128xi32, #tpu.memory_space<vmem>>
    %dma_wait3A_394 = tpu.memref_squeeze %dma_wait3A_393 : memref<1x128xi32, #tpu.memory_space<vmem>> -> memref<128xi32, #tpu.memory_space<vmem>>
    %dma_wait3A_395 = tpu.memref_slice %arg5[%add3A_209] : memref<40960xi32, #tpu.memory_space<hbm>> -> memref<128xi32, #tpu.memory_space<hbm>>
    %dma_wait3A_396 = arith.constant 0 : i32
    %dma_wait3A_397 = tpu.memref_slice %arg11[%dma_wait3A_391, %dma_wait3A_396] : memref<10x128xi32, #tpu.memory_space<vmem>> -> memref<1x128xi32, #tpu.memory_space<vmem>>
    %dma_wait3A_398 = tpu.memref_squeeze %dma_wait3A_397 : memref<1x128xi32, #tpu.memory_space<vmem>> -> memref<128xi32, #tpu.memory_space<vmem>>
    %dma_wait3A_399 = tpu.memref_slice %arg5[%add3A_209] : memref<40960xi32, #tpu.memory_space<hbm>> -> memref<128xi32, #tpu.memory_space<hbm>>
    tpu.wait_dma2 semaphore(%arg19 : memref<!tpu.dma_semaphore, #tpu.memory_space<semaphore_mem>>) src(%dma_wait3A_399 : memref<128xi32, #tpu.memory_space<hbm>>) dst(%dma_wait3A_398 : memref<128xi32, #tpu.memory_space<vmem>>)
    %dma_wait3A_400 = arith.constant 9 : i32
    %dma_wait3A_401 = arith.constant 0 : i32
    %dma_wait3A_402 = tpu.memref_slice %arg12[%dma_wait3A_400, %dma_wait3A_401] : memref<10x128xi32, #tpu.memory_space<vmem>> -> memref<1x128xi32, #tpu.memory_space<vmem>>
    %dma_wait3A_403 = tpu.memref_squeeze %dma_wait3A_402 : memref<1x128xi32, #tpu.memory_space<vmem>> -> memref<128xi32, #tpu.memory_space<vmem>>
    %dma_wait3A_404 = tpu.memref_slice %arg4[%add3A_220] : memref<40960xi32, #tpu.memory_space<hbm>> -> memref<128xi32, #tpu.memory_space<hbm>>
    %dma_wait3A_405 = arith.constant 0 : i32
    %dma_wait3A_406 = tpu.memref_slice %arg12[%dma_wait3A_400, %dma_wait3A_405] : memref<10x128xi32, #tpu.memory_space<vmem>> -> memref<1x128xi32, #tpu.memory_space<vmem>>
    %dma_wait3A_407 = tpu.memref_squeeze %dma_wait3A_406 : memref<1x128xi32, #tpu.memory_space<vmem>> -> memref<128xi32, #tpu.memory_space<vmem>>
    %dma_wait3A_408 = tpu.memref_slice %arg4[%add3A_220] : memref<40960xi32, #tpu.memory_space<hbm>> -> memref<128xi32, #tpu.memory_space<hbm>>
    tpu.wait_dma2 semaphore(%arg19 : memref<!tpu.dma_semaphore, #tpu.memory_space<semaphore_mem>>) src(%dma_wait3A_408 : memref<128xi32, #tpu.memory_space<hbm>>) dst(%dma_wait3A_407 : memref<128xi32, #tpu.memory_space<vmem>>)
    %barrier3A = arith.constant 0 : index
    tpu.barrier barrier_id(%barrier3A)
    %dma_start3A_409 = arith.constant 0 : i32
    %dma_start3A_410 = arith.constant 0 : i32
    %dma_start3A_411 = tpu.memref_slice %arg12[%dma_start3A_409, %dma_start3A_410] : memref<10x128xi32, #tpu.memory_space<vmem>> -> memref<1x128xi32, #tpu.memory_space<vmem>>
    %dma_start3A_412 = tpu.memref_squeeze %dma_start3A_411 : memref<1x128xi32, #tpu.memory_space<vmem>> -> memref<128xi32, #tpu.memory_space<vmem>>
    %dma_start3A_413 = arith.constant 0 : i32
    %dma_start3A_414 = arith.constant 0 : i32
    %dma_start3A_415 = tpu.memref_slice %arg18[%dma_start3A_413, %dma_start3A_414] : memref<2048x128xf32, #tpu.memory_space<vmem_shared>> -> memref<2048x128xf32, #tpu.memory_space<vmem_shared>>
    tpu.enqueue_indirect_dma source(%arg16 : memref<128x128xf32, #tpu.memory_space<vmem>>) target(%dma_start3A_415 : memref<2048x128xf32, #tpu.memory_space<vmem_shared>>) offsets(%dma_start3A_412 : memref<128xi32, #tpu.memory_space<vmem>>) semaphore(%arg21 : memref<!tpu.dma_semaphore, #tpu.memory_space<semaphore_mem>>) {add = true}
    %dma_start3A_416 = arith.constant 1 : i32
    %dma_start3A_417 = arith.constant 0 : i32
    %dma_start3A_418 = tpu.memref_slice %arg12[%dma_start3A_416, %dma_start3A_417] : memref<10x128xi32, #tpu.memory_space<vmem>> -> memref<1x128xi32, #tpu.memory_space<vmem>>
    %dma_start3A_419 = tpu.memref_squeeze %dma_start3A_418 : memref<1x128xi32, #tpu.memory_space<vmem>> -> memref<128xi32, #tpu.memory_space<vmem>>
    %dma_start3A_420 = arith.constant 0 : i32
    %dma_start3A_421 = arith.constant 0 : i32
    %dma_start3A_422 = tpu.memref_slice %arg18[%dma_start3A_420, %dma_start3A_421] : memref<2048x128xf32, #tpu.memory_space<vmem_shared>> -> memref<2048x128xf32, #tpu.memory_space<vmem_shared>>
    tpu.enqueue_indirect_dma source(%arg16 : memref<128x128xf32, #tpu.memory_space<vmem>>) target(%dma_start3A_422 : memref<2048x128xf32, #tpu.memory_space<vmem_shared>>) offsets(%dma_start3A_419 : memref<128xi32, #tpu.memory_space<vmem>>) semaphore(%arg21 : memref<!tpu.dma_semaphore, #tpu.memory_space<semaphore_mem>>) {add = true}
    %dma_start3A_423 = arith.constant 2 : i32
    %dma_start3A_424 = arith.constant 0 : i32
    %dma_start3A_425 = tpu.memref_slice %arg12[%dma_start3A_423, %dma_start3A_424] : memref<10x128xi32, #tpu.memory_space<vmem>> -> memref<1x128xi32, #tpu.memory_space<vmem>>
    %dma_start3A_426 = tpu.memref_squeeze %dma_start3A_425 : memref<1x128xi32, #tpu.memory_space<vmem>> -> memref<128xi32, #tpu.memory_space<vmem>>
    %dma_start3A_427 = arith.constant 0 : i32
    %dma_start3A_428 = arith.constant 0 : i32
    %dma_start3A_429 = tpu.memref_slice %arg18[%dma_start3A_427, %dma_start3A_428] : memref<2048x128xf32, #tpu.memory_space<vmem_shared>> -> memref<2048x128xf32, #tpu.memory_space<vmem_shared>>
    tpu.enqueue_indirect_dma source(%arg16 : memref<128x128xf32, #tpu.memory_space<vmem>>) target(%dma_start3A_429 : memref<2048x128xf32, #tpu.memory_space<vmem_shared>>) offsets(%dma_start3A_426 : memref<128xi32, #tpu.memory_space<vmem>>) semaphore(%arg21 : memref<!tpu.dma_semaphore, #tpu.memory_space<semaphore_mem>>) {add = true}
    %dma_start3A_430 = arith.constant 3 : i32
    %dma_start3A_431 = arith.constant 0 : i32
    %dma_start3A_432 = tpu.memref_slice %arg12[%dma_start3A_430, %dma_start3A_431] : memref<10x128xi32, #tpu.memory_space<vmem>> -> memref<1x128xi32, #tpu.memory_space<vmem>>
    %dma_start3A_433 = tpu.memref_squeeze %dma_start3A_432 : memref<1x128xi32, #tpu.memory_space<vmem>> -> memref<128xi32, #tpu.memory_space<vmem>>
    %dma_start3A_434 = arith.constant 0 : i32
    %dma_start3A_435 = arith.constant 0 : i32
    %dma_start3A_436 = tpu.memref_slice %arg18[%dma_start3A_434, %dma_start3A_435] : memref<2048x128xf32, #tpu.memory_space<vmem_shared>> -> memref<2048x128xf32, #tpu.memory_space<vmem_shared>>
    tpu.enqueue_indirect_dma source(%arg16 : memref<128x128xf32, #tpu.memory_space<vmem>>) target(%dma_start3A_436 : memref<2048x128xf32, #tpu.memory_space<vmem_shared>>) offsets(%dma_start3A_433 : memref<128xi32, #tpu.memory_space<vmem>>) semaphore(%arg21 : memref<!tpu.dma_semaphore, #tpu.memory_space<semaphore_mem>>) {add = true}
    %dma_start3A_437 = arith.constant 4 : i32
    %dma_start3A_438 = arith.constant 0 : i32
    %dma_start3A_439 = tpu.memref_slice %arg12[%dma_start3A_437, %dma_start3A_438] : memref<10x128xi32, #tpu.memory_space<vmem>> -> memref<1x128xi32, #tpu.memory_space<vmem>>
    %dma_start3A_440 = tpu.memref_squeeze %dma_start3A_439 : memref<1x128xi32, #tpu.memory_space<vmem>> -> memref<128xi32, #tpu.memory_space<vmem>>
    %dma_start3A_441 = arith.constant 0 : i32
    %dma_start3A_442 = arith.constant 0 : i32
    %dma_start3A_443 = tpu.memref_slice %arg18[%dma_start3A_441, %dma_start3A_442] : memref<2048x128xf32, #tpu.memory_space<vmem_shared>> -> memref<2048x128xf32, #tpu.memory_space<vmem_shared>>
    tpu.enqueue_indirect_dma source(%arg16 : memref<128x128xf32, #tpu.memory_space<vmem>>) target(%dma_start3A_443 : memref<2048x128xf32, #tpu.memory_space<vmem_shared>>) offsets(%dma_start3A_440 : memref<128xi32, #tpu.memory_space<vmem>>) semaphore(%arg21 : memref<!tpu.dma_semaphore, #tpu.memory_space<semaphore_mem>>) {add = true}
    %dma_start3A_444 = arith.constant 5 : i32
    %dma_start3A_445 = arith.constant 0 : i32
    %dma_start3A_446 = tpu.memref_slice %arg12[%dma_start3A_444, %dma_start3A_445] : memref<10x128xi32, #tpu.memory_space<vmem>> -> memref<1x128xi32, #tpu.memory_space<vmem>>
    %dma_start3A_447 = tpu.memref_squeeze %dma_start3A_446 : memref<1x128xi32, #tpu.memory_space<vmem>> -> memref<128xi32, #tpu.memory_space<vmem>>
    %dma_start3A_448 = arith.constant 0 : i32
    %dma_start3A_449 = arith.constant 0 : i32
    %dma_start3A_450 = tpu.memref_slice %arg18[%dma_start3A_448, %dma_start3A_449] : memref<2048x128xf32, #tpu.memory_space<vmem_shared>> -> memref<2048x128xf32, #tpu.memory_space<vmem_shared>>
    tpu.enqueue_indirect_dma source(%arg16 : memref<128x128xf32, #tpu.memory_space<vmem>>) target(%dma_start3A_450 : memref<2048x128xf32, #tpu.memory_space<vmem_shared>>) offsets(%dma_start3A_447 : memref<128xi32, #tpu.memory_space<vmem>>) semaphore(%arg21 : memref<!tpu.dma_semaphore, #tpu.memory_space<semaphore_mem>>) {add = true}
    %dma_start3A_451 = arith.constant 6 : i32
    %dma_start3A_452 = arith.constant 0 : i32
    %dma_start3A_453 = tpu.memref_slice %arg12[%dma_start3A_451, %dma_start3A_452] : memref<10x128xi32, #tpu.memory_space<vmem>> -> memref<1x128xi32, #tpu.memory_space<vmem>>
    %dma_start3A_454 = tpu.memref_squeeze %dma_start3A_453 : memref<1x128xi32, #tpu.memory_space<vmem>> -> memref<128xi32, #tpu.memory_space<vmem>>
    %dma_start3A_455 = arith.constant 0 : i32
    %dma_start3A_456 = arith.constant 0 : i32
    %dma_start3A_457 = tpu.memref_slice %arg18[%dma_start3A_455, %dma_start3A_456] : memref<2048x128xf32, #tpu.memory_space<vmem_shared>> -> memref<2048x128xf32, #tpu.memory_space<vmem_shared>>
    tpu.enqueue_indirect_dma source(%arg16 : memref<128x128xf32, #tpu.memory_space<vmem>>) target(%dma_start3A_457 : memref<2048x128xf32, #tpu.memory_space<vmem_shared>>) offsets(%dma_start3A_454 : memref<128xi32, #tpu.memory_space<vmem>>) semaphore(%arg21 : memref<!tpu.dma_semaphore, #tpu.memory_space<semaphore_mem>>) {add = true}
    %dma_start3A_458 = arith.constant 7 : i32
    %dma_start3A_459 = arith.constant 0 : i32
    %dma_start3A_460 = tpu.memref_slice %arg12[%dma_start3A_458, %dma_start3A_459] : memref<10x128xi32, #tpu.memory_space<vmem>> -> memref<1x128xi32, #tpu.memory_space<vmem>>
    %dma_start3A_461 = tpu.memref_squeeze %dma_start3A_460 : memref<1x128xi32, #tpu.memory_space<vmem>> -> memref<128xi32, #tpu.memory_space<vmem>>
    %dma_start3A_462 = arith.constant 0 : i32
    %dma_start3A_463 = arith.constant 0 : i32
    %dma_start3A_464 = tpu.memref_slice %arg18[%dma_start3A_462, %dma_start3A_463] : memref<2048x128xf32, #tpu.memory_space<vmem_shared>> -> memref<2048x128xf32, #tpu.memory_space<vmem_shared>>
    tpu.enqueue_indirect_dma source(%arg16 : memref<128x128xf32, #tpu.memory_space<vmem>>) target(%dma_start3A_464 : memref<2048x128xf32, #tpu.memory_space<vmem_shared>>) offsets(%dma_start3A_461 : memref<128xi32, #tpu.memory_space<vmem>>) semaphore(%arg21 : memref<!tpu.dma_semaphore, #tpu.memory_space<semaphore_mem>>) {add = true}
    %dma_start3A_465 = arith.constant 8 : i32
    %dma_start3A_466 = arith.constant 0 : i32
    %dma_start3A_467 = tpu.memref_slice %arg12[%dma_start3A_465, %dma_start3A_466] : memref<10x128xi32, #tpu.memory_space<vmem>> -> memref<1x128xi32, #tpu.memory_space<vmem>>
    %dma_start3A_468 = tpu.memref_squeeze %dma_start3A_467 : memref<1x128xi32, #tpu.memory_space<vmem>> -> memref<128xi32, #tpu.memory_space<vmem>>
    %dma_start3A_469 = arith.constant 0 : i32
    %dma_start3A_470 = arith.constant 0 : i32
    %dma_start3A_471 = tpu.memref_slice %arg18[%dma_start3A_469, %dma_start3A_470] : memref<2048x128xf32, #tpu.memory_space<vmem_shared>> -> memref<2048x128xf32, #tpu.memory_space<vmem_shared>>
    tpu.enqueue_indirect_dma source(%arg16 : memref<128x128xf32, #tpu.memory_space<vmem>>) target(%dma_start3A_471 : memref<2048x128xf32, #tpu.memory_space<vmem_shared>>) offsets(%dma_start3A_468 : memref<128xi32, #tpu.memory_space<vmem>>) semaphore(%arg21 : memref<!tpu.dma_semaphore, #tpu.memory_space<semaphore_mem>>) {add = true}
    %dma_start3A_472 = arith.constant 9 : i32
    %dma_start3A_473 = arith.constant 0 : i32
    %dma_start3A_474 = tpu.memref_slice %arg12[%dma_start3A_472, %dma_start3A_473] : memref<10x128xi32, #tpu.memory_space<vmem>> -> memref<1x128xi32, #tpu.memory_space<vmem>>
    %dma_start3A_475 = tpu.memref_squeeze %dma_start3A_474 : memref<1x128xi32, #tpu.memory_space<vmem>> -> memref<128xi32, #tpu.memory_space<vmem>>
    %dma_start3A_476 = arith.constant 0 : i32
    %dma_start3A_477 = arith.constant 0 : i32
    %dma_start3A_478 = tpu.memref_slice %arg18[%dma_start3A_476, %dma_start3A_477] : memref<2048x128xf32, #tpu.memory_space<vmem_shared>> -> memref<2048x128xf32, #tpu.memory_space<vmem_shared>>
    tpu.enqueue_indirect_dma source(%arg16 : memref<128x128xf32, #tpu.memory_space<vmem>>) target(%dma_start3A_478 : memref<2048x128xf32, #tpu.memory_space<vmem_shared>>) offsets(%dma_start3A_475 : memref<128xi32, #tpu.memory_space<vmem>>) semaphore(%arg21 : memref<!tpu.dma_semaphore, #tpu.memory_space<semaphore_mem>>) {add = true}
    %dma_start3A_479 = arith.constant 0 : i32
    %dma_start3A_480 = arith.constant 0 : i32
    %dma_start3A_481 = arith.constant 0 : i32
    %dma_start3A_482 = tpu.memref_slice %arg13[%dma_start3A_480, %dma_start3A_481] : memref<10x128xi32, #tpu.memory_space<vmem>> -> memref<1x128xi32, #tpu.memory_space<vmem>>
    %dma_start3A_483 = tpu.memref_squeeze %dma_start3A_482 : memref<1x128xi32, #tpu.memory_space<vmem>> -> memref<128xi32, #tpu.memory_space<vmem>>
    %dma_start3A_484 = arith.constant 0 : i32
    %dma_start3A_485 = tpu.memref_slice %arg11[%dma_start3A_479, %dma_start3A_484] : memref<10x128xi32, #tpu.memory_space<vmem>> -> memref<1x128xi32, #tpu.memory_space<vmem>>
    %dma_start3A_486 = tpu.memref_squeeze %dma_start3A_485 : memref<1x128xi32, #tpu.memory_space<vmem>> -> memref<128xi32, #tpu.memory_space<vmem>>
    %dma_start3A_487 = arith.constant 0 : i32
    %dma_start3A_488 = tpu.memref_slice %arg3[%dma_start3A_487] : memref<2000xi32, #tpu.memory_space<hbm>> -> memref<2000xi32, #tpu.memory_space<hbm>>
    tpu.enqueue_indirect_dma source(%dma_start3A_488 : memref<2000xi32, #tpu.memory_space<hbm>>) target(%dma_start3A_483 : memref<128xi32, #tpu.memory_space<vmem>>) offsets(%dma_start3A_486 : memref<128xi32, #tpu.memory_space<vmem>>) semaphore(%arg20 : memref<!tpu.dma_semaphore, #tpu.memory_space<semaphore_mem>>)
    %dma_start3A_489 = arith.constant 1 : i32
    %dma_start3A_490 = arith.constant 1 : i32
    %dma_start3A_491 = arith.constant 0 : i32
    %dma_start3A_492 = tpu.memref_slice %arg13[%dma_start3A_490, %dma_start3A_491] : memref<10x128xi32, #tpu.memory_space<vmem>> -> memref<1x128xi32, #tpu.memory_space<vmem>>
    %dma_start3A_493 = tpu.memref_squeeze %dma_start3A_492 : memref<1x128xi32, #tpu.memory_space<vmem>> -> memref<128xi32, #tpu.memory_space<vmem>>
    %dma_start3A_494 = arith.constant 0 : i32
    %dma_start3A_495 = tpu.memref_slice %arg11[%dma_start3A_489, %dma_start3A_494] : memref<10x128xi32, #tpu.memory_space<vmem>> -> memref<1x128xi32, #tpu.memory_space<vmem>>
    %dma_start3A_496 = tpu.memref_squeeze %dma_start3A_495 : memref<1x128xi32, #tpu.memory_space<vmem>> -> memref<128xi32, #tpu.memory_space<vmem>>
    %dma_start3A_497 = arith.constant 0 : i32
    %dma_start3A_498 = tpu.memref_slice %arg3[%dma_start3A_497] : memref<2000xi32, #tpu.memory_space<hbm>> -> memref<2000xi32, #tpu.memory_space<hbm>>
    tpu.enqueue_indirect_dma source(%dma_start3A_498 : memref<2000xi32, #tpu.memory_space<hbm>>) target(%dma_start3A_493 : memref<128xi32, #tpu.memory_space<vmem>>) offsets(%dma_start3A_496 : memref<128xi32, #tpu.memory_space<vmem>>) semaphore(%arg20 : memref<!tpu.dma_semaphore, #tpu.memory_space<semaphore_mem>>)
    %dma_start3A_499 = arith.constant 2 : i32
    %dma_start3A_500 = arith.constant 2 : i32
    %dma_start3A_501 = arith.constant 0 : i32
    %dma_start3A_502 = tpu.memref_slice %arg13[%dma_start3A_500, %dma_start3A_501] : memref<10x128xi32, #tpu.memory_space<vmem>> -> memref<1x128xi32, #tpu.memory_space<vmem>>
    %dma_start3A_503 = tpu.memref_squeeze %dma_start3A_502 : memref<1x128xi32, #tpu.memory_space<vmem>> -> memref<128xi32, #tpu.memory_space<vmem>>
    %dma_start3A_504 = arith.constant 0 : i32
    %dma_start3A_505 = tpu.memref_slice %arg11[%dma_start3A_499, %dma_start3A_504] : memref<10x128xi32, #tpu.memory_space<vmem>> -> memref<1x128xi32, #tpu.memory_space<vmem>>
    %dma_start3A_506 = tpu.memref_squeeze %dma_start3A_505 : memref<1x128xi32, #tpu.memory_space<vmem>> -> memref<128xi32, #tpu.memory_space<vmem>>
    %dma_start3A_507 = arith.constant 0 : i32
    %dma_start3A_508 = tpu.memref_slice %arg3[%dma_start3A_507] : memref<2000xi32, #tpu.memory_space<hbm>> -> memref<2000xi32, #tpu.memory_space<hbm>>
    tpu.enqueue_indirect_dma source(%dma_start3A_508 : memref<2000xi32, #tpu.memory_space<hbm>>) target(%dma_start3A_503 : memref<128xi32, #tpu.memory_space<vmem>>) offsets(%dma_start3A_506 : memref<128xi32, #tpu.memory_space<vmem>>) semaphore(%arg20 : memref<!tpu.dma_semaphore, #tpu.memory_space<semaphore_mem>>)
    %dma_start3A_509 = arith.constant 3 : i32
    %dma_start3A_510 = arith.constant 3 : i32
    %dma_start3A_511 = arith.constant 0 : i32
    %dma_start3A_512 = tpu.memref_slice %arg13[%dma_start3A_510, %dma_start3A_511] : memref<10x128xi32, #tpu.memory_space<vmem>> -> memref<1x128xi32, #tpu.memory_space<vmem>>
    %dma_start3A_513 = tpu.memref_squeeze %dma_start3A_512 : memref<1x128xi32, #tpu.memory_space<vmem>> -> memref<128xi32, #tpu.memory_space<vmem>>
    %dma_start3A_514 = arith.constant 0 : i32
    %dma_start3A_515 = tpu.memref_slice %arg11[%dma_start3A_509, %dma_start3A_514] : memref<10x128xi32, #tpu.memory_space<vmem>> -> memref<1x128xi32, #tpu.memory_space<vmem>>
    %dma_start3A_516 = tpu.memref_squeeze %dma_start3A_515 : memref<1x128xi32, #tpu.memory_space<vmem>> -> memref<128xi32, #tpu.memory_space<vmem>>
    %dma_start3A_517 = arith.constant 0 : i32
    %dma_start3A_518 = tpu.memref_slice %arg3[%dma_start3A_517] : memref<2000xi32, #tpu.memory_space<hbm>> -> memref<2000xi32, #tpu.memory_space<hbm>>
    tpu.enqueue_indirect_dma source(%dma_start3A_518 : memref<2000xi32, #tpu.memory_space<hbm>>) target(%dma_start3A_513 : memref<128xi32, #tpu.memory_space<vmem>>) offsets(%dma_start3A_516 : memref<128xi32, #tpu.memory_space<vmem>>) semaphore(%arg20 : memref<!tpu.dma_semaphore, #tpu.memory_space<semaphore_mem>>)
    %dma_start3A_519 = arith.constant 4 : i32
    %dma_start3A_520 = arith.constant 4 : i32
    %dma_start3A_521 = arith.constant 0 : i32
    %dma_start3A_522 = tpu.memref_slice %arg13[%dma_start3A_520, %dma_start3A_521] : memref<10x128xi32, #tpu.memory_space<vmem>> -> memref<1x128xi32, #tpu.memory_space<vmem>>
    %dma_start3A_523 = tpu.memref_squeeze %dma_start3A_522 : memref<1x128xi32, #tpu.memory_space<vmem>> -> memref<128xi32, #tpu.memory_space<vmem>>
    %dma_start3A_524 = arith.constant 0 : i32
    %dma_start3A_525 = tpu.memref_slice %arg11[%dma_start3A_519, %dma_start3A_524] : memref<10x128xi32, #tpu.memory_space<vmem>> -> memref<1x128xi32, #tpu.memory_space<vmem>>
    %dma_start3A_526 = tpu.memref_squeeze %dma_start3A_525 : memref<1x128xi32, #tpu.memory_space<vmem>> -> memref<128xi32, #tpu.memory_space<vmem>>
    %dma_start3A_527 = arith.constant 0 : i32
    %dma_start3A_528 = tpu.memref_slice %arg3[%dma_start3A_527] : memref<2000xi32, #tpu.memory_space<hbm>> -> memref<2000xi32, #tpu.memory_space<hbm>>
    tpu.enqueue_indirect_dma source(%dma_start3A_528 : memref<2000xi32, #tpu.memory_space<hbm>>) target(%dma_start3A_523 : memref<128xi32, #tpu.memory_space<vmem>>) offsets(%dma_start3A_526 : memref<128xi32, #tpu.memory_space<vmem>>) semaphore(%arg20 : memref<!tpu.dma_semaphore, #tpu.memory_space<semaphore_mem>>)
    %dma_start3A_529 = arith.constant 5 : i32
    %dma_start3A_530 = arith.constant 5 : i32
    %dma_start3A_531 = arith.constant 0 : i32
    %dma_start3A_532 = tpu.memref_slice %arg13[%dma_start3A_530, %dma_start3A_531] : memref<10x128xi32, #tpu.memory_space<vmem>> -> memref<1x128xi32, #tpu.memory_space<vmem>>
    %dma_start3A_533 = tpu.memref_squeeze %dma_start3A_532 : memref<1x128xi32, #tpu.memory_space<vmem>> -> memref<128xi32, #tpu.memory_space<vmem>>
    %dma_start3A_534 = arith.constant 0 : i32
    %dma_start3A_535 = tpu.memref_slice %arg11[%dma_start3A_529, %dma_start3A_534] : memref<10x128xi32, #tpu.memory_space<vmem>> -> memref<1x128xi32, #tpu.memory_space<vmem>>
    %dma_start3A_536 = tpu.memref_squeeze %dma_start3A_535 : memref<1x128xi32, #tpu.memory_space<vmem>> -> memref<128xi32, #tpu.memory_space<vmem>>
    %dma_start3A_537 = arith.constant 0 : i32
    %dma_start3A_538 = tpu.memref_slice %arg3[%dma_start3A_537] : memref<2000xi32, #tpu.memory_space<hbm>> -> memref<2000xi32, #tpu.memory_space<hbm>>
    tpu.enqueue_indirect_dma source(%dma_start3A_538 : memref<2000xi32, #tpu.memory_space<hbm>>) target(%dma_start3A_533 : memref<128xi32, #tpu.memory_space<vmem>>) offsets(%dma_start3A_536 : memref<128xi32, #tpu.memory_space<vmem>>) semaphore(%arg20 : memref<!tpu.dma_semaphore, #tpu.memory_space<semaphore_mem>>)
    %dma_start3A_539 = arith.constant 6 : i32
    %dma_start3A_540 = arith.constant 6 : i32
    %dma_start3A_541 = arith.constant 0 : i32
    %dma_start3A_542 = tpu.memref_slice %arg13[%dma_start3A_540, %dma_start3A_541] : memref<10x128xi32, #tpu.memory_space<vmem>> -> memref<1x128xi32, #tpu.memory_space<vmem>>
    %dma_start3A_543 = tpu.memref_squeeze %dma_start3A_542 : memref<1x128xi32, #tpu.memory_space<vmem>> -> memref<128xi32, #tpu.memory_space<vmem>>
    %dma_start3A_544 = arith.constant 0 : i32
    %dma_start3A_545 = tpu.memref_slice %arg11[%dma_start3A_539, %dma_start3A_544] : memref<10x128xi32, #tpu.memory_space<vmem>> -> memref<1x128xi32, #tpu.memory_space<vmem>>
    %dma_start3A_546 = tpu.memref_squeeze %dma_start3A_545 : memref<1x128xi32, #tpu.memory_space<vmem>> -> memref<128xi32, #tpu.memory_space<vmem>>
    %dma_start3A_547 = arith.constant 0 : i32
    %dma_start3A_548 = tpu.memref_slice %arg3[%dma_start3A_547] : memref<2000xi32, #tpu.memory_space<hbm>> -> memref<2000xi32, #tpu.memory_space<hbm>>
    tpu.enqueue_indirect_dma source(%dma_start3A_548 : memref<2000xi32, #tpu.memory_space<hbm>>) target(%dma_start3A_543 : memref<128xi32, #tpu.memory_space<vmem>>) offsets(%dma_start3A_546 : memref<128xi32, #tpu.memory_space<vmem>>) semaphore(%arg20 : memref<!tpu.dma_semaphore, #tpu.memory_space<semaphore_mem>>)
    %dma_start3A_549 = arith.constant 7 : i32
    %dma_start3A_550 = arith.constant 7 : i32
    %dma_start3A_551 = arith.constant 0 : i32
    %dma_start3A_552 = tpu.memref_slice %arg13[%dma_start3A_550, %dma_start3A_551] : memref<10x128xi32, #tpu.memory_space<vmem>> -> memref<1x128xi32, #tpu.memory_space<vmem>>
    %dma_start3A_553 = tpu.memref_squeeze %dma_start3A_552 : memref<1x128xi32, #tpu.memory_space<vmem>> -> memref<128xi32, #tpu.memory_space<vmem>>
    %dma_start3A_554 = arith.constant 0 : i32
    %dma_start3A_555 = tpu.memref_slice %arg11[%dma_start3A_549, %dma_start3A_554] : memref<10x128xi32, #tpu.memory_space<vmem>> -> memref<1x128xi32, #tpu.memory_space<vmem>>
    %dma_start3A_556 = tpu.memref_squeeze %dma_start3A_555 : memref<1x128xi32, #tpu.memory_space<vmem>> -> memref<128xi32, #tpu.memory_space<vmem>>
    %dma_start3A_557 = arith.constant 0 : i32
    %dma_start3A_558 = tpu.memref_slice %arg3[%dma_start3A_557] : memref<2000xi32, #tpu.memory_space<hbm>> -> memref<2000xi32, #tpu.memory_space<hbm>>
    tpu.enqueue_indirect_dma source(%dma_start3A_558 : memref<2000xi32, #tpu.memory_space<hbm>>) target(%dma_start3A_553 : memref<128xi32, #tpu.memory_space<vmem>>) offsets(%dma_start3A_556 : memref<128xi32, #tpu.memory_space<vmem>>) semaphore(%arg20 : memref<!tpu.dma_semaphore, #tpu.memory_space<semaphore_mem>>)
    %dma_start3A_559 = arith.constant 8 : i32
    %dma_start3A_560 = arith.constant 8 : i32
    %dma_start3A_561 = arith.constant 0 : i32
    %dma_start3A_562 = tpu.memref_slice %arg13[%dma_start3A_560, %dma_start3A_561] : memref<10x128xi32, #tpu.memory_space<vmem>> -> memref<1x128xi32, #tpu.memory_space<vmem>>
    %dma_start3A_563 = tpu.memref_squeeze %dma_start3A_562 : memref<1x128xi32, #tpu.memory_space<vmem>> -> memref<128xi32, #tpu.memory_space<vmem>>
    %dma_start3A_564 = arith.constant 0 : i32
    %dma_start3A_565 = tpu.memref_slice %arg11[%dma_start3A_559, %dma_start3A_564] : memref<10x128xi32, #tpu.memory_space<vmem>> -> memref<1x128xi32, #tpu.memory_space<vmem>>
    %dma_start3A_566 = tpu.memref_squeeze %dma_start3A_565 : memref<1x128xi32, #tpu.memory_space<vmem>> -> memref<128xi32, #tpu.memory_space<vmem>>
    %dma_start3A_567 = arith.constant 0 : i32
    %dma_start3A_568 = tpu.memref_slice %arg3[%dma_start3A_567] : memref<2000xi32, #tpu.memory_space<hbm>> -> memref<2000xi32, #tpu.memory_space<hbm>>
    tpu.enqueue_indirect_dma source(%dma_start3A_568 : memref<2000xi32, #tpu.memory_space<hbm>>) target(%dma_start3A_563 : memref<128xi32, #tpu.memory_space<vmem>>) offsets(%dma_start3A_566 : memref<128xi32, #tpu.memory_space<vmem>>) semaphore(%arg20 : memref<!tpu.dma_semaphore, #tpu.memory_space<semaphore_mem>>)
    %dma_start3A_569 = arith.constant 9 : i32
    %dma_start3A_570 = arith.constant 9 : i32
    %dma_start3A_571 = arith.constant 0 : i32
    %dma_start3A_572 = tpu.memref_slice %arg13[%dma_start3A_570, %dma_start3A_571] : memref<10x128xi32, #tpu.memory_space<vmem>> -> memref<1x128xi32, #tpu.memory_space<vmem>>
    %dma_start3A_573 = tpu.memref_squeeze %dma_start3A_572 : memref<1x128xi32, #tpu.memory_space<vmem>> -> memref<128xi32, #tpu.memory_space<vmem>>
    %dma_start3A_574 = arith.constant 0 : i32
    %dma_start3A_575 = tpu.memref_slice %arg11[%dma_start3A_569, %dma_start3A_574] : memref<10x128xi32, #tpu.memory_space<vmem>> -> memref<1x128xi32, #tpu.memory_space<vmem>>
    %dma_start3A_576 = tpu.memref_squeeze %dma_start3A_575 : memref<1x128xi32, #tpu.memory_space<vmem>> -> memref<128xi32, #tpu.memory_space<vmem>>
    %dma_start3A_577 = arith.constant 0 : i32
    %dma_start3A_578 = tpu.memref_slice %arg3[%dma_start3A_577] : memref<2000xi32, #tpu.memory_space<hbm>> -> memref<2000xi32, #tpu.memory_space<hbm>>
    tpu.enqueue_indirect_dma source(%dma_start3A_578 : memref<2000xi32, #tpu.memory_space<hbm>>) target(%dma_start3A_573 : memref<128xi32, #tpu.memory_space<vmem>>) offsets(%dma_start3A_576 : memref<128xi32, #tpu.memory_space<vmem>>) semaphore(%arg20 : memref<!tpu.dma_semaphore, #tpu.memory_space<semaphore_mem>>)
    %dma_wait3A_579 = arith.constant 0 : i32
    %dma_wait3A_580 = arith.constant 0 : i32
    %dma_wait3A_581 = arith.constant 0 : i32
    %dma_wait3A_582 = tpu.memref_slice %arg13[%dma_wait3A_580, %dma_wait3A_581] : memref<10x128xi32, #tpu.memory_space<vmem>> -> memref<1x128xi32, #tpu.memory_space<vmem>>
    %dma_wait3A_583 = tpu.memref_squeeze %dma_wait3A_582 : memref<1x128xi32, #tpu.memory_space<vmem>> -> memref<128xi32, #tpu.memory_space<vmem>>
    %dma_wait3A_584 = arith.constant 0 : i32
    %dma_wait3A_585 = tpu.memref_slice %arg11[%dma_wait3A_579, %dma_wait3A_584] : memref<10x128xi32, #tpu.memory_space<vmem>> -> memref<1x128xi32, #tpu.memory_space<vmem>>
    %dma_wait3A_586 = tpu.memref_squeeze %dma_wait3A_585 : memref<1x128xi32, #tpu.memory_space<vmem>> -> memref<128xi32, #tpu.memory_space<vmem>>
    %dma_wait3A_587 = arith.constant 0 : i32
    %dma_wait3A_588 = tpu.memref_slice %arg3[%dma_wait3A_587] : memref<2000xi32, #tpu.memory_space<hbm>> -> memref<2000xi32, #tpu.memory_space<hbm>>
    tpu.wait_indirect_dma semaphore(%arg20 : memref<!tpu.dma_semaphore, #tpu.memory_space<semaphore_mem>>) src(%dma_wait3A_588 : memref<2000xi32, #tpu.memory_space<hbm>>) dst(%dma_wait3A_583 : memref<128xi32, #tpu.memory_space<vmem>>)
    %dma_wait3A_589 = arith.constant 1 : i32
    %dma_wait3A_590 = arith.constant 1 : i32
    %dma_wait3A_591 = arith.constant 0 : i32
    %dma_wait3A_592 = tpu.memref_slice %arg13[%dma_wait3A_590, %dma_wait3A_591] : memref<10x128xi32, #tpu.memory_space<vmem>> -> memref<1x128xi32, #tpu.memory_space<vmem>>
    %dma_wait3A_593 = tpu.memref_squeeze %dma_wait3A_592 : memref<1x128xi32, #tpu.memory_space<vmem>> -> memref<128xi32, #tpu.memory_space<vmem>>
    %dma_wait3A_594 = arith.constant 0 : i32
    %dma_wait3A_595 = tpu.memref_slice %arg11[%dma_wait3A_589, %dma_wait3A_594] : memref<10x128xi32, #tpu.memory_space<vmem>> -> memref<1x128xi32, #tpu.memory_space<vmem>>
    %dma_wait3A_596 = tpu.memref_squeeze %dma_wait3A_595 : memref<1x128xi32, #tpu.memory_space<vmem>> -> memref<128xi32, #tpu.memory_space<vmem>>
    %dma_wait3A_597 = arith.constant 0 : i32
    %dma_wait3A_598 = tpu.memref_slice %arg3[%dma_wait3A_597] : memref<2000xi32, #tpu.memory_space<hbm>> -> memref<2000xi32, #tpu.memory_space<hbm>>
    tpu.wait_indirect_dma semaphore(%arg20 : memref<!tpu.dma_semaphore, #tpu.memory_space<semaphore_mem>>) src(%dma_wait3A_598 : memref<2000xi32, #tpu.memory_space<hbm>>) dst(%dma_wait3A_593 : memref<128xi32, #tpu.memory_space<vmem>>)
    %dma_wait3A_599 = arith.constant 2 : i32
    %dma_wait3A_600 = arith.constant 2 : i32
    %dma_wait3A_601 = arith.constant 0 : i32
    %dma_wait3A_602 = tpu.memref_slice %arg13[%dma_wait3A_600, %dma_wait3A_601] : memref<10x128xi32, #tpu.memory_space<vmem>> -> memref<1x128xi32, #tpu.memory_space<vmem>>
    %dma_wait3A_603 = tpu.memref_squeeze %dma_wait3A_602 : memref<1x128xi32, #tpu.memory_space<vmem>> -> memref<128xi32, #tpu.memory_space<vmem>>
    %dma_wait3A_604 = arith.constant 0 : i32
    %dma_wait3A_605 = tpu.memref_slice %arg11[%dma_wait3A_599, %dma_wait3A_604] : memref<10x128xi32, #tpu.memory_space<vmem>> -> memref<1x128xi32, #tpu.memory_space<vmem>>
    %dma_wait3A_606 = tpu.memref_squeeze %dma_wait3A_605 : memref<1x128xi32, #tpu.memory_space<vmem>> -> memref<128xi32, #tpu.memory_space<vmem>>
    %dma_wait3A_607 = arith.constant 0 : i32
    %dma_wait3A_608 = tpu.memref_slice %arg3[%dma_wait3A_607] : memref<2000xi32, #tpu.memory_space<hbm>> -> memref<2000xi32, #tpu.memory_space<hbm>>
    tpu.wait_indirect_dma semaphore(%arg20 : memref<!tpu.dma_semaphore, #tpu.memory_space<semaphore_mem>>) src(%dma_wait3A_608 : memref<2000xi32, #tpu.memory_space<hbm>>) dst(%dma_wait3A_603 : memref<128xi32, #tpu.memory_space<vmem>>)
    %dma_wait3A_609 = arith.constant 3 : i32
    %dma_wait3A_610 = arith.constant 3 : i32
    %dma_wait3A_611 = arith.constant 0 : i32
    %dma_wait3A_612 = tpu.memref_slice %arg13[%dma_wait3A_610, %dma_wait3A_611] : memref<10x128xi32, #tpu.memory_space<vmem>> -> memref<1x128xi32, #tpu.memory_space<vmem>>
    %dma_wait3A_613 = tpu.memref_squeeze %dma_wait3A_612 : memref<1x128xi32, #tpu.memory_space<vmem>> -> memref<128xi32, #tpu.memory_space<vmem>>
    %dma_wait3A_614 = arith.constant 0 : i32
    %dma_wait3A_615 = tpu.memref_slice %arg11[%dma_wait3A_609, %dma_wait3A_614] : memref<10x128xi32, #tpu.memory_space<vmem>> -> memref<1x128xi32, #tpu.memory_space<vmem>>
    %dma_wait3A_616 = tpu.memref_squeeze %dma_wait3A_615 : memref<1x128xi32, #tpu.memory_space<vmem>> -> memref<128xi32, #tpu.memory_space<vmem>>
    %dma_wait3A_617 = arith.constant 0 : i32
    %dma_wait3A_618 = tpu.memref_slice %arg3[%dma_wait3A_617] : memref<2000xi32, #tpu.memory_space<hbm>> -> memref<2000xi32, #tpu.memory_space<hbm>>
    tpu.wait_indirect_dma semaphore(%arg20 : memref<!tpu.dma_semaphore, #tpu.memory_space<semaphore_mem>>) src(%dma_wait3A_618 : memref<2000xi32, #tpu.memory_space<hbm>>) dst(%dma_wait3A_613 : memref<128xi32, #tpu.memory_space<vmem>>)
    %dma_wait3A_619 = arith.constant 4 : i32
    %dma_wait3A_620 = arith.constant 4 : i32
    %dma_wait3A_621 = arith.constant 0 : i32
    %dma_wait3A_622 = tpu.memref_slice %arg13[%dma_wait3A_620, %dma_wait3A_621] : memref<10x128xi32, #tpu.memory_space<vmem>> -> memref<1x128xi32, #tpu.memory_space<vmem>>
    %dma_wait3A_623 = tpu.memref_squeeze %dma_wait3A_622 : memref<1x128xi32, #tpu.memory_space<vmem>> -> memref<128xi32, #tpu.memory_space<vmem>>
    %dma_wait3A_624 = arith.constant 0 : i32
    %dma_wait3A_625 = tpu.memref_slice %arg11[%dma_wait3A_619, %dma_wait3A_624] : memref<10x128xi32, #tpu.memory_space<vmem>> -> memref<1x128xi32, #tpu.memory_space<vmem>>
    %dma_wait3A_626 = tpu.memref_squeeze %dma_wait3A_625 : memref<1x128xi32, #tpu.memory_space<vmem>> -> memref<128xi32, #tpu.memory_space<vmem>>
    %dma_wait3A_627 = arith.constant 0 : i32
    %dma_wait3A_628 = tpu.memref_slice %arg3[%dma_wait3A_627] : memref<2000xi32, #tpu.memory_space<hbm>> -> memref<2000xi32, #tpu.memory_space<hbm>>
    tpu.wait_indirect_dma semaphore(%arg20 : memref<!tpu.dma_semaphore, #tpu.memory_space<semaphore_mem>>) src(%dma_wait3A_628 : memref<2000xi32, #tpu.memory_space<hbm>>) dst(%dma_wait3A_623 : memref<128xi32, #tpu.memory_space<vmem>>)
    %dma_wait3A_629 = arith.constant 5 : i32
    %dma_wait3A_630 = arith.constant 5 : i32
    %dma_wait3A_631 = arith.constant 0 : i32
    %dma_wait3A_632 = tpu.memref_slice %arg13[%dma_wait3A_630, %dma_wait3A_631] : memref<10x128xi32, #tpu.memory_space<vmem>> -> memref<1x128xi32, #tpu.memory_space<vmem>>
    %dma_wait3A_633 = tpu.memref_squeeze %dma_wait3A_632 : memref<1x128xi32, #tpu.memory_space<vmem>> -> memref<128xi32, #tpu.memory_space<vmem>>
    %dma_wait3A_634 = arith.constant 0 : i32
    %dma_wait3A_635 = tpu.memref_slice %arg11[%dma_wait3A_629, %dma_wait3A_634] : memref<10x128xi32, #tpu.memory_space<vmem>> -> memref<1x128xi32, #tpu.memory_space<vmem>>
    %dma_wait3A_636 = tpu.memref_squeeze %dma_wait3A_635 : memref<1x128xi32, #tpu.memory_space<vmem>> -> memref<128xi32, #tpu.memory_space<vmem>>
    %dma_wait3A_637 = arith.constant 0 : i32
    %dma_wait3A_638 = tpu.memref_slice %arg3[%dma_wait3A_637] : memref<2000xi32, #tpu.memory_space<hbm>> -> memref<2000xi32, #tpu.memory_space<hbm>>
    tpu.wait_indirect_dma semaphore(%arg20 : memref<!tpu.dma_semaphore, #tpu.memory_space<semaphore_mem>>) src(%dma_wait3A_638 : memref<2000xi32, #tpu.memory_space<hbm>>) dst(%dma_wait3A_633 : memref<128xi32, #tpu.memory_space<vmem>>)
    %dma_wait3A_639 = arith.constant 6 : i32
    %dma_wait3A_640 = arith.constant 6 : i32
    %dma_wait3A_641 = arith.constant 0 : i32
    %dma_wait3A_642 = tpu.memref_slice %arg13[%dma_wait3A_640, %dma_wait3A_641] : memref<10x128xi32, #tpu.memory_space<vmem>> -> memref<1x128xi32, #tpu.memory_space<vmem>>
    %dma_wait3A_643 = tpu.memref_squeeze %dma_wait3A_642 : memref<1x128xi32, #tpu.memory_space<vmem>> -> memref<128xi32, #tpu.memory_space<vmem>>
    %dma_wait3A_644 = arith.constant 0 : i32
    %dma_wait3A_645 = tpu.memref_slice %arg11[%dma_wait3A_639, %dma_wait3A_644] : memref<10x128xi32, #tpu.memory_space<vmem>> -> memref<1x128xi32, #tpu.memory_space<vmem>>
    %dma_wait3A_646 = tpu.memref_squeeze %dma_wait3A_645 : memref<1x128xi32, #tpu.memory_space<vmem>> -> memref<128xi32, #tpu.memory_space<vmem>>
    %dma_wait3A_647 = arith.constant 0 : i32
    %dma_wait3A_648 = tpu.memref_slice %arg3[%dma_wait3A_647] : memref<2000xi32, #tpu.memory_space<hbm>> -> memref<2000xi32, #tpu.memory_space<hbm>>
    tpu.wait_indirect_dma semaphore(%arg20 : memref<!tpu.dma_semaphore, #tpu.memory_space<semaphore_mem>>) src(%dma_wait3A_648 : memref<2000xi32, #tpu.memory_space<hbm>>) dst(%dma_wait3A_643 : memref<128xi32, #tpu.memory_space<vmem>>)
    %dma_wait3A_649 = arith.constant 7 : i32
    %dma_wait3A_650 = arith.constant 7 : i32
    %dma_wait3A_651 = arith.constant 0 : i32
    %dma_wait3A_652 = tpu.memref_slice %arg13[%dma_wait3A_650, %dma_wait3A_651] : memref<10x128xi32, #tpu.memory_space<vmem>> -> memref<1x128xi32, #tpu.memory_space<vmem>>
    %dma_wait3A_653 = tpu.memref_squeeze %dma_wait3A_652 : memref<1x128xi32, #tpu.memory_space<vmem>> -> memref<128xi32, #tpu.memory_space<vmem>>
    %dma_wait3A_654 = arith.constant 0 : i32
    %dma_wait3A_655 = tpu.memref_slice %arg11[%dma_wait3A_649, %dma_wait3A_654] : memref<10x128xi32, #tpu.memory_space<vmem>> -> memref<1x128xi32, #tpu.memory_space<vmem>>
    %dma_wait3A_656 = tpu.memref_squeeze %dma_wait3A_655 : memref<1x128xi32, #tpu.memory_space<vmem>> -> memref<128xi32, #tpu.memory_space<vmem>>
    %dma_wait3A_657 = arith.constant 0 : i32
    %dma_wait3A_658 = tpu.memref_slice %arg3[%dma_wait3A_657] : memref<2000xi32, #tpu.memory_space<hbm>> -> memref<2000xi32, #tpu.memory_space<hbm>>
    tpu.wait_indirect_dma semaphore(%arg20 : memref<!tpu.dma_semaphore, #tpu.memory_space<semaphore_mem>>) src(%dma_wait3A_658 : memref<2000xi32, #tpu.memory_space<hbm>>) dst(%dma_wait3A_653 : memref<128xi32, #tpu.memory_space<vmem>>)
    %dma_wait3A_659 = arith.constant 8 : i32
    %dma_wait3A_660 = arith.constant 8 : i32
    %dma_wait3A_661 = arith.constant 0 : i32
    %dma_wait3A_662 = tpu.memref_slice %arg13[%dma_wait3A_660, %dma_wait3A_661] : memref<10x128xi32, #tpu.memory_space<vmem>> -> memref<1x128xi32, #tpu.memory_space<vmem>>
    %dma_wait3A_663 = tpu.memref_squeeze %dma_wait3A_662 : memref<1x128xi32, #tpu.memory_space<vmem>> -> memref<128xi32, #tpu.memory_space<vmem>>
    %dma_wait3A_664 = arith.constant 0 : i32
    %dma_wait3A_665 = tpu.memref_slice %arg11[%dma_wait3A_659, %dma_wait3A_664] : memref<10x128xi32, #tpu.memory_space<vmem>> -> memref<1x128xi32, #tpu.memory_space<vmem>>
    %dma_wait3A_666 = tpu.memref_squeeze %dma_wait3A_665 : memref<1x128xi32, #tpu.memory_space<vmem>> -> memref<128xi32, #tpu.memory_space<vmem>>
    %dma_wait3A_667 = arith.constant 0 : i32
    %dma_wait3A_668 = tpu.memref_slice %arg3[%dma_wait3A_667] : memref<2000xi32, #tpu.memory_space<hbm>> -> memref<2000xi32, #tpu.memory_space<hbm>>
    tpu.wait_indirect_dma semaphore(%arg20 : memref<!tpu.dma_semaphore, #tpu.memory_space<semaphore_mem>>) src(%dma_wait3A_668 : memref<2000xi32, #tpu.memory_space<hbm>>) dst(%dma_wait3A_663 : memref<128xi32, #tpu.memory_space<vmem>>)
    %dma_wait3A_669 = arith.constant 9 : i32
    %dma_wait3A_670 = arith.constant 9 : i32
    %dma_wait3A_671 = arith.constant 0 : i32
    %dma_wait3A_672 = tpu.memref_slice %arg13[%dma_wait3A_670, %dma_wait3A_671] : memref<10x128xi32, #tpu.memory_space<vmem>> -> memref<1x128xi32, #tpu.memory_space<vmem>>
    %dma_wait3A_673 = tpu.memref_squeeze %dma_wait3A_672 : memref<1x128xi32, #tpu.memory_space<vmem>> -> memref<128xi32, #tpu.memory_space<vmem>>
    %dma_wait3A_674 = arith.constant 0 : i32
    %dma_wait3A_675 = tpu.memref_slice %arg11[%dma_wait3A_669, %dma_wait3A_674] : memref<10x128xi32, #tpu.memory_space<vmem>> -> memref<1x128xi32, #tpu.memory_space<vmem>>
    %dma_wait3A_676 = tpu.memref_squeeze %dma_wait3A_675 : memref<1x128xi32, #tpu.memory_space<vmem>> -> memref<128xi32, #tpu.memory_space<vmem>>
    %dma_wait3A_677 = arith.constant 0 : i32
    %dma_wait3A_678 = tpu.memref_slice %arg3[%dma_wait3A_677] : memref<2000xi32, #tpu.memory_space<hbm>> -> memref<2000xi32, #tpu.memory_space<hbm>>
    tpu.wait_indirect_dma semaphore(%arg20 : memref<!tpu.dma_semaphore, #tpu.memory_space<semaphore_mem>>) src(%dma_wait3A_678 : memref<2000xi32, #tpu.memory_space<hbm>>) dst(%dma_wait3A_673 : memref<128xi32, #tpu.memory_space<vmem>>)
    %dma_start3A_679 = arith.constant 0 : i32
    %dma_start3A_680 = arith.constant 0 : i32
    %dma_start3A_681 = arith.constant 0 : i32
    %dma_start3A_682 = tpu.memref_slice %arg14[%dma_start3A_680, %dma_start3A_681] : memref<256x128xf32, #tpu.memory_space<vmem>> -> memref<128x128xf32, #tpu.memory_space<vmem>>
    %dma_start3A_683 = arith.constant 0 : i32
    %dma_start3A_684 = tpu.memref_slice %arg13[%dma_start3A_679, %dma_start3A_683] : memref<10x128xi32, #tpu.memory_space<vmem>> -> memref<1x128xi32, #tpu.memory_space<vmem>>
    %dma_start3A_685 = tpu.memref_squeeze %dma_start3A_684 : memref<1x128xi32, #tpu.memory_space<vmem>> -> memref<128xi32, #tpu.memory_space<vmem>>
    %dma_start3A_686 = arith.constant 0 : i32
    %dma_start3A_687 = arith.constant 0 : i32
    %dma_start3A_688 = tpu.memref_slice %arg2[%dma_start3A_686, %dma_start3A_687] : memref<20x128xf32, #tpu.memory_space<hbm>> -> memref<20x128xf32, #tpu.memory_space<hbm>>
    tpu.enqueue_indirect_dma source(%dma_start3A_688 : memref<20x128xf32, #tpu.memory_space<hbm>>) target(%dma_start3A_682 : memref<128x128xf32, #tpu.memory_space<vmem>>) offsets(%dma_start3A_685 : memref<128xi32, #tpu.memory_space<vmem>>) semaphore(%arg22 : memref<!tpu.dma_semaphore, #tpu.memory_space<semaphore_mem>>)
    %dma_start3A_689 = arith.constant 1 : i32
    %dma_start3A_690 = arith.constant 128 : i32
    %dma_start3A_691 = arith.constant 0 : i32
    %dma_start3A_692 = tpu.memref_slice %arg14[%dma_start3A_690, %dma_start3A_691] : memref<256x128xf32, #tpu.memory_space<vmem>> -> memref<128x128xf32, #tpu.memory_space<vmem>>
    %dma_start3A_693 = arith.constant 0 : i32
    %dma_start3A_694 = tpu.memref_slice %arg13[%dma_start3A_689, %dma_start3A_693] : memref<10x128xi32, #tpu.memory_space<vmem>> -> memref<1x128xi32, #tpu.memory_space<vmem>>
    %dma_start3A_695 = tpu.memref_squeeze %dma_start3A_694 : memref<1x128xi32, #tpu.memory_space<vmem>> -> memref<128xi32, #tpu.memory_space<vmem>>
    %dma_start3A_696 = arith.constant 0 : i32
    %dma_start3A_697 = arith.constant 0 : i32
    %dma_start3A_698 = tpu.memref_slice %arg2[%dma_start3A_696, %dma_start3A_697] : memref<20x128xf32, #tpu.memory_space<hbm>> -> memref<20x128xf32, #tpu.memory_space<hbm>>
    tpu.enqueue_indirect_dma source(%dma_start3A_698 : memref<20x128xf32, #tpu.memory_space<hbm>>) target(%dma_start3A_692 : memref<128x128xf32, #tpu.memory_space<vmem>>) offsets(%dma_start3A_695 : memref<128xi32, #tpu.memory_space<vmem>>) semaphore(%arg22 : memref<!tpu.dma_semaphore, #tpu.memory_space<semaphore_mem>>)
    %dma_wait3A_699 = arith.constant 0 : i32
    %dma_wait3A_700 = arith.constant 0 : i32
    %dma_wait3A_701 = arith.constant 0 : i32
    %dma_wait3A_702 = tpu.memref_slice %arg14[%dma_wait3A_700, %dma_wait3A_701] : memref<256x128xf32, #tpu.memory_space<vmem>> -> memref<128x128xf32, #tpu.memory_space<vmem>>
    %dma_wait3A_703 = arith.constant 0 : i32
    %dma_wait3A_704 = tpu.memref_slice %arg13[%dma_wait3A_699, %dma_wait3A_703] : memref<10x128xi32, #tpu.memory_space<vmem>> -> memref<1x128xi32, #tpu.memory_space<vmem>>
    %dma_wait3A_705 = tpu.memref_squeeze %dma_wait3A_704 : memref<1x128xi32, #tpu.memory_space<vmem>> -> memref<128xi32, #tpu.memory_space<vmem>>
    %dma_wait3A_706 = arith.constant 0 : i32
    %dma_wait3A_707 = arith.constant 0 : i32
    %dma_wait3A_708 = tpu.memref_slice %arg2[%dma_wait3A_706, %dma_wait3A_707] : memref<20x128xf32, #tpu.memory_space<hbm>> -> memref<20x128xf32, #tpu.memory_space<hbm>>
    tpu.wait_indirect_dma semaphore(%arg22 : memref<!tpu.dma_semaphore, #tpu.memory_space<semaphore_mem>>) src(%dma_wait3A_708 : memref<20x128xf32, #tpu.memory_space<hbm>>) dst(%dma_wait3A_702 : memref<128x128xf32, #tpu.memory_space<vmem>>)
    %dma_wait3A_709 = arith.constant 1 : i32
    %dma_wait3A_710 = arith.constant 128 : i32
    %dma_wait3A_711 = arith.constant 0 : i32
    %dma_wait3A_712 = tpu.memref_slice %arg14[%dma_wait3A_710, %dma_wait3A_711] : memref<256x128xf32, #tpu.memory_space<vmem>> -> memref<128x128xf32, #tpu.memory_space<vmem>>
    %dma_wait3A_713 = arith.constant 0 : i32
    %dma_wait3A_714 = tpu.memref_slice %arg13[%dma_wait3A_709, %dma_wait3A_713] : memref<10x128xi32, #tpu.memory_space<vmem>> -> memref<1x128xi32, #tpu.memory_space<vmem>>
    %dma_wait3A_715 = tpu.memref_squeeze %dma_wait3A_714 : memref<1x128xi32, #tpu.memory_space<vmem>> -> memref<128xi32, #tpu.memory_space<vmem>>
    %dma_wait3A_716 = arith.constant 0 : i32
    %dma_wait3A_717 = arith.constant 0 : i32
    %dma_wait3A_718 = tpu.memref_slice %arg2[%dma_wait3A_716, %dma_wait3A_717] : memref<20x128xf32, #tpu.memory_space<hbm>> -> memref<20x128xf32, #tpu.memory_space<hbm>>
    tpu.wait_indirect_dma semaphore(%arg22 : memref<!tpu.dma_semaphore, #tpu.memory_space<semaphore_mem>>) src(%dma_wait3A_718 : memref<20x128xf32, #tpu.memory_space<hbm>>) dst(%dma_wait3A_712 : memref<128x128xf32, #tpu.memory_space<vmem>>)
    %dma_start3A_719 = arith.constant 2 : i32
    %dma_start3A_720 = arith.constant 0 : i32
    %dma_start3A_721 = arith.constant 0 : i32
    %dma_start3A_722 = tpu.memref_slice %arg15[%dma_start3A_720, %dma_start3A_721] : memref<256x128xf32, #tpu.memory_space<vmem>> -> memref<128x128xf32, #tpu.memory_space<vmem>>
    %dma_start3A_723 = arith.constant 0 : i32
    %dma_start3A_724 = tpu.memref_slice %arg13[%dma_start3A_719, %dma_start3A_723] : memref<10x128xi32, #tpu.memory_space<vmem>> -> memref<1x128xi32, #tpu.memory_space<vmem>>
    %dma_start3A_725 = tpu.memref_squeeze %dma_start3A_724 : memref<1x128xi32, #tpu.memory_space<vmem>> -> memref<128xi32, #tpu.memory_space<vmem>>
    %dma_start3A_726 = arith.constant 0 : i32
    %dma_start3A_727 = arith.constant 0 : i32
    %dma_start3A_728 = tpu.memref_slice %arg2[%dma_start3A_726, %dma_start3A_727] : memref<20x128xf32, #tpu.memory_space<hbm>> -> memref<20x128xf32, #tpu.memory_space<hbm>>
    tpu.enqueue_indirect_dma source(%dma_start3A_728 : memref<20x128xf32, #tpu.memory_space<hbm>>) target(%dma_start3A_722 : memref<128x128xf32, #tpu.memory_space<vmem>>) offsets(%dma_start3A_725 : memref<128xi32, #tpu.memory_space<vmem>>) semaphore(%arg23 : memref<!tpu.dma_semaphore, #tpu.memory_space<semaphore_mem>>)
    %dma_start3A_729 = arith.constant 3 : i32
    %dma_start3A_730 = arith.constant 128 : i32
    %dma_start3A_731 = arith.constant 0 : i32
    %dma_start3A_732 = tpu.memref_slice %arg15[%dma_start3A_730, %dma_start3A_731] : memref<256x128xf32, #tpu.memory_space<vmem>> -> memref<128x128xf32, #tpu.memory_space<vmem>>
    %dma_start3A_733 = arith.constant 0 : i32
    %dma_start3A_734 = tpu.memref_slice %arg13[%dma_start3A_729, %dma_start3A_733] : memref<10x128xi32, #tpu.memory_space<vmem>> -> memref<1x128xi32, #tpu.memory_space<vmem>>
    %dma_start3A_735 = tpu.memref_squeeze %dma_start3A_734 : memref<1x128xi32, #tpu.memory_space<vmem>> -> memref<128xi32, #tpu.memory_space<vmem>>
    %dma_start3A_736 = arith.constant 0 : i32
    %dma_start3A_737 = arith.constant 0 : i32
    %dma_start3A_738 = tpu.memref_slice %arg2[%dma_start3A_736, %dma_start3A_737] : memref<20x128xf32, #tpu.memory_space<hbm>> -> memref<20x128xf32, #tpu.memory_space<hbm>>
    tpu.enqueue_indirect_dma source(%dma_start3A_738 : memref<20x128xf32, #tpu.memory_space<hbm>>) target(%dma_start3A_732 : memref<128x128xf32, #tpu.memory_space<vmem>>) offsets(%dma_start3A_735 : memref<128xi32, #tpu.memory_space<vmem>>) semaphore(%arg23 : memref<!tpu.dma_semaphore, #tpu.memory_space<semaphore_mem>>)
    %dma_start3A_739 = arith.constant 0 : i32
    %dma_start3A_740 = arith.constant 0 : i32
    %dma_start3A_741 = arith.constant 0 : i32
    %dma_start3A_742 = tpu.memref_slice %arg14[%dma_start3A_740, %dma_start3A_741] : memref<256x128xf32, #tpu.memory_space<vmem>> -> memref<128x128xf32, #tpu.memory_space<vmem>>
    %dma_start3A_743 = arith.constant 0 : i32
    %dma_start3A_744 = tpu.memref_slice %arg12[%dma_start3A_739, %dma_start3A_743] : memref<10x128xi32, #tpu.memory_space<vmem>> -> memref<1x128xi32, #tpu.memory_space<vmem>>
    %dma_start3A_745 = tpu.memref_squeeze %dma_start3A_744 : memref<1x128xi32, #tpu.memory_space<vmem>> -> memref<128xi32, #tpu.memory_space<vmem>>
    %dma_start3A_746 = arith.constant 0 : i32
    %dma_start3A_747 = arith.constant 0 : i32
    %dma_start3A_748 = tpu.memref_slice %arg17[%dma_start3A_746, %dma_start3A_747] : memref<2048x128xf32, #tpu.memory_space<vmem_shared>> -> memref<2048x128xf32, #tpu.memory_space<vmem_shared>>
    tpu.enqueue_indirect_dma source(%dma_start3A_742 : memref<128x128xf32, #tpu.memory_space<vmem>>) target(%dma_start3A_748 : memref<2048x128xf32, #tpu.memory_space<vmem_shared>>) offsets(%dma_start3A_745 : memref<128xi32, #tpu.memory_space<vmem>>) semaphore(%arg24 : memref<!tpu.dma_semaphore, #tpu.memory_space<semaphore_mem>>) {add = true}
    %dma_start3A_749 = arith.constant 1 : i32
    %dma_start3A_750 = arith.constant 128 : i32
    %dma_start3A_751 = arith.constant 0 : i32
    %dma_start3A_752 = tpu.memref_slice %arg14[%dma_start3A_750, %dma_start3A_751] : memref<256x128xf32, #tpu.memory_space<vmem>> -> memref<128x128xf32, #tpu.memory_space<vmem>>
    %dma_start3A_753 = arith.constant 0 : i32
    %dma_start3A_754 = tpu.memref_slice %arg12[%dma_start3A_749, %dma_start3A_753] : memref<10x128xi32, #tpu.memory_space<vmem>> -> memref<1x128xi32, #tpu.memory_space<vmem>>
    %dma_start3A_755 = tpu.memref_squeeze %dma_start3A_754 : memref<1x128xi32, #tpu.memory_space<vmem>> -> memref<128xi32, #tpu.memory_space<vmem>>
    %dma_start3A_756 = arith.constant 0 : i32
    %dma_start3A_757 = arith.constant 0 : i32
    %dma_start3A_758 = tpu.memref_slice %arg17[%dma_start3A_756, %dma_start3A_757] : memref<2048x128xf32, #tpu.memory_space<vmem_shared>> -> memref<2048x128xf32, #tpu.memory_space<vmem_shared>>
    tpu.enqueue_indirect_dma source(%dma_start3A_752 : memref<128x128xf32, #tpu.memory_space<vmem>>) target(%dma_start3A_758 : memref<2048x128xf32, #tpu.memory_space<vmem_shared>>) offsets(%dma_start3A_755 : memref<128xi32, #tpu.memory_space<vmem>>) semaphore(%arg24 : memref<!tpu.dma_semaphore, #tpu.memory_space<semaphore_mem>>) {add = true}
    %dma_wait3A_759 = arith.constant 2 : i32
    %dma_wait3A_760 = arith.constant 0 : i32
    %dma_wait3A_761 = arith.constant 0 : i32
    %dma_wait3A_762 = tpu.memref_slice %arg15[%dma_wait3A_760, %dma_wait3A_761] : memref<256x128xf32, #tpu.memory_space<vmem>> -> memref<128x128xf32, #tpu.memory_space<vmem>>
    %dma_wait3A_763 = arith.constant 0 : i32
    %dma_wait3A_764 = tpu.memref_slice %arg13[%dma_wait3A_759, %dma_wait3A_763] : memref<10x128xi32, #tpu.memory_space<vmem>> -> memref<1x128xi32, #tpu.memory_space<vmem>>
    %dma_wait3A_765 = tpu.memref_squeeze %dma_wait3A_764 : memref<1x128xi32, #tpu.memory_space<vmem>> -> memref<128xi32, #tpu.memory_space<vmem>>
    %dma_wait3A_766 = arith.constant 0 : i32
    %dma_wait3A_767 = arith.constant 0 : i32
    %dma_wait3A_768 = tpu.memref_slice %arg2[%dma_wait3A_766, %dma_wait3A_767] : memref<20x128xf32, #tpu.memory_space<hbm>> -> memref<20x128xf32, #tpu.memory_space<hbm>>
    tpu.wait_indirect_dma semaphore(%arg23 : memref<!tpu.dma_semaphore, #tpu.memory_space<semaphore_mem>>) src(%dma_wait3A_768 : memref<20x128xf32, #tpu.memory_space<hbm>>) dst(%dma_wait3A_762 : memref<128x128xf32, #tpu.memory_space<vmem>>)
    %dma_wait3A_769 = arith.constant 3 : i32
    %dma_wait3A_770 = arith.constant 128 : i32
    %dma_wait3A_771 = arith.constant 0 : i32
    %dma_wait3A_772 = tpu.memref_slice %arg15[%dma_wait3A_770, %dma_wait3A_771] : memref<256x128xf32, #tpu.memory_space<vmem>> -> memref<128x128xf32, #tpu.memory_space<vmem>>
    %dma_wait3A_773 = arith.constant 0 : i32
    %dma_wait3A_774 = tpu.memref_slice %arg13[%dma_wait3A_769, %dma_wait3A_773] : memref<10x128xi32, #tpu.memory_space<vmem>> -> memref<1x128xi32, #tpu.memory_space<vmem>>
    %dma_wait3A_775 = tpu.memref_squeeze %dma_wait3A_774 : memref<1x128xi32, #tpu.memory_space<vmem>> -> memref<128xi32, #tpu.memory_space<vmem>>
    %dma_wait3A_776 = arith.constant 0 : i32
    %dma_wait3A_777 = arith.constant 0 : i32
    %dma_wait3A_778 = tpu.memref_slice %arg2[%dma_wait3A_776, %dma_wait3A_777] : memref<20x128xf32, #tpu.memory_space<hbm>> -> memref<20x128xf32, #tpu.memory_space<hbm>>
    tpu.wait_indirect_dma semaphore(%arg23 : memref<!tpu.dma_semaphore, #tpu.memory_space<semaphore_mem>>) src(%dma_wait3A_778 : memref<20x128xf32, #tpu.memory_space<hbm>>) dst(%dma_wait3A_772 : memref<128x128xf32, #tpu.memory_space<vmem>>)
    %dma_wait3A_779 = arith.constant 0 : i32
    %dma_wait3A_780 = arith.constant 0 : i32
    %dma_wait3A_781 = arith.constant 0 : i32
    %dma_wait3A_782 = tpu.memref_slice %arg14[%dma_wait3A_780, %dma_wait3A_781] : memref<256x128xf32, #tpu.memory_space<vmem>> -> memref<128x128xf32, #tpu.memory_space<vmem>>
    %dma_wait3A_783 = arith.constant 0 : i32
    %dma_wait3A_784 = tpu.memref_slice %arg12[%dma_wait3A_779, %dma_wait3A_783] : memref<10x128xi32, #tpu.memory_space<vmem>> -> memref<1x128xi32, #tpu.memory_space<vmem>>
    %dma_wait3A_785 = tpu.memref_squeeze %dma_wait3A_784 : memref<1x128xi32, #tpu.memory_space<vmem>> -> memref<128xi32, #tpu.memory_space<vmem>>
    %dma_wait3A_786 = arith.constant 0 : i32
    %dma_wait3A_787 = arith.constant 0 : i32
    %dma_wait3A_788 = tpu.memref_slice %arg17[%dma_wait3A_786, %dma_wait3A_787] : memref<2048x128xf32, #tpu.memory_space<vmem_shared>> -> memref<2048x128xf32, #tpu.memory_space<vmem_shared>>
    tpu.wait_indirect_dma semaphore(%arg24 : memref<!tpu.dma_semaphore, #tpu.memory_space<semaphore_mem>>) src(%dma_wait3A_782 : memref<128x128xf32, #tpu.memory_space<vmem>>) dst(%dma_wait3A_788 : memref<2048x128xf32, #tpu.memory_space<vmem_shared>>)
    %dma_wait3A_789 = arith.constant 1 : i32
    %dma_wait3A_790 = arith.constant 128 : i32
    %dma_wait3A_791 = arith.constant 0 : i32
    %dma_wait3A_792 = tpu.memref_slice %arg14[%dma_wait3A_790, %dma_wait3A_791] : memref<256x128xf32, #tpu.memory_space<vmem>> -> memref<128x128xf32, #tpu.memory_space<vmem>>
    %dma_wait3A_793 = arith.constant 0 : i32
    %dma_wait3A_794 = tpu.memref_slice %arg12[%dma_wait3A_789, %dma_wait3A_793] : memref<10x128xi32, #tpu.memory_space<vmem>> -> memref<1x128xi32, #tpu.memory_space<vmem>>
    %dma_wait3A_795 = tpu.memref_squeeze %dma_wait3A_794 : memref<1x128xi32, #tpu.memory_space<vmem>> -> memref<128xi32, #tpu.memory_space<vmem>>
    %dma_wait3A_796 = arith.constant 0 : i32
    %dma_wait3A_797 = arith.constant 0 : i32
    %dma_wait3A_798 = tpu.memref_slice %arg17[%dma_wait3A_796, %dma_wait3A_797] : memref<2048x128xf32, #tpu.memory_space<vmem_shared>> -> memref<2048x128xf32, #tpu.memory_space<vmem_shared>>
    tpu.wait_indirect_dma semaphore(%arg24 : memref<!tpu.dma_semaphore, #tpu.memory_space<semaphore_mem>>) src(%dma_wait3A_792 : memref<128x128xf32, #tpu.memory_space<vmem>>) dst(%dma_wait3A_798 : memref<2048x128xf32, #tpu.memory_space<vmem_shared>>)
    %dma_start3A_799 = arith.constant 4 : i32
    %dma_start3A_800 = arith.constant 0 : i32
    %dma_start3A_801 = arith.constant 0 : i32
    %dma_start3A_802 = tpu.memref_slice %arg14[%dma_start3A_800, %dma_start3A_801] : memref<256x128xf32, #tpu.memory_space<vmem>> -> memref<128x128xf32, #tpu.memory_space<vmem>>
    %dma_start3A_803 = arith.constant 0 : i32
    %dma_start3A_804 = tpu.memref_slice %arg13[%dma_start3A_799, %dma_start3A_803] : memref<10x128xi32, #tpu.memory_space<vmem>> -> memref<1x128xi32, #tpu.memory_space<vmem>>
    %dma_start3A_805 = tpu.memref_squeeze %dma_start3A_804 : memref<1x128xi32, #tpu.memory_space<vmem>> -> memref<128xi32, #tpu.memory_space<vmem>>
    %dma_start3A_806 = arith.constant 0 : i32
    %dma_start3A_807 = arith.constant 0 : i32
    %dma_start3A_808 = tpu.memref_slice %arg2[%dma_start3A_806, %dma_start3A_807] : memref<20x128xf32, #tpu.memory_space<hbm>> -> memref<20x128xf32, #tpu.memory_space<hbm>>
    tpu.enqueue_indirect_dma source(%dma_start3A_808 : memref<20x128xf32, #tpu.memory_space<hbm>>) target(%dma_start3A_802 : memref<128x128xf32, #tpu.memory_space<vmem>>) offsets(%dma_start3A_805 : memref<128xi32, #tpu.memory_space<vmem>>) semaphore(%arg22 : memref<!tpu.dma_semaphore, #tpu.memory_space<semaphore_mem>>)
    %dma_start3A_809 = arith.constant 5 : i32
    %dma_start3A_810 = arith.constant 128 : i32
    %dma_start3A_811 = arith.constant 0 : i32
    %dma_start3A_812 = tpu.memref_slice %arg14[%dma_start3A_810, %dma_start3A_811] : memref<256x128xf32, #tpu.memory_space<vmem>> -> memref<128x128xf32, #tpu.memory_space<vmem>>
    %dma_start3A_813 = arith.constant 0 : i32
    %dma_start3A_814 = tpu.memref_slice %arg13[%dma_start3A_809, %dma_start3A_813] : memref<10x128xi32, #tpu.memory_space<vmem>> -> memref<1x128xi32, #tpu.memory_space<vmem>>
    %dma_start3A_815 = tpu.memref_squeeze %dma_start3A_814 : memref<1x128xi32, #tpu.memory_space<vmem>> -> memref<128xi32, #tpu.memory_space<vmem>>
    %dma_start3A_816 = arith.constant 0 : i32
    %dma_start3A_817 = arith.constant 0 : i32
    %dma_start3A_818 = tpu.memref_slice %arg2[%dma_start3A_816, %dma_start3A_817] : memref<20x128xf32, #tpu.memory_space<hbm>> -> memref<20x128xf32, #tpu.memory_space<hbm>>
    tpu.enqueue_indirect_dma source(%dma_start3A_818 : memref<20x128xf32, #tpu.memory_space<hbm>>) target(%dma_start3A_812 : memref<128x128xf32, #tpu.memory_space<vmem>>) offsets(%dma_start3A_815 : memref<128xi32, #tpu.memory_space<vmem>>) semaphore(%arg22 : memref<!tpu.dma_semaphore, #tpu.memory_space<semaphore_mem>>)
    %dma_start3A_819 = arith.constant 2 : i32
    %dma_start3A_820 = arith.constant 0 : i32
    %dma_start3A_821 = arith.constant 0 : i32
    %dma_start3A_822 = tpu.memref_slice %arg15[%dma_start3A_820, %dma_start3A_821] : memref<256x128xf32, #tpu.memory_space<vmem>> -> memref<128x128xf32, #tpu.memory_space<vmem>>
    %dma_start3A_823 = arith.constant 0 : i32
    %dma_start3A_824 = tpu.memref_slice %arg12[%dma_start3A_819, %dma_start3A_823] : memref<10x128xi32, #tpu.memory_space<vmem>> -> memref<1x128xi32, #tpu.memory_space<vmem>>
    %dma_start3A_825 = tpu.memref_squeeze %dma_start3A_824 : memref<1x128xi32, #tpu.memory_space<vmem>> -> memref<128xi32, #tpu.memory_space<vmem>>
    %dma_start3A_826 = arith.constant 0 : i32
    %dma_start3A_827 = arith.constant 0 : i32
    %dma_start3A_828 = tpu.memref_slice %arg17[%dma_start3A_826, %dma_start3A_827] : memref<2048x128xf32, #tpu.memory_space<vmem_shared>> -> memref<2048x128xf32, #tpu.memory_space<vmem_shared>>
    tpu.enqueue_indirect_dma source(%dma_start3A_822 : memref<128x128xf32, #tpu.memory_space<vmem>>) target(%dma_start3A_828 : memref<2048x128xf32, #tpu.memory_space<vmem_shared>>) offsets(%dma_start3A_825 : memref<128xi32, #tpu.memory_space<vmem>>) semaphore(%arg25 : memref<!tpu.dma_semaphore, #tpu.memory_space<semaphore_mem>>) {add = true}
    %dma_start3A_829 = arith.constant 3 : i32
    %dma_start3A_830 = arith.constant 128 : i32
    %dma_start3A_831 = arith.constant 0 : i32
    %dma_start3A_832 = tpu.memref_slice %arg15[%dma_start3A_830, %dma_start3A_831] : memref<256x128xf32, #tpu.memory_space<vmem>> -> memref<128x128xf32, #tpu.memory_space<vmem>>
    %dma_start3A_833 = arith.constant 0 : i32
    %dma_start3A_834 = tpu.memref_slice %arg12[%dma_start3A_829, %dma_start3A_833] : memref<10x128xi32, #tpu.memory_space<vmem>> -> memref<1x128xi32, #tpu.memory_space<vmem>>
    %dma_start3A_835 = tpu.memref_squeeze %dma_start3A_834 : memref<1x128xi32, #tpu.memory_space<vmem>> -> memref<128xi32, #tpu.memory_space<vmem>>
    %dma_start3A_836 = arith.constant 0 : i32
    %dma_start3A_837 = arith.constant 0 : i32
    %dma_start3A_838 = tpu.memref_slice %arg17[%dma_start3A_836, %dma_start3A_837] : memref<2048x128xf32, #tpu.memory_space<vmem_shared>> -> memref<2048x128xf32, #tpu.memory_space<vmem_shared>>
    tpu.enqueue_indirect_dma source(%dma_start3A_832 : memref<128x128xf32, #tpu.memory_space<vmem>>) target(%dma_start3A_838 : memref<2048x128xf32, #tpu.memory_space<vmem_shared>>) offsets(%dma_start3A_835 : memref<128xi32, #tpu.memory_space<vmem>>) semaphore(%arg25 : memref<!tpu.dma_semaphore, #tpu.memory_space<semaphore_mem>>) {add = true}
    %dma_wait3A_839 = arith.constant 4 : i32
    %dma_wait3A_840 = arith.constant 0 : i32
    %dma_wait3A_841 = arith.constant 0 : i32
    %dma_wait3A_842 = tpu.memref_slice %arg14[%dma_wait3A_840, %dma_wait3A_841] : memref<256x128xf32, #tpu.memory_space<vmem>> -> memref<128x128xf32, #tpu.memory_space<vmem>>
    %dma_wait3A_843 = arith.constant 0 : i32
    %dma_wait3A_844 = tpu.memref_slice %arg13[%dma_wait3A_839, %dma_wait3A_843] : memref<10x128xi32, #tpu.memory_space<vmem>> -> memref<1x128xi32, #tpu.memory_space<vmem>>
    %dma_wait3A_845 = tpu.memref_squeeze %dma_wait3A_844 : memref<1x128xi32, #tpu.memory_space<vmem>> -> memref<128xi32, #tpu.memory_space<vmem>>
    %dma_wait3A_846 = arith.constant 0 : i32
    %dma_wait3A_847 = arith.constant 0 : i32
    %dma_wait3A_848 = tpu.memref_slice %arg2[%dma_wait3A_846, %dma_wait3A_847] : memref<20x128xf32, #tpu.memory_space<hbm>> -> memref<20x128xf32, #tpu.memory_space<hbm>>
    tpu.wait_indirect_dma semaphore(%arg22 : memref<!tpu.dma_semaphore, #tpu.memory_space<semaphore_mem>>) src(%dma_wait3A_848 : memref<20x128xf32, #tpu.memory_space<hbm>>) dst(%dma_wait3A_842 : memref<128x128xf32, #tpu.memory_space<vmem>>)
    %dma_wait3A_849 = arith.constant 5 : i32
    %dma_wait3A_850 = arith.constant 128 : i32
    %dma_wait3A_851 = arith.constant 0 : i32
    %dma_wait3A_852 = tpu.memref_slice %arg14[%dma_wait3A_850, %dma_wait3A_851] : memref<256x128xf32, #tpu.memory_space<vmem>> -> memref<128x128xf32, #tpu.memory_space<vmem>>
    %dma_wait3A_853 = arith.constant 0 : i32
    %dma_wait3A_854 = tpu.memref_slice %arg13[%dma_wait3A_849, %dma_wait3A_853] : memref<10x128xi32, #tpu.memory_space<vmem>> -> memref<1x128xi32, #tpu.memory_space<vmem>>
    %dma_wait3A_855 = tpu.memref_squeeze %dma_wait3A_854 : memref<1x128xi32, #tpu.memory_space<vmem>> -> memref<128xi32, #tpu.memory_space<vmem>>
    %dma_wait3A_856 = arith.constant 0 : i32
    %dma_wait3A_857 = arith.constant 0 : i32
    %dma_wait3A_858 = tpu.memref_slice %arg2[%dma_wait3A_856, %dma_wait3A_857] : memref<20x128xf32, #tpu.memory_space<hbm>> -> memref<20x128xf32, #tpu.memory_space<hbm>>
    tpu.wait_indirect_dma semaphore(%arg22 : memref<!tpu.dma_semaphore, #tpu.memory_space<semaphore_mem>>) src(%dma_wait3A_858 : memref<20x128xf32, #tpu.memory_space<hbm>>) dst(%dma_wait3A_852 : memref<128x128xf32, #tpu.memory_space<vmem>>)
    %dma_wait3A_859 = arith.constant 2 : i32
    %dma_wait3A_860 = arith.constant 0 : i32
    %dma_wait3A_861 = arith.constant 0 : i32
    %dma_wait3A_862 = tpu.memref_slice %arg15[%dma_wait3A_860, %dma_wait3A_861] : memref<256x128xf32, #tpu.memory_space<vmem>> -> memref<128x128xf32, #tpu.memory_space<vmem>>
    %dma_wait3A_863 = arith.constant 0 : i32
    %dma_wait3A_864 = tpu.memref_slice %arg12[%dma_wait3A_859, %dma_wait3A_863] : memref<10x128xi32, #tpu.memory_space<vmem>> -> memref<1x128xi32, #tpu.memory_space<vmem>>
    %dma_wait3A_865 = tpu.memref_squeeze %dma_wait3A_864 : memref<1x128xi32, #tpu.memory_space<vmem>> -> memref<128xi32, #tpu.memory_space<vmem>>
    %dma_wait3A_866 = arith.constant 0 : i32
    %dma_wait3A_867 = arith.constant 0 : i32
    %dma_wait3A_868 = tpu.memref_slice %arg17[%dma_wait3A_866, %dma_wait3A_867] : memref<2048x128xf32, #tpu.memory_space<vmem_shared>> -> memref<2048x128xf32, #tpu.memory_space<vmem_shared>>
    tpu.wait_indirect_dma semaphore(%arg25 : memref<!tpu.dma_semaphore, #tpu.memory_space<semaphore_mem>>) src(%dma_wait3A_862 : memref<128x128xf32, #tpu.memory_space<vmem>>) dst(%dma_wait3A_868 : memref<2048x128xf32, #tpu.memory_space<vmem_shared>>)
    %dma_wait3A_869 = arith.constant 3 : i32
    %dma_wait3A_870 = arith.constant 128 : i32
    %dma_wait3A_871 = arith.constant 0 : i32
    %dma_wait3A_872 = tpu.memref_slice %arg15[%dma_wait3A_870, %dma_wait3A_871] : memref<256x128xf32, #tpu.memory_space<vmem>> -> memref<128x128xf32, #tpu.memory_space<vmem>>
    %dma_wait3A_873 = arith.constant 0 : i32
    %dma_wait3A_874 = tpu.memref_slice %arg12[%dma_wait3A_869, %dma_wait3A_873] : memref<10x128xi32, #tpu.memory_space<vmem>> -> memref<1x128xi32, #tpu.memory_space<vmem>>
    %dma_wait3A_875 = tpu.memref_squeeze %dma_wait3A_874 : memref<1x128xi32, #tpu.memory_space<vmem>> -> memref<128xi32, #tpu.memory_space<vmem>>
    %dma_wait3A_876 = arith.constant 0 : i32
    %dma_wait3A_877 = arith.constant 0 : i32
    %dma_wait3A_878 = tpu.memref_slice %arg17[%dma_wait3A_876, %dma_wait3A_877] : memref<2048x128xf32, #tpu.memory_space<vmem_shared>> -> memref<2048x128xf32, #tpu.memory_space<vmem_shared>>
    tpu.wait_indirect_dma semaphore(%arg25 : memref<!tpu.dma_semaphore, #tpu.memory_space<semaphore_mem>>) src(%dma_wait3A_872 : memref<128x128xf32, #tpu.memory_space<vmem>>) dst(%dma_wait3A_878 : memref<2048x128xf32, #tpu.memory_space<vmem_shared>>)
    %dma_start3A_879 = arith.constant 6 : i32
    %dma_start3A_880 = arith.constant 0 : i32
    %dma_start3A_881 = arith.constant 0 : i32
    %dma_start3A_882 = tpu.memref_slice %arg15[%dma_start3A_880, %dma_start3A_881] : memref<256x128xf32, #tpu.memory_space<vmem>> -> memref<128x128xf32, #tpu.memory_space<vmem>>
    %dma_start3A_883 = arith.constant 0 : i32
    %dma_start3A_884 = tpu.memref_slice %arg13[%dma_start3A_879, %dma_start3A_883] : memref<10x128xi32, #tpu.memory_space<vmem>> -> memref<1x128xi32, #tpu.memory_space<vmem>>
    %dma_start3A_885 = tpu.memref_squeeze %dma_start3A_884 : memref<1x128xi32, #tpu.memory_space<vmem>> -> memref<128xi32, #tpu.memory_space<vmem>>
    %dma_start3A_886 = arith.constant 0 : i32
    %dma_start3A_887 = arith.constant 0 : i32
    %dma_start3A_888 = tpu.memref_slice %arg2[%dma_start3A_886, %dma_start3A_887] : memref<20x128xf32, #tpu.memory_space<hbm>> -> memref<20x128xf32, #tpu.memory_space<hbm>>
    tpu.enqueue_indirect_dma source(%dma_start3A_888 : memref<20x128xf32, #tpu.memory_space<hbm>>) target(%dma_start3A_882 : memref<128x128xf32, #tpu.memory_space<vmem>>) offsets(%dma_start3A_885 : memref<128xi32, #tpu.memory_space<vmem>>) semaphore(%arg23 : memref<!tpu.dma_semaphore, #tpu.memory_space<semaphore_mem>>)
    %dma_start3A_889 = arith.constant 7 : i32
    %dma_start3A_890 = arith.constant 128 : i32
    %dma_start3A_891 = arith.constant 0 : i32
    %dma_start3A_892 = tpu.memref_slice %arg15[%dma_start3A_890, %dma_start3A_891] : memref<256x128xf32, #tpu.memory_space<vmem>> -> memref<128x128xf32, #tpu.memory_space<vmem>>
    %dma_start3A_893 = arith.constant 0 : i32
    %dma_start3A_894 = tpu.memref_slice %arg13[%dma_start3A_889, %dma_start3A_893] : memref<10x128xi32, #tpu.memory_space<vmem>> -> memref<1x128xi32, #tpu.memory_space<vmem>>
    %dma_start3A_895 = tpu.memref_squeeze %dma_start3A_894 : memref<1x128xi32, #tpu.memory_space<vmem>> -> memref<128xi32, #tpu.memory_space<vmem>>
    %dma_start3A_896 = arith.constant 0 : i32
    %dma_start3A_897 = arith.constant 0 : i32
    %dma_start3A_898 = tpu.memref_slice %arg2[%dma_start3A_896, %dma_start3A_897] : memref<20x128xf32, #tpu.memory_space<hbm>> -> memref<20x128xf32, #tpu.memory_space<hbm>>
    tpu.enqueue_indirect_dma source(%dma_start3A_898 : memref<20x128xf32, #tpu.memory_space<hbm>>) target(%dma_start3A_892 : memref<128x128xf32, #tpu.memory_space<vmem>>) offsets(%dma_start3A_895 : memref<128xi32, #tpu.memory_space<vmem>>) semaphore(%arg23 : memref<!tpu.dma_semaphore, #tpu.memory_space<semaphore_mem>>)
    %dma_start3A_899 = arith.constant 4 : i32
    %dma_start3A_900 = arith.constant 0 : i32
    %dma_start3A_901 = arith.constant 0 : i32
    %dma_start3A_902 = tpu.memref_slice %arg14[%dma_start3A_900, %dma_start3A_901] : memref<256x128xf32, #tpu.memory_space<vmem>> -> memref<128x128xf32, #tpu.memory_space<vmem>>
    %dma_start3A_903 = arith.constant 0 : i32
    %dma_start3A_904 = tpu.memref_slice %arg12[%dma_start3A_899, %dma_start3A_903] : memref<10x128xi32, #tpu.memory_space<vmem>> -> memref<1x128xi32, #tpu.memory_space<vmem>>
    %dma_start3A_905 = tpu.memref_squeeze %dma_start3A_904 : memref<1x128xi32, #tpu.memory_space<vmem>> -> memref<128xi32, #tpu.memory_space<vmem>>
    %dma_start3A_906 = arith.constant 0 : i32
    %dma_start3A_907 = arith.constant 0 : i32
    %dma_start3A_908 = tpu.memref_slice %arg17[%dma_start3A_906, %dma_start3A_907] : memref<2048x128xf32, #tpu.memory_space<vmem_shared>> -> memref<2048x128xf32, #tpu.memory_space<vmem_shared>>
    tpu.enqueue_indirect_dma source(%dma_start3A_902 : memref<128x128xf32, #tpu.memory_space<vmem>>) target(%dma_start3A_908 : memref<2048x128xf32, #tpu.memory_space<vmem_shared>>) offsets(%dma_start3A_905 : memref<128xi32, #tpu.memory_space<vmem>>) semaphore(%arg24 : memref<!tpu.dma_semaphore, #tpu.memory_space<semaphore_mem>>) {add = true}
    %dma_start3A_909 = arith.constant 5 : i32
    %dma_start3A_910 = arith.constant 128 : i32
    %dma_start3A_911 = arith.constant 0 : i32
    %dma_start3A_912 = tpu.memref_slice %arg14[%dma_start3A_910, %dma_start3A_911] : memref<256x128xf32, #tpu.memory_space<vmem>> -> memref<128x128xf32, #tpu.memory_space<vmem>>
    %dma_start3A_913 = arith.constant 0 : i32
    %dma_start3A_914 = tpu.memref_slice %arg12[%dma_start3A_909, %dma_start3A_913] : memref<10x128xi32, #tpu.memory_space<vmem>> -> memref<1x128xi32, #tpu.memory_space<vmem>>
    %dma_start3A_915 = tpu.memref_squeeze %dma_start3A_914 : memref<1x128xi32, #tpu.memory_space<vmem>> -> memref<128xi32, #tpu.memory_space<vmem>>
    %dma_start3A_916 = arith.constant 0 : i32
    %dma_start3A_917 = arith.constant 0 : i32
    %dma_start3A_918 = tpu.memref_slice %arg17[%dma_start3A_916, %dma_start3A_917] : memref<2048x128xf32, #tpu.memory_space<vmem_shared>> -> memref<2048x128xf32, #tpu.memory_space<vmem_shared>>
    tpu.enqueue_indirect_dma source(%dma_start3A_912 : memref<128x128xf32, #tpu.memory_space<vmem>>) target(%dma_start3A_918 : memref<2048x128xf32, #tpu.memory_space<vmem_shared>>) offsets(%dma_start3A_915 : memref<128xi32, #tpu.memory_space<vmem>>) semaphore(%arg24 : memref<!tpu.dma_semaphore, #tpu.memory_space<semaphore_mem>>) {add = true}
    %dma_wait3A_919 = arith.constant 6 : i32
    %dma_wait3A_920 = arith.constant 0 : i32
    %dma_wait3A_921 = arith.constant 0 : i32
    %dma_wait3A_922 = tpu.memref_slice %arg15[%dma_wait3A_920, %dma_wait3A_921] : memref<256x128xf32, #tpu.memory_space<vmem>> -> memref<128x128xf32, #tpu.memory_space<vmem>>
    %dma_wait3A_923 = arith.constant 0 : i32
    %dma_wait3A_924 = tpu.memref_slice %arg13[%dma_wait3A_919, %dma_wait3A_923] : memref<10x128xi32, #tpu.memory_space<vmem>> -> memref<1x128xi32, #tpu.memory_space<vmem>>
    %dma_wait3A_925 = tpu.memref_squeeze %dma_wait3A_924 : memref<1x128xi32, #tpu.memory_space<vmem>> -> memref<128xi32, #tpu.memory_space<vmem>>
    %dma_wait3A_926 = arith.constant 0 : i32
    %dma_wait3A_927 = arith.constant 0 : i32
    %dma_wait3A_928 = tpu.memref_slice %arg2[%dma_wait3A_926, %dma_wait3A_927] : memref<20x128xf32, #tpu.memory_space<hbm>> -> memref<20x128xf32, #tpu.memory_space<hbm>>
    tpu.wait_indirect_dma semaphore(%arg23 : memref<!tpu.dma_semaphore, #tpu.memory_space<semaphore_mem>>) src(%dma_wait3A_928 : memref<20x128xf32, #tpu.memory_space<hbm>>) dst(%dma_wait3A_922 : memref<128x128xf32, #tpu.memory_space<vmem>>)
    %dma_wait3A_929 = arith.constant 7 : i32
    %dma_wait3A_930 = arith.constant 128 : i32
    %dma_wait3A_931 = arith.constant 0 : i32
    %dma_wait3A_932 = tpu.memref_slice %arg15[%dma_wait3A_930, %dma_wait3A_931] : memref<256x128xf32, #tpu.memory_space<vmem>> -> memref<128x128xf32, #tpu.memory_space<vmem>>
    %dma_wait3A_933 = arith.constant 0 : i32
    %dma_wait3A_934 = tpu.memref_slice %arg13[%dma_wait3A_929, %dma_wait3A_933] : memref<10x128xi32, #tpu.memory_space<vmem>> -> memref<1x128xi32, #tpu.memory_space<vmem>>
    %dma_wait3A_935 = tpu.memref_squeeze %dma_wait3A_934 : memref<1x128xi32, #tpu.memory_space<vmem>> -> memref<128xi32, #tpu.memory_space<vmem>>
    %dma_wait3A_936 = arith.constant 0 : i32
    %dma_wait3A_937 = arith.constant 0 : i32
    %dma_wait3A_938 = tpu.memref_slice %arg2[%dma_wait3A_936, %dma_wait3A_937] : memref<20x128xf32, #tpu.memory_space<hbm>> -> memref<20x128xf32, #tpu.memory_space<hbm>>
    tpu.wait_indirect_dma semaphore(%arg23 : memref<!tpu.dma_semaphore, #tpu.memory_space<semaphore_mem>>) src(%dma_wait3A_938 : memref<20x128xf32, #tpu.memory_space<hbm>>) dst(%dma_wait3A_932 : memref<128x128xf32, #tpu.memory_space<vmem>>)
    %dma_wait3A_939 = arith.constant 4 : i32
    %dma_wait3A_940 = arith.constant 0 : i32
    %dma_wait3A_941 = arith.constant 0 : i32
    %dma_wait3A_942 = tpu.memref_slice %arg14[%dma_wait3A_940, %dma_wait3A_941] : memref<256x128xf32, #tpu.memory_space<vmem>> -> memref<128x128xf32, #tpu.memory_space<vmem>>
    %dma_wait3A_943 = arith.constant 0 : i32
    %dma_wait3A_944 = tpu.memref_slice %arg12[%dma_wait3A_939, %dma_wait3A_943] : memref<10x128xi32, #tpu.memory_space<vmem>> -> memref<1x128xi32, #tpu.memory_space<vmem>>
    %dma_wait3A_945 = tpu.memref_squeeze %dma_wait3A_944 : memref<1x128xi32, #tpu.memory_space<vmem>> -> memref<128xi32, #tpu.memory_space<vmem>>
    %dma_wait3A_946 = arith.constant 0 : i32
    %dma_wait3A_947 = arith.constant 0 : i32
    %dma_wait3A_948 = tpu.memref_slice %arg17[%dma_wait3A_946, %dma_wait3A_947] : memref<2048x128xf32, #tpu.memory_space<vmem_shared>> -> memref<2048x128xf32, #tpu.memory_space<vmem_shared>>
    tpu.wait_indirect_dma semaphore(%arg24 : memref<!tpu.dma_semaphore, #tpu.memory_space<semaphore_mem>>) src(%dma_wait3A_942 : memref<128x128xf32, #tpu.memory_space<vmem>>) dst(%dma_wait3A_948 : memref<2048x128xf32, #tpu.memory_space<vmem_shared>>)
    %dma_wait3A_949 = arith.constant 5 : i32
    %dma_wait3A_950 = arith.constant 128 : i32
    %dma_wait3A_951 = arith.constant 0 : i32
    %dma_wait3A_952 = tpu.memref_slice %arg14[%dma_wait3A_950, %dma_wait3A_951] : memref<256x128xf32, #tpu.memory_space<vmem>> -> memref<128x128xf32, #tpu.memory_space<vmem>>
    %dma_wait3A_953 = arith.constant 0 : i32
    %dma_wait3A_954 = tpu.memref_slice %arg12[%dma_wait3A_949, %dma_wait3A_953] : memref<10x128xi32, #tpu.memory_space<vmem>> -> memref<1x128xi32, #tpu.memory_space<vmem>>
    %dma_wait3A_955 = tpu.memref_squeeze %dma_wait3A_954 : memref<1x128xi32, #tpu.memory_space<vmem>> -> memref<128xi32, #tpu.memory_space<vmem>>
    %dma_wait3A_956 = arith.constant 0 : i32
    %dma_wait3A_957 = arith.constant 0 : i32
    %dma_wait3A_958 = tpu.memref_slice %arg17[%dma_wait3A_956, %dma_wait3A_957] : memref<2048x128xf32, #tpu.memory_space<vmem_shared>> -> memref<2048x128xf32, #tpu.memory_space<vmem_shared>>
    tpu.wait_indirect_dma semaphore(%arg24 : memref<!tpu.dma_semaphore, #tpu.memory_space<semaphore_mem>>) src(%dma_wait3A_952 : memref<128x128xf32, #tpu.memory_space<vmem>>) dst(%dma_wait3A_958 : memref<2048x128xf32, #tpu.memory_space<vmem_shared>>)
    %dma_start3A_959 = arith.constant 8 : i32
    %dma_start3A_960 = arith.constant 0 : i32
    %dma_start3A_961 = arith.constant 0 : i32
    %dma_start3A_962 = tpu.memref_slice %arg14[%dma_start3A_960, %dma_start3A_961] : memref<256x128xf32, #tpu.memory_space<vmem>> -> memref<128x128xf32, #tpu.memory_space<vmem>>
    %dma_start3A_963 = arith.constant 0 : i32
    %dma_start3A_964 = tpu.memref_slice %arg13[%dma_start3A_959, %dma_start3A_963] : memref<10x128xi32, #tpu.memory_space<vmem>> -> memref<1x128xi32, #tpu.memory_space<vmem>>
    %dma_start3A_965 = tpu.memref_squeeze %dma_start3A_964 : memref<1x128xi32, #tpu.memory_space<vmem>> -> memref<128xi32, #tpu.memory_space<vmem>>
    %dma_start3A_966 = arith.constant 0 : i32
    %dma_start3A_967 = arith.constant 0 : i32
    %dma_start3A_968 = tpu.memref_slice %arg2[%dma_start3A_966, %dma_start3A_967] : memref<20x128xf32, #tpu.memory_space<hbm>> -> memref<20x128xf32, #tpu.memory_space<hbm>>
    tpu.enqueue_indirect_dma source(%dma_start3A_968 : memref<20x128xf32, #tpu.memory_space<hbm>>) target(%dma_start3A_962 : memref<128x128xf32, #tpu.memory_space<vmem>>) offsets(%dma_start3A_965 : memref<128xi32, #tpu.memory_space<vmem>>) semaphore(%arg22 : memref<!tpu.dma_semaphore, #tpu.memory_space<semaphore_mem>>)
    %dma_start3A_969 = arith.constant 9 : i32
    %dma_start3A_970 = arith.constant 128 : i32
    %dma_start3A_971 = arith.constant 0 : i32
    %dma_start3A_972 = tpu.memref_slice %arg14[%dma_start3A_970, %dma_start3A_971] : memref<256x128xf32, #tpu.memory_space<vmem>> -> memref<128x128xf32, #tpu.memory_space<vmem>>
    %dma_start3A_973 = arith.constant 0 : i32
    %dma_start3A_974 = tpu.memref_slice %arg13[%dma_start3A_969, %dma_start3A_973] : memref<10x128xi32, #tpu.memory_space<vmem>> -> memref<1x128xi32, #tpu.memory_space<vmem>>
    %dma_start3A_975 = tpu.memref_squeeze %dma_start3A_974 : memref<1x128xi32, #tpu.memory_space<vmem>> -> memref<128xi32, #tpu.memory_space<vmem>>
    %dma_start3A_976 = arith.constant 0 : i32
    %dma_start3A_977 = arith.constant 0 : i32
    %dma_start3A_978 = tpu.memref_slice %arg2[%dma_start3A_976, %dma_start3A_977] : memref<20x128xf32, #tpu.memory_space<hbm>> -> memref<20x128xf32, #tpu.memory_space<hbm>>
    tpu.enqueue_indirect_dma source(%dma_start3A_978 : memref<20x128xf32, #tpu.memory_space<hbm>>) target(%dma_start3A_972 : memref<128x128xf32, #tpu.memory_space<vmem>>) offsets(%dma_start3A_975 : memref<128xi32, #tpu.memory_space<vmem>>) semaphore(%arg22 : memref<!tpu.dma_semaphore, #tpu.memory_space<semaphore_mem>>)
    %dma_start3A_979 = arith.constant 6 : i32
    %dma_start3A_980 = arith.constant 0 : i32
    %dma_start3A_981 = arith.constant 0 : i32
    %dma_start3A_982 = tpu.memref_slice %arg15[%dma_start3A_980, %dma_start3A_981] : memref<256x128xf32, #tpu.memory_space<vmem>> -> memref<128x128xf32, #tpu.memory_space<vmem>>
    %dma_start3A_983 = arith.constant 0 : i32
    %dma_start3A_984 = tpu.memref_slice %arg12[%dma_start3A_979, %dma_start3A_983] : memref<10x128xi32, #tpu.memory_space<vmem>> -> memref<1x128xi32, #tpu.memory_space<vmem>>
    %dma_start3A_985 = tpu.memref_squeeze %dma_start3A_984 : memref<1x128xi32, #tpu.memory_space<vmem>> -> memref<128xi32, #tpu.memory_space<vmem>>
    %dma_start3A_986 = arith.constant 0 : i32
    %dma_start3A_987 = arith.constant 0 : i32
    %dma_start3A_988 = tpu.memref_slice %arg17[%dma_start3A_986, %dma_start3A_987] : memref<2048x128xf32, #tpu.memory_space<vmem_shared>> -> memref<2048x128xf32, #tpu.memory_space<vmem_shared>>
    tpu.enqueue_indirect_dma source(%dma_start3A_982 : memref<128x128xf32, #tpu.memory_space<vmem>>) target(%dma_start3A_988 : memref<2048x128xf32, #tpu.memory_space<vmem_shared>>) offsets(%dma_start3A_985 : memref<128xi32, #tpu.memory_space<vmem>>) semaphore(%arg25 : memref<!tpu.dma_semaphore, #tpu.memory_space<semaphore_mem>>) {add = true}
    %dma_start3A_989 = arith.constant 7 : i32
    %dma_start3A_990 = arith.constant 128 : i32
    %dma_start3A_991 = arith.constant 0 : i32
    %dma_start3A_992 = tpu.memref_slice %arg15[%dma_start3A_990, %dma_start3A_991] : memref<256x128xf32, #tpu.memory_space<vmem>> -> memref<128x128xf32, #tpu.memory_space<vmem>>
    %dma_start3A_993 = arith.constant 0 : i32
    %dma_start3A_994 = tpu.memref_slice %arg12[%dma_start3A_989, %dma_start3A_993] : memref<10x128xi32, #tpu.memory_space<vmem>> -> memref<1x128xi32, #tpu.memory_space<vmem>>
    %dma_start3A_995 = tpu.memref_squeeze %dma_start3A_994 : memref<1x128xi32, #tpu.memory_space<vmem>> -> memref<128xi32, #tpu.memory_space<vmem>>
    %dma_start3A_996 = arith.constant 0 : i32
    %dma_start3A_997 = arith.constant 0 : i32
    %dma_start3A_998 = tpu.memref_slice %arg17[%dma_start3A_996, %dma_start3A_997] : memref<2048x128xf32, #tpu.memory_space<vmem_shared>> -> memref<2048x128xf32, #tpu.memory_space<vmem_shared>>
    tpu.enqueue_indirect_dma source(%dma_start3A_992 : memref<128x128xf32, #tpu.memory_space<vmem>>) target(%dma_start3A_998 : memref<2048x128xf32, #tpu.memory_space<vmem_shared>>) offsets(%dma_start3A_995 : memref<128xi32, #tpu.memory_space<vmem>>) semaphore(%arg25 : memref<!tpu.dma_semaphore, #tpu.memory_space<semaphore_mem>>) {add = true}
    %dma_wait3A_999 = arith.constant 8 : i32
    %dma_wait3A_1000 = arith.constant 0 : i32
    %dma_wait3A_1001 = arith.constant 0 : i32
    %dma_wait3A_1002 = tpu.memref_slice %arg14[%dma_wait3A_1000, %dma_wait3A_1001] : memref<256x128xf32, #tpu.memory_space<vmem>> -> memref<128x128xf32, #tpu.memory_space<vmem>>
    %dma_wait3A_1003 = arith.constant 0 : i32
    %dma_wait3A_1004 = tpu.memref_slice %arg13[%dma_wait3A_999, %dma_wait3A_1003] : memref<10x128xi32, #tpu.memory_space<vmem>> -> memref<1x128xi32, #tpu.memory_space<vmem>>
    %dma_wait3A_1005 = tpu.memref_squeeze %dma_wait3A_1004 : memref<1x128xi32, #tpu.memory_space<vmem>> -> memref<128xi32, #tpu.memory_space<vmem>>
    %dma_wait3A_1006 = arith.constant 0 : i32
    %dma_wait3A_1007 = arith.constant 0 : i32
    %dma_wait3A_1008 = tpu.memref_slice %arg2[%dma_wait3A_1006, %dma_wait3A_1007] : memref<20x128xf32, #tpu.memory_space<hbm>> -> memref<20x128xf32, #tpu.memory_space<hbm>>
    tpu.wait_indirect_dma semaphore(%arg22 : memref<!tpu.dma_semaphore, #tpu.memory_space<semaphore_mem>>) src(%dma_wait3A_1008 : memref<20x128xf32, #tpu.memory_space<hbm>>) dst(%dma_wait3A_1002 : memref<128x128xf32, #tpu.memory_space<vmem>>)
    %dma_wait3A_1009 = arith.constant 9 : i32
    %dma_wait3A_1010 = arith.constant 128 : i32
    %dma_wait3A_1011 = arith.constant 0 : i32
    %dma_wait3A_1012 = tpu.memref_slice %arg14[%dma_wait3A_1010, %dma_wait3A_1011] : memref<256x128xf32, #tpu.memory_space<vmem>> -> memref<128x128xf32, #tpu.memory_space<vmem>>
    %dma_wait3A_1013 = arith.constant 0 : i32
    %dma_wait3A_1014 = tpu.memref_slice %arg13[%dma_wait3A_1009, %dma_wait3A_1013] : memref<10x128xi32, #tpu.memory_space<vmem>> -> memref<1x128xi32, #tpu.memory_space<vmem>>
    %dma_wait3A_1015 = tpu.memref_squeeze %dma_wait3A_1014 : memref<1x128xi32, #tpu.memory_space<vmem>> -> memref<128xi32, #tpu.memory_space<vmem>>
    %dma_wait3A_1016 = arith.constant 0 : i32
    %dma_wait3A_1017 = arith.constant 0 : i32
    %dma_wait3A_1018 = tpu.memref_slice %arg2[%dma_wait3A_1016, %dma_wait3A_1017] : memref<20x128xf32, #tpu.memory_space<hbm>> -> memref<20x128xf32, #tpu.memory_space<hbm>>
    tpu.wait_indirect_dma semaphore(%arg22 : memref<!tpu.dma_semaphore, #tpu.memory_space<semaphore_mem>>) src(%dma_wait3A_1018 : memref<20x128xf32, #tpu.memory_space<hbm>>) dst(%dma_wait3A_1012 : memref<128x128xf32, #tpu.memory_space<vmem>>)
    %dma_start3A_1019 = arith.constant 8 : i32
    %dma_start3A_1020 = arith.constant 0 : i32
    %dma_start3A_1021 = arith.constant 0 : i32
    %dma_start3A_1022 = tpu.memref_slice %arg14[%dma_start3A_1020, %dma_start3A_1021] : memref<256x128xf32, #tpu.memory_space<vmem>> -> memref<128x128xf32, #tpu.memory_space<vmem>>
    %dma_start3A_1023 = arith.constant 0 : i32
    %dma_start3A_1024 = tpu.memref_slice %arg12[%dma_start3A_1019, %dma_start3A_1023] : memref<10x128xi32, #tpu.memory_space<vmem>> -> memref<1x128xi32, #tpu.memory_space<vmem>>
    %dma_start3A_1025 = tpu.memref_squeeze %dma_start3A_1024 : memref<1x128xi32, #tpu.memory_space<vmem>> -> memref<128xi32, #tpu.memory_space<vmem>>
    %dma_start3A_1026 = arith.constant 0 : i32
    %dma_start3A_1027 = arith.constant 0 : i32
    %dma_start3A_1028 = tpu.memref_slice %arg17[%dma_start3A_1026, %dma_start3A_1027] : memref<2048x128xf32, #tpu.memory_space<vmem_shared>> -> memref<2048x128xf32, #tpu.memory_space<vmem_shared>>
    tpu.enqueue_indirect_dma source(%dma_start3A_1022 : memref<128x128xf32, #tpu.memory_space<vmem>>) target(%dma_start3A_1028 : memref<2048x128xf32, #tpu.memory_space<vmem_shared>>) offsets(%dma_start3A_1025 : memref<128xi32, #tpu.memory_space<vmem>>) semaphore(%arg24 : memref<!tpu.dma_semaphore, #tpu.memory_space<semaphore_mem>>) {add = true}
    %dma_start3A_1029 = arith.constant 9 : i32
    %dma_start3A_1030 = arith.constant 128 : i32
    %dma_start3A_1031 = arith.constant 0 : i32
    %dma_start3A_1032 = tpu.memref_slice %arg14[%dma_start3A_1030, %dma_start3A_1031] : memref<256x128xf32, #tpu.memory_space<vmem>> -> memref<128x128xf32, #tpu.memory_space<vmem>>
    %dma_start3A_1033 = arith.constant 0 : i32
    %dma_start3A_1034 = tpu.memref_slice %arg12[%dma_start3A_1029, %dma_start3A_1033] : memref<10x128xi32, #tpu.memory_space<vmem>> -> memref<1x128xi32, #tpu.memory_space<vmem>>
    %dma_start3A_1035 = tpu.memref_squeeze %dma_start3A_1034 : memref<1x128xi32, #tpu.memory_space<vmem>> -> memref<128xi32, #tpu.memory_space<vmem>>
    %dma_start3A_1036 = arith.constant 0 : i32
    %dma_start3A_1037 = arith.constant 0 : i32
    %dma_start3A_1038 = tpu.memref_slice %arg17[%dma_start3A_1036, %dma_start3A_1037] : memref<2048x128xf32, #tpu.memory_space<vmem_shared>> -> memref<2048x128xf32, #tpu.memory_space<vmem_shared>>
    tpu.enqueue_indirect_dma source(%dma_start3A_1032 : memref<128x128xf32, #tpu.memory_space<vmem>>) target(%dma_start3A_1038 : memref<2048x128xf32, #tpu.memory_space<vmem_shared>>) offsets(%dma_start3A_1035 : memref<128xi32, #tpu.memory_space<vmem>>) semaphore(%arg24 : memref<!tpu.dma_semaphore, #tpu.memory_space<semaphore_mem>>) {add = true}
    %dma_wait3A_1039 = arith.constant 6 : i32
    %dma_wait3A_1040 = arith.constant 0 : i32
    %dma_wait3A_1041 = arith.constant 0 : i32
    %dma_wait3A_1042 = tpu.memref_slice %arg15[%dma_wait3A_1040, %dma_wait3A_1041] : memref<256x128xf32, #tpu.memory_space<vmem>> -> memref<128x128xf32, #tpu.memory_space<vmem>>
    %dma_wait3A_1043 = arith.constant 0 : i32
    %dma_wait3A_1044 = tpu.memref_slice %arg12[%dma_wait3A_1039, %dma_wait3A_1043] : memref<10x128xi32, #tpu.memory_space<vmem>> -> memref<1x128xi32, #tpu.memory_space<vmem>>
    %dma_wait3A_1045 = tpu.memref_squeeze %dma_wait3A_1044 : memref<1x128xi32, #tpu.memory_space<vmem>> -> memref<128xi32, #tpu.memory_space<vmem>>
    %dma_wait3A_1046 = arith.constant 0 : i32
    %dma_wait3A_1047 = arith.constant 0 : i32
    %dma_wait3A_1048 = tpu.memref_slice %arg17[%dma_wait3A_1046, %dma_wait3A_1047] : memref<2048x128xf32, #tpu.memory_space<vmem_shared>> -> memref<2048x128xf32, #tpu.memory_space<vmem_shared>>
    tpu.wait_indirect_dma semaphore(%arg25 : memref<!tpu.dma_semaphore, #tpu.memory_space<semaphore_mem>>) src(%dma_wait3A_1042 : memref<128x128xf32, #tpu.memory_space<vmem>>) dst(%dma_wait3A_1048 : memref<2048x128xf32, #tpu.memory_space<vmem_shared>>)
    %dma_wait3A_1049 = arith.constant 7 : i32
    %dma_wait3A_1050 = arith.constant 128 : i32
    %dma_wait3A_1051 = arith.constant 0 : i32
    %dma_wait3A_1052 = tpu.memref_slice %arg15[%dma_wait3A_1050, %dma_wait3A_1051] : memref<256x128xf32, #tpu.memory_space<vmem>> -> memref<128x128xf32, #tpu.memory_space<vmem>>
    %dma_wait3A_1053 = arith.constant 0 : i32
    %dma_wait3A_1054 = tpu.memref_slice %arg12[%dma_wait3A_1049, %dma_wait3A_1053] : memref<10x128xi32, #tpu.memory_space<vmem>> -> memref<1x128xi32, #tpu.memory_space<vmem>>
    %dma_wait3A_1055 = tpu.memref_squeeze %dma_wait3A_1054 : memref<1x128xi32, #tpu.memory_space<vmem>> -> memref<128xi32, #tpu.memory_space<vmem>>
    %dma_wait3A_1056 = arith.constant 0 : i32
    %dma_wait3A_1057 = arith.constant 0 : i32
    %dma_wait3A_1058 = tpu.memref_slice %arg17[%dma_wait3A_1056, %dma_wait3A_1057] : memref<2048x128xf32, #tpu.memory_space<vmem_shared>> -> memref<2048x128xf32, #tpu.memory_space<vmem_shared>>
    tpu.wait_indirect_dma semaphore(%arg25 : memref<!tpu.dma_semaphore, #tpu.memory_space<semaphore_mem>>) src(%dma_wait3A_1052 : memref<128x128xf32, #tpu.memory_space<vmem>>) dst(%dma_wait3A_1058 : memref<2048x128xf32, #tpu.memory_space<vmem_shared>>)
    %dma_wait3A_1059 = arith.constant 8 : i32
    %dma_wait3A_1060 = arith.constant 0 : i32
    %dma_wait3A_1061 = arith.constant 0 : i32
    %dma_wait3A_1062 = tpu.memref_slice %arg14[%dma_wait3A_1060, %dma_wait3A_1061] : memref<256x128xf32, #tpu.memory_space<vmem>> -> memref<128x128xf32, #tpu.memory_space<vmem>>
    %dma_wait3A_1063 = arith.constant 0 : i32
    %dma_wait3A_1064 = tpu.memref_slice %arg12[%dma_wait3A_1059, %dma_wait3A_1063] : memref<10x128xi32, #tpu.memory_space<vmem>> -> memref<1x128xi32, #tpu.memory_space<vmem>>
    %dma_wait3A_1065 = tpu.memref_squeeze %dma_wait3A_1064 : memref<1x128xi32, #tpu.memory_space<vmem>> -> memref<128xi32, #tpu.memory_space<vmem>>
    %dma_wait3A_1066 = arith.constant 0 : i32
    %dma_wait3A_1067 = arith.constant 0 : i32
    %dma_wait3A_1068 = tpu.memref_slice %arg17[%dma_wait3A_1066, %dma_wait3A_1067] : memref<2048x128xf32, #tpu.memory_space<vmem_shared>> -> memref<2048x128xf32, #tpu.memory_space<vmem_shared>>
    tpu.wait_indirect_dma semaphore(%arg24 : memref<!tpu.dma_semaphore, #tpu.memory_space<semaphore_mem>>) src(%dma_wait3A_1062 : memref<128x128xf32, #tpu.memory_space<vmem>>) dst(%dma_wait3A_1068 : memref<2048x128xf32, #tpu.memory_space<vmem_shared>>)
    %dma_wait3A_1069 = arith.constant 9 : i32
    %dma_wait3A_1070 = arith.constant 128 : i32
    %dma_wait3A_1071 = arith.constant 0 : i32
    %dma_wait3A_1072 = tpu.memref_slice %arg14[%dma_wait3A_1070, %dma_wait3A_1071] : memref<256x128xf32, #tpu.memory_space<vmem>> -> memref<128x128xf32, #tpu.memory_space<vmem>>
    %dma_wait3A_1073 = arith.constant 0 : i32
    %dma_wait3A_1074 = tpu.memref_slice %arg12[%dma_wait3A_1069, %dma_wait3A_1073] : memref<10x128xi32, #tpu.memory_space<vmem>> -> memref<1x128xi32, #tpu.memory_space<vmem>>
    %dma_wait3A_1075 = tpu.memref_squeeze %dma_wait3A_1074 : memref<1x128xi32, #tpu.memory_space<vmem>> -> memref<128xi32, #tpu.memory_space<vmem>>
    %dma_wait3A_1076 = arith.constant 0 : i32
    %dma_wait3A_1077 = arith.constant 0 : i32
    %dma_wait3A_1078 = tpu.memref_slice %arg17[%dma_wait3A_1076, %dma_wait3A_1077] : memref<2048x128xf32, #tpu.memory_space<vmem_shared>> -> memref<2048x128xf32, #tpu.memory_space<vmem_shared>>
    tpu.wait_indirect_dma semaphore(%arg24 : memref<!tpu.dma_semaphore, #tpu.memory_space<semaphore_mem>>) src(%dma_wait3A_1072 : memref<128x128xf32, #tpu.memory_space<vmem>>) dst(%dma_wait3A_1078 : memref<2048x128xf32, #tpu.memory_space<vmem_shared>>)
    %dma_wait3A_1079 = arith.constant 0 : i32
    %dma_wait3A_1080 = arith.constant 0 : i32
    %dma_wait3A_1081 = tpu.memref_slice %arg12[%dma_wait3A_1079, %dma_wait3A_1080] : memref<10x128xi32, #tpu.memory_space<vmem>> -> memref<1x128xi32, #tpu.memory_space<vmem>>
    %dma_wait3A_1082 = tpu.memref_squeeze %dma_wait3A_1081 : memref<1x128xi32, #tpu.memory_space<vmem>> -> memref<128xi32, #tpu.memory_space<vmem>>
    %dma_wait3A_1083 = arith.constant 0 : i32
    %dma_wait3A_1084 = arith.constant 0 : i32
    %dma_wait3A_1085 = tpu.memref_slice %arg18[%dma_wait3A_1083, %dma_wait3A_1084] : memref<2048x128xf32, #tpu.memory_space<vmem_shared>> -> memref<2048x128xf32, #tpu.memory_space<vmem_shared>>
    tpu.wait_indirect_dma semaphore(%arg21 : memref<!tpu.dma_semaphore, #tpu.memory_space<semaphore_mem>>) src(%arg16 : memref<128x128xf32, #tpu.memory_space<vmem>>) dst(%dma_wait3A_1085 : memref<2048x128xf32, #tpu.memory_space<vmem_shared>>)
    %dma_wait3A_1086 = arith.constant 1 : i32
    %dma_wait3A_1087 = arith.constant 0 : i32
    %dma_wait3A_1088 = tpu.memref_slice %arg12[%dma_wait3A_1086, %dma_wait3A_1087] : memref<10x128xi32, #tpu.memory_space<vmem>> -> memref<1x128xi32, #tpu.memory_space<vmem>>
    %dma_wait3A_1089 = tpu.memref_squeeze %dma_wait3A_1088 : memref<1x128xi32, #tpu.memory_space<vmem>> -> memref<128xi32, #tpu.memory_space<vmem>>
    %dma_wait3A_1090 = arith.constant 0 : i32
    %dma_wait3A_1091 = arith.constant 0 : i32
    %dma_wait3A_1092 = tpu.memref_slice %arg18[%dma_wait3A_1090, %dma_wait3A_1091] : memref<2048x128xf32, #tpu.memory_space<vmem_shared>> -> memref<2048x128xf32, #tpu.memory_space<vmem_shared>>
    tpu.wait_indirect_dma semaphore(%arg21 : memref<!tpu.dma_semaphore, #tpu.memory_space<semaphore_mem>>) src(%arg16 : memref<128x128xf32, #tpu.memory_space<vmem>>) dst(%dma_wait3A_1092 : memref<2048x128xf32, #tpu.memory_space<vmem_shared>>)
    %dma_wait3A_1093 = arith.constant 2 : i32
    %dma_wait3A_1094 = arith.constant 0 : i32
    %dma_wait3A_1095 = tpu.memref_slice %arg12[%dma_wait3A_1093, %dma_wait3A_1094] : memref<10x128xi32, #tpu.memory_space<vmem>> -> memref<1x128xi32, #tpu.memory_space<vmem>>
    %dma_wait3A_1096 = tpu.memref_squeeze %dma_wait3A_1095 : memref<1x128xi32, #tpu.memory_space<vmem>> -> memref<128xi32, #tpu.memory_space<vmem>>
    %dma_wait3A_1097 = arith.constant 0 : i32
    %dma_wait3A_1098 = arith.constant 0 : i32
    %dma_wait3A_1099 = tpu.memref_slice %arg18[%dma_wait3A_1097, %dma_wait3A_1098] : memref<2048x128xf32, #tpu.memory_space<vmem_shared>> -> memref<2048x128xf32, #tpu.memory_space<vmem_shared>>
    tpu.wait_indirect_dma semaphore(%arg21 : memref<!tpu.dma_semaphore, #tpu.memory_space<semaphore_mem>>) src(%arg16 : memref<128x128xf32, #tpu.memory_space<vmem>>) dst(%dma_wait3A_1099 : memref<2048x128xf32, #tpu.memory_space<vmem_shared>>)
    %dma_wait3A_1100 = arith.constant 3 : i32
    %dma_wait3A_1101 = arith.constant 0 : i32
    %dma_wait3A_1102 = tpu.memref_slice %arg12[%dma_wait3A_1100, %dma_wait3A_1101] : memref<10x128xi32, #tpu.memory_space<vmem>> -> memref<1x128xi32, #tpu.memory_space<vmem>>
    %dma_wait3A_1103 = tpu.memref_squeeze %dma_wait3A_1102 : memref<1x128xi32, #tpu.memory_space<vmem>> -> memref<128xi32, #tpu.memory_space<vmem>>
    %dma_wait3A_1104 = arith.constant 0 : i32
    %dma_wait3A_1105 = arith.constant 0 : i32
    %dma_wait3A_1106 = tpu.memref_slice %arg18[%dma_wait3A_1104, %dma_wait3A_1105] : memref<2048x128xf32, #tpu.memory_space<vmem_shared>> -> memref<2048x128xf32, #tpu.memory_space<vmem_shared>>
    tpu.wait_indirect_dma semaphore(%arg21 : memref<!tpu.dma_semaphore, #tpu.memory_space<semaphore_mem>>) src(%arg16 : memref<128x128xf32, #tpu.memory_space<vmem>>) dst(%dma_wait3A_1106 : memref<2048x128xf32, #tpu.memory_space<vmem_shared>>)
    %dma_wait3A_1107 = arith.constant 4 : i32
    %dma_wait3A_1108 = arith.constant 0 : i32
    %dma_wait3A_1109 = tpu.memref_slice %arg12[%dma_wait3A_1107, %dma_wait3A_1108] : memref<10x128xi32, #tpu.memory_space<vmem>> -> memref<1x128xi32, #tpu.memory_space<vmem>>
    %dma_wait3A_1110 = tpu.memref_squeeze %dma_wait3A_1109 : memref<1x128xi32, #tpu.memory_space<vmem>> -> memref<128xi32, #tpu.memory_space<vmem>>
    %dma_wait3A_1111 = arith.constant 0 : i32
    %dma_wait3A_1112 = arith.constant 0 : i32
    %dma_wait3A_1113 = tpu.memref_slice %arg18[%dma_wait3A_1111, %dma_wait3A_1112] : memref<2048x128xf32, #tpu.memory_space<vmem_shared>> -> memref<2048x128xf32, #tpu.memory_space<vmem_shared>>
    tpu.wait_indirect_dma semaphore(%arg21 : memref<!tpu.dma_semaphore, #tpu.memory_space<semaphore_mem>>) src(%arg16 : memref<128x128xf32, #tpu.memory_space<vmem>>) dst(%dma_wait3A_1113 : memref<2048x128xf32, #tpu.memory_space<vmem_shared>>)
    %dma_wait3A_1114 = arith.constant 5 : i32
    %dma_wait3A_1115 = arith.constant 0 : i32
    %dma_wait3A_1116 = tpu.memref_slice %arg12[%dma_wait3A_1114, %dma_wait3A_1115] : memref<10x128xi32, #tpu.memory_space<vmem>> -> memref<1x128xi32, #tpu.memory_space<vmem>>
    %dma_wait3A_1117 = tpu.memref_squeeze %dma_wait3A_1116 : memref<1x128xi32, #tpu.memory_space<vmem>> -> memref<128xi32, #tpu.memory_space<vmem>>
    %dma_wait3A_1118 = arith.constant 0 : i32
    %dma_wait3A_1119 = arith.constant 0 : i32
    %dma_wait3A_1120 = tpu.memref_slice %arg18[%dma_wait3A_1118, %dma_wait3A_1119] : memref<2048x128xf32, #tpu.memory_space<vmem_shared>> -> memref<2048x128xf32, #tpu.memory_space<vmem_shared>>
    tpu.wait_indirect_dma semaphore(%arg21 : memref<!tpu.dma_semaphore, #tpu.memory_space<semaphore_mem>>) src(%arg16 : memref<128x128xf32, #tpu.memory_space<vmem>>) dst(%dma_wait3A_1120 : memref<2048x128xf32, #tpu.memory_space<vmem_shared>>)
    %dma_wait3A_1121 = arith.constant 6 : i32
    %dma_wait3A_1122 = arith.constant 0 : i32
    %dma_wait3A_1123 = tpu.memref_slice %arg12[%dma_wait3A_1121, %dma_wait3A_1122] : memref<10x128xi32, #tpu.memory_space<vmem>> -> memref<1x128xi32, #tpu.memory_space<vmem>>
    %dma_wait3A_1124 = tpu.memref_squeeze %dma_wait3A_1123 : memref<1x128xi32, #tpu.memory_space<vmem>> -> memref<128xi32, #tpu.memory_space<vmem>>
    %dma_wait3A_1125 = arith.constant 0 : i32
    %dma_wait3A_1126 = arith.constant 0 : i32
    %dma_wait3A_1127 = tpu.memref_slice %arg18[%dma_wait3A_1125, %dma_wait3A_1126] : memref<2048x128xf32, #tpu.memory_space<vmem_shared>> -> memref<2048x128xf32, #tpu.memory_space<vmem_shared>>
    tpu.wait_indirect_dma semaphore(%arg21 : memref<!tpu.dma_semaphore, #tpu.memory_space<semaphore_mem>>) src(%arg16 : memref<128x128xf32, #tpu.memory_space<vmem>>) dst(%dma_wait3A_1127 : memref<2048x128xf32, #tpu.memory_space<vmem_shared>>)
    %dma_wait3A_1128 = arith.constant 7 : i32
    %dma_wait3A_1129 = arith.constant 0 : i32
    %dma_wait3A_1130 = tpu.memref_slice %arg12[%dma_wait3A_1128, %dma_wait3A_1129] : memref<10x128xi32, #tpu.memory_space<vmem>> -> memref<1x128xi32, #tpu.memory_space<vmem>>
    %dma_wait3A_1131 = tpu.memref_squeeze %dma_wait3A_1130 : memref<1x128xi32, #tpu.memory_space<vmem>> -> memref<128xi32, #tpu.memory_space<vmem>>
    %dma_wait3A_1132 = arith.constant 0 : i32
    %dma_wait3A_1133 = arith.constant 0 : i32
    %dma_wait3A_1134 = tpu.memref_slice %arg18[%dma_wait3A_1132, %dma_wait3A_1133] : memref<2048x128xf32, #tpu.memory_space<vmem_shared>> -> memref<2048x128xf32, #tpu.memory_space<vmem_shared>>
    tpu.wait_indirect_dma semaphore(%arg21 : memref<!tpu.dma_semaphore, #tpu.memory_space<semaphore_mem>>) src(%arg16 : memref<128x128xf32, #tpu.memory_space<vmem>>) dst(%dma_wait3A_1134 : memref<2048x128xf32, #tpu.memory_space<vmem_shared>>)
    %dma_wait3A_1135 = arith.constant 8 : i32
    %dma_wait3A_1136 = arith.constant 0 : i32
    %dma_wait3A_1137 = tpu.memref_slice %arg12[%dma_wait3A_1135, %dma_wait3A_1136] : memref<10x128xi32, #tpu.memory_space<vmem>> -> memref<1x128xi32, #tpu.memory_space<vmem>>
    %dma_wait3A_1138 = tpu.memref_squeeze %dma_wait3A_1137 : memref<1x128xi32, #tpu.memory_space<vmem>> -> memref<128xi32, #tpu.memory_space<vmem>>
    %dma_wait3A_1139 = arith.constant 0 : i32
    %dma_wait3A_1140 = arith.constant 0 : i32
    %dma_wait3A_1141 = tpu.memref_slice %arg18[%dma_wait3A_1139, %dma_wait3A_1140] : memref<2048x128xf32, #tpu.memory_space<vmem_shared>> -> memref<2048x128xf32, #tpu.memory_space<vmem_shared>>
    tpu.wait_indirect_dma semaphore(%arg21 : memref<!tpu.dma_semaphore, #tpu.memory_space<semaphore_mem>>) src(%arg16 : memref<128x128xf32, #tpu.memory_space<vmem>>) dst(%dma_wait3A_1141 : memref<2048x128xf32, #tpu.memory_space<vmem_shared>>)
    %dma_wait3A_1142 = arith.constant 9 : i32
    %dma_wait3A_1143 = arith.constant 0 : i32
    %dma_wait3A_1144 = tpu.memref_slice %arg12[%dma_wait3A_1142, %dma_wait3A_1143] : memref<10x128xi32, #tpu.memory_space<vmem>> -> memref<1x128xi32, #tpu.memory_space<vmem>>
    %dma_wait3A_1145 = tpu.memref_squeeze %dma_wait3A_1144 : memref<1x128xi32, #tpu.memory_space<vmem>> -> memref<128xi32, #tpu.memory_space<vmem>>
    %dma_wait3A_1146 = arith.constant 0 : i32
    %dma_wait3A_1147 = arith.constant 0 : i32
    %dma_wait3A_1148 = tpu.memref_slice %arg18[%dma_wait3A_1146, %dma_wait3A_1147] : memref<2048x128xf32, #tpu.memory_space<vmem_shared>> -> memref<2048x128xf32, #tpu.memory_space<vmem_shared>>
    tpu.wait_indirect_dma semaphore(%arg21 : memref<!tpu.dma_semaphore, #tpu.memory_space<semaphore_mem>>) src(%arg16 : memref<128x128xf32, #tpu.memory_space<vmem>>) dst(%dma_wait3A_1148 : memref<2048x128xf32, #tpu.memory_space<vmem_shared>>)
    %barrier3A_1149 = arith.constant 0 : index
    tpu.barrier barrier_id(%barrier3A_1149)
    %mul3A_1150 = arith.constant 128 : i32
    %mul3A_1151 = arith.muli %arg1, %mul3A_1150 : i32
    %mul3A_1152 = arith.constant 128 : i32
    %mul3A_1153 = arith.muli %arg1, %mul3A_1152 : i32
    "tpu.region"() ({
      %run_scoped3A = tpu.sem_alloc : memref<!tpu.dma_semaphore, #tpu.memory_space<semaphore_mem>>
      %dma_start3A_1158 = arith.constant 0 : i32
      %dma_start3A_1159 = tpu.memref_slice %arg9[%arg0, %mul3A_1153, %dma_start3A_1158] : memref<2x2048x128xf32, #tpu.memory_space<hbm>> -> memref<1x128x128xf32, #tpu.memory_space<hbm>>
      %dma_start3A_1160 = tpu.memref_squeeze %dma_start3A_1159 : memref<1x128x128xf32, #tpu.memory_space<hbm>> -> memref<128x128xf32, #tpu.memory_space<hbm>>
      %dma_start3A_1161 = arith.constant 0 : i32
      %dma_start3A_1162 = tpu.memref_slice %arg17[%mul3A_1151, %dma_start3A_1161] : memref<2048x128xf32, #tpu.memory_space<vmem_shared>> -> memref<128x128xf32, #tpu.memory_space<vmem_shared>>
      tpu.enqueue_dma source(%dma_start3A_1162 : memref<128x128xf32, #tpu.memory_space<vmem_shared>>) target(%dma_start3A_1160 : memref<128x128xf32, #tpu.memory_space<hbm>>) target_semaphore(%run_scoped3A : memref<!tpu.dma_semaphore, #tpu.memory_space<semaphore_mem>>)
      %dma_wait3A_1163 = arith.constant 0 : i32
      %dma_wait3A_1164 = tpu.memref_slice %arg9[%arg0, %mul3A_1153, %dma_wait3A_1163] : memref<2x2048x128xf32, #tpu.memory_space<hbm>> -> memref<1x128x128xf32, #tpu.memory_space<hbm>>
      %dma_wait3A_1165 = tpu.memref_squeeze %dma_wait3A_1164 : memref<1x128x128xf32, #tpu.memory_space<hbm>> -> memref<128x128xf32, #tpu.memory_space<hbm>>
      %dma_wait3A_1166 = arith.constant 0 : i32
      %dma_wait3A_1167 = tpu.memref_slice %arg17[%mul3A_1151, %dma_wait3A_1166] : memref<2048x128xf32, #tpu.memory_space<vmem_shared>> -> memref<128x128xf32, #tpu.memory_space<vmem_shared>>
      tpu.wait_dma2 semaphore(%run_scoped3A : memref<!tpu.dma_semaphore, #tpu.memory_space<semaphore_mem>>) src(%dma_wait3A_1167 : memref<128x128xf32, #tpu.memory_space<vmem_shared>>) dst(%dma_wait3A_1165 : memref<128x128xf32, #tpu.memory_space<hbm>>)
      tpu.yield
    }) : () -> ()
    %mul3A_1154 = arith.constant 128 : i32
    %mul3A_1155 = arith.muli %arg1, %mul3A_1154 : i32
    %mul3A_1156 = arith.constant 128 : i32
    %mul3A_1157 = arith.muli %arg1, %mul3A_1156 : i32
    "tpu.region"() ({
      %run_scoped3A = tpu.sem_alloc : memref<!tpu.dma_semaphore, #tpu.memory_space<semaphore_mem>>
      %dma_start3A_1158 = arith.constant 0 : i32
      %dma_start3A_1159 = tpu.memref_slice %arg10[%arg0, %mul3A_1157, %dma_start3A_1158] : memref<2x2048x128xf32, #tpu.memory_space<hbm>> -> memref<1x128x128xf32, #tpu.memory_space<hbm>>
      %dma_start3A_1160 = tpu.memref_squeeze %dma_start3A_1159 : memref<1x128x128xf32, #tpu.memory_space<hbm>> -> memref<128x128xf32, #tpu.memory_space<hbm>>
      %dma_start3A_1161 = arith.constant 0 : i32
      %dma_start3A_1162 = tpu.memref_slice %arg18[%mul3A_1155, %dma_start3A_1161] : memref<2048x128xf32, #tpu.memory_space<vmem_shared>> -> memref<128x128xf32, #tpu.memory_space<vmem_shared>>
      tpu.enqueue_dma source(%dma_start3A_1162 : memref<128x128xf32, #tpu.memory_space<vmem_shared>>) target(%dma_start3A_1160 : memref<128x128xf32, #tpu.memory_space<hbm>>) target_semaphore(%run_scoped3A : memref<!tpu.dma_semaphore, #tpu.memory_space<semaphore_mem>>)
      %dma_wait3A_1163 = arith.constant 0 : i32
      %dma_wait3A_1164 = tpu.memref_slice %arg10[%arg0, %mul3A_1157, %dma_wait3A_1163] : memref<2x2048x128xf32, #tpu.memory_space<hbm>> -> memref<1x128x128xf32, #tpu.memory_space<hbm>>
      %dma_wait3A_1165 = tpu.memref_squeeze %dma_wait3A_1164 : memref<1x128x128xf32, #tpu.memory_space<hbm>> -> memref<128x128xf32, #tpu.memory_space<hbm>>
      %dma_wait3A_1166 = arith.constant 0 : i32
      %dma_wait3A_1167 = tpu.memref_slice %arg18[%mul3A_1155, %dma_wait3A_1166] : memref<2048x128xf32, #tpu.memory_space<vmem_shared>> -> memref<128x128xf32, #tpu.memory_space<vmem_shared>>
      tpu.wait_dma2 semaphore(%run_scoped3A : memref<!tpu.dma_semaphore, #tpu.memory_space<semaphore_mem>>) src(%dma_wait3A_1167 : memref<128x128xf32, #tpu.memory_space<vmem_shared>>) dst(%dma_wait3A_1165 : memref<128x128xf32, #tpu.memory_space<hbm>>)
      tpu.yield
    }) : () -> ()
    return
  }
}

#map = affine_map<(d0, d1) -> (0, 0)>
#map1 = affine_map<(d0, d1) -> (0)>
#map2 = affine_map<(d0, d1) -> (0, 0, 0)>
module attributes {stable_mosaic.version = 14 : i64} {
  func.func @_edge_body(%arg0: i32, %arg1: i32, %arg2: memref<10000x128xf32, #tpu.memory_space<hbm>>, %arg3: memref<320000x128xf32, #tpu.memory_space<hbm>>, %arg4: memref<320000xi32, #tpu.memory_space<hbm>>, %arg5: memref<320000xi32, #tpu.memory_space<hbm>>, %arg6: memref<10240x128xf32, #tpu.memory_space<hbm>>, %arg7: memref<2x10240x128xf32, #tpu.memory_space<hbm>>, %arg8: memref<80xi32, #tpu.memory_space<vmem>>, %arg9: memref<80xi32, #tpu.memory_space<vmem>>, %arg10: memref<80xi32, #tpu.memory_space<vmem>>, %arg11: memref<80xi32, #tpu.memory_space<vmem>>, %arg12: memref<80x128xf32, #tpu.memory_space<vmem>>, %arg13: memref<80x128xf32, #tpu.memory_space<vmem>>, %arg14: memref<80x128xf32, #tpu.memory_space<vmem>>, %arg15: memref<80x128xf32, #tpu.memory_space<vmem>>, %arg16: memref<10240x128xf32, #tpu.memory_space<vmem_shared>>, %arg17: memref<!tpu.dma_semaphore, #tpu.memory_space<semaphore_mem>>, %arg18: memref<!tpu.dma_semaphore, #tpu.memory_space<semaphore_mem>>, %arg19: memref<!tpu.dma_semaphore, #tpu.memory_space<semaphore_mem>>, %arg20: memref<!tpu.dma_semaphore, #tpu.memory_space<semaphore_mem>>, %arg21: memref<!tpu.dma_semaphore, #tpu.memory_space<semaphore_mem>>) attributes {dimension_semantics = [#tpu.dimension_semantics<core_parallel>, #tpu.dimension_semantics<subcore_parallel>], iteration_bounds = array<i64: 2, 16>, scalar_prefetch = 0 : i64, scratch_operands = 14 : i64, tpu.core_type = #tpu.core_type<sc_vector_subcore>, window_params = [{transform_indices = #map}, {transform_indices = #map}, {transform_indices = #map1}, {transform_indices = #map1}, {transform_indices = #map}, {transform_indices = #map2}]} {
    %mul3A = arith.constant 16 : i32
    %mul3A_0 = arith.muli %arg0, %mul3A : i32
    %add3A = arith.addi %mul3A_0, %arg1 : i32
    %mul3A_1 = arith.constant 640 : i32
    %mul3A_2 = arith.muli %arg1, %mul3A_1 : i32
    %mul3A_3 = arith.constant 640 : i32
    %mul3A_4 = arith.muli %arg1, %mul3A_3 : i32
    "tpu.region"() ({
      %run_scoped3A = tpu.sem_alloc : memref<!tpu.dma_semaphore, #tpu.memory_space<semaphore_mem>>
      %dma_start3A_54 = arith.constant 0 : i32
      %dma_start3A_55 = tpu.memref_slice %arg16[%mul3A_4, %dma_start3A_54] : memref<10240x128xf32, #tpu.memory_space<vmem_shared>> -> memref<640x128xf32, #tpu.memory_space<vmem_shared>>
      %dma_start3A_56 = arith.constant 0 : i32
      %dma_start3A_57 = tpu.memref_slice %arg6[%mul3A_2, %dma_start3A_56] : memref<10240x128xf32, #tpu.memory_space<hbm>> -> memref<640x128xf32, #tpu.memory_space<hbm>>
      tpu.enqueue_dma source(%dma_start3A_57 : memref<640x128xf32, #tpu.memory_space<hbm>>) target(%dma_start3A_55 : memref<640x128xf32, #tpu.memory_space<vmem_shared>>) target_semaphore(%run_scoped3A : memref<!tpu.dma_semaphore, #tpu.memory_space<semaphore_mem>>)
      %dma_wait3A_58 = arith.constant 0 : i32
      %dma_wait3A_59 = tpu.memref_slice %arg16[%mul3A_4, %dma_wait3A_58] : memref<10240x128xf32, #tpu.memory_space<vmem_shared>> -> memref<640x128xf32, #tpu.memory_space<vmem_shared>>
      %dma_wait3A_60 = arith.constant 0 : i32
      %dma_wait3A_61 = tpu.memref_slice %arg6[%mul3A_2, %dma_wait3A_60] : memref<10240x128xf32, #tpu.memory_space<hbm>> -> memref<640x128xf32, #tpu.memory_space<hbm>>
      tpu.wait_dma2 semaphore(%run_scoped3A : memref<!tpu.dma_semaphore, #tpu.memory_space<semaphore_mem>>) src(%dma_wait3A_61 : memref<640x128xf32, #tpu.memory_space<hbm>>) dst(%dma_wait3A_59 : memref<640x128xf32, #tpu.memory_space<vmem_shared>>)
      tpu.yield
    }) : () -> ()
    %barrier3A = arith.constant 0 : index
    tpu.barrier barrier_id(%barrier3A)
    %mul3A_5 = arith.constant 10000 : i32
    %mul3A_6 = arith.muli %add3A, %mul3A_5 : i32
    %add3A_7 = arith.constant 0 : i32
    %add3A_8 = arith.addi %mul3A_6, %add3A_7 : i32
    %dma_start3A = tpu.memref_slice %arg4[%add3A_8] : memref<320000xi32, #tpu.memory_space<hbm>> -> memref<80xi32, #tpu.memory_space<hbm>>
    %dma_start3A_9 = tpu.memref_slice %arg4[%add3A_8] : memref<320000xi32, #tpu.memory_space<hbm>> -> memref<80xi32, #tpu.memory_space<hbm>>
    tpu.enqueue_dma source(%dma_start3A_9 : memref<80xi32, #tpu.memory_space<hbm>>) target(%arg8 : memref<80xi32, #tpu.memory_space<vmem>>) target_semaphore(%arg19 : memref<!tpu.dma_semaphore, #tpu.memory_space<semaphore_mem>>)
    %add3A_10 = arith.constant 0 : i32
    %add3A_11 = arith.addi %mul3A_6, %add3A_10 : i32
    %dma_start3A_12 = tpu.memref_slice %arg5[%add3A_11] : memref<320000xi32, #tpu.memory_space<hbm>> -> memref<80xi32, #tpu.memory_space<hbm>>
    %dma_start3A_13 = tpu.memref_slice %arg5[%add3A_11] : memref<320000xi32, #tpu.memory_space<hbm>> -> memref<80xi32, #tpu.memory_space<hbm>>
    tpu.enqueue_dma source(%dma_start3A_13 : memref<80xi32, #tpu.memory_space<hbm>>) target(%arg9 : memref<80xi32, #tpu.memory_space<vmem>>) target_semaphore(%arg19 : memref<!tpu.dma_semaphore, #tpu.memory_space<semaphore_mem>>)
    %dma_wait3A = tpu.memref_slice %arg4[%add3A_8] : memref<320000xi32, #tpu.memory_space<hbm>> -> memref<80xi32, #tpu.memory_space<hbm>>
    %dma_wait3A_14 = tpu.memref_slice %arg4[%add3A_8] : memref<320000xi32, #tpu.memory_space<hbm>> -> memref<80xi32, #tpu.memory_space<hbm>>
    tpu.wait_dma2 semaphore(%arg19 : memref<!tpu.dma_semaphore, #tpu.memory_space<semaphore_mem>>) src(%dma_wait3A_14 : memref<80xi32, #tpu.memory_space<hbm>>) dst(%arg8 : memref<80xi32, #tpu.memory_space<vmem>>)
    %dma_wait3A_15 = tpu.memref_slice %arg5[%add3A_11] : memref<320000xi32, #tpu.memory_space<hbm>> -> memref<80xi32, #tpu.memory_space<hbm>>
    %dma_wait3A_16 = tpu.memref_slice %arg5[%add3A_11] : memref<320000xi32, #tpu.memory_space<hbm>> -> memref<80xi32, #tpu.memory_space<hbm>>
    tpu.wait_dma2 semaphore(%arg19 : memref<!tpu.dma_semaphore, #tpu.memory_space<semaphore_mem>>) src(%dma_wait3A_16 : memref<80xi32, #tpu.memory_space<hbm>>) dst(%arg9 : memref<80xi32, #tpu.memory_space<vmem>>)
    %dma_start3A_17 = arith.constant 0 : i32
    %dma_start3A_18 = arith.constant 0 : i32
    %dma_start3A_19 = tpu.memref_slice %arg2[%dma_start3A_17, %dma_start3A_18] : memref<10000x128xf32, #tpu.memory_space<hbm>> -> memref<10000x128xf32, #tpu.memory_space<hbm>>
    tpu.enqueue_indirect_dma source(%dma_start3A_19 : memref<10000x128xf32, #tpu.memory_space<hbm>>) target(%arg12 : memref<80x128xf32, #tpu.memory_space<vmem>>) offsets(%arg8 : memref<80xi32, #tpu.memory_space<vmem>>) semaphore(%arg17 : memref<!tpu.dma_semaphore, #tpu.memory_space<semaphore_mem>>)
    %add3A_20 = arith.constant 0 : i32
    %add3A_21 = arith.addi %mul3A_6, %add3A_20 : i32
    %dma_start3A_22 = arith.constant 0 : i32
    %dma_start3A_23 = tpu.memref_slice %arg3[%add3A_21, %dma_start3A_22] : memref<320000x128xf32, #tpu.memory_space<hbm>> -> memref<80x128xf32, #tpu.memory_space<hbm>>
    %dma_start3A_24 = arith.constant 0 : i32
    %dma_start3A_25 = tpu.memref_slice %arg3[%add3A_21, %dma_start3A_24] : memref<320000x128xf32, #tpu.memory_space<hbm>> -> memref<80x128xf32, #tpu.memory_space<hbm>>
    tpu.enqueue_dma source(%dma_start3A_25 : memref<80x128xf32, #tpu.memory_space<hbm>>) target(%arg13 : memref<80x128xf32, #tpu.memory_space<vmem>>) target_semaphore(%arg17 : memref<!tpu.dma_semaphore, #tpu.memory_space<semaphore_mem>>)
    %scan3A = arith.constant 0 : i32
    %scan3A_26 = arith.constant 0 : i32
    %scan3A_27 = arith.constant 62 : i32
    %scan3A_28 = arith.addi %scan3A_26, %scan3A_27 : i32
    %scan3A_29 = arith.constant 1 : i32
    scf.for %scan3A_54 = %scan3A_26 to %scan3A_28 step %scan3A_29  : i32 {
      %mul3A_55 = arith.constant 2 : i32
      %mul3A_56 = arith.muli %mul3A_55, %scan3A_54 : i32
      %ge3A = arith.constant 1 : i32
      %ge3A_57 = arith.cmpi sge, %mul3A_56, %ge3A : i32
      %convert_element_type3A = arith.extui %ge3A_57 : i1 to i32
      %cond3A = arith.constant 0 : i32
      %cond3A_58 = arith.cmpi ne, %convert_element_type3A, %cond3A : i32
      scf.if %cond3A_58 {
        %dma_wait3A_160 = arith.constant 0 : i32
        %dma_wait3A_161 = arith.constant 0 : i32
        %dma_wait3A_162 = tpu.memref_slice %arg16[%dma_wait3A_160, %dma_wait3A_161] : memref<10240x128xf32, #tpu.memory_space<vmem_shared>> -> memref<10240x128xf32, #tpu.memory_space<vmem_shared>>
        tpu.wait_indirect_dma semaphore(%arg21 : memref<!tpu.dma_semaphore, #tpu.memory_space<semaphore_mem>>) src(%arg15 : memref<80x128xf32, #tpu.memory_space<vmem>>) dst(%dma_wait3A_162 : memref<10240x128xf32, #tpu.memory_space<vmem_shared>>)
      } else {
      }
      %add3A_59 = arith.constant 1 : i32
      %add3A_60 = arith.addi %mul3A_56, %add3A_59 : i32
      %mul3A_61 = arith.constant 80 : i32
      %mul3A_62 = arith.muli %add3A_60, %mul3A_61 : i32
      %add3A_63 = arith.addi %mul3A_6, %mul3A_62 : i32
      %dma_start3A_64 = tpu.memref_slice %arg4[%add3A_63] : memref<320000xi32, #tpu.memory_space<hbm>> -> memref<80xi32, #tpu.memory_space<hbm>>
      %dma_start3A_65 = tpu.memref_slice %arg4[%add3A_63] : memref<320000xi32, #tpu.memory_space<hbm>> -> memref<80xi32, #tpu.memory_space<hbm>>
      tpu.enqueue_dma source(%dma_start3A_65 : memref<80xi32, #tpu.memory_space<hbm>>) target(%arg10 : memref<80xi32, #tpu.memory_space<vmem>>) target_semaphore(%arg19 : memref<!tpu.dma_semaphore, #tpu.memory_space<semaphore_mem>>)
      %mul3A_66 = arith.constant 80 : i32
      %mul3A_67 = arith.muli %add3A_60, %mul3A_66 : i32
      %add3A_68 = arith.addi %mul3A_6, %mul3A_67 : i32
      %dma_start3A_69 = tpu.memref_slice %arg5[%add3A_68] : memref<320000xi32, #tpu.memory_space<hbm>> -> memref<80xi32, #tpu.memory_space<hbm>>
      %dma_start3A_70 = tpu.memref_slice %arg5[%add3A_68] : memref<320000xi32, #tpu.memory_space<hbm>> -> memref<80xi32, #tpu.memory_space<hbm>>
      tpu.enqueue_dma source(%dma_start3A_70 : memref<80xi32, #tpu.memory_space<hbm>>) target(%arg11 : memref<80xi32, #tpu.memory_space<vmem>>) target_semaphore(%arg19 : memref<!tpu.dma_semaphore, #tpu.memory_space<semaphore_mem>>)
      %dma_wait3A_71 = tpu.memref_slice %arg4[%add3A_63] : memref<320000xi32, #tpu.memory_space<hbm>> -> memref<80xi32, #tpu.memory_space<hbm>>
      %dma_wait3A_72 = tpu.memref_slice %arg4[%add3A_63] : memref<320000xi32, #tpu.memory_space<hbm>> -> memref<80xi32, #tpu.memory_space<hbm>>
      tpu.wait_dma2 semaphore(%arg19 : memref<!tpu.dma_semaphore, #tpu.memory_space<semaphore_mem>>) src(%dma_wait3A_72 : memref<80xi32, #tpu.memory_space<hbm>>) dst(%arg10 : memref<80xi32, #tpu.memory_space<vmem>>)
      %dma_wait3A_73 = tpu.memref_slice %arg5[%add3A_68] : memref<320000xi32, #tpu.memory_space<hbm>> -> memref<80xi32, #tpu.memory_space<hbm>>
      %dma_wait3A_74 = tpu.memref_slice %arg5[%add3A_68] : memref<320000xi32, #tpu.memory_space<hbm>> -> memref<80xi32, #tpu.memory_space<hbm>>
      tpu.wait_dma2 semaphore(%arg19 : memref<!tpu.dma_semaphore, #tpu.memory_space<semaphore_mem>>) src(%dma_wait3A_74 : memref<80xi32, #tpu.memory_space<hbm>>) dst(%arg11 : memref<80xi32, #tpu.memory_space<vmem>>)
      %dma_start3A_75 = arith.constant 0 : i32
      %dma_start3A_76 = arith.constant 0 : i32
      %dma_start3A_77 = tpu.memref_slice %arg2[%dma_start3A_75, %dma_start3A_76] : memref<10000x128xf32, #tpu.memory_space<hbm>> -> memref<10000x128xf32, #tpu.memory_space<hbm>>
      tpu.enqueue_indirect_dma source(%dma_start3A_77 : memref<10000x128xf32, #tpu.memory_space<hbm>>) target(%arg14 : memref<80x128xf32, #tpu.memory_space<vmem>>) offsets(%arg10 : memref<80xi32, #tpu.memory_space<vmem>>) semaphore(%arg18 : memref<!tpu.dma_semaphore, #tpu.memory_space<semaphore_mem>>)
      %add3A_78 = arith.constant 1 : i32
      %add3A_79 = arith.addi %mul3A_56, %add3A_78 : i32
      %mul3A_80 = arith.constant 80 : i32
      %mul3A_81 = arith.muli %add3A_79, %mul3A_80 : i32
      %add3A_82 = arith.addi %mul3A_6, %mul3A_81 : i32
      %dma_start3A_83 = arith.constant 0 : i32
      %dma_start3A_84 = tpu.memref_slice %arg3[%add3A_82, %dma_start3A_83] : memref<320000x128xf32, #tpu.memory_space<hbm>> -> memref<80x128xf32, #tpu.memory_space<hbm>>
      %dma_start3A_85 = arith.constant 0 : i32
      %dma_start3A_86 = tpu.memref_slice %arg3[%add3A_82, %dma_start3A_85] : memref<320000x128xf32, #tpu.memory_space<hbm>> -> memref<80x128xf32, #tpu.memory_space<hbm>>
      tpu.enqueue_dma source(%dma_start3A_86 : memref<80x128xf32, #tpu.memory_space<hbm>>) target(%arg15 : memref<80x128xf32, #tpu.memory_space<vmem>>) target_semaphore(%arg18 : memref<!tpu.dma_semaphore, #tpu.memory_space<semaphore_mem>>)
      %dma_wait3A_87 = arith.constant 0 : i32
      %dma_wait3A_88 = arith.constant 0 : i32
      %dma_wait3A_89 = tpu.memref_slice %arg2[%dma_wait3A_87, %dma_wait3A_88] : memref<10000x128xf32, #tpu.memory_space<hbm>> -> memref<10000x128xf32, #tpu.memory_space<hbm>>
      tpu.wait_indirect_dma semaphore(%arg17 : memref<!tpu.dma_semaphore, #tpu.memory_space<semaphore_mem>>) src(%dma_wait3A_89 : memref<10000x128xf32, #tpu.memory_space<hbm>>) dst(%arg12 : memref<80x128xf32, #tpu.memory_space<vmem>>)
      %dma_wait3A_90 = arith.constant 0 : i32
      %dma_wait3A_91 = arith.constant 0 : i32
      %dma_wait3A_92 = tpu.memref_slice %arg3[%dma_wait3A_90, %dma_wait3A_91] : memref<320000x128xf32, #tpu.memory_space<hbm>> -> memref<80x128xf32, #tpu.memory_space<hbm>>
      %dma_wait3A_93 = arith.constant 0 : i32
      %dma_wait3A_94 = arith.constant 0 : i32
      %dma_wait3A_95 = tpu.memref_slice %arg3[%dma_wait3A_93, %dma_wait3A_94] : memref<320000x128xf32, #tpu.memory_space<hbm>> -> memref<80x128xf32, #tpu.memory_space<hbm>>
      tpu.wait_dma2 semaphore(%arg17 : memref<!tpu.dma_semaphore, #tpu.memory_space<semaphore_mem>>) src(%dma_wait3A_95 : memref<80x128xf32, #tpu.memory_space<hbm>>) dst(%arg13 : memref<80x128xf32, #tpu.memory_space<vmem>>)
      %scan3A_96 = arith.constant 0 : i32
      %scan3A_97 = arith.constant 0 : i32
      %scan3A_98 = arith.constant 80 : i32
      %scan3A_99 = arith.addi %scan3A_97, %scan3A_98 : i32
      %scan3A_100 = arith.constant 1 : i32
      scf.for %scan3A_160 = %scan3A_97 to %scan3A_99 step %scan3A_100  : i32 {
        %get3A = arith.index_cast %scan3A_160 : i32 to index
        %get3A_161 = arith.constant 0 : index
        %get3A_162 = tpu.vector_load %arg12[%get3A, %get3A_161] {strides = array<i32>} : memref<80x128xf32, #tpu.memory_space<vmem>>, vector<1x16xf32>,
        %get3A_163 = vector.shape_cast %get3A_162 : vector<1x16xf32> to vector<16xf32>
        %get3A_164 = arith.index_cast %scan3A_160 : i32 to index
        %get3A_165 = arith.constant 0 : index
        %get3A_166 = tpu.vector_load %arg13[%get3A_164, %get3A_165] {strides = array<i32>} : memref<80x128xf32, #tpu.memory_space<vmem>>, vector<1x16xf32>,
        %get3A_167 = vector.shape_cast %get3A_166 : vector<1x16xf32> to vector<16xf32>
        %add3A_168 = arith.addf %get3A_163, %get3A_167 : vector<16xf32>
        %max3A = arith.constant 0.000000e+00 : f32
        %max3A_169 = vector.broadcast %max3A : f32 to vector<16xf32>
        %max3A_170 = arith.maximumf %add3A_168, %max3A_169 : vector<16xf32>
        %swap3A = arith.index_cast %scan3A_160 : i32 to index
        %swap3A_171 = arith.constant 0 : index
        %swap3A_172 = tpu.vector_load %arg13[%swap3A, %swap3A_171] {strides = array<i32>} : memref<80x128xf32, #tpu.memory_space<vmem>>, vector<1x16xf32>,
        %swap3A_173 = vector.shape_cast %swap3A_172 : vector<1x16xf32> to vector<16xf32>
        %swap3A_174 = vector.shape_cast %max3A_170 : vector<16xf32> to vector<1x16xf32>
        tpu.vector_store %arg13[%swap3A, %swap3A_171], %swap3A_174 {strides = array<i32>} : memref<80x128xf32, #tpu.memory_space<vmem>>, vector<1x16xf32>,
        %get3A_175 = arith.index_cast %scan3A_160 : i32 to index
        %get3A_176 = arith.constant 16 : index
        %get3A_177 = tpu.vector_load %arg12[%get3A_175, %get3A_176] {strides = array<i32>} : memref<80x128xf32, #tpu.memory_space<vmem>>, vector<1x16xf32>,
        %get3A_178 = vector.shape_cast %get3A_177 : vector<1x16xf32> to vector<16xf32>
        %get3A_179 = arith.index_cast %scan3A_160 : i32 to index
        %get3A_180 = arith.constant 16 : index
        %get3A_181 = tpu.vector_load %arg13[%get3A_179, %get3A_180] {strides = array<i32>} : memref<80x128xf32, #tpu.memory_space<vmem>>, vector<1x16xf32>,
        %get3A_182 = vector.shape_cast %get3A_181 : vector<1x16xf32> to vector<16xf32>
        %add3A_183 = arith.addf %get3A_178, %get3A_182 : vector<16xf32>
        %max3A_184 = arith.constant 0.000000e+00 : f32
        %max3A_185 = vector.broadcast %max3A_184 : f32 to vector<16xf32>
        %max3A_186 = arith.maximumf %add3A_183, %max3A_185 : vector<16xf32>
        %swap3A_187 = arith.index_cast %scan3A_160 : i32 to index
        %swap3A_188 = arith.constant 16 : index
        %swap3A_189 = tpu.vector_load %arg13[%swap3A_187, %swap3A_188] {strides = array<i32>} : memref<80x128xf32, #tpu.memory_space<vmem>>, vector<1x16xf32>,
        %swap3A_190 = vector.shape_cast %swap3A_189 : vector<1x16xf32> to vector<16xf32>
        %swap3A_191 = vector.shape_cast %max3A_186 : vector<16xf32> to vector<1x16xf32>
        tpu.vector_store %arg13[%swap3A_187, %swap3A_188], %swap3A_191 {strides = array<i32>} : memref<80x128xf32, #tpu.memory_space<vmem>>, vector<1x16xf32>,
        %get3A_192 = arith.index_cast %scan3A_160 : i32 to index
        %get3A_193 = arith.constant 32 : index
        %get3A_194 = tpu.vector_load %arg12[%get3A_192, %get3A_193] {strides = array<i32>} : memref<80x128xf32, #tpu.memory_space<vmem>>, vector<1x16xf32>,
        %get3A_195 = vector.shape_cast %get3A_194 : vector<1x16xf32> to vector<16xf32>
        %get3A_196 = arith.index_cast %scan3A_160 : i32 to index
        %get3A_197 = arith.constant 32 : index
        %get3A_198 = tpu.vector_load %arg13[%get3A_196, %get3A_197] {strides = array<i32>} : memref<80x128xf32, #tpu.memory_space<vmem>>, vector<1x16xf32>,
        %get3A_199 = vector.shape_cast %get3A_198 : vector<1x16xf32> to vector<16xf32>
        %add3A_200 = arith.addf %get3A_195, %get3A_199 : vector<16xf32>
        %max3A_201 = arith.constant 0.000000e+00 : f32
        %max3A_202 = vector.broadcast %max3A_201 : f32 to vector<16xf32>
        %max3A_203 = arith.maximumf %add3A_200, %max3A_202 : vector<16xf32>
        %swap3A_204 = arith.index_cast %scan3A_160 : i32 to index
        %swap3A_205 = arith.constant 32 : index
        %swap3A_206 = tpu.vector_load %arg13[%swap3A_204, %swap3A_205] {strides = array<i32>} : memref<80x128xf32, #tpu.memory_space<vmem>>, vector<1x16xf32>,
        %swap3A_207 = vector.shape_cast %swap3A_206 : vector<1x16xf32> to vector<16xf32>
        %swap3A_208 = vector.shape_cast %max3A_203 : vector<16xf32> to vector<1x16xf32>
        tpu.vector_store %arg13[%swap3A_204, %swap3A_205], %swap3A_208 {strides = array<i32>} : memref<80x128xf32, #tpu.memory_space<vmem>>, vector<1x16xf32>,
        %get3A_209 = arith.index_cast %scan3A_160 : i32 to index
        %get3A_210 = arith.constant 48 : index
        %get3A_211 = tpu.vector_load %arg12[%get3A_209, %get3A_210] {strides = array<i32>} : memref<80x128xf32, #tpu.memory_space<vmem>>, vector<1x16xf32>,
        %get3A_212 = vector.shape_cast %get3A_211 : vector<1x16xf32> to vector<16xf32>
        %get3A_213 = arith.index_cast %scan3A_160 : i32 to index
        %get3A_214 = arith.constant 48 : index
        %get3A_215 = tpu.vector_load %arg13[%get3A_213, %get3A_214] {strides = array<i32>} : memref<80x128xf32, #tpu.memory_space<vmem>>, vector<1x16xf32>,
        %get3A_216 = vector.shape_cast %get3A_215 : vector<1x16xf32> to vector<16xf32>
        %add3A_217 = arith.addf %get3A_212, %get3A_216 : vector<16xf32>
        %max3A_218 = arith.constant 0.000000e+00 : f32
        %max3A_219 = vector.broadcast %max3A_218 : f32 to vector<16xf32>
        %max3A_220 = arith.maximumf %add3A_217, %max3A_219 : vector<16xf32>
        %swap3A_221 = arith.index_cast %scan3A_160 : i32 to index
        %swap3A_222 = arith.constant 48 : index
        %swap3A_223 = tpu.vector_load %arg13[%swap3A_221, %swap3A_222] {strides = array<i32>} : memref<80x128xf32, #tpu.memory_space<vmem>>, vector<1x16xf32>,
        %swap3A_224 = vector.shape_cast %swap3A_223 : vector<1x16xf32> to vector<16xf32>
        %swap3A_225 = vector.shape_cast %max3A_220 : vector<16xf32> to vector<1x16xf32>
        tpu.vector_store %arg13[%swap3A_221, %swap3A_222], %swap3A_225 {strides = array<i32>} : memref<80x128xf32, #tpu.memory_space<vmem>>, vector<1x16xf32>,
        %get3A_226 = arith.index_cast %scan3A_160 : i32 to index
        %get3A_227 = arith.constant 64 : index
        %get3A_228 = tpu.vector_load %arg12[%get3A_226, %get3A_227] {strides = array<i32>} : memref<80x128xf32, #tpu.memory_space<vmem>>, vector<1x16xf32>,
        %get3A_229 = vector.shape_cast %get3A_228 : vector<1x16xf32> to vector<16xf32>
        %get3A_230 = arith.index_cast %scan3A_160 : i32 to index
        %get3A_231 = arith.constant 64 : index
        %get3A_232 = tpu.vector_load %arg13[%get3A_230, %get3A_231] {strides = array<i32>} : memref<80x128xf32, #tpu.memory_space<vmem>>, vector<1x16xf32>,
        %get3A_233 = vector.shape_cast %get3A_232 : vector<1x16xf32> to vector<16xf32>
        %add3A_234 = arith.addf %get3A_229, %get3A_233 : vector<16xf32>
        %max3A_235 = arith.constant 0.000000e+00 : f32
        %max3A_236 = vector.broadcast %max3A_235 : f32 to vector<16xf32>
        %max3A_237 = arith.maximumf %add3A_234, %max3A_236 : vector<16xf32>
        %swap3A_238 = arith.index_cast %scan3A_160 : i32 to index
        %swap3A_239 = arith.constant 64 : index
        %swap3A_240 = tpu.vector_load %arg13[%swap3A_238, %swap3A_239] {strides = array<i32>} : memref<80x128xf32, #tpu.memory_space<vmem>>, vector<1x16xf32>,
        %swap3A_241 = vector.shape_cast %swap3A_240 : vector<1x16xf32> to vector<16xf32>
        %swap3A_242 = vector.shape_cast %max3A_237 : vector<16xf32> to vector<1x16xf32>
        tpu.vector_store %arg13[%swap3A_238, %swap3A_239], %swap3A_242 {strides = array<i32>} : memref<80x128xf32, #tpu.memory_space<vmem>>, vector<1x16xf32>,
        %get3A_243 = arith.index_cast %scan3A_160 : i32 to index
        %get3A_244 = arith.constant 80 : index
        %get3A_245 = tpu.vector_load %arg12[%get3A_243, %get3A_244] {strides = array<i32>} : memref<80x128xf32, #tpu.memory_space<vmem>>, vector<1x16xf32>,
        %get3A_246 = vector.shape_cast %get3A_245 : vector<1x16xf32> to vector<16xf32>
        %get3A_247 = arith.index_cast %scan3A_160 : i32 to index
        %get3A_248 = arith.constant 80 : index
        %get3A_249 = tpu.vector_load %arg13[%get3A_247, %get3A_248] {strides = array<i32>} : memref<80x128xf32, #tpu.memory_space<vmem>>, vector<1x16xf32>,
        %get3A_250 = vector.shape_cast %get3A_249 : vector<1x16xf32> to vector<16xf32>
        %add3A_251 = arith.addf %get3A_246, %get3A_250 : vector<16xf32>
        %max3A_252 = arith.constant 0.000000e+00 : f32
        %max3A_253 = vector.broadcast %max3A_252 : f32 to vector<16xf32>
        %max3A_254 = arith.maximumf %add3A_251, %max3A_253 : vector<16xf32>
        %swap3A_255 = arith.index_cast %scan3A_160 : i32 to index
        %swap3A_256 = arith.constant 80 : index
        %swap3A_257 = tpu.vector_load %arg13[%swap3A_255, %swap3A_256] {strides = array<i32>} : memref<80x128xf32, #tpu.memory_space<vmem>>, vector<1x16xf32>,
        %swap3A_258 = vector.shape_cast %swap3A_257 : vector<1x16xf32> to vector<16xf32>
        %swap3A_259 = vector.shape_cast %max3A_254 : vector<16xf32> to vector<1x16xf32>
        tpu.vector_store %arg13[%swap3A_255, %swap3A_256], %swap3A_259 {strides = array<i32>} : memref<80x128xf32, #tpu.memory_space<vmem>>, vector<1x16xf32>,
        %get3A_260 = arith.index_cast %scan3A_160 : i32 to index
        %get3A_261 = arith.constant 96 : index
        %get3A_262 = tpu.vector_load %arg12[%get3A_260, %get3A_261] {strides = array<i32>} : memref<80x128xf32, #tpu.memory_space<vmem>>, vector<1x16xf32>,
        %get3A_263 = vector.shape_cast %get3A_262 : vector<1x16xf32> to vector<16xf32>
        %get3A_264 = arith.index_cast %scan3A_160 : i32 to index
        %get3A_265 = arith.constant 96 : index
        %get3A_266 = tpu.vector_load %arg13[%get3A_264, %get3A_265] {strides = array<i32>} : memref<80x128xf32, #tpu.memory_space<vmem>>, vector<1x16xf32>,
        %get3A_267 = vector.shape_cast %get3A_266 : vector<1x16xf32> to vector<16xf32>
        %add3A_268 = arith.addf %get3A_263, %get3A_267 : vector<16xf32>
        %max3A_269 = arith.constant 0.000000e+00 : f32
        %max3A_270 = vector.broadcast %max3A_269 : f32 to vector<16xf32>
        %max3A_271 = arith.maximumf %add3A_268, %max3A_270 : vector<16xf32>
        %swap3A_272 = arith.index_cast %scan3A_160 : i32 to index
        %swap3A_273 = arith.constant 96 : index
        %swap3A_274 = tpu.vector_load %arg13[%swap3A_272, %swap3A_273] {strides = array<i32>} : memref<80x128xf32, #tpu.memory_space<vmem>>, vector<1x16xf32>,
        %swap3A_275 = vector.shape_cast %swap3A_274 : vector<1x16xf32> to vector<16xf32>
        %swap3A_276 = vector.shape_cast %max3A_271 : vector<16xf32> to vector<1x16xf32>
        tpu.vector_store %arg13[%swap3A_272, %swap3A_273], %swap3A_276 {strides = array<i32>} : memref<80x128xf32, #tpu.memory_space<vmem>>, vector<1x16xf32>,
        %get3A_277 = arith.index_cast %scan3A_160 : i32 to index
        %get3A_278 = arith.constant 112 : index
        %get3A_279 = tpu.vector_load %arg12[%get3A_277, %get3A_278] {strides = array<i32>} : memref<80x128xf32, #tpu.memory_space<vmem>>, vector<1x16xf32>,
        %get3A_280 = vector.shape_cast %get3A_279 : vector<1x16xf32> to vector<16xf32>
        %get3A_281 = arith.index_cast %scan3A_160 : i32 to index
        %get3A_282 = arith.constant 112 : index
        %get3A_283 = tpu.vector_load %arg13[%get3A_281, %get3A_282] {strides = array<i32>} : memref<80x128xf32, #tpu.memory_space<vmem>>, vector<1x16xf32>,
        %get3A_284 = vector.shape_cast %get3A_283 : vector<1x16xf32> to vector<16xf32>
        %add3A_285 = arith.addf %get3A_280, %get3A_284 : vector<16xf32>
        %max3A_286 = arith.constant 0.000000e+00 : f32
        %max3A_287 = vector.broadcast %max3A_286 : f32 to vector<16xf32>
        %max3A_288 = arith.maximumf %add3A_285, %max3A_287 : vector<16xf32>
        %swap3A_289 = arith.index_cast %scan3A_160 : i32 to index
        %swap3A_290 = arith.constant 112 : index
        %swap3A_291 = tpu.vector_load %arg13[%swap3A_289, %swap3A_290] {strides = array<i32>} : memref<80x128xf32, #tpu.memory_space<vmem>>, vector<1x16xf32>,
        %swap3A_292 = vector.shape_cast %swap3A_291 : vector<1x16xf32> to vector<16xf32>
        %swap3A_293 = vector.shape_cast %max3A_288 : vector<16xf32> to vector<1x16xf32>
        tpu.vector_store %arg13[%swap3A_289, %swap3A_290], %swap3A_293 {strides = array<i32>} : memref<80x128xf32, #tpu.memory_space<vmem>>, vector<1x16xf32>,
      }
      %scan3A_101 = arith.constant 80 : i32
      %dma_start3A_102 = arith.constant 0 : i32
      %dma_start3A_103 = arith.constant 0 : i32
      %dma_start3A_104 = tpu.memref_slice %arg16[%dma_start3A_102, %dma_start3A_103] : memref<10240x128xf32, #tpu.memory_space<vmem_shared>> -> memref<10240x128xf32, #tpu.memory_space<vmem_shared>>
      tpu.enqueue_indirect_dma source(%arg13 : memref<80x128xf32, #tpu.memory_space<vmem>>) target(%dma_start3A_104 : memref<10240x128xf32, #tpu.memory_space<vmem_shared>>) offsets(%arg9 : memref<80xi32, #tpu.memory_space<vmem>>) semaphore(%arg20 : memref<!tpu.dma_semaphore, #tpu.memory_space<semaphore_mem>>) {add = true}
      %mul3A_105 = arith.constant 2 : i32
      %mul3A_106 = arith.muli %mul3A_105, %scan3A_54 : i32
      %add3A_107 = arith.constant 1 : i32
      %add3A_108 = arith.addi %mul3A_106, %add3A_107 : i32
      %ge3A_109 = arith.constant 1 : i32
      %ge3A_110 = arith.cmpi sge, %add3A_108, %ge3A_109 : i32
      %convert_element_type3A_111 = arith.extui %ge3A_110 : i1 to i32
      %cond3A_112 = arith.constant 0 : i32
      %cond3A_113 = arith.cmpi ne, %convert_element_type3A_111, %cond3A_112 : i32
      scf.if %cond3A_113 {
        %dma_wait3A_160 = arith.constant 0 : i32
        %dma_wait3A_161 = arith.constant 0 : i32
        %dma_wait3A_162 = tpu.memref_slice %arg16[%dma_wait3A_160, %dma_wait3A_161] : memref<10240x128xf32, #tpu.memory_space<vmem_shared>> -> memref<10240x128xf32, #tpu.memory_space<vmem_shared>>
        tpu.wait_indirect_dma semaphore(%arg20 : memref<!tpu.dma_semaphore, #tpu.memory_space<semaphore_mem>>) src(%arg13 : memref<80x128xf32, #tpu.memory_space<vmem>>) dst(%dma_wait3A_162 : memref<10240x128xf32, #tpu.memory_space<vmem_shared>>)
      } else {
      }
      %add3A_114 = arith.constant 1 : i32
      %add3A_115 = arith.addi %add3A_108, %add3A_114 : i32
      %mul3A_116 = arith.constant 80 : i32
      %mul3A_117 = arith.muli %add3A_115, %mul3A_116 : i32
      %add3A_118 = arith.addi %mul3A_6, %mul3A_117 : i32
      %dma_start3A_119 = tpu.memref_slice %arg4[%add3A_118] : memref<320000xi32, #tpu.memory_space<hbm>> -> memref<80xi32, #tpu.memory_space<hbm>>
      %dma_start3A_120 = tpu.memref_slice %arg4[%add3A_118] : memref<320000xi32, #tpu.memory_space<hbm>> -> memref<80xi32, #tpu.memory_space<hbm>>
      tpu.enqueue_dma source(%dma_start3A_120 : memref<80xi32, #tpu.memory_space<hbm>>) target(%arg8 : memref<80xi32, #tpu.memory_space<vmem>>) target_semaphore(%arg19 : memref<!tpu.dma_semaphore, #tpu.memory_space<semaphore_mem>>)
      %mul3A_121 = arith.constant 80 : i32
      %mul3A_122 = arith.muli %add3A_115, %mul3A_121 : i32
      %add3A_123 = arith.addi %mul3A_6, %mul3A_122 : i32
      %dma_start3A_124 = tpu.memref_slice %arg5[%add3A_123] : memref<320000xi32, #tpu.memory_space<hbm>> -> memref<80xi32, #tpu.memory_space<hbm>>
      %dma_start3A_125 = tpu.memref_slice %arg5[%add3A_123] : memref<320000xi32, #tpu.memory_space<hbm>> -> memref<80xi32, #tpu.memory_space<hbm>>
      tpu.enqueue_dma source(%dma_start3A_125 : memref<80xi32, #tpu.memory_space<hbm>>) target(%arg9 : memref<80xi32, #tpu.memory_space<vmem>>) target_semaphore(%arg19 : memref<!tpu.dma_semaphore, #tpu.memory_space<semaphore_mem>>)
      %dma_wait3A_126 = tpu.memref_slice %arg4[%add3A_118] : memref<320000xi32, #tpu.memory_space<hbm>> -> memref<80xi32, #tpu.memory_space<hbm>>
      %dma_wait3A_127 = tpu.memref_slice %arg4[%add3A_118] : memref<320000xi32, #tpu.memory_space<hbm>> -> memref<80xi32, #tpu.memory_space<hbm>>
      tpu.wait_dma2 semaphore(%arg19 : memref<!tpu.dma_semaphore, #tpu.memory_space<semaphore_mem>>) src(%dma_wait3A_127 : memref<80xi32, #tpu.memory_space<hbm>>) dst(%arg8 : memref<80xi32, #tpu.memory_space<vmem>>)
      %dma_wait3A_128 = tpu.memref_slice %arg5[%add3A_123] : memref<320000xi32, #tpu.memory_space<hbm>> -> memref<80xi32, #tpu.memory_space<hbm>>
      %dma_wait3A_129 = tpu.memref_slice %arg5[%add3A_123] : memref<320000xi32, #tpu.memory_space<hbm>> -> memref<80xi32, #tpu.memory_space<hbm>>
      tpu.wait_dma2 semaphore(%arg19 : memref<!tpu.dma_semaphore, #tpu.memory_space<semaphore_mem>>) src(%dma_wait3A_129 : memref<80xi32, #tpu.memory_space<hbm>>) dst(%arg9 : memref<80xi32, #tpu.memory_space<vmem>>)
      %dma_start3A_130 = arith.constant 0 : i32
      %dma_start3A_131 = arith.constant 0 : i32
      %dma_start3A_132 = tpu.memref_slice %arg2[%dma_start3A_130, %dma_start3A_131] : memref<10000x128xf32, #tpu.memory_space<hbm>> -> memref<10000x128xf32, #tpu.memory_space<hbm>>
      tpu.enqueue_indirect_dma source(%dma_start3A_132 : memref<10000x128xf32, #tpu.memory_space<hbm>>) target(%arg12 : memref<80x128xf32, #tpu.memory_space<vmem>>) offsets(%arg8 : memref<80xi32, #tpu.memory_space<vmem>>) semaphore(%arg17 : memref<!tpu.dma_semaphore, #tpu.memory_space<semaphore_mem>>)
      %add3A_133 = arith.constant 1 : i32
      %add3A_134 = arith.addi %add3A_108, %add3A_133 : i32
      %mul3A_135 = arith.constant 80 : i32
      %mul3A_136 = arith.muli %add3A_134, %mul3A_135 : i32
      %add3A_137 = arith.addi %mul3A_6, %mul3A_136 : i32
      %dma_start3A_138 = arith.constant 0 : i32
      %dma_start3A_139 = tpu.memref_slice %arg3[%add3A_137, %dma_start3A_138] : memref<320000x128xf32, #tpu.memory_space<hbm>> -> memref<80x128xf32, #tpu.memory_space<hbm>>
      %dma_start3A_140 = arith.constant 0 : i32
      %dma_start3A_141 = tpu.memref_slice %arg3[%add3A_137, %dma_start3A_140] : memref<320000x128xf32, #tpu.memory_space<hbm>> -> memref<80x128xf32, #tpu.memory_space<hbm>>
      tpu.enqueue_dma source(%dma_start3A_141 : memref<80x128xf32, #tpu.memory_space<hbm>>) target(%arg13 : memref<80x128xf32, #tpu.memory_space<vmem>>) target_semaphore(%arg17 : memref<!tpu.dma_semaphore, #tpu.memory_space<semaphore_mem>>)
      %dma_wait3A_142 = arith.constant 0 : i32
      %dma_wait3A_143 = arith.constant 0 : i32
      %dma_wait3A_144 = tpu.memref_slice %arg2[%dma_wait3A_142, %dma_wait3A_143] : memref<10000x128xf32, #tpu.memory_space<hbm>> -> memref<10000x128xf32, #tpu.memory_space<hbm>>
      tpu.wait_indirect_dma semaphore(%arg18 : memref<!tpu.dma_semaphore, #tpu.memory_space<semaphore_mem>>) src(%dma_wait3A_144 : memref<10000x128xf32, #tpu.memory_space<hbm>>) dst(%arg14 : memref<80x128xf32, #tpu.memory_space<vmem>>)
      %dma_wait3A_145 = arith.constant 0 : i32
      %dma_wait3A_146 = arith.constant 0 : i32
      %dma_wait3A_147 = tpu.memref_slice %arg3[%dma_wait3A_145, %dma_wait3A_146] : memref<320000x128xf32, #tpu.memory_space<hbm>> -> memref<80x128xf32, #tpu.memory_space<hbm>>
      %dma_wait3A_148 = arith.constant 0 : i32
      %dma_wait3A_149 = arith.constant 0 : i32
      %dma_wait3A_150 = tpu.memref_slice %arg3[%dma_wait3A_148, %dma_wait3A_149] : memref<320000x128xf32, #tpu.memory_space<hbm>> -> memref<80x128xf32, #tpu.memory_space<hbm>>
      tpu.wait_dma2 semaphore(%arg18 : memref<!tpu.dma_semaphore, #tpu.memory_space<semaphore_mem>>) src(%dma_wait3A_150 : memref<80x128xf32, #tpu.memory_space<hbm>>) dst(%arg15 : memref<80x128xf32, #tpu.memory_space<vmem>>)
      %scan3A_151 = arith.constant 0 : i32
      %scan3A_152 = arith.constant 0 : i32
      %scan3A_153 = arith.constant 80 : i32
      %scan3A_154 = arith.addi %scan3A_152, %scan3A_153 : i32
      %scan3A_155 = arith.constant 1 : i32
      scf.for %scan3A_160 = %scan3A_152 to %scan3A_154 step %scan3A_155  : i32 {
        %get3A = arith.index_cast %scan3A_160 : i32 to index
        %get3A_161 = arith.constant 0 : index
        %get3A_162 = tpu.vector_load %arg14[%get3A, %get3A_161] {strides = array<i32>} : memref<80x128xf32, #tpu.memory_space<vmem>>, vector<1x16xf32>,
        %get3A_163 = vector.shape_cast %get3A_162 : vector<1x16xf32> to vector<16xf32>
        %get3A_164 = arith.index_cast %scan3A_160 : i32 to index
        %get3A_165 = arith.constant 0 : index
        %get3A_166 = tpu.vector_load %arg15[%get3A_164, %get3A_165] {strides = array<i32>} : memref<80x128xf32, #tpu.memory_space<vmem>>, vector<1x16xf32>,
        %get3A_167 = vector.shape_cast %get3A_166 : vector<1x16xf32> to vector<16xf32>
        %add3A_168 = arith.addf %get3A_163, %get3A_167 : vector<16xf32>
        %max3A = arith.constant 0.000000e+00 : f32
        %max3A_169 = vector.broadcast %max3A : f32 to vector<16xf32>
        %max3A_170 = arith.maximumf %add3A_168, %max3A_169 : vector<16xf32>
        %swap3A = arith.index_cast %scan3A_160 : i32 to index
        %swap3A_171 = arith.constant 0 : index
        %swap3A_172 = tpu.vector_load %arg15[%swap3A, %swap3A_171] {strides = array<i32>} : memref<80x128xf32, #tpu.memory_space<vmem>>, vector<1x16xf32>,
        %swap3A_173 = vector.shape_cast %swap3A_172 : vector<1x16xf32> to vector<16xf32>
        %swap3A_174 = vector.shape_cast %max3A_170 : vector<16xf32> to vector<1x16xf32>
        tpu.vector_store %arg15[%swap3A, %swap3A_171], %swap3A_174 {strides = array<i32>} : memref<80x128xf32, #tpu.memory_space<vmem>>, vector<1x16xf32>,
        %get3A_175 = arith.index_cast %scan3A_160 : i32 to index
        %get3A_176 = arith.constant 16 : index
        %get3A_177 = tpu.vector_load %arg14[%get3A_175, %get3A_176] {strides = array<i32>} : memref<80x128xf32, #tpu.memory_space<vmem>>, vector<1x16xf32>,
        %get3A_178 = vector.shape_cast %get3A_177 : vector<1x16xf32> to vector<16xf32>
        %get3A_179 = arith.index_cast %scan3A_160 : i32 to index
        %get3A_180 = arith.constant 16 : index
        %get3A_181 = tpu.vector_load %arg15[%get3A_179, %get3A_180] {strides = array<i32>} : memref<80x128xf32, #tpu.memory_space<vmem>>, vector<1x16xf32>,
        %get3A_182 = vector.shape_cast %get3A_181 : vector<1x16xf32> to vector<16xf32>
        %add3A_183 = arith.addf %get3A_178, %get3A_182 : vector<16xf32>
        %max3A_184 = arith.constant 0.000000e+00 : f32
        %max3A_185 = vector.broadcast %max3A_184 : f32 to vector<16xf32>
        %max3A_186 = arith.maximumf %add3A_183, %max3A_185 : vector<16xf32>
        %swap3A_187 = arith.index_cast %scan3A_160 : i32 to index
        %swap3A_188 = arith.constant 16 : index
        %swap3A_189 = tpu.vector_load %arg15[%swap3A_187, %swap3A_188] {strides = array<i32>} : memref<80x128xf32, #tpu.memory_space<vmem>>, vector<1x16xf32>,
        %swap3A_190 = vector.shape_cast %swap3A_189 : vector<1x16xf32> to vector<16xf32>
        %swap3A_191 = vector.shape_cast %max3A_186 : vector<16xf32> to vector<1x16xf32>
        tpu.vector_store %arg15[%swap3A_187, %swap3A_188], %swap3A_191 {strides = array<i32>} : memref<80x128xf32, #tpu.memory_space<vmem>>, vector<1x16xf32>,
        %get3A_192 = arith.index_cast %scan3A_160 : i32 to index
        %get3A_193 = arith.constant 32 : index
        %get3A_194 = tpu.vector_load %arg14[%get3A_192, %get3A_193] {strides = array<i32>} : memref<80x128xf32, #tpu.memory_space<vmem>>, vector<1x16xf32>,
        %get3A_195 = vector.shape_cast %get3A_194 : vector<1x16xf32> to vector<16xf32>
        %get3A_196 = arith.index_cast %scan3A_160 : i32 to index
        %get3A_197 = arith.constant 32 : index
        %get3A_198 = tpu.vector_load %arg15[%get3A_196, %get3A_197] {strides = array<i32>} : memref<80x128xf32, #tpu.memory_space<vmem>>, vector<1x16xf32>,
        %get3A_199 = vector.shape_cast %get3A_198 : vector<1x16xf32> to vector<16xf32>
        %add3A_200 = arith.addf %get3A_195, %get3A_199 : vector<16xf32>
        %max3A_201 = arith.constant 0.000000e+00 : f32
        %max3A_202 = vector.broadcast %max3A_201 : f32 to vector<16xf32>
        %max3A_203 = arith.maximumf %add3A_200, %max3A_202 : vector<16xf32>
        %swap3A_204 = arith.index_cast %scan3A_160 : i32 to index
        %swap3A_205 = arith.constant 32 : index
        %swap3A_206 = tpu.vector_load %arg15[%swap3A_204, %swap3A_205] {strides = array<i32>} : memref<80x128xf32, #tpu.memory_space<vmem>>, vector<1x16xf32>,
        %swap3A_207 = vector.shape_cast %swap3A_206 : vector<1x16xf32> to vector<16xf32>
        %swap3A_208 = vector.shape_cast %max3A_203 : vector<16xf32> to vector<1x16xf32>
        tpu.vector_store %arg15[%swap3A_204, %swap3A_205], %swap3A_208 {strides = array<i32>} : memref<80x128xf32, #tpu.memory_space<vmem>>, vector<1x16xf32>,
        %get3A_209 = arith.index_cast %scan3A_160 : i32 to index
        %get3A_210 = arith.constant 48 : index
        %get3A_211 = tpu.vector_load %arg14[%get3A_209, %get3A_210] {strides = array<i32>} : memref<80x128xf32, #tpu.memory_space<vmem>>, vector<1x16xf32>,
        %get3A_212 = vector.shape_cast %get3A_211 : vector<1x16xf32> to vector<16xf32>
        %get3A_213 = arith.index_cast %scan3A_160 : i32 to index
        %get3A_214 = arith.constant 48 : index
        %get3A_215 = tpu.vector_load %arg15[%get3A_213, %get3A_214] {strides = array<i32>} : memref<80x128xf32, #tpu.memory_space<vmem>>, vector<1x16xf32>,
        %get3A_216 = vector.shape_cast %get3A_215 : vector<1x16xf32> to vector<16xf32>
        %add3A_217 = arith.addf %get3A_212, %get3A_216 : vector<16xf32>
        %max3A_218 = arith.constant 0.000000e+00 : f32
        %max3A_219 = vector.broadcast %max3A_218 : f32 to vector<16xf32>
        %max3A_220 = arith.maximumf %add3A_217, %max3A_219 : vector<16xf32>
        %swap3A_221 = arith.index_cast %scan3A_160 : i32 to index
        %swap3A_222 = arith.constant 48 : index
        %swap3A_223 = tpu.vector_load %arg15[%swap3A_221, %swap3A_222] {strides = array<i32>} : memref<80x128xf32, #tpu.memory_space<vmem>>, vector<1x16xf32>,
        %swap3A_224 = vector.shape_cast %swap3A_223 : vector<1x16xf32> to vector<16xf32>
        %swap3A_225 = vector.shape_cast %max3A_220 : vector<16xf32> to vector<1x16xf32>
        tpu.vector_store %arg15[%swap3A_221, %swap3A_222], %swap3A_225 {strides = array<i32>} : memref<80x128xf32, #tpu.memory_space<vmem>>, vector<1x16xf32>,
        %get3A_226 = arith.index_cast %scan3A_160 : i32 to index
        %get3A_227 = arith.constant 64 : index
        %get3A_228 = tpu.vector_load %arg14[%get3A_226, %get3A_227] {strides = array<i32>} : memref<80x128xf32, #tpu.memory_space<vmem>>, vector<1x16xf32>,
        %get3A_229 = vector.shape_cast %get3A_228 : vector<1x16xf32> to vector<16xf32>
        %get3A_230 = arith.index_cast %scan3A_160 : i32 to index
        %get3A_231 = arith.constant 64 : index
        %get3A_232 = tpu.vector_load %arg15[%get3A_230, %get3A_231] {strides = array<i32>} : memref<80x128xf32, #tpu.memory_space<vmem>>, vector<1x16xf32>,
        %get3A_233 = vector.shape_cast %get3A_232 : vector<1x16xf32> to vector<16xf32>
        %add3A_234 = arith.addf %get3A_229, %get3A_233 : vector<16xf32>
        %max3A_235 = arith.constant 0.000000e+00 : f32
        %max3A_236 = vector.broadcast %max3A_235 : f32 to vector<16xf32>
        %max3A_237 = arith.maximumf %add3A_234, %max3A_236 : vector<16xf32>
        %swap3A_238 = arith.index_cast %scan3A_160 : i32 to index
        %swap3A_239 = arith.constant 64 : index
        %swap3A_240 = tpu.vector_load %arg15[%swap3A_238, %swap3A_239] {strides = array<i32>} : memref<80x128xf32, #tpu.memory_space<vmem>>, vector<1x16xf32>,
        %swap3A_241 = vector.shape_cast %swap3A_240 : vector<1x16xf32> to vector<16xf32>
        %swap3A_242 = vector.shape_cast %max3A_237 : vector<16xf32> to vector<1x16xf32>
        tpu.vector_store %arg15[%swap3A_238, %swap3A_239], %swap3A_242 {strides = array<i32>} : memref<80x128xf32, #tpu.memory_space<vmem>>, vector<1x16xf32>,
        %get3A_243 = arith.index_cast %scan3A_160 : i32 to index
        %get3A_244 = arith.constant 80 : index
        %get3A_245 = tpu.vector_load %arg14[%get3A_243, %get3A_244] {strides = array<i32>} : memref<80x128xf32, #tpu.memory_space<vmem>>, vector<1x16xf32>,
        %get3A_246 = vector.shape_cast %get3A_245 : vector<1x16xf32> to vector<16xf32>
        %get3A_247 = arith.index_cast %scan3A_160 : i32 to index
        %get3A_248 = arith.constant 80 : index
        %get3A_249 = tpu.vector_load %arg15[%get3A_247, %get3A_248] {strides = array<i32>} : memref<80x128xf32, #tpu.memory_space<vmem>>, vector<1x16xf32>,
        %get3A_250 = vector.shape_cast %get3A_249 : vector<1x16xf32> to vector<16xf32>
        %add3A_251 = arith.addf %get3A_246, %get3A_250 : vector<16xf32>
        %max3A_252 = arith.constant 0.000000e+00 : f32
        %max3A_253 = vector.broadcast %max3A_252 : f32 to vector<16xf32>
        %max3A_254 = arith.maximumf %add3A_251, %max3A_253 : vector<16xf32>
        %swap3A_255 = arith.index_cast %scan3A_160 : i32 to index
        %swap3A_256 = arith.constant 80 : index
        %swap3A_257 = tpu.vector_load %arg15[%swap3A_255, %swap3A_256] {strides = array<i32>} : memref<80x128xf32, #tpu.memory_space<vmem>>, vector<1x16xf32>,
        %swap3A_258 = vector.shape_cast %swap3A_257 : vector<1x16xf32> to vector<16xf32>
        %swap3A_259 = vector.shape_cast %max3A_254 : vector<16xf32> to vector<1x16xf32>
        tpu.vector_store %arg15[%swap3A_255, %swap3A_256], %swap3A_259 {strides = array<i32>} : memref<80x128xf32, #tpu.memory_space<vmem>>, vector<1x16xf32>,
        %get3A_260 = arith.index_cast %scan3A_160 : i32 to index
        %get3A_261 = arith.constant 96 : index
        %get3A_262 = tpu.vector_load %arg14[%get3A_260, %get3A_261] {strides = array<i32>} : memref<80x128xf32, #tpu.memory_space<vmem>>, vector<1x16xf32>,
        %get3A_263 = vector.shape_cast %get3A_262 : vector<1x16xf32> to vector<16xf32>
        %get3A_264 = arith.index_cast %scan3A_160 : i32 to index
        %get3A_265 = arith.constant 96 : index
        %get3A_266 = tpu.vector_load %arg15[%get3A_264, %get3A_265] {strides = array<i32>} : memref<80x128xf32, #tpu.memory_space<vmem>>, vector<1x16xf32>,
        %get3A_267 = vector.shape_cast %get3A_266 : vector<1x16xf32> to vector<16xf32>
        %add3A_268 = arith.addf %get3A_263, %get3A_267 : vector<16xf32>
        %max3A_269 = arith.constant 0.000000e+00 : f32
        %max3A_270 = vector.broadcast %max3A_269 : f32 to vector<16xf32>
        %max3A_271 = arith.maximumf %add3A_268, %max3A_270 : vector<16xf32>
        %swap3A_272 = arith.index_cast %scan3A_160 : i32 to index
        %swap3A_273 = arith.constant 96 : index
        %swap3A_274 = tpu.vector_load %arg15[%swap3A_272, %swap3A_273] {strides = array<i32>} : memref<80x128xf32, #tpu.memory_space<vmem>>, vector<1x16xf32>,
        %swap3A_275 = vector.shape_cast %swap3A_274 : vector<1x16xf32> to vector<16xf32>
        %swap3A_276 = vector.shape_cast %max3A_271 : vector<16xf32> to vector<1x16xf32>
        tpu.vector_store %arg15[%swap3A_272, %swap3A_273], %swap3A_276 {strides = array<i32>} : memref<80x128xf32, #tpu.memory_space<vmem>>, vector<1x16xf32>,
        %get3A_277 = arith.index_cast %scan3A_160 : i32 to index
        %get3A_278 = arith.constant 112 : index
        %get3A_279 = tpu.vector_load %arg14[%get3A_277, %get3A_278] {strides = array<i32>} : memref<80x128xf32, #tpu.memory_space<vmem>>, vector<1x16xf32>,
        %get3A_280 = vector.shape_cast %get3A_279 : vector<1x16xf32> to vector<16xf32>
        %get3A_281 = arith.index_cast %scan3A_160 : i32 to index
        %get3A_282 = arith.constant 112 : index
        %get3A_283 = tpu.vector_load %arg15[%get3A_281, %get3A_282] {strides = array<i32>} : memref<80x128xf32, #tpu.memory_space<vmem>>, vector<1x16xf32>,
        %get3A_284 = vector.shape_cast %get3A_283 : vector<1x16xf32> to vector<16xf32>
        %add3A_285 = arith.addf %get3A_280, %get3A_284 : vector<16xf32>
        %max3A_286 = arith.constant 0.000000e+00 : f32
        %max3A_287 = vector.broadcast %max3A_286 : f32 to vector<16xf32>
        %max3A_288 = arith.maximumf %add3A_285, %max3A_287 : vector<16xf32>
        %swap3A_289 = arith.index_cast %scan3A_160 : i32 to index
        %swap3A_290 = arith.constant 112 : index
        %swap3A_291 = tpu.vector_load %arg15[%swap3A_289, %swap3A_290] {strides = array<i32>} : memref<80x128xf32, #tpu.memory_space<vmem>>, vector<1x16xf32>,
        %swap3A_292 = vector.shape_cast %swap3A_291 : vector<1x16xf32> to vector<16xf32>
        %swap3A_293 = vector.shape_cast %max3A_288 : vector<16xf32> to vector<1x16xf32>
        tpu.vector_store %arg15[%swap3A_289, %swap3A_290], %swap3A_293 {strides = array<i32>} : memref<80x128xf32, #tpu.memory_space<vmem>>, vector<1x16xf32>,
      }
      %scan3A_156 = arith.constant 80 : i32
      %dma_start3A_157 = arith.constant 0 : i32
      %dma_start3A_158 = arith.constant 0 : i32
      %dma_start3A_159 = tpu.memref_slice %arg16[%dma_start3A_157, %dma_start3A_158] : memref<10240x128xf32, #tpu.memory_space<vmem_shared>> -> memref<10240x128xf32, #tpu.memory_space<vmem_shared>>
      tpu.enqueue_indirect_dma source(%arg15 : memref<80x128xf32, #tpu.memory_space<vmem>>) target(%dma_start3A_159 : memref<10240x128xf32, #tpu.memory_space<vmem_shared>>) offsets(%arg11 : memref<80xi32, #tpu.memory_space<vmem>>) semaphore(%arg21 : memref<!tpu.dma_semaphore, #tpu.memory_space<semaphore_mem>>) {add = true}
    }
    %scan3A_30 = arith.constant 62 : i32
    %dma_wait3A_31 = arith.constant 0 : i32
    %dma_wait3A_32 = arith.constant 0 : i32
    %dma_wait3A_33 = tpu.memref_slice %arg2[%dma_wait3A_31, %dma_wait3A_32] : memref<10000x128xf32, #tpu.memory_space<hbm>> -> memref<10000x128xf32, #tpu.memory_space<hbm>>
    tpu.wait_indirect_dma semaphore(%arg17 : memref<!tpu.dma_semaphore, #tpu.memory_space<semaphore_mem>>) src(%dma_wait3A_33 : memref<10000x128xf32, #tpu.memory_space<hbm>>) dst(%arg12 : memref<80x128xf32, #tpu.memory_space<vmem>>)
    %dma_wait3A_34 = arith.constant 0 : i32
    %dma_wait3A_35 = arith.constant 0 : i32
    %dma_wait3A_36 = tpu.memref_slice %arg3[%dma_wait3A_34, %dma_wait3A_35] : memref<320000x128xf32, #tpu.memory_space<hbm>> -> memref<80x128xf32, #tpu.memory_space<hbm>>
    %dma_wait3A_37 = arith.constant 0 : i32
    %dma_wait3A_38 = arith.constant 0 : i32
    %dma_wait3A_39 = tpu.memref_slice %arg3[%dma_wait3A_37, %dma_wait3A_38] : memref<320000x128xf32, #tpu.memory_space<hbm>> -> memref<80x128xf32, #tpu.memory_space<hbm>>
    tpu.wait_dma2 semaphore(%arg17 : memref<!tpu.dma_semaphore, #tpu.memory_space<semaphore_mem>>) src(%dma_wait3A_39 : memref<80x128xf32, #tpu.memory_space<hbm>>) dst(%arg13 : memref<80x128xf32, #tpu.memory_space<vmem>>)
    %scan3A_40 = arith.constant 0 : i32
    %scan3A_41 = arith.constant 0 : i32
    %scan3A_42 = arith.constant 80 : i32
    %scan3A_43 = arith.addi %scan3A_41, %scan3A_42 : i32
    %scan3A_44 = arith.constant 1 : i32
    scf.for %scan3A_54 = %scan3A_41 to %scan3A_43 step %scan3A_44  : i32 {
      %get3A = arith.index_cast %scan3A_54 : i32 to index
      %get3A_55 = arith.constant 0 : index
      %get3A_56 = tpu.vector_load %arg12[%get3A, %get3A_55] {strides = array<i32>} : memref<80x128xf32, #tpu.memory_space<vmem>>, vector<1x16xf32>,
      %get3A_57 = vector.shape_cast %get3A_56 : vector<1x16xf32> to vector<16xf32>
      %get3A_58 = arith.index_cast %scan3A_54 : i32 to index
      %get3A_59 = arith.constant 0 : index
      %get3A_60 = tpu.vector_load %arg13[%get3A_58, %get3A_59] {strides = array<i32>} : memref<80x128xf32, #tpu.memory_space<vmem>>, vector<1x16xf32>,
      %get3A_61 = vector.shape_cast %get3A_60 : vector<1x16xf32> to vector<16xf32>
      %add3A_62 = arith.addf %get3A_57, %get3A_61 : vector<16xf32>
      %max3A = arith.constant 0.000000e+00 : f32
      %max3A_63 = vector.broadcast %max3A : f32 to vector<16xf32>
      %max3A_64 = arith.maximumf %add3A_62, %max3A_63 : vector<16xf32>
      %swap3A = arith.index_cast %scan3A_54 : i32 to index
      %swap3A_65 = arith.constant 0 : index
      %swap3A_66 = tpu.vector_load %arg13[%swap3A, %swap3A_65] {strides = array<i32>} : memref<80x128xf32, #tpu.memory_space<vmem>>, vector<1x16xf32>,
      %swap3A_67 = vector.shape_cast %swap3A_66 : vector<1x16xf32> to vector<16xf32>
      %swap3A_68 = vector.shape_cast %max3A_64 : vector<16xf32> to vector<1x16xf32>
      tpu.vector_store %arg13[%swap3A, %swap3A_65], %swap3A_68 {strides = array<i32>} : memref<80x128xf32, #tpu.memory_space<vmem>>, vector<1x16xf32>,
      %get3A_69 = arith.index_cast %scan3A_54 : i32 to index
      %get3A_70 = arith.constant 16 : index
      %get3A_71 = tpu.vector_load %arg12[%get3A_69, %get3A_70] {strides = array<i32>} : memref<80x128xf32, #tpu.memory_space<vmem>>, vector<1x16xf32>,
      %get3A_72 = vector.shape_cast %get3A_71 : vector<1x16xf32> to vector<16xf32>
      %get3A_73 = arith.index_cast %scan3A_54 : i32 to index
      %get3A_74 = arith.constant 16 : index
      %get3A_75 = tpu.vector_load %arg13[%get3A_73, %get3A_74] {strides = array<i32>} : memref<80x128xf32, #tpu.memory_space<vmem>>, vector<1x16xf32>,
      %get3A_76 = vector.shape_cast %get3A_75 : vector<1x16xf32> to vector<16xf32>
      %add3A_77 = arith.addf %get3A_72, %get3A_76 : vector<16xf32>
      %max3A_78 = arith.constant 0.000000e+00 : f32
      %max3A_79 = vector.broadcast %max3A_78 : f32 to vector<16xf32>
      %max3A_80 = arith.maximumf %add3A_77, %max3A_79 : vector<16xf32>
      %swap3A_81 = arith.index_cast %scan3A_54 : i32 to index
      %swap3A_82 = arith.constant 16 : index
      %swap3A_83 = tpu.vector_load %arg13[%swap3A_81, %swap3A_82] {strides = array<i32>} : memref<80x128xf32, #tpu.memory_space<vmem>>, vector<1x16xf32>,
      %swap3A_84 = vector.shape_cast %swap3A_83 : vector<1x16xf32> to vector<16xf32>
      %swap3A_85 = vector.shape_cast %max3A_80 : vector<16xf32> to vector<1x16xf32>
      tpu.vector_store %arg13[%swap3A_81, %swap3A_82], %swap3A_85 {strides = array<i32>} : memref<80x128xf32, #tpu.memory_space<vmem>>, vector<1x16xf32>,
      %get3A_86 = arith.index_cast %scan3A_54 : i32 to index
      %get3A_87 = arith.constant 32 : index
      %get3A_88 = tpu.vector_load %arg12[%get3A_86, %get3A_87] {strides = array<i32>} : memref<80x128xf32, #tpu.memory_space<vmem>>, vector<1x16xf32>,
      %get3A_89 = vector.shape_cast %get3A_88 : vector<1x16xf32> to vector<16xf32>
      %get3A_90 = arith.index_cast %scan3A_54 : i32 to index
      %get3A_91 = arith.constant 32 : index
      %get3A_92 = tpu.vector_load %arg13[%get3A_90, %get3A_91] {strides = array<i32>} : memref<80x128xf32, #tpu.memory_space<vmem>>, vector<1x16xf32>,
      %get3A_93 = vector.shape_cast %get3A_92 : vector<1x16xf32> to vector<16xf32>
      %add3A_94 = arith.addf %get3A_89, %get3A_93 : vector<16xf32>
      %max3A_95 = arith.constant 0.000000e+00 : f32
      %max3A_96 = vector.broadcast %max3A_95 : f32 to vector<16xf32>
      %max3A_97 = arith.maximumf %add3A_94, %max3A_96 : vector<16xf32>
      %swap3A_98 = arith.index_cast %scan3A_54 : i32 to index
      %swap3A_99 = arith.constant 32 : index
      %swap3A_100 = tpu.vector_load %arg13[%swap3A_98, %swap3A_99] {strides = array<i32>} : memref<80x128xf32, #tpu.memory_space<vmem>>, vector<1x16xf32>,
      %swap3A_101 = vector.shape_cast %swap3A_100 : vector<1x16xf32> to vector<16xf32>
      %swap3A_102 = vector.shape_cast %max3A_97 : vector<16xf32> to vector<1x16xf32>
      tpu.vector_store %arg13[%swap3A_98, %swap3A_99], %swap3A_102 {strides = array<i32>} : memref<80x128xf32, #tpu.memory_space<vmem>>, vector<1x16xf32>,
      %get3A_103 = arith.index_cast %scan3A_54 : i32 to index
      %get3A_104 = arith.constant 48 : index
      %get3A_105 = tpu.vector_load %arg12[%get3A_103, %get3A_104] {strides = array<i32>} : memref<80x128xf32, #tpu.memory_space<vmem>>, vector<1x16xf32>,
      %get3A_106 = vector.shape_cast %get3A_105 : vector<1x16xf32> to vector<16xf32>
      %get3A_107 = arith.index_cast %scan3A_54 : i32 to index
      %get3A_108 = arith.constant 48 : index
      %get3A_109 = tpu.vector_load %arg13[%get3A_107, %get3A_108] {strides = array<i32>} : memref<80x128xf32, #tpu.memory_space<vmem>>, vector<1x16xf32>,
      %get3A_110 = vector.shape_cast %get3A_109 : vector<1x16xf32> to vector<16xf32>
      %add3A_111 = arith.addf %get3A_106, %get3A_110 : vector<16xf32>
      %max3A_112 = arith.constant 0.000000e+00 : f32
      %max3A_113 = vector.broadcast %max3A_112 : f32 to vector<16xf32>
      %max3A_114 = arith.maximumf %add3A_111, %max3A_113 : vector<16xf32>
      %swap3A_115 = arith.index_cast %scan3A_54 : i32 to index
      %swap3A_116 = arith.constant 48 : index
      %swap3A_117 = tpu.vector_load %arg13[%swap3A_115, %swap3A_116] {strides = array<i32>} : memref<80x128xf32, #tpu.memory_space<vmem>>, vector<1x16xf32>,
      %swap3A_118 = vector.shape_cast %swap3A_117 : vector<1x16xf32> to vector<16xf32>
      %swap3A_119 = vector.shape_cast %max3A_114 : vector<16xf32> to vector<1x16xf32>
      tpu.vector_store %arg13[%swap3A_115, %swap3A_116], %swap3A_119 {strides = array<i32>} : memref<80x128xf32, #tpu.memory_space<vmem>>, vector<1x16xf32>,
      %get3A_120 = arith.index_cast %scan3A_54 : i32 to index
      %get3A_121 = arith.constant 64 : index
      %get3A_122 = tpu.vector_load %arg12[%get3A_120, %get3A_121] {strides = array<i32>} : memref<80x128xf32, #tpu.memory_space<vmem>>, vector<1x16xf32>,
      %get3A_123 = vector.shape_cast %get3A_122 : vector<1x16xf32> to vector<16xf32>
      %get3A_124 = arith.index_cast %scan3A_54 : i32 to index
      %get3A_125 = arith.constant 64 : index
      %get3A_126 = tpu.vector_load %arg13[%get3A_124, %get3A_125] {strides = array<i32>} : memref<80x128xf32, #tpu.memory_space<vmem>>, vector<1x16xf32>,
      %get3A_127 = vector.shape_cast %get3A_126 : vector<1x16xf32> to vector<16xf32>
      %add3A_128 = arith.addf %get3A_123, %get3A_127 : vector<16xf32>
      %max3A_129 = arith.constant 0.000000e+00 : f32
      %max3A_130 = vector.broadcast %max3A_129 : f32 to vector<16xf32>
      %max3A_131 = arith.maximumf %add3A_128, %max3A_130 : vector<16xf32>
      %swap3A_132 = arith.index_cast %scan3A_54 : i32 to index
      %swap3A_133 = arith.constant 64 : index
      %swap3A_134 = tpu.vector_load %arg13[%swap3A_132, %swap3A_133] {strides = array<i32>} : memref<80x128xf32, #tpu.memory_space<vmem>>, vector<1x16xf32>,
      %swap3A_135 = vector.shape_cast %swap3A_134 : vector<1x16xf32> to vector<16xf32>
      %swap3A_136 = vector.shape_cast %max3A_131 : vector<16xf32> to vector<1x16xf32>
      tpu.vector_store %arg13[%swap3A_132, %swap3A_133], %swap3A_136 {strides = array<i32>} : memref<80x128xf32, #tpu.memory_space<vmem>>, vector<1x16xf32>,
      %get3A_137 = arith.index_cast %scan3A_54 : i32 to index
      %get3A_138 = arith.constant 80 : index
      %get3A_139 = tpu.vector_load %arg12[%get3A_137, %get3A_138] {strides = array<i32>} : memref<80x128xf32, #tpu.memory_space<vmem>>, vector<1x16xf32>,
      %get3A_140 = vector.shape_cast %get3A_139 : vector<1x16xf32> to vector<16xf32>
      %get3A_141 = arith.index_cast %scan3A_54 : i32 to index
      %get3A_142 = arith.constant 80 : index
      %get3A_143 = tpu.vector_load %arg13[%get3A_141, %get3A_142] {strides = array<i32>} : memref<80x128xf32, #tpu.memory_space<vmem>>, vector<1x16xf32>,
      %get3A_144 = vector.shape_cast %get3A_143 : vector<1x16xf32> to vector<16xf32>
      %add3A_145 = arith.addf %get3A_140, %get3A_144 : vector<16xf32>
      %max3A_146 = arith.constant 0.000000e+00 : f32
      %max3A_147 = vector.broadcast %max3A_146 : f32 to vector<16xf32>
      %max3A_148 = arith.maximumf %add3A_145, %max3A_147 : vector<16xf32>
      %swap3A_149 = arith.index_cast %scan3A_54 : i32 to index
      %swap3A_150 = arith.constant 80 : index
      %swap3A_151 = tpu.vector_load %arg13[%swap3A_149, %swap3A_150] {strides = array<i32>} : memref<80x128xf32, #tpu.memory_space<vmem>>, vector<1x16xf32>,
      %swap3A_152 = vector.shape_cast %swap3A_151 : vector<1x16xf32> to vector<16xf32>
      %swap3A_153 = vector.shape_cast %max3A_148 : vector<16xf32> to vector<1x16xf32>
      tpu.vector_store %arg13[%swap3A_149, %swap3A_150], %swap3A_153 {strides = array<i32>} : memref<80x128xf32, #tpu.memory_space<vmem>>, vector<1x16xf32>,
      %get3A_154 = arith.index_cast %scan3A_54 : i32 to index
      %get3A_155 = arith.constant 96 : index
      %get3A_156 = tpu.vector_load %arg12[%get3A_154, %get3A_155] {strides = array<i32>} : memref<80x128xf32, #tpu.memory_space<vmem>>, vector<1x16xf32>,
      %get3A_157 = vector.shape_cast %get3A_156 : vector<1x16xf32> to vector<16xf32>
      %get3A_158 = arith.index_cast %scan3A_54 : i32 to index
      %get3A_159 = arith.constant 96 : index
      %get3A_160 = tpu.vector_load %arg13[%get3A_158, %get3A_159] {strides = array<i32>} : memref<80x128xf32, #tpu.memory_space<vmem>>, vector<1x16xf32>,
      %get3A_161 = vector.shape_cast %get3A_160 : vector<1x16xf32> to vector<16xf32>
      %add3A_162 = arith.addf %get3A_157, %get3A_161 : vector<16xf32>
      %max3A_163 = arith.constant 0.000000e+00 : f32
      %max3A_164 = vector.broadcast %max3A_163 : f32 to vector<16xf32>
      %max3A_165 = arith.maximumf %add3A_162, %max3A_164 : vector<16xf32>
      %swap3A_166 = arith.index_cast %scan3A_54 : i32 to index
      %swap3A_167 = arith.constant 96 : index
      %swap3A_168 = tpu.vector_load %arg13[%swap3A_166, %swap3A_167] {strides = array<i32>} : memref<80x128xf32, #tpu.memory_space<vmem>>, vector<1x16xf32>,
      %swap3A_169 = vector.shape_cast %swap3A_168 : vector<1x16xf32> to vector<16xf32>
      %swap3A_170 = vector.shape_cast %max3A_165 : vector<16xf32> to vector<1x16xf32>
      tpu.vector_store %arg13[%swap3A_166, %swap3A_167], %swap3A_170 {strides = array<i32>} : memref<80x128xf32, #tpu.memory_space<vmem>>, vector<1x16xf32>,
      %get3A_171 = arith.index_cast %scan3A_54 : i32 to index
      %get3A_172 = arith.constant 112 : index
      %get3A_173 = tpu.vector_load %arg12[%get3A_171, %get3A_172] {strides = array<i32>} : memref<80x128xf32, #tpu.memory_space<vmem>>, vector<1x16xf32>,
      %get3A_174 = vector.shape_cast %get3A_173 : vector<1x16xf32> to vector<16xf32>
      %get3A_175 = arith.index_cast %scan3A_54 : i32 to index
      %get3A_176 = arith.constant 112 : index
      %get3A_177 = tpu.vector_load %arg13[%get3A_175, %get3A_176] {strides = array<i32>} : memref<80x128xf32, #tpu.memory_space<vmem>>, vector<1x16xf32>,
      %get3A_178 = vector.shape_cast %get3A_177 : vector<1x16xf32> to vector<16xf32>
      %add3A_179 = arith.addf %get3A_174, %get3A_178 : vector<16xf32>
      %max3A_180 = arith.constant 0.000000e+00 : f32
      %max3A_181 = vector.broadcast %max3A_180 : f32 to vector<16xf32>
      %max3A_182 = arith.maximumf %add3A_179, %max3A_181 : vector<16xf32>
      %swap3A_183 = arith.index_cast %scan3A_54 : i32 to index
      %swap3A_184 = arith.constant 112 : index
      %swap3A_185 = tpu.vector_load %arg13[%swap3A_183, %swap3A_184] {strides = array<i32>} : memref<80x128xf32, #tpu.memory_space<vmem>>, vector<1x16xf32>,
      %swap3A_186 = vector.shape_cast %swap3A_185 : vector<1x16xf32> to vector<16xf32>
      %swap3A_187 = vector.shape_cast %max3A_182 : vector<16xf32> to vector<1x16xf32>
      tpu.vector_store %arg13[%swap3A_183, %swap3A_184], %swap3A_187 {strides = array<i32>} : memref<80x128xf32, #tpu.memory_space<vmem>>, vector<1x16xf32>,
    }
    %scan3A_45 = arith.constant 80 : i32
    %dma_wait3A_46 = arith.constant 0 : i32
    %dma_wait3A_47 = arith.constant 0 : i32
    %dma_wait3A_48 = tpu.memref_slice %arg16[%dma_wait3A_46, %dma_wait3A_47] : memref<10240x128xf32, #tpu.memory_space<vmem_shared>> -> memref<10240x128xf32, #tpu.memory_space<vmem_shared>>
    tpu.wait_indirect_dma semaphore(%arg21 : memref<!tpu.dma_semaphore, #tpu.memory_space<semaphore_mem>>) src(%arg15 : memref<80x128xf32, #tpu.memory_space<vmem>>) dst(%dma_wait3A_48 : memref<10240x128xf32, #tpu.memory_space<vmem_shared>>)
    "tpu.region"() ({
      %run_scoped3A = tpu.sem_alloc : memref<!tpu.dma_semaphore, #tpu.memory_space<semaphore_mem>>
      %dma_start3A_54 = arith.constant 0 : i32
      %dma_start3A_55 = arith.constant 0 : i32
      %dma_start3A_56 = tpu.memref_slice %arg16[%dma_start3A_54, %dma_start3A_55] : memref<10240x128xf32, #tpu.memory_space<vmem_shared>> -> memref<10240x128xf32, #tpu.memory_space<vmem_shared>>
      tpu.enqueue_indirect_dma source(%arg13 : memref<80x128xf32, #tpu.memory_space<vmem>>) target(%dma_start3A_56 : memref<10240x128xf32, #tpu.memory_space<vmem_shared>>) offsets(%arg9 : memref<80xi32, #tpu.memory_space<vmem>>) semaphore(%run_scoped3A : memref<!tpu.dma_semaphore, #tpu.memory_space<semaphore_mem>>) {add = true}
      %dma_wait3A_57 = arith.constant 0 : i32
      %dma_wait3A_58 = arith.constant 0 : i32
      %dma_wait3A_59 = tpu.memref_slice %arg16[%dma_wait3A_57, %dma_wait3A_58] : memref<10240x128xf32, #tpu.memory_space<vmem_shared>> -> memref<10240x128xf32, #tpu.memory_space<vmem_shared>>
      tpu.wait_indirect_dma semaphore(%run_scoped3A : memref<!tpu.dma_semaphore, #tpu.memory_space<semaphore_mem>>) src(%arg13 : memref<80x128xf32, #tpu.memory_space<vmem>>) dst(%dma_wait3A_59 : memref<10240x128xf32, #tpu.memory_space<vmem_shared>>)
      tpu.yield
    }) : () -> ()
    %barrier3A_49 = arith.constant 0 : index
    tpu.barrier barrier_id(%barrier3A_49)
    %mul3A_50 = arith.constant 640 : i32
    %mul3A_51 = arith.muli %arg1, %mul3A_50 : i32
    %mul3A_52 = arith.constant 640 : i32
    %mul3A_53 = arith.muli %arg1, %mul3A_52 : i32
    "tpu.region"() ({
      %run_scoped3A = tpu.sem_alloc : memref<!tpu.dma_semaphore, #tpu.memory_space<semaphore_mem>>
      %dma_start3A_54 = arith.constant 0 : i32
      %dma_start3A_55 = tpu.memref_slice %arg7[%arg0, %mul3A_53, %dma_start3A_54] : memref<2x10240x128xf32, #tpu.memory_space<hbm>> -> memref<1x640x128xf32, #tpu.memory_space<hbm>>
      %dma_start3A_56 = tpu.memref_squeeze %dma_start3A_55 : memref<1x640x128xf32, #tpu.memory_space<hbm>> -> memref<640x128xf32, #tpu.memory_space<hbm>>
      %dma_start3A_57 = arith.constant 0 : i32
      %dma_start3A_58 = tpu.memref_slice %arg16[%mul3A_51, %dma_start3A_57] : memref<10240x128xf32, #tpu.memory_space<vmem_shared>> -> memref<640x128xf32, #tpu.memory_space<vmem_shared>>
      tpu.enqueue_dma source(%dma_start3A_58 : memref<640x128xf32, #tpu.memory_space<vmem_shared>>) target(%dma_start3A_56 : memref<640x128xf32, #tpu.memory_space<hbm>>) target_semaphore(%run_scoped3A : memref<!tpu.dma_semaphore, #tpu.memory_space<semaphore_mem>>)
      %dma_wait3A_59 = arith.constant 0 : i32
      %dma_wait3A_60 = tpu.memref_slice %arg7[%arg0, %mul3A_53, %dma_wait3A_59] : memref<2x10240x128xf32, #tpu.memory_space<hbm>> -> memref<1x640x128xf32, #tpu.memory_space<hbm>>
      %dma_wait3A_61 = tpu.memref_squeeze %dma_wait3A_60 : memref<1x640x128xf32, #tpu.memory_space<hbm>> -> memref<640x128xf32, #tpu.memory_space<hbm>>
      %dma_wait3A_62 = arith.constant 0 : i32
      %dma_wait3A_63 = tpu.memref_slice %arg16[%mul3A_51, %dma_wait3A_62] : memref<10240x128xf32, #tpu.memory_space<vmem_shared>> -> memref<640x128xf32, #tpu.memory_space<vmem_shared>>
      tpu.wait_dma2 semaphore(%run_scoped3A : memref<!tpu.dma_semaphore, #tpu.memory_space<semaphore_mem>>) src(%dma_wait3A_63 : memref<640x128xf32, #tpu.memory_space<vmem_shared>>) dst(%dma_wait3A_61 : memref<640x128xf32, #tpu.memory_space<hbm>>)
      tpu.yield
    }) : () -> ()
    return
  }
}

#map = affine_map<(d0, d1) -> (0, 0)>
#map1 = affine_map<(d0, d1) -> (0)>
#map2 = affine_map<(d0, d1) -> (0, 0, 0)>
module attributes {stable_mosaic.version = 14 : i64} {
  func.func @_edge_body(%arg0: i32, %arg1: i32, %arg2: memref<10000x128xf32, #tpu.memory_space<hbm>>, %arg3: memref<320000x128xf32, #tpu.memory_space<hbm>>, %arg4: memref<320000xi32, #tpu.memory_space<hbm>>, %arg5: memref<320000xi32, #tpu.memory_space<hbm>>, %arg6: memref<10240x128xf32, #tpu.memory_space<hbm>>, %arg7: memref<2x10240x128xf32, #tpu.memory_space<hbm>>, %arg8: memref<80xi32, #tpu.memory_space<vmem>>, %arg9: memref<80xi32, #tpu.memory_space<vmem>>, %arg10: memref<80xi32, #tpu.memory_space<vmem>>, %arg11: memref<80xi32, #tpu.memory_space<vmem>>, %arg12: memref<80x128xf32, #tpu.memory_space<vmem>>, %arg13: memref<80x128xf32, #tpu.memory_space<vmem>>, %arg14: memref<80x128xf32, #tpu.memory_space<vmem>>, %arg15: memref<80x128xf32, #tpu.memory_space<vmem>>, %arg16: memref<10240x128xf32, #tpu.memory_space<vmem_shared>>, %arg17: memref<!tpu.dma_semaphore, #tpu.memory_space<semaphore_mem>>, %arg18: memref<!tpu.dma_semaphore, #tpu.memory_space<semaphore_mem>>, %arg19: memref<!tpu.dma_semaphore, #tpu.memory_space<semaphore_mem>>, %arg20: memref<!tpu.dma_semaphore, #tpu.memory_space<semaphore_mem>>, %arg21: memref<!tpu.dma_semaphore, #tpu.memory_space<semaphore_mem>>) attributes {dimension_semantics = [#tpu.dimension_semantics<core_parallel>, #tpu.dimension_semantics<subcore_parallel>], iteration_bounds = array<i64: 2, 16>, scalar_prefetch = 0 : i64, scratch_operands = 14 : i64, tpu.core_type = #tpu.core_type<sc_vector_subcore>, window_params = [{transform_indices = #map}, {transform_indices = #map}, {transform_indices = #map1}, {transform_indices = #map1}, {transform_indices = #map}, {transform_indices = #map2}]} {
    %mul3A = arith.constant 16 : i32
    %mul3A_0 = arith.muli %arg0, %mul3A : i32
    %add3A = arith.addi %mul3A_0, %arg1 : i32
    %mul3A_1 = arith.constant 640 : i32
    %mul3A_2 = arith.muli %arg1, %mul3A_1 : i32
    %mul3A_3 = arith.constant 640 : i32
    %mul3A_4 = arith.muli %arg1, %mul3A_3 : i32
    "tpu.region"() ({
      %run_scoped3A = tpu.sem_alloc : memref<!tpu.dma_semaphore, #tpu.memory_space<semaphore_mem>>
      %dma_start3A_54 = arith.constant 0 : i32
      %dma_start3A_55 = tpu.memref_slice %arg16[%mul3A_4, %dma_start3A_54] : memref<10240x128xf32, #tpu.memory_space<vmem_shared>> -> memref<640x128xf32, #tpu.memory_space<vmem_shared>>
      %dma_start3A_56 = arith.constant 0 : i32
      %dma_start3A_57 = tpu.memref_slice %arg6[%mul3A_2, %dma_start3A_56] : memref<10240x128xf32, #tpu.memory_space<hbm>> -> memref<640x128xf32, #tpu.memory_space<hbm>>
      tpu.enqueue_dma source(%dma_start3A_57 : memref<640x128xf32, #tpu.memory_space<hbm>>) target(%dma_start3A_55 : memref<640x128xf32, #tpu.memory_space<vmem_shared>>) target_semaphore(%run_scoped3A : memref<!tpu.dma_semaphore, #tpu.memory_space<semaphore_mem>>)
      %dma_wait3A_58 = arith.constant 0 : i32
      %dma_wait3A_59 = tpu.memref_slice %arg16[%mul3A_4, %dma_wait3A_58] : memref<10240x128xf32, #tpu.memory_space<vmem_shared>> -> memref<640x128xf32, #tpu.memory_space<vmem_shared>>
      %dma_wait3A_60 = arith.constant 0 : i32
      %dma_wait3A_61 = tpu.memref_slice %arg6[%mul3A_2, %dma_wait3A_60] : memref<10240x128xf32, #tpu.memory_space<hbm>> -> memref<640x128xf32, #tpu.memory_space<hbm>>
      tpu.wait_dma2 semaphore(%run_scoped3A : memref<!tpu.dma_semaphore, #tpu.memory_space<semaphore_mem>>) src(%dma_wait3A_61 : memref<640x128xf32, #tpu.memory_space<hbm>>) dst(%dma_wait3A_59 : memref<640x128xf32, #tpu.memory_space<vmem_shared>>)
      tpu.yield
    }) : () -> ()
    %barrier3A = arith.constant 0 : index
    tpu.barrier barrier_id(%barrier3A)
    %mul3A_5 = arith.constant 10000 : i32
    %mul3A_6 = arith.muli %add3A, %mul3A_5 : i32
    %add3A_7 = arith.constant 0 : i32
    %add3A_8 = arith.addi %mul3A_6, %add3A_7 : i32
    %dma_start3A = tpu.memref_slice %arg4[%add3A_8] : memref<320000xi32, #tpu.memory_space<hbm>> -> memref<80xi32, #tpu.memory_space<hbm>>
    %dma_start3A_9 = tpu.memref_slice %arg4[%add3A_8] : memref<320000xi32, #tpu.memory_space<hbm>> -> memref<80xi32, #tpu.memory_space<hbm>>
    tpu.enqueue_dma source(%dma_start3A_9 : memref<80xi32, #tpu.memory_space<hbm>>) target(%arg8 : memref<80xi32, #tpu.memory_space<vmem>>) target_semaphore(%arg19 : memref<!tpu.dma_semaphore, #tpu.memory_space<semaphore_mem>>)
    %add3A_10 = arith.constant 0 : i32
    %add3A_11 = arith.addi %mul3A_6, %add3A_10 : i32
    %dma_start3A_12 = tpu.memref_slice %arg5[%add3A_11] : memref<320000xi32, #tpu.memory_space<hbm>> -> memref<80xi32, #tpu.memory_space<hbm>>
    %dma_start3A_13 = tpu.memref_slice %arg5[%add3A_11] : memref<320000xi32, #tpu.memory_space<hbm>> -> memref<80xi32, #tpu.memory_space<hbm>>
    tpu.enqueue_dma source(%dma_start3A_13 : memref<80xi32, #tpu.memory_space<hbm>>) target(%arg9 : memref<80xi32, #tpu.memory_space<vmem>>) target_semaphore(%arg19 : memref<!tpu.dma_semaphore, #tpu.memory_space<semaphore_mem>>)
    %dma_wait3A = tpu.memref_slice %arg4[%add3A_8] : memref<320000xi32, #tpu.memory_space<hbm>> -> memref<80xi32, #tpu.memory_space<hbm>>
    %dma_wait3A_14 = tpu.memref_slice %arg4[%add3A_8] : memref<320000xi32, #tpu.memory_space<hbm>> -> memref<80xi32, #tpu.memory_space<hbm>>
    tpu.wait_dma2 semaphore(%arg19 : memref<!tpu.dma_semaphore, #tpu.memory_space<semaphore_mem>>) src(%dma_wait3A_14 : memref<80xi32, #tpu.memory_space<hbm>>) dst(%arg8 : memref<80xi32, #tpu.memory_space<vmem>>)
    %dma_wait3A_15 = tpu.memref_slice %arg5[%add3A_11] : memref<320000xi32, #tpu.memory_space<hbm>> -> memref<80xi32, #tpu.memory_space<hbm>>
    %dma_wait3A_16 = tpu.memref_slice %arg5[%add3A_11] : memref<320000xi32, #tpu.memory_space<hbm>> -> memref<80xi32, #tpu.memory_space<hbm>>
    tpu.wait_dma2 semaphore(%arg19 : memref<!tpu.dma_semaphore, #tpu.memory_space<semaphore_mem>>) src(%dma_wait3A_16 : memref<80xi32, #tpu.memory_space<hbm>>) dst(%arg9 : memref<80xi32, #tpu.memory_space<vmem>>)
    %dma_start3A_17 = arith.constant 0 : i32
    %dma_start3A_18 = arith.constant 0 : i32
    %dma_start3A_19 = tpu.memref_slice %arg2[%dma_start3A_17, %dma_start3A_18] : memref<10000x128xf32, #tpu.memory_space<hbm>> -> memref<10000x128xf32, #tpu.memory_space<hbm>>
    tpu.enqueue_indirect_dma source(%dma_start3A_19 : memref<10000x128xf32, #tpu.memory_space<hbm>>) target(%arg12 : memref<80x128xf32, #tpu.memory_space<vmem>>) offsets(%arg8 : memref<80xi32, #tpu.memory_space<vmem>>) semaphore(%arg17 : memref<!tpu.dma_semaphore, #tpu.memory_space<semaphore_mem>>)
    %add3A_20 = arith.constant 0 : i32
    %add3A_21 = arith.addi %mul3A_6, %add3A_20 : i32
    %dma_start3A_22 = arith.constant 0 : i32
    %dma_start3A_23 = tpu.memref_slice %arg3[%add3A_21, %dma_start3A_22] : memref<320000x128xf32, #tpu.memory_space<hbm>> -> memref<80x128xf32, #tpu.memory_space<hbm>>
    %dma_start3A_24 = arith.constant 0 : i32
    %dma_start3A_25 = tpu.memref_slice %arg3[%add3A_21, %dma_start3A_24] : memref<320000x128xf32, #tpu.memory_space<hbm>> -> memref<80x128xf32, #tpu.memory_space<hbm>>
    tpu.enqueue_dma source(%dma_start3A_25 : memref<80x128xf32, #tpu.memory_space<hbm>>) target(%arg13 : memref<80x128xf32, #tpu.memory_space<vmem>>) target_semaphore(%arg17 : memref<!tpu.dma_semaphore, #tpu.memory_space<semaphore_mem>>)
    %scan3A = arith.constant 0 : i32
    %scan3A_26 = arith.constant 0 : i32
    %scan3A_27 = arith.constant 62 : i32
    %scan3A_28 = arith.addi %scan3A_26, %scan3A_27 : i32
    %scan3A_29 = arith.constant 1 : i32
    scf.for %scan3A_54 = %scan3A_26 to %scan3A_28 step %scan3A_29  : i32 {
      %mul3A_55 = arith.constant 2 : i32
      %mul3A_56 = arith.muli %mul3A_55, %scan3A_54 : i32
      %ge3A = arith.constant 1 : i32
      %ge3A_57 = arith.cmpi sge, %mul3A_56, %ge3A : i32
      %convert_element_type3A = arith.extui %ge3A_57 : i1 to i32
      %cond3A = arith.constant 0 : i32
      %cond3A_58 = arith.cmpi ne, %convert_element_type3A, %cond3A : i32
      scf.if %cond3A_58 {
        %dma_wait3A_160 = arith.constant 0 : i32
        %dma_wait3A_161 = arith.constant 0 : i32
        %dma_wait3A_162 = tpu.memref_slice %arg16[%dma_wait3A_160, %dma_wait3A_161] : memref<10240x128xf32, #tpu.memory_space<vmem_shared>> -> memref<10240x128xf32, #tpu.memory_space<vmem_shared>>
        tpu.wait_indirect_dma semaphore(%arg21 : memref<!tpu.dma_semaphore, #tpu.memory_space<semaphore_mem>>) src(%arg15 : memref<80x128xf32, #tpu.memory_space<vmem>>) dst(%dma_wait3A_162 : memref<10240x128xf32, #tpu.memory_space<vmem_shared>>)
      } else {
      }
      %add3A_59 = arith.constant 1 : i32
      %add3A_60 = arith.addi %mul3A_56, %add3A_59 : i32
      %mul3A_61 = arith.constant 80 : i32
      %mul3A_62 = arith.muli %add3A_60, %mul3A_61 : i32
      %add3A_63 = arith.addi %mul3A_6, %mul3A_62 : i32
      %dma_start3A_64 = tpu.memref_slice %arg4[%add3A_63] : memref<320000xi32, #tpu.memory_space<hbm>> -> memref<80xi32, #tpu.memory_space<hbm>>
      %dma_start3A_65 = tpu.memref_slice %arg4[%add3A_63] : memref<320000xi32, #tpu.memory_space<hbm>> -> memref<80xi32, #tpu.memory_space<hbm>>
      tpu.enqueue_dma source(%dma_start3A_65 : memref<80xi32, #tpu.memory_space<hbm>>) target(%arg10 : memref<80xi32, #tpu.memory_space<vmem>>) target_semaphore(%arg19 : memref<!tpu.dma_semaphore, #tpu.memory_space<semaphore_mem>>)
      %mul3A_66 = arith.constant 80 : i32
      %mul3A_67 = arith.muli %add3A_60, %mul3A_66 : i32
      %add3A_68 = arith.addi %mul3A_6, %mul3A_67 : i32
      %dma_start3A_69 = tpu.memref_slice %arg5[%add3A_68] : memref<320000xi32, #tpu.memory_space<hbm>> -> memref<80xi32, #tpu.memory_space<hbm>>
      %dma_start3A_70 = tpu.memref_slice %arg5[%add3A_68] : memref<320000xi32, #tpu.memory_space<hbm>> -> memref<80xi32, #tpu.memory_space<hbm>>
      tpu.enqueue_dma source(%dma_start3A_70 : memref<80xi32, #tpu.memory_space<hbm>>) target(%arg11 : memref<80xi32, #tpu.memory_space<vmem>>) target_semaphore(%arg19 : memref<!tpu.dma_semaphore, #tpu.memory_space<semaphore_mem>>)
      %dma_wait3A_71 = tpu.memref_slice %arg4[%add3A_63] : memref<320000xi32, #tpu.memory_space<hbm>> -> memref<80xi32, #tpu.memory_space<hbm>>
      %dma_wait3A_72 = tpu.memref_slice %arg4[%add3A_63] : memref<320000xi32, #tpu.memory_space<hbm>> -> memref<80xi32, #tpu.memory_space<hbm>>
      tpu.wait_dma2 semaphore(%arg19 : memref<!tpu.dma_semaphore, #tpu.memory_space<semaphore_mem>>) src(%dma_wait3A_72 : memref<80xi32, #tpu.memory_space<hbm>>) dst(%arg10 : memref<80xi32, #tpu.memory_space<vmem>>)
      %dma_wait3A_73 = tpu.memref_slice %arg5[%add3A_68] : memref<320000xi32, #tpu.memory_space<hbm>> -> memref<80xi32, #tpu.memory_space<hbm>>
      %dma_wait3A_74 = tpu.memref_slice %arg5[%add3A_68] : memref<320000xi32, #tpu.memory_space<hbm>> -> memref<80xi32, #tpu.memory_space<hbm>>
      tpu.wait_dma2 semaphore(%arg19 : memref<!tpu.dma_semaphore, #tpu.memory_space<semaphore_mem>>) src(%dma_wait3A_74 : memref<80xi32, #tpu.memory_space<hbm>>) dst(%arg11 : memref<80xi32, #tpu.memory_space<vmem>>)
      %dma_start3A_75 = arith.constant 0 : i32
      %dma_start3A_76 = arith.constant 0 : i32
      %dma_start3A_77 = tpu.memref_slice %arg2[%dma_start3A_75, %dma_start3A_76] : memref<10000x128xf32, #tpu.memory_space<hbm>> -> memref<10000x128xf32, #tpu.memory_space<hbm>>
      tpu.enqueue_indirect_dma source(%dma_start3A_77 : memref<10000x128xf32, #tpu.memory_space<hbm>>) target(%arg14 : memref<80x128xf32, #tpu.memory_space<vmem>>) offsets(%arg10 : memref<80xi32, #tpu.memory_space<vmem>>) semaphore(%arg18 : memref<!tpu.dma_semaphore, #tpu.memory_space<semaphore_mem>>)
      %add3A_78 = arith.constant 1 : i32
      %add3A_79 = arith.addi %mul3A_56, %add3A_78 : i32
      %mul3A_80 = arith.constant 80 : i32
      %mul3A_81 = arith.muli %add3A_79, %mul3A_80 : i32
      %add3A_82 = arith.addi %mul3A_6, %mul3A_81 : i32
      %dma_start3A_83 = arith.constant 0 : i32
      %dma_start3A_84 = tpu.memref_slice %arg3[%add3A_82, %dma_start3A_83] : memref<320000x128xf32, #tpu.memory_space<hbm>> -> memref<80x128xf32, #tpu.memory_space<hbm>>
      %dma_start3A_85 = arith.constant 0 : i32
      %dma_start3A_86 = tpu.memref_slice %arg3[%add3A_82, %dma_start3A_85] : memref<320000x128xf32, #tpu.memory_space<hbm>> -> memref<80x128xf32, #tpu.memory_space<hbm>>
      tpu.enqueue_dma source(%dma_start3A_86 : memref<80x128xf32, #tpu.memory_space<hbm>>) target(%arg15 : memref<80x128xf32, #tpu.memory_space<vmem>>) target_semaphore(%arg18 : memref<!tpu.dma_semaphore, #tpu.memory_space<semaphore_mem>>)
      %dma_wait3A_87 = arith.constant 0 : i32
      %dma_wait3A_88 = arith.constant 0 : i32
      %dma_wait3A_89 = tpu.memref_slice %arg2[%dma_wait3A_87, %dma_wait3A_88] : memref<10000x128xf32, #tpu.memory_space<hbm>> -> memref<10000x128xf32, #tpu.memory_space<hbm>>
      tpu.wait_indirect_dma semaphore(%arg17 : memref<!tpu.dma_semaphore, #tpu.memory_space<semaphore_mem>>) src(%dma_wait3A_89 : memref<10000x128xf32, #tpu.memory_space<hbm>>) dst(%arg12 : memref<80x128xf32, #tpu.memory_space<vmem>>)
      %dma_wait3A_90 = arith.constant 0 : i32
      %dma_wait3A_91 = arith.constant 0 : i32
      %dma_wait3A_92 = tpu.memref_slice %arg3[%dma_wait3A_90, %dma_wait3A_91] : memref<320000x128xf32, #tpu.memory_space<hbm>> -> memref<80x128xf32, #tpu.memory_space<hbm>>
      %dma_wait3A_93 = arith.constant 0 : i32
      %dma_wait3A_94 = arith.constant 0 : i32
      %dma_wait3A_95 = tpu.memref_slice %arg3[%dma_wait3A_93, %dma_wait3A_94] : memref<320000x128xf32, #tpu.memory_space<hbm>> -> memref<80x128xf32, #tpu.memory_space<hbm>>
      tpu.wait_dma2 semaphore(%arg17 : memref<!tpu.dma_semaphore, #tpu.memory_space<semaphore_mem>>) src(%dma_wait3A_95 : memref<80x128xf32, #tpu.memory_space<hbm>>) dst(%arg13 : memref<80x128xf32, #tpu.memory_space<vmem>>)
      %scan3A_96 = arith.constant 0 : i32
      %scan3A_97 = arith.constant 0 : i32
      %scan3A_98 = arith.constant 80 : i32
      %scan3A_99 = arith.addi %scan3A_97, %scan3A_98 : i32
      %scan3A_100 = arith.constant 1 : i32
      scf.for %scan3A_160 = %scan3A_97 to %scan3A_99 step %scan3A_100  : i32 {
        %get3A = arith.index_cast %scan3A_160 : i32 to index
        %get3A_161 = arith.constant 0 : index
        %get3A_162 = tpu.vector_load %arg12[%get3A, %get3A_161] {strides = array<i32>} : memref<80x128xf32, #tpu.memory_space<vmem>>, vector<1x16xf32>,
        %get3A_163 = vector.shape_cast %get3A_162 : vector<1x16xf32> to vector<16xf32>
        %get3A_164 = arith.index_cast %scan3A_160 : i32 to index
        %get3A_165 = arith.constant 0 : index
        %get3A_166 = tpu.vector_load %arg13[%get3A_164, %get3A_165] {strides = array<i32>} : memref<80x128xf32, #tpu.memory_space<vmem>>, vector<1x16xf32>,
        %get3A_167 = vector.shape_cast %get3A_166 : vector<1x16xf32> to vector<16xf32>
        %add3A_168 = arith.addf %get3A_163, %get3A_167 : vector<16xf32>
        %max3A = arith.constant 0.000000e+00 : f32
        %max3A_169 = vector.broadcast %max3A : f32 to vector<16xf32>
        %max3A_170 = arith.maximumf %add3A_168, %max3A_169 : vector<16xf32>
        %swap3A = arith.index_cast %scan3A_160 : i32 to index
        %swap3A_171 = arith.constant 0 : index
        %swap3A_172 = tpu.vector_load %arg13[%swap3A, %swap3A_171] {strides = array<i32>} : memref<80x128xf32, #tpu.memory_space<vmem>>, vector<1x16xf32>,
        %swap3A_173 = vector.shape_cast %swap3A_172 : vector<1x16xf32> to vector<16xf32>
        %swap3A_174 = vector.shape_cast %max3A_170 : vector<16xf32> to vector<1x16xf32>
        tpu.vector_store %arg13[%swap3A, %swap3A_171], %swap3A_174 {strides = array<i32>} : memref<80x128xf32, #tpu.memory_space<vmem>>, vector<1x16xf32>,
        %get3A_175 = arith.index_cast %scan3A_160 : i32 to index
        %get3A_176 = arith.constant 16 : index
        %get3A_177 = tpu.vector_load %arg12[%get3A_175, %get3A_176] {strides = array<i32>} : memref<80x128xf32, #tpu.memory_space<vmem>>, vector<1x16xf32>,
        %get3A_178 = vector.shape_cast %get3A_177 : vector<1x16xf32> to vector<16xf32>
        %get3A_179 = arith.index_cast %scan3A_160 : i32 to index
        %get3A_180 = arith.constant 16 : index
        %get3A_181 = tpu.vector_load %arg13[%get3A_179, %get3A_180] {strides = array<i32>} : memref<80x128xf32, #tpu.memory_space<vmem>>, vector<1x16xf32>,
        %get3A_182 = vector.shape_cast %get3A_181 : vector<1x16xf32> to vector<16xf32>
        %add3A_183 = arith.addf %get3A_178, %get3A_182 : vector<16xf32>
        %max3A_184 = arith.constant 0.000000e+00 : f32
        %max3A_185 = vector.broadcast %max3A_184 : f32 to vector<16xf32>
        %max3A_186 = arith.maximumf %add3A_183, %max3A_185 : vector<16xf32>
        %swap3A_187 = arith.index_cast %scan3A_160 : i32 to index
        %swap3A_188 = arith.constant 16 : index
        %swap3A_189 = tpu.vector_load %arg13[%swap3A_187, %swap3A_188] {strides = array<i32>} : memref<80x128xf32, #tpu.memory_space<vmem>>, vector<1x16xf32>,
        %swap3A_190 = vector.shape_cast %swap3A_189 : vector<1x16xf32> to vector<16xf32>
        %swap3A_191 = vector.shape_cast %max3A_186 : vector<16xf32> to vector<1x16xf32>
        tpu.vector_store %arg13[%swap3A_187, %swap3A_188], %swap3A_191 {strides = array<i32>} : memref<80x128xf32, #tpu.memory_space<vmem>>, vector<1x16xf32>,
        %get3A_192 = arith.index_cast %scan3A_160 : i32 to index
        %get3A_193 = arith.constant 32 : index
        %get3A_194 = tpu.vector_load %arg12[%get3A_192, %get3A_193] {strides = array<i32>} : memref<80x128xf32, #tpu.memory_space<vmem>>, vector<1x16xf32>,
        %get3A_195 = vector.shape_cast %get3A_194 : vector<1x16xf32> to vector<16xf32>
        %get3A_196 = arith.index_cast %scan3A_160 : i32 to index
        %get3A_197 = arith.constant 32 : index
        %get3A_198 = tpu.vector_load %arg13[%get3A_196, %get3A_197] {strides = array<i32>} : memref<80x128xf32, #tpu.memory_space<vmem>>, vector<1x16xf32>,
        %get3A_199 = vector.shape_cast %get3A_198 : vector<1x16xf32> to vector<16xf32>
        %add3A_200 = arith.addf %get3A_195, %get3A_199 : vector<16xf32>
        %max3A_201 = arith.constant 0.000000e+00 : f32
        %max3A_202 = vector.broadcast %max3A_201 : f32 to vector<16xf32>
        %max3A_203 = arith.maximumf %add3A_200, %max3A_202 : vector<16xf32>
        %swap3A_204 = arith.index_cast %scan3A_160 : i32 to index
        %swap3A_205 = arith.constant 32 : index
        %swap3A_206 = tpu.vector_load %arg13[%swap3A_204, %swap3A_205] {strides = array<i32>} : memref<80x128xf32, #tpu.memory_space<vmem>>, vector<1x16xf32>,
        %swap3A_207 = vector.shape_cast %swap3A_206 : vector<1x16xf32> to vector<16xf32>
        %swap3A_208 = vector.shape_cast %max3A_203 : vector<16xf32> to vector<1x16xf32>
        tpu.vector_store %arg13[%swap3A_204, %swap3A_205], %swap3A_208 {strides = array<i32>} : memref<80x128xf32, #tpu.memory_space<vmem>>, vector<1x16xf32>,
        %get3A_209 = arith.index_cast %scan3A_160 : i32 to index
        %get3A_210 = arith.constant 48 : index
        %get3A_211 = tpu.vector_load %arg12[%get3A_209, %get3A_210] {strides = array<i32>} : memref<80x128xf32, #tpu.memory_space<vmem>>, vector<1x16xf32>,
        %get3A_212 = vector.shape_cast %get3A_211 : vector<1x16xf32> to vector<16xf32>
        %get3A_213 = arith.index_cast %scan3A_160 : i32 to index
        %get3A_214 = arith.constant 48 : index
        %get3A_215 = tpu.vector_load %arg13[%get3A_213, %get3A_214] {strides = array<i32>} : memref<80x128xf32, #tpu.memory_space<vmem>>, vector<1x16xf32>,
        %get3A_216 = vector.shape_cast %get3A_215 : vector<1x16xf32> to vector<16xf32>
        %add3A_217 = arith.addf %get3A_212, %get3A_216 : vector<16xf32>
        %max3A_218 = arith.constant 0.000000e+00 : f32
        %max3A_219 = vector.broadcast %max3A_218 : f32 to vector<16xf32>
        %max3A_220 = arith.maximumf %add3A_217, %max3A_219 : vector<16xf32>
        %swap3A_221 = arith.index_cast %scan3A_160 : i32 to index
        %swap3A_222 = arith.constant 48 : index
        %swap3A_223 = tpu.vector_load %arg13[%swap3A_221, %swap3A_222] {strides = array<i32>} : memref<80x128xf32, #tpu.memory_space<vmem>>, vector<1x16xf32>,
        %swap3A_224 = vector.shape_cast %swap3A_223 : vector<1x16xf32> to vector<16xf32>
        %swap3A_225 = vector.shape_cast %max3A_220 : vector<16xf32> to vector<1x16xf32>
        tpu.vector_store %arg13[%swap3A_221, %swap3A_222], %swap3A_225 {strides = array<i32>} : memref<80x128xf32, #tpu.memory_space<vmem>>, vector<1x16xf32>,
        %get3A_226 = arith.index_cast %scan3A_160 : i32 to index
        %get3A_227 = arith.constant 64 : index
        %get3A_228 = tpu.vector_load %arg12[%get3A_226, %get3A_227] {strides = array<i32>} : memref<80x128xf32, #tpu.memory_space<vmem>>, vector<1x16xf32>,
        %get3A_229 = vector.shape_cast %get3A_228 : vector<1x16xf32> to vector<16xf32>
        %get3A_230 = arith.index_cast %scan3A_160 : i32 to index
        %get3A_231 = arith.constant 64 : index
        %get3A_232 = tpu.vector_load %arg13[%get3A_230, %get3A_231] {strides = array<i32>} : memref<80x128xf32, #tpu.memory_space<vmem>>, vector<1x16xf32>,
        %get3A_233 = vector.shape_cast %get3A_232 : vector<1x16xf32> to vector<16xf32>
        %add3A_234 = arith.addf %get3A_229, %get3A_233 : vector<16xf32>
        %max3A_235 = arith.constant 0.000000e+00 : f32
        %max3A_236 = vector.broadcast %max3A_235 : f32 to vector<16xf32>
        %max3A_237 = arith.maximumf %add3A_234, %max3A_236 : vector<16xf32>
        %swap3A_238 = arith.index_cast %scan3A_160 : i32 to index
        %swap3A_239 = arith.constant 64 : index
        %swap3A_240 = tpu.vector_load %arg13[%swap3A_238, %swap3A_239] {strides = array<i32>} : memref<80x128xf32, #tpu.memory_space<vmem>>, vector<1x16xf32>,
        %swap3A_241 = vector.shape_cast %swap3A_240 : vector<1x16xf32> to vector<16xf32>
        %swap3A_242 = vector.shape_cast %max3A_237 : vector<16xf32> to vector<1x16xf32>
        tpu.vector_store %arg13[%swap3A_238, %swap3A_239], %swap3A_242 {strides = array<i32>} : memref<80x128xf32, #tpu.memory_space<vmem>>, vector<1x16xf32>,
        %get3A_243 = arith.index_cast %scan3A_160 : i32 to index
        %get3A_244 = arith.constant 80 : index
        %get3A_245 = tpu.vector_load %arg12[%get3A_243, %get3A_244] {strides = array<i32>} : memref<80x128xf32, #tpu.memory_space<vmem>>, vector<1x16xf32>,
        %get3A_246 = vector.shape_cast %get3A_245 : vector<1x16xf32> to vector<16xf32>
        %get3A_247 = arith.index_cast %scan3A_160 : i32 to index
        %get3A_248 = arith.constant 80 : index
        %get3A_249 = tpu.vector_load %arg13[%get3A_247, %get3A_248] {strides = array<i32>} : memref<80x128xf32, #tpu.memory_space<vmem>>, vector<1x16xf32>,
        %get3A_250 = vector.shape_cast %get3A_249 : vector<1x16xf32> to vector<16xf32>
        %add3A_251 = arith.addf %get3A_246, %get3A_250 : vector<16xf32>
        %max3A_252 = arith.constant 0.000000e+00 : f32
        %max3A_253 = vector.broadcast %max3A_252 : f32 to vector<16xf32>
        %max3A_254 = arith.maximumf %add3A_251, %max3A_253 : vector<16xf32>
        %swap3A_255 = arith.index_cast %scan3A_160 : i32 to index
        %swap3A_256 = arith.constant 80 : index
        %swap3A_257 = tpu.vector_load %arg13[%swap3A_255, %swap3A_256] {strides = array<i32>} : memref<80x128xf32, #tpu.memory_space<vmem>>, vector<1x16xf32>,
        %swap3A_258 = vector.shape_cast %swap3A_257 : vector<1x16xf32> to vector<16xf32>
        %swap3A_259 = vector.shape_cast %max3A_254 : vector<16xf32> to vector<1x16xf32>
        tpu.vector_store %arg13[%swap3A_255, %swap3A_256], %swap3A_259 {strides = array<i32>} : memref<80x128xf32, #tpu.memory_space<vmem>>, vector<1x16xf32>,
        %get3A_260 = arith.index_cast %scan3A_160 : i32 to index
        %get3A_261 = arith.constant 96 : index
        %get3A_262 = tpu.vector_load %arg12[%get3A_260, %get3A_261] {strides = array<i32>} : memref<80x128xf32, #tpu.memory_space<vmem>>, vector<1x16xf32>,
        %get3A_263 = vector.shape_cast %get3A_262 : vector<1x16xf32> to vector<16xf32>
        %get3A_264 = arith.index_cast %scan3A_160 : i32 to index
        %get3A_265 = arith.constant 96 : index
        %get3A_266 = tpu.vector_load %arg13[%get3A_264, %get3A_265] {strides = array<i32>} : memref<80x128xf32, #tpu.memory_space<vmem>>, vector<1x16xf32>,
        %get3A_267 = vector.shape_cast %get3A_266 : vector<1x16xf32> to vector<16xf32>
        %add3A_268 = arith.addf %get3A_263, %get3A_267 : vector<16xf32>
        %max3A_269 = arith.constant 0.000000e+00 : f32
        %max3A_270 = vector.broadcast %max3A_269 : f32 to vector<16xf32>
        %max3A_271 = arith.maximumf %add3A_268, %max3A_270 : vector<16xf32>
        %swap3A_272 = arith.index_cast %scan3A_160 : i32 to index
        %swap3A_273 = arith.constant 96 : index
        %swap3A_274 = tpu.vector_load %arg13[%swap3A_272, %swap3A_273] {strides = array<i32>} : memref<80x128xf32, #tpu.memory_space<vmem>>, vector<1x16xf32>,
        %swap3A_275 = vector.shape_cast %swap3A_274 : vector<1x16xf32> to vector<16xf32>
        %swap3A_276 = vector.shape_cast %max3A_271 : vector<16xf32> to vector<1x16xf32>
        tpu.vector_store %arg13[%swap3A_272, %swap3A_273], %swap3A_276 {strides = array<i32>} : memref<80x128xf32, #tpu.memory_space<vmem>>, vector<1x16xf32>,
        %get3A_277 = arith.index_cast %scan3A_160 : i32 to index
        %get3A_278 = arith.constant 112 : index
        %get3A_279 = tpu.vector_load %arg12[%get3A_277, %get3A_278] {strides = array<i32>} : memref<80x128xf32, #tpu.memory_space<vmem>>, vector<1x16xf32>,
        %get3A_280 = vector.shape_cast %get3A_279 : vector<1x16xf32> to vector<16xf32>
        %get3A_281 = arith.index_cast %scan3A_160 : i32 to index
        %get3A_282 = arith.constant 112 : index
        %get3A_283 = tpu.vector_load %arg13[%get3A_281, %get3A_282] {strides = array<i32>} : memref<80x128xf32, #tpu.memory_space<vmem>>, vector<1x16xf32>,
        %get3A_284 = vector.shape_cast %get3A_283 : vector<1x16xf32> to vector<16xf32>
        %add3A_285 = arith.addf %get3A_280, %get3A_284 : vector<16xf32>
        %max3A_286 = arith.constant 0.000000e+00 : f32
        %max3A_287 = vector.broadcast %max3A_286 : f32 to vector<16xf32>
        %max3A_288 = arith.maximumf %add3A_285, %max3A_287 : vector<16xf32>
        %swap3A_289 = arith.index_cast %scan3A_160 : i32 to index
        %swap3A_290 = arith.constant 112 : index
        %swap3A_291 = tpu.vector_load %arg13[%swap3A_289, %swap3A_290] {strides = array<i32>} : memref<80x128xf32, #tpu.memory_space<vmem>>, vector<1x16xf32>,
        %swap3A_292 = vector.shape_cast %swap3A_291 : vector<1x16xf32> to vector<16xf32>
        %swap3A_293 = vector.shape_cast %max3A_288 : vector<16xf32> to vector<1x16xf32>
        tpu.vector_store %arg13[%swap3A_289, %swap3A_290], %swap3A_293 {strides = array<i32>} : memref<80x128xf32, #tpu.memory_space<vmem>>, vector<1x16xf32>,
      }
      %scan3A_101 = arith.constant 80 : i32
      %dma_start3A_102 = arith.constant 0 : i32
      %dma_start3A_103 = arith.constant 0 : i32
      %dma_start3A_104 = tpu.memref_slice %arg16[%dma_start3A_102, %dma_start3A_103] : memref<10240x128xf32, #tpu.memory_space<vmem_shared>> -> memref<10240x128xf32, #tpu.memory_space<vmem_shared>>
      tpu.enqueue_indirect_dma source(%arg13 : memref<80x128xf32, #tpu.memory_space<vmem>>) target(%dma_start3A_104 : memref<10240x128xf32, #tpu.memory_space<vmem_shared>>) offsets(%arg9 : memref<80xi32, #tpu.memory_space<vmem>>) semaphore(%arg20 : memref<!tpu.dma_semaphore, #tpu.memory_space<semaphore_mem>>) {add = true}
      %mul3A_105 = arith.constant 2 : i32
      %mul3A_106 = arith.muli %mul3A_105, %scan3A_54 : i32
      %add3A_107 = arith.constant 1 : i32
      %add3A_108 = arith.addi %mul3A_106, %add3A_107 : i32
      %ge3A_109 = arith.constant 1 : i32
      %ge3A_110 = arith.cmpi sge, %add3A_108, %ge3A_109 : i32
      %convert_element_type3A_111 = arith.extui %ge3A_110 : i1 to i32
      %cond3A_112 = arith.constant 0 : i32
      %cond3A_113 = arith.cmpi ne, %convert_element_type3A_111, %cond3A_112 : i32
      scf.if %cond3A_113 {
        %dma_wait3A_160 = arith.constant 0 : i32
        %dma_wait3A_161 = arith.constant 0 : i32
        %dma_wait3A_162 = tpu.memref_slice %arg16[%dma_wait3A_160, %dma_wait3A_161] : memref<10240x128xf32, #tpu.memory_space<vmem_shared>> -> memref<10240x128xf32, #tpu.memory_space<vmem_shared>>
        tpu.wait_indirect_dma semaphore(%arg20 : memref<!tpu.dma_semaphore, #tpu.memory_space<semaphore_mem>>) src(%arg13 : memref<80x128xf32, #tpu.memory_space<vmem>>) dst(%dma_wait3A_162 : memref<10240x128xf32, #tpu.memory_space<vmem_shared>>)
      } else {
      }
      %add3A_114 = arith.constant 1 : i32
      %add3A_115 = arith.addi %add3A_108, %add3A_114 : i32
      %mul3A_116 = arith.constant 80 : i32
      %mul3A_117 = arith.muli %add3A_115, %mul3A_116 : i32
      %add3A_118 = arith.addi %mul3A_6, %mul3A_117 : i32
      %dma_start3A_119 = tpu.memref_slice %arg4[%add3A_118] : memref<320000xi32, #tpu.memory_space<hbm>> -> memref<80xi32, #tpu.memory_space<hbm>>
      %dma_start3A_120 = tpu.memref_slice %arg4[%add3A_118] : memref<320000xi32, #tpu.memory_space<hbm>> -> memref<80xi32, #tpu.memory_space<hbm>>
      tpu.enqueue_dma source(%dma_start3A_120 : memref<80xi32, #tpu.memory_space<hbm>>) target(%arg8 : memref<80xi32, #tpu.memory_space<vmem>>) target_semaphore(%arg19 : memref<!tpu.dma_semaphore, #tpu.memory_space<semaphore_mem>>)
      %mul3A_121 = arith.constant 80 : i32
      %mul3A_122 = arith.muli %add3A_115, %mul3A_121 : i32
      %add3A_123 = arith.addi %mul3A_6, %mul3A_122 : i32
      %dma_start3A_124 = tpu.memref_slice %arg5[%add3A_123] : memref<320000xi32, #tpu.memory_space<hbm>> -> memref<80xi32, #tpu.memory_space<hbm>>
      %dma_start3A_125 = tpu.memref_slice %arg5[%add3A_123] : memref<320000xi32, #tpu.memory_space<hbm>> -> memref<80xi32, #tpu.memory_space<hbm>>
      tpu.enqueue_dma source(%dma_start3A_125 : memref<80xi32, #tpu.memory_space<hbm>>) target(%arg9 : memref<80xi32, #tpu.memory_space<vmem>>) target_semaphore(%arg19 : memref<!tpu.dma_semaphore, #tpu.memory_space<semaphore_mem>>)
      %dma_wait3A_126 = tpu.memref_slice %arg4[%add3A_118] : memref<320000xi32, #tpu.memory_space<hbm>> -> memref<80xi32, #tpu.memory_space<hbm>>
      %dma_wait3A_127 = tpu.memref_slice %arg4[%add3A_118] : memref<320000xi32, #tpu.memory_space<hbm>> -> memref<80xi32, #tpu.memory_space<hbm>>
      tpu.wait_dma2 semaphore(%arg19 : memref<!tpu.dma_semaphore, #tpu.memory_space<semaphore_mem>>) src(%dma_wait3A_127 : memref<80xi32, #tpu.memory_space<hbm>>) dst(%arg8 : memref<80xi32, #tpu.memory_space<vmem>>)
      %dma_wait3A_128 = tpu.memref_slice %arg5[%add3A_123] : memref<320000xi32, #tpu.memory_space<hbm>> -> memref<80xi32, #tpu.memory_space<hbm>>
      %dma_wait3A_129 = tpu.memref_slice %arg5[%add3A_123] : memref<320000xi32, #tpu.memory_space<hbm>> -> memref<80xi32, #tpu.memory_space<hbm>>
      tpu.wait_dma2 semaphore(%arg19 : memref<!tpu.dma_semaphore, #tpu.memory_space<semaphore_mem>>) src(%dma_wait3A_129 : memref<80xi32, #tpu.memory_space<hbm>>) dst(%arg9 : memref<80xi32, #tpu.memory_space<vmem>>)
      %dma_start3A_130 = arith.constant 0 : i32
      %dma_start3A_131 = arith.constant 0 : i32
      %dma_start3A_132 = tpu.memref_slice %arg2[%dma_start3A_130, %dma_start3A_131] : memref<10000x128xf32, #tpu.memory_space<hbm>> -> memref<10000x128xf32, #tpu.memory_space<hbm>>
      tpu.enqueue_indirect_dma source(%dma_start3A_132 : memref<10000x128xf32, #tpu.memory_space<hbm>>) target(%arg12 : memref<80x128xf32, #tpu.memory_space<vmem>>) offsets(%arg8 : memref<80xi32, #tpu.memory_space<vmem>>) semaphore(%arg17 : memref<!tpu.dma_semaphore, #tpu.memory_space<semaphore_mem>>)
      %add3A_133 = arith.constant 1 : i32
      %add3A_134 = arith.addi %add3A_108, %add3A_133 : i32
      %mul3A_135 = arith.constant 80 : i32
      %mul3A_136 = arith.muli %add3A_134, %mul3A_135 : i32
      %add3A_137 = arith.addi %mul3A_6, %mul3A_136 : i32
      %dma_start3A_138 = arith.constant 0 : i32
      %dma_start3A_139 = tpu.memref_slice %arg3[%add3A_137, %dma_start3A_138] : memref<320000x128xf32, #tpu.memory_space<hbm>> -> memref<80x128xf32, #tpu.memory_space<hbm>>
      %dma_start3A_140 = arith.constant 0 : i32
      %dma_start3A_141 = tpu.memref_slice %arg3[%add3A_137, %dma_start3A_140] : memref<320000x128xf32, #tpu.memory_space<hbm>> -> memref<80x128xf32, #tpu.memory_space<hbm>>
      tpu.enqueue_dma source(%dma_start3A_141 : memref<80x128xf32, #tpu.memory_space<hbm>>) target(%arg13 : memref<80x128xf32, #tpu.memory_space<vmem>>) target_semaphore(%arg17 : memref<!tpu.dma_semaphore, #tpu.memory_space<semaphore_mem>>)
      %dma_wait3A_142 = arith.constant 0 : i32
      %dma_wait3A_143 = arith.constant 0 : i32
      %dma_wait3A_144 = tpu.memref_slice %arg2[%dma_wait3A_142, %dma_wait3A_143] : memref<10000x128xf32, #tpu.memory_space<hbm>> -> memref<10000x128xf32, #tpu.memory_space<hbm>>
      tpu.wait_indirect_dma semaphore(%arg18 : memref<!tpu.dma_semaphore, #tpu.memory_space<semaphore_mem>>) src(%dma_wait3A_144 : memref<10000x128xf32, #tpu.memory_space<hbm>>) dst(%arg14 : memref<80x128xf32, #tpu.memory_space<vmem>>)
      %dma_wait3A_145 = arith.constant 0 : i32
      %dma_wait3A_146 = arith.constant 0 : i32
      %dma_wait3A_147 = tpu.memref_slice %arg3[%dma_wait3A_145, %dma_wait3A_146] : memref<320000x128xf32, #tpu.memory_space<hbm>> -> memref<80x128xf32, #tpu.memory_space<hbm>>
      %dma_wait3A_148 = arith.constant 0 : i32
      %dma_wait3A_149 = arith.constant 0 : i32
      %dma_wait3A_150 = tpu.memref_slice %arg3[%dma_wait3A_148, %dma_wait3A_149] : memref<320000x128xf32, #tpu.memory_space<hbm>> -> memref<80x128xf32, #tpu.memory_space<hbm>>
      tpu.wait_dma2 semaphore(%arg18 : memref<!tpu.dma_semaphore, #tpu.memory_space<semaphore_mem>>) src(%dma_wait3A_150 : memref<80x128xf32, #tpu.memory_space<hbm>>) dst(%arg15 : memref<80x128xf32, #tpu.memory_space<vmem>>)
      %scan3A_151 = arith.constant 0 : i32
      %scan3A_152 = arith.constant 0 : i32
      %scan3A_153 = arith.constant 80 : i32
      %scan3A_154 = arith.addi %scan3A_152, %scan3A_153 : i32
      %scan3A_155 = arith.constant 1 : i32
      scf.for %scan3A_160 = %scan3A_152 to %scan3A_154 step %scan3A_155  : i32 {
        %get3A = arith.index_cast %scan3A_160 : i32 to index
        %get3A_161 = arith.constant 0 : index
        %get3A_162 = tpu.vector_load %arg14[%get3A, %get3A_161] {strides = array<i32>} : memref<80x128xf32, #tpu.memory_space<vmem>>, vector<1x16xf32>,
        %get3A_163 = vector.shape_cast %get3A_162 : vector<1x16xf32> to vector<16xf32>
        %get3A_164 = arith.index_cast %scan3A_160 : i32 to index
        %get3A_165 = arith.constant 0 : index
        %get3A_166 = tpu.vector_load %arg15[%get3A_164, %get3A_165] {strides = array<i32>} : memref<80x128xf32, #tpu.memory_space<vmem>>, vector<1x16xf32>,
        %get3A_167 = vector.shape_cast %get3A_166 : vector<1x16xf32> to vector<16xf32>
        %add3A_168 = arith.addf %get3A_163, %get3A_167 : vector<16xf32>
        %max3A = arith.constant 0.000000e+00 : f32
        %max3A_169 = vector.broadcast %max3A : f32 to vector<16xf32>
        %max3A_170 = arith.maximumf %add3A_168, %max3A_169 : vector<16xf32>
        %swap3A = arith.index_cast %scan3A_160 : i32 to index
        %swap3A_171 = arith.constant 0 : index
        %swap3A_172 = tpu.vector_load %arg15[%swap3A, %swap3A_171] {strides = array<i32>} : memref<80x128xf32, #tpu.memory_space<vmem>>, vector<1x16xf32>,
        %swap3A_173 = vector.shape_cast %swap3A_172 : vector<1x16xf32> to vector<16xf32>
        %swap3A_174 = vector.shape_cast %max3A_170 : vector<16xf32> to vector<1x16xf32>
        tpu.vector_store %arg15[%swap3A, %swap3A_171], %swap3A_174 {strides = array<i32>} : memref<80x128xf32, #tpu.memory_space<vmem>>, vector<1x16xf32>,
        %get3A_175 = arith.index_cast %scan3A_160 : i32 to index
        %get3A_176 = arith.constant 16 : index
        %get3A_177 = tpu.vector_load %arg14[%get3A_175, %get3A_176] {strides = array<i32>} : memref<80x128xf32, #tpu.memory_space<vmem>>, vector<1x16xf32>,
        %get3A_178 = vector.shape_cast %get3A_177 : vector<1x16xf32> to vector<16xf32>
        %get3A_179 = arith.index_cast %scan3A_160 : i32 to index
        %get3A_180 = arith.constant 16 : index
        %get3A_181 = tpu.vector_load %arg15[%get3A_179, %get3A_180] {strides = array<i32>} : memref<80x128xf32, #tpu.memory_space<vmem>>, vector<1x16xf32>,
        %get3A_182 = vector.shape_cast %get3A_181 : vector<1x16xf32> to vector<16xf32>
        %add3A_183 = arith.addf %get3A_178, %get3A_182 : vector<16xf32>
        %max3A_184 = arith.constant 0.000000e+00 : f32
        %max3A_185 = vector.broadcast %max3A_184 : f32 to vector<16xf32>
        %max3A_186 = arith.maximumf %add3A_183, %max3A_185 : vector<16xf32>
        %swap3A_187 = arith.index_cast %scan3A_160 : i32 to index
        %swap3A_188 = arith.constant 16 : index
        %swap3A_189 = tpu.vector_load %arg15[%swap3A_187, %swap3A_188] {strides = array<i32>} : memref<80x128xf32, #tpu.memory_space<vmem>>, vector<1x16xf32>,
        %swap3A_190 = vector.shape_cast %swap3A_189 : vector<1x16xf32> to vector<16xf32>
        %swap3A_191 = vector.shape_cast %max3A_186 : vector<16xf32> to vector<1x16xf32>
        tpu.vector_store %arg15[%swap3A_187, %swap3A_188], %swap3A_191 {strides = array<i32>} : memref<80x128xf32, #tpu.memory_space<vmem>>, vector<1x16xf32>,
        %get3A_192 = arith.index_cast %scan3A_160 : i32 to index
        %get3A_193 = arith.constant 32 : index
        %get3A_194 = tpu.vector_load %arg14[%get3A_192, %get3A_193] {strides = array<i32>} : memref<80x128xf32, #tpu.memory_space<vmem>>, vector<1x16xf32>,
        %get3A_195 = vector.shape_cast %get3A_194 : vector<1x16xf32> to vector<16xf32>
        %get3A_196 = arith.index_cast %scan3A_160 : i32 to index
        %get3A_197 = arith.constant 32 : index
        %get3A_198 = tpu.vector_load %arg15[%get3A_196, %get3A_197] {strides = array<i32>} : memref<80x128xf32, #tpu.memory_space<vmem>>, vector<1x16xf32>,
        %get3A_199 = vector.shape_cast %get3A_198 : vector<1x16xf32> to vector<16xf32>
        %add3A_200 = arith.addf %get3A_195, %get3A_199 : vector<16xf32>
        %max3A_201 = arith.constant 0.000000e+00 : f32
        %max3A_202 = vector.broadcast %max3A_201 : f32 to vector<16xf32>
        %max3A_203 = arith.maximumf %add3A_200, %max3A_202 : vector<16xf32>
        %swap3A_204 = arith.index_cast %scan3A_160 : i32 to index
        %swap3A_205 = arith.constant 32 : index
        %swap3A_206 = tpu.vector_load %arg15[%swap3A_204, %swap3A_205] {strides = array<i32>} : memref<80x128xf32, #tpu.memory_space<vmem>>, vector<1x16xf32>,
        %swap3A_207 = vector.shape_cast %swap3A_206 : vector<1x16xf32> to vector<16xf32>
        %swap3A_208 = vector.shape_cast %max3A_203 : vector<16xf32> to vector<1x16xf32>
        tpu.vector_store %arg15[%swap3A_204, %swap3A_205], %swap3A_208 {strides = array<i32>} : memref<80x128xf32, #tpu.memory_space<vmem>>, vector<1x16xf32>,
        %get3A_209 = arith.index_cast %scan3A_160 : i32 to index
        %get3A_210 = arith.constant 48 : index
        %get3A_211 = tpu.vector_load %arg14[%get3A_209, %get3A_210] {strides = array<i32>} : memref<80x128xf32, #tpu.memory_space<vmem>>, vector<1x16xf32>,
        %get3A_212 = vector.shape_cast %get3A_211 : vector<1x16xf32> to vector<16xf32>
        %get3A_213 = arith.index_cast %scan3A_160 : i32 to index
        %get3A_214 = arith.constant 48 : index
        %get3A_215 = tpu.vector_load %arg15[%get3A_213, %get3A_214] {strides = array<i32>} : memref<80x128xf32, #tpu.memory_space<vmem>>, vector<1x16xf32>,
        %get3A_216 = vector.shape_cast %get3A_215 : vector<1x16xf32> to vector<16xf32>
        %add3A_217 = arith.addf %get3A_212, %get3A_216 : vector<16xf32>
        %max3A_218 = arith.constant 0.000000e+00 : f32
        %max3A_219 = vector.broadcast %max3A_218 : f32 to vector<16xf32>
        %max3A_220 = arith.maximumf %add3A_217, %max3A_219 : vector<16xf32>
        %swap3A_221 = arith.index_cast %scan3A_160 : i32 to index
        %swap3A_222 = arith.constant 48 : index
        %swap3A_223 = tpu.vector_load %arg15[%swap3A_221, %swap3A_222] {strides = array<i32>} : memref<80x128xf32, #tpu.memory_space<vmem>>, vector<1x16xf32>,
        %swap3A_224 = vector.shape_cast %swap3A_223 : vector<1x16xf32> to vector<16xf32>
        %swap3A_225 = vector.shape_cast %max3A_220 : vector<16xf32> to vector<1x16xf32>
        tpu.vector_store %arg15[%swap3A_221, %swap3A_222], %swap3A_225 {strides = array<i32>} : memref<80x128xf32, #tpu.memory_space<vmem>>, vector<1x16xf32>,
        %get3A_226 = arith.index_cast %scan3A_160 : i32 to index
        %get3A_227 = arith.constant 64 : index
        %get3A_228 = tpu.vector_load %arg14[%get3A_226, %get3A_227] {strides = array<i32>} : memref<80x128xf32, #tpu.memory_space<vmem>>, vector<1x16xf32>,
        %get3A_229 = vector.shape_cast %get3A_228 : vector<1x16xf32> to vector<16xf32>
        %get3A_230 = arith.index_cast %scan3A_160 : i32 to index
        %get3A_231 = arith.constant 64 : index
        %get3A_232 = tpu.vector_load %arg15[%get3A_230, %get3A_231] {strides = array<i32>} : memref<80x128xf32, #tpu.memory_space<vmem>>, vector<1x16xf32>,
        %get3A_233 = vector.shape_cast %get3A_232 : vector<1x16xf32> to vector<16xf32>
        %add3A_234 = arith.addf %get3A_229, %get3A_233 : vector<16xf32>
        %max3A_235 = arith.constant 0.000000e+00 : f32
        %max3A_236 = vector.broadcast %max3A_235 : f32 to vector<16xf32>
        %max3A_237 = arith.maximumf %add3A_234, %max3A_236 : vector<16xf32>
        %swap3A_238 = arith.index_cast %scan3A_160 : i32 to index
        %swap3A_239 = arith.constant 64 : index
        %swap3A_240 = tpu.vector_load %arg15[%swap3A_238, %swap3A_239] {strides = array<i32>} : memref<80x128xf32, #tpu.memory_space<vmem>>, vector<1x16xf32>,
        %swap3A_241 = vector.shape_cast %swap3A_240 : vector<1x16xf32> to vector<16xf32>
        %swap3A_242 = vector.shape_cast %max3A_237 : vector<16xf32> to vector<1x16xf32>
        tpu.vector_store %arg15[%swap3A_238, %swap3A_239], %swap3A_242 {strides = array<i32>} : memref<80x128xf32, #tpu.memory_space<vmem>>, vector<1x16xf32>,
        %get3A_243 = arith.index_cast %scan3A_160 : i32 to index
        %get3A_244 = arith.constant 80 : index
        %get3A_245 = tpu.vector_load %arg14[%get3A_243, %get3A_244] {strides = array<i32>} : memref<80x128xf32, #tpu.memory_space<vmem>>, vector<1x16xf32>,
        %get3A_246 = vector.shape_cast %get3A_245 : vector<1x16xf32> to vector<16xf32>
        %get3A_247 = arith.index_cast %scan3A_160 : i32 to index
        %get3A_248 = arith.constant 80 : index
        %get3A_249 = tpu.vector_load %arg15[%get3A_247, %get3A_248] {strides = array<i32>} : memref<80x128xf32, #tpu.memory_space<vmem>>, vector<1x16xf32>,
        %get3A_250 = vector.shape_cast %get3A_249 : vector<1x16xf32> to vector<16xf32>
        %add3A_251 = arith.addf %get3A_246, %get3A_250 : vector<16xf32>
        %max3A_252 = arith.constant 0.000000e+00 : f32
        %max3A_253 = vector.broadcast %max3A_252 : f32 to vector<16xf32>
        %max3A_254 = arith.maximumf %add3A_251, %max3A_253 : vector<16xf32>
        %swap3A_255 = arith.index_cast %scan3A_160 : i32 to index
        %swap3A_256 = arith.constant 80 : index
        %swap3A_257 = tpu.vector_load %arg15[%swap3A_255, %swap3A_256] {strides = array<i32>} : memref<80x128xf32, #tpu.memory_space<vmem>>, vector<1x16xf32>,
        %swap3A_258 = vector.shape_cast %swap3A_257 : vector<1x16xf32> to vector<16xf32>
        %swap3A_259 = vector.shape_cast %max3A_254 : vector<16xf32> to vector<1x16xf32>
        tpu.vector_store %arg15[%swap3A_255, %swap3A_256], %swap3A_259 {strides = array<i32>} : memref<80x128xf32, #tpu.memory_space<vmem>>, vector<1x16xf32>,
        %get3A_260 = arith.index_cast %scan3A_160 : i32 to index
        %get3A_261 = arith.constant 96 : index
        %get3A_262 = tpu.vector_load %arg14[%get3A_260, %get3A_261] {strides = array<i32>} : memref<80x128xf32, #tpu.memory_space<vmem>>, vector<1x16xf32>,
        %get3A_263 = vector.shape_cast %get3A_262 : vector<1x16xf32> to vector<16xf32>
        %get3A_264 = arith.index_cast %scan3A_160 : i32 to index
        %get3A_265 = arith.constant 96 : index
        %get3A_266 = tpu.vector_load %arg15[%get3A_264, %get3A_265] {strides = array<i32>} : memref<80x128xf32, #tpu.memory_space<vmem>>, vector<1x16xf32>,
        %get3A_267 = vector.shape_cast %get3A_266 : vector<1x16xf32> to vector<16xf32>
        %add3A_268 = arith.addf %get3A_263, %get3A_267 : vector<16xf32>
        %max3A_269 = arith.constant 0.000000e+00 : f32
        %max3A_270 = vector.broadcast %max3A_269 : f32 to vector<16xf32>
        %max3A_271 = arith.maximumf %add3A_268, %max3A_270 : vector<16xf32>
        %swap3A_272 = arith.index_cast %scan3A_160 : i32 to index
        %swap3A_273 = arith.constant 96 : index
        %swap3A_274 = tpu.vector_load %arg15[%swap3A_272, %swap3A_273] {strides = array<i32>} : memref<80x128xf32, #tpu.memory_space<vmem>>, vector<1x16xf32>,
        %swap3A_275 = vector.shape_cast %swap3A_274 : vector<1x16xf32> to vector<16xf32>
        %swap3A_276 = vector.shape_cast %max3A_271 : vector<16xf32> to vector<1x16xf32>
        tpu.vector_store %arg15[%swap3A_272, %swap3A_273], %swap3A_276 {strides = array<i32>} : memref<80x128xf32, #tpu.memory_space<vmem>>, vector<1x16xf32>,
        %get3A_277 = arith.index_cast %scan3A_160 : i32 to index
        %get3A_278 = arith.constant 112 : index
        %get3A_279 = tpu.vector_load %arg14[%get3A_277, %get3A_278] {strides = array<i32>} : memref<80x128xf32, #tpu.memory_space<vmem>>, vector<1x16xf32>,
        %get3A_280 = vector.shape_cast %get3A_279 : vector<1x16xf32> to vector<16xf32>
        %get3A_281 = arith.index_cast %scan3A_160 : i32 to index
        %get3A_282 = arith.constant 112 : index
        %get3A_283 = tpu.vector_load %arg15[%get3A_281, %get3A_282] {strides = array<i32>} : memref<80x128xf32, #tpu.memory_space<vmem>>, vector<1x16xf32>,
        %get3A_284 = vector.shape_cast %get3A_283 : vector<1x16xf32> to vector<16xf32>
        %add3A_285 = arith.addf %get3A_280, %get3A_284 : vector<16xf32>
        %max3A_286 = arith.constant 0.000000e+00 : f32
        %max3A_287 = vector.broadcast %max3A_286 : f32 to vector<16xf32>
        %max3A_288 = arith.maximumf %add3A_285, %max3A_287 : vector<16xf32>
        %swap3A_289 = arith.index_cast %scan3A_160 : i32 to index
        %swap3A_290 = arith.constant 112 : index
        %swap3A_291 = tpu.vector_load %arg15[%swap3A_289, %swap3A_290] {strides = array<i32>} : memref<80x128xf32, #tpu.memory_space<vmem>>, vector<1x16xf32>,
        %swap3A_292 = vector.shape_cast %swap3A_291 : vector<1x16xf32> to vector<16xf32>
        %swap3A_293 = vector.shape_cast %max3A_288 : vector<16xf32> to vector<1x16xf32>
        tpu.vector_store %arg15[%swap3A_289, %swap3A_290], %swap3A_293 {strides = array<i32>} : memref<80x128xf32, #tpu.memory_space<vmem>>, vector<1x16xf32>,
      }
      %scan3A_156 = arith.constant 80 : i32
      %dma_start3A_157 = arith.constant 0 : i32
      %dma_start3A_158 = arith.constant 0 : i32
      %dma_start3A_159 = tpu.memref_slice %arg16[%dma_start3A_157, %dma_start3A_158] : memref<10240x128xf32, #tpu.memory_space<vmem_shared>> -> memref<10240x128xf32, #tpu.memory_space<vmem_shared>>
      tpu.enqueue_indirect_dma source(%arg15 : memref<80x128xf32, #tpu.memory_space<vmem>>) target(%dma_start3A_159 : memref<10240x128xf32, #tpu.memory_space<vmem_shared>>) offsets(%arg11 : memref<80xi32, #tpu.memory_space<vmem>>) semaphore(%arg21 : memref<!tpu.dma_semaphore, #tpu.memory_space<semaphore_mem>>) {add = true}
    }
    %scan3A_30 = arith.constant 62 : i32
    %dma_wait3A_31 = arith.constant 0 : i32
    %dma_wait3A_32 = arith.constant 0 : i32
    %dma_wait3A_33 = tpu.memref_slice %arg2[%dma_wait3A_31, %dma_wait3A_32] : memref<10000x128xf32, #tpu.memory_space<hbm>> -> memref<10000x128xf32, #tpu.memory_space<hbm>>
    tpu.wait_indirect_dma semaphore(%arg17 : memref<!tpu.dma_semaphore, #tpu.memory_space<semaphore_mem>>) src(%dma_wait3A_33 : memref<10000x128xf32, #tpu.memory_space<hbm>>) dst(%arg12 : memref<80x128xf32, #tpu.memory_space<vmem>>)
    %dma_wait3A_34 = arith.constant 0 : i32
    %dma_wait3A_35 = arith.constant 0 : i32
    %dma_wait3A_36 = tpu.memref_slice %arg3[%dma_wait3A_34, %dma_wait3A_35] : memref<320000x128xf32, #tpu.memory_space<hbm>> -> memref<80x128xf32, #tpu.memory_space<hbm>>
    %dma_wait3A_37 = arith.constant 0 : i32
    %dma_wait3A_38 = arith.constant 0 : i32
    %dma_wait3A_39 = tpu.memref_slice %arg3[%dma_wait3A_37, %dma_wait3A_38] : memref<320000x128xf32, #tpu.memory_space<hbm>> -> memref<80x128xf32, #tpu.memory_space<hbm>>
    tpu.wait_dma2 semaphore(%arg17 : memref<!tpu.dma_semaphore, #tpu.memory_space<semaphore_mem>>) src(%dma_wait3A_39 : memref<80x128xf32, #tpu.memory_space<hbm>>) dst(%arg13 : memref<80x128xf32, #tpu.memory_space<vmem>>)
    %scan3A_40 = arith.constant 0 : i32
    %scan3A_41 = arith.constant 0 : i32
    %scan3A_42 = arith.constant 80 : i32
    %scan3A_43 = arith.addi %scan3A_41, %scan3A_42 : i32
    %scan3A_44 = arith.constant 1 : i32
    scf.for %scan3A_54 = %scan3A_41 to %scan3A_43 step %scan3A_44  : i32 {
      %get3A = arith.index_cast %scan3A_54 : i32 to index
      %get3A_55 = arith.constant 0 : index
      %get3A_56 = tpu.vector_load %arg12[%get3A, %get3A_55] {strides = array<i32>} : memref<80x128xf32, #tpu.memory_space<vmem>>, vector<1x16xf32>,
      %get3A_57 = vector.shape_cast %get3A_56 : vector<1x16xf32> to vector<16xf32>
      %get3A_58 = arith.index_cast %scan3A_54 : i32 to index
      %get3A_59 = arith.constant 0 : index
      %get3A_60 = tpu.vector_load %arg13[%get3A_58, %get3A_59] {strides = array<i32>} : memref<80x128xf32, #tpu.memory_space<vmem>>, vector<1x16xf32>,
      %get3A_61 = vector.shape_cast %get3A_60 : vector<1x16xf32> to vector<16xf32>
      %add3A_62 = arith.addf %get3A_57, %get3A_61 : vector<16xf32>
      %max3A = arith.constant 0.000000e+00 : f32
      %max3A_63 = vector.broadcast %max3A : f32 to vector<16xf32>
      %max3A_64 = arith.maximumf %add3A_62, %max3A_63 : vector<16xf32>
      %swap3A = arith.index_cast %scan3A_54 : i32 to index
      %swap3A_65 = arith.constant 0 : index
      %swap3A_66 = tpu.vector_load %arg13[%swap3A, %swap3A_65] {strides = array<i32>} : memref<80x128xf32, #tpu.memory_space<vmem>>, vector<1x16xf32>,
      %swap3A_67 = vector.shape_cast %swap3A_66 : vector<1x16xf32> to vector<16xf32>
      %swap3A_68 = vector.shape_cast %max3A_64 : vector<16xf32> to vector<1x16xf32>
      tpu.vector_store %arg13[%swap3A, %swap3A_65], %swap3A_68 {strides = array<i32>} : memref<80x128xf32, #tpu.memory_space<vmem>>, vector<1x16xf32>,
      %get3A_69 = arith.index_cast %scan3A_54 : i32 to index
      %get3A_70 = arith.constant 16 : index
      %get3A_71 = tpu.vector_load %arg12[%get3A_69, %get3A_70] {strides = array<i32>} : memref<80x128xf32, #tpu.memory_space<vmem>>, vector<1x16xf32>,
      %get3A_72 = vector.shape_cast %get3A_71 : vector<1x16xf32> to vector<16xf32>
      %get3A_73 = arith.index_cast %scan3A_54 : i32 to index
      %get3A_74 = arith.constant 16 : index
      %get3A_75 = tpu.vector_load %arg13[%get3A_73, %get3A_74] {strides = array<i32>} : memref<80x128xf32, #tpu.memory_space<vmem>>, vector<1x16xf32>,
      %get3A_76 = vector.shape_cast %get3A_75 : vector<1x16xf32> to vector<16xf32>
      %add3A_77 = arith.addf %get3A_72, %get3A_76 : vector<16xf32>
      %max3A_78 = arith.constant 0.000000e+00 : f32
      %max3A_79 = vector.broadcast %max3A_78 : f32 to vector<16xf32>
      %max3A_80 = arith.maximumf %add3A_77, %max3A_79 : vector<16xf32>
      %swap3A_81 = arith.index_cast %scan3A_54 : i32 to index
      %swap3A_82 = arith.constant 16 : index
      %swap3A_83 = tpu.vector_load %arg13[%swap3A_81, %swap3A_82] {strides = array<i32>} : memref<80x128xf32, #tpu.memory_space<vmem>>, vector<1x16xf32>,
      %swap3A_84 = vector.shape_cast %swap3A_83 : vector<1x16xf32> to vector<16xf32>
      %swap3A_85 = vector.shape_cast %max3A_80 : vector<16xf32> to vector<1x16xf32>
      tpu.vector_store %arg13[%swap3A_81, %swap3A_82], %swap3A_85 {strides = array<i32>} : memref<80x128xf32, #tpu.memory_space<vmem>>, vector<1x16xf32>,
      %get3A_86 = arith.index_cast %scan3A_54 : i32 to index
      %get3A_87 = arith.constant 32 : index
      %get3A_88 = tpu.vector_load %arg12[%get3A_86, %get3A_87] {strides = array<i32>} : memref<80x128xf32, #tpu.memory_space<vmem>>, vector<1x16xf32>,
      %get3A_89 = vector.shape_cast %get3A_88 : vector<1x16xf32> to vector<16xf32>
      %get3A_90 = arith.index_cast %scan3A_54 : i32 to index
      %get3A_91 = arith.constant 32 : index
      %get3A_92 = tpu.vector_load %arg13[%get3A_90, %get3A_91] {strides = array<i32>} : memref<80x128xf32, #tpu.memory_space<vmem>>, vector<1x16xf32>,
      %get3A_93 = vector.shape_cast %get3A_92 : vector<1x16xf32> to vector<16xf32>
      %add3A_94 = arith.addf %get3A_89, %get3A_93 : vector<16xf32>
      %max3A_95 = arith.constant 0.000000e+00 : f32
      %max3A_96 = vector.broadcast %max3A_95 : f32 to vector<16xf32>
      %max3A_97 = arith.maximumf %add3A_94, %max3A_96 : vector<16xf32>
      %swap3A_98 = arith.index_cast %scan3A_54 : i32 to index
      %swap3A_99 = arith.constant 32 : index
      %swap3A_100 = tpu.vector_load %arg13[%swap3A_98, %swap3A_99] {strides = array<i32>} : memref<80x128xf32, #tpu.memory_space<vmem>>, vector<1x16xf32>,
      %swap3A_101 = vector.shape_cast %swap3A_100 : vector<1x16xf32> to vector<16xf32>
      %swap3A_102 = vector.shape_cast %max3A_97 : vector<16xf32> to vector<1x16xf32>
      tpu.vector_store %arg13[%swap3A_98, %swap3A_99], %swap3A_102 {strides = array<i32>} : memref<80x128xf32, #tpu.memory_space<vmem>>, vector<1x16xf32>,
      %get3A_103 = arith.index_cast %scan3A_54 : i32 to index
      %get3A_104 = arith.constant 48 : index
      %get3A_105 = tpu.vector_load %arg12[%get3A_103, %get3A_104] {strides = array<i32>} : memref<80x128xf32, #tpu.memory_space<vmem>>, vector<1x16xf32>,
      %get3A_106 = vector.shape_cast %get3A_105 : vector<1x16xf32> to vector<16xf32>
      %get3A_107 = arith.index_cast %scan3A_54 : i32 to index
      %get3A_108 = arith.constant 48 : index
      %get3A_109 = tpu.vector_load %arg13[%get3A_107, %get3A_108] {strides = array<i32>} : memref<80x128xf32, #tpu.memory_space<vmem>>, vector<1x16xf32>,
      %get3A_110 = vector.shape_cast %get3A_109 : vector<1x16xf32> to vector<16xf32>
      %add3A_111 = arith.addf %get3A_106, %get3A_110 : vector<16xf32>
      %max3A_112 = arith.constant 0.000000e+00 : f32
      %max3A_113 = vector.broadcast %max3A_112 : f32 to vector<16xf32>
      %max3A_114 = arith.maximumf %add3A_111, %max3A_113 : vector<16xf32>
      %swap3A_115 = arith.index_cast %scan3A_54 : i32 to index
      %swap3A_116 = arith.constant 48 : index
      %swap3A_117 = tpu.vector_load %arg13[%swap3A_115, %swap3A_116] {strides = array<i32>} : memref<80x128xf32, #tpu.memory_space<vmem>>, vector<1x16xf32>,
      %swap3A_118 = vector.shape_cast %swap3A_117 : vector<1x16xf32> to vector<16xf32>
      %swap3A_119 = vector.shape_cast %max3A_114 : vector<16xf32> to vector<1x16xf32>
      tpu.vector_store %arg13[%swap3A_115, %swap3A_116], %swap3A_119 {strides = array<i32>} : memref<80x128xf32, #tpu.memory_space<vmem>>, vector<1x16xf32>,
      %get3A_120 = arith.index_cast %scan3A_54 : i32 to index
      %get3A_121 = arith.constant 64 : index
      %get3A_122 = tpu.vector_load %arg12[%get3A_120, %get3A_121] {strides = array<i32>} : memref<80x128xf32, #tpu.memory_space<vmem>>, vector<1x16xf32>,
      %get3A_123 = vector.shape_cast %get3A_122 : vector<1x16xf32> to vector<16xf32>
      %get3A_124 = arith.index_cast %scan3A_54 : i32 to index
      %get3A_125 = arith.constant 64 : index
      %get3A_126 = tpu.vector_load %arg13[%get3A_124, %get3A_125] {strides = array<i32>} : memref<80x128xf32, #tpu.memory_space<vmem>>, vector<1x16xf32>,
      %get3A_127 = vector.shape_cast %get3A_126 : vector<1x16xf32> to vector<16xf32>
      %add3A_128 = arith.addf %get3A_123, %get3A_127 : vector<16xf32>
      %max3A_129 = arith.constant 0.000000e+00 : f32
      %max3A_130 = vector.broadcast %max3A_129 : f32 to vector<16xf32>
      %max3A_131 = arith.maximumf %add3A_128, %max3A_130 : vector<16xf32>
      %swap3A_132 = arith.index_cast %scan3A_54 : i32 to index
      %swap3A_133 = arith.constant 64 : index
      %swap3A_134 = tpu.vector_load %arg13[%swap3A_132, %swap3A_133] {strides = array<i32>} : memref<80x128xf32, #tpu.memory_space<vmem>>, vector<1x16xf32>,
      %swap3A_135 = vector.shape_cast %swap3A_134 : vector<1x16xf32> to vector<16xf32>
      %swap3A_136 = vector.shape_cast %max3A_131 : vector<16xf32> to vector<1x16xf32>
      tpu.vector_store %arg13[%swap3A_132, %swap3A_133], %swap3A_136 {strides = array<i32>} : memref<80x128xf32, #tpu.memory_space<vmem>>, vector<1x16xf32>,
      %get3A_137 = arith.index_cast %scan3A_54 : i32 to index
      %get3A_138 = arith.constant 80 : index
      %get3A_139 = tpu.vector_load %arg12[%get3A_137, %get3A_138] {strides = array<i32>} : memref<80x128xf32, #tpu.memory_space<vmem>>, vector<1x16xf32>,
      %get3A_140 = vector.shape_cast %get3A_139 : vector<1x16xf32> to vector<16xf32>
      %get3A_141 = arith.index_cast %scan3A_54 : i32 to index
      %get3A_142 = arith.constant 80 : index
      %get3A_143 = tpu.vector_load %arg13[%get3A_141, %get3A_142] {strides = array<i32>} : memref<80x128xf32, #tpu.memory_space<vmem>>, vector<1x16xf32>,
      %get3A_144 = vector.shape_cast %get3A_143 : vector<1x16xf32> to vector<16xf32>
      %add3A_145 = arith.addf %get3A_140, %get3A_144 : vector<16xf32>
      %max3A_146 = arith.constant 0.000000e+00 : f32
      %max3A_147 = vector.broadcast %max3A_146 : f32 to vector<16xf32>
      %max3A_148 = arith.maximumf %add3A_145, %max3A_147 : vector<16xf32>
      %swap3A_149 = arith.index_cast %scan3A_54 : i32 to index
      %swap3A_150 = arith.constant 80 : index
      %swap3A_151 = tpu.vector_load %arg13[%swap3A_149, %swap3A_150] {strides = array<i32>} : memref<80x128xf32, #tpu.memory_space<vmem>>, vector<1x16xf32>,
      %swap3A_152 = vector.shape_cast %swap3A_151 : vector<1x16xf32> to vector<16xf32>
      %swap3A_153 = vector.shape_cast %max3A_148 : vector<16xf32> to vector<1x16xf32>
      tpu.vector_store %arg13[%swap3A_149, %swap3A_150], %swap3A_153 {strides = array<i32>} : memref<80x128xf32, #tpu.memory_space<vmem>>, vector<1x16xf32>,
      %get3A_154 = arith.index_cast %scan3A_54 : i32 to index
      %get3A_155 = arith.constant 96 : index
      %get3A_156 = tpu.vector_load %arg12[%get3A_154, %get3A_155] {strides = array<i32>} : memref<80x128xf32, #tpu.memory_space<vmem>>, vector<1x16xf32>,
      %get3A_157 = vector.shape_cast %get3A_156 : vector<1x16xf32> to vector<16xf32>
      %get3A_158 = arith.index_cast %scan3A_54 : i32 to index
      %get3A_159 = arith.constant 96 : index
      %get3A_160 = tpu.vector_load %arg13[%get3A_158, %get3A_159] {strides = array<i32>} : memref<80x128xf32, #tpu.memory_space<vmem>>, vector<1x16xf32>,
      %get3A_161 = vector.shape_cast %get3A_160 : vector<1x16xf32> to vector<16xf32>
      %add3A_162 = arith.addf %get3A_157, %get3A_161 : vector<16xf32>
      %max3A_163 = arith.constant 0.000000e+00 : f32
      %max3A_164 = vector.broadcast %max3A_163 : f32 to vector<16xf32>
      %max3A_165 = arith.maximumf %add3A_162, %max3A_164 : vector<16xf32>
      %swap3A_166 = arith.index_cast %scan3A_54 : i32 to index
      %swap3A_167 = arith.constant 96 : index
      %swap3A_168 = tpu.vector_load %arg13[%swap3A_166, %swap3A_167] {strides = array<i32>} : memref<80x128xf32, #tpu.memory_space<vmem>>, vector<1x16xf32>,
      %swap3A_169 = vector.shape_cast %swap3A_168 : vector<1x16xf32> to vector<16xf32>
      %swap3A_170 = vector.shape_cast %max3A_165 : vector<16xf32> to vector<1x16xf32>
      tpu.vector_store %arg13[%swap3A_166, %swap3A_167], %swap3A_170 {strides = array<i32>} : memref<80x128xf32, #tpu.memory_space<vmem>>, vector<1x16xf32>,
      %get3A_171 = arith.index_cast %scan3A_54 : i32 to index
      %get3A_172 = arith.constant 112 : index
      %get3A_173 = tpu.vector_load %arg12[%get3A_171, %get3A_172] {strides = array<i32>} : memref<80x128xf32, #tpu.memory_space<vmem>>, vector<1x16xf32>,
      %get3A_174 = vector.shape_cast %get3A_173 : vector<1x16xf32> to vector<16xf32>
      %get3A_175 = arith.index_cast %scan3A_54 : i32 to index
      %get3A_176 = arith.constant 112 : index
      %get3A_177 = tpu.vector_load %arg13[%get3A_175, %get3A_176] {strides = array<i32>} : memref<80x128xf32, #tpu.memory_space<vmem>>, vector<1x16xf32>,
      %get3A_178 = vector.shape_cast %get3A_177 : vector<1x16xf32> to vector<16xf32>
      %add3A_179 = arith.addf %get3A_174, %get3A_178 : vector<16xf32>
      %max3A_180 = arith.constant 0.000000e+00 : f32
      %max3A_181 = vector.broadcast %max3A_180 : f32 to vector<16xf32>
      %max3A_182 = arith.maximumf %add3A_179, %max3A_181 : vector<16xf32>
      %swap3A_183 = arith.index_cast %scan3A_54 : i32 to index
      %swap3A_184 = arith.constant 112 : index
      %swap3A_185 = tpu.vector_load %arg13[%swap3A_183, %swap3A_184] {strides = array<i32>} : memref<80x128xf32, #tpu.memory_space<vmem>>, vector<1x16xf32>,
      %swap3A_186 = vector.shape_cast %swap3A_185 : vector<1x16xf32> to vector<16xf32>
      %swap3A_187 = vector.shape_cast %max3A_182 : vector<16xf32> to vector<1x16xf32>
      tpu.vector_store %arg13[%swap3A_183, %swap3A_184], %swap3A_187 {strides = array<i32>} : memref<80x128xf32, #tpu.memory_space<vmem>>, vector<1x16xf32>,
    }
    %scan3A_45 = arith.constant 80 : i32
    %dma_wait3A_46 = arith.constant 0 : i32
    %dma_wait3A_47 = arith.constant 0 : i32
    %dma_wait3A_48 = tpu.memref_slice %arg16[%dma_wait3A_46, %dma_wait3A_47] : memref<10240x128xf32, #tpu.memory_space<vmem_shared>> -> memref<10240x128xf32, #tpu.memory_space<vmem_shared>>
    tpu.wait_indirect_dma semaphore(%arg21 : memref<!tpu.dma_semaphore, #tpu.memory_space<semaphore_mem>>) src(%arg15 : memref<80x128xf32, #tpu.memory_space<vmem>>) dst(%dma_wait3A_48 : memref<10240x128xf32, #tpu.memory_space<vmem_shared>>)
    "tpu.region"() ({
      %run_scoped3A = tpu.sem_alloc : memref<!tpu.dma_semaphore, #tpu.memory_space<semaphore_mem>>
      %dma_start3A_54 = arith.constant 0 : i32
      %dma_start3A_55 = arith.constant 0 : i32
      %dma_start3A_56 = tpu.memref_slice %arg16[%dma_start3A_54, %dma_start3A_55] : memref<10240x128xf32, #tpu.memory_space<vmem_shared>> -> memref<10240x128xf32, #tpu.memory_space<vmem_shared>>
      tpu.enqueue_indirect_dma source(%arg13 : memref<80x128xf32, #tpu.memory_space<vmem>>) target(%dma_start3A_56 : memref<10240x128xf32, #tpu.memory_space<vmem_shared>>) offsets(%arg9 : memref<80xi32, #tpu.memory_space<vmem>>) semaphore(%run_scoped3A : memref<!tpu.dma_semaphore, #tpu.memory_space<semaphore_mem>>) {add = true}
      %dma_wait3A_57 = arith.constant 0 : i32
      %dma_wait3A_58 = arith.constant 0 : i32
      %dma_wait3A_59 = tpu.memref_slice %arg16[%dma_wait3A_57, %dma_wait3A_58] : memref<10240x128xf32, #tpu.memory_space<vmem_shared>> -> memref<10240x128xf32, #tpu.memory_space<vmem_shared>>
      tpu.wait_indirect_dma semaphore(%run_scoped3A : memref<!tpu.dma_semaphore, #tpu.memory_space<semaphore_mem>>) src(%arg13 : memref<80x128xf32, #tpu.memory_space<vmem>>) dst(%dma_wait3A_59 : memref<10240x128xf32, #tpu.memory_space<vmem_shared>>)
      tpu.yield
    }) : () -> ()
    %barrier3A_49 = arith.constant 0 : index
    tpu.barrier barrier_id(%barrier3A_49)
    %mul3A_50 = arith.constant 640 : i32
    %mul3A_51 = arith.muli %arg1, %mul3A_50 : i32
    %mul3A_52 = arith.constant 640 : i32
    %mul3A_53 = arith.muli %arg1, %mul3A_52 : i32
    "tpu.region"() ({
      %run_scoped3A = tpu.sem_alloc : memref<!tpu.dma_semaphore, #tpu.memory_space<semaphore_mem>>
      %dma_start3A_54 = arith.constant 0 : i32
      %dma_start3A_55 = tpu.memref_slice %arg7[%arg0, %mul3A_53, %dma_start3A_54] : memref<2x10240x128xf32, #tpu.memory_space<hbm>> -> memref<1x640x128xf32, #tpu.memory_space<hbm>>
      %dma_start3A_56 = tpu.memref_squeeze %dma_start3A_55 : memref<1x640x128xf32, #tpu.memory_space<hbm>> -> memref<640x128xf32, #tpu.memory_space<hbm>>
      %dma_start3A_57 = arith.constant 0 : i32
      %dma_start3A_58 = tpu.memref_slice %arg16[%mul3A_51, %dma_start3A_57] : memref<10240x128xf32, #tpu.memory_space<vmem_shared>> -> memref<640x128xf32, #tpu.memory_space<vmem_shared>>
      tpu.enqueue_dma source(%dma_start3A_58 : memref<640x128xf32, #tpu.memory_space<vmem_shared>>) target(%dma_start3A_56 : memref<640x128xf32, #tpu.memory_space<hbm>>) target_semaphore(%run_scoped3A : memref<!tpu.dma_semaphore, #tpu.memory_space<semaphore_mem>>)
      %dma_wait3A_59 = arith.constant 0 : i32
      %dma_wait3A_60 = tpu.memref_slice %arg7[%arg0, %mul3A_53, %dma_wait3A_59] : memref<2x10240x128xf32, #tpu.memory_space<hbm>> -> memref<1x640x128xf32, #tpu.memory_space<hbm>>
      %dma_wait3A_61 = tpu.memref_squeeze %dma_wait3A_60 : memref<1x640x128xf32, #tpu.memory_space<hbm>> -> memref<640x128xf32, #tpu.memory_space<hbm>>
      %dma_wait3A_62 = arith.constant 0 : i32
      %dma_wait3A_63 = tpu.memref_slice %arg16[%mul3A_51, %dma_wait3A_62] : memref<10240x128xf32, #tpu.memory_space<vmem_shared>> -> memref<640x128xf32, #tpu.memory_space<vmem_shared>>
      tpu.wait_dma2 semaphore(%run_scoped3A : memref<!tpu.dma_semaphore, #tpu.memory_space<semaphore_mem>>) src(%dma_wait3A_63 : memref<640x128xf32, #tpu.memory_space<vmem_shared>>) dst(%dma_wait3A_61 : memref<640x128xf32, #tpu.memory_space<hbm>>)
      tpu.yield
    }) : () -> ()
    return
  }
}

module attributes {stable_mosaic.version = 14 : i64} {
  func.func @_mm_bias_body(%arg0: i32, %arg1: memref<2000x16xf32, #tpu.memory_space<vmem>>, %arg2: memref<16x128xf32, #tpu.memory_space<vmem>>, %arg3: memref<1x128xf32, #tpu.memory_space<vmem>>, %arg4: memref<2000x128xf32, #tpu.memory_space<vmem>>) attributes {dimension_semantics = [#tpu.dimension_semantics<arbitrary>], iteration_bounds = array<i64: 160>, scalar_prefetch = 0 : i64, scratch_operands = 0 : i64, tpu.core_type = #tpu.core_type<tc>, window_params = [{transform_indices = @transform_0, window_bounds = array<i64: 2000, 16>}, {pipeline_mode = #tpu.pipeline_mode<synchronous>, transform_indices = @transform_1, window_bounds = array<i64: 16, 128>}, {pipeline_mode = #tpu.pipeline_mode<synchronous>, transform_indices = @transform_2, window_bounds = array<i64: 1, 128>}, {transform_indices = @transform_3, window_bounds = array<i64: 2000, 128>}]} {
    %get3A = arith.constant 0 : index
    %get3A_0 = arith.constant 0 : index
    %get3A_1 = vector.load %arg1[%get3A, %get3A_0] : memref<2000x16xf32, #tpu.memory_space<vmem>>, vector<2000x16xf32>
    %get3A_2 = arith.constant 0 : index
    %get3A_3 = arith.constant 0 : index
    %get3A_4 = vector.load %arg2[%get3A_2, %get3A_3] : memref<16x128xf32, #tpu.memory_space<vmem>>, vector<16x128xf32>
    %dot_general3A = arith.constant dense<0.000000e+00> : vector<2000x128xf32>
    %dot_general3A_5 = tpu.matmul %get3A_1, %get3A_4, %dot_general3A {dimension_numbers = #tpu.dot_dimension_numbers<[1], [0], [0], [1], [0, 0, 1, 1], [], []>, transpose_lhs_hint = false} : vector<2000x16xf32>, vector<16x128xf32>, vector<2000x128xf32> -> vector<2000x128xf32>
    %get3A_6 = arith.constant 0 : index
    %get3A_7 = arith.constant 0 : index
    %get3A_8 = vector.load %arg3[%get3A_6, %get3A_7] : memref<1x128xf32, #tpu.memory_space<vmem>>, vector<1x128xf32>
    %add3A = vector.broadcast %get3A_8 : vector<1x128xf32> to vector<2000x128xf32>
    %add3A_9 = arith.addf %dot_general3A_5, %add3A : vector<2000x128xf32>
    %swap3A = arith.constant 0 : index
    %swap3A_10 = arith.constant 0 : index
    %swap3A_11 = vector.load %arg4[%swap3A, %swap3A_10] : memref<2000x128xf32, #tpu.memory_space<vmem>>, vector<2000x128xf32>
    tpu.vector_store %arg4[%swap3A, %swap3A_10], %add3A_9 {strides = array<i32>} : memref<2000x128xf32, #tpu.memory_space<vmem>>, vector<2000x128xf32>,
    return
  }
  func.func @transform_0(%arg0: i32) -> (i32, i32) {
    %c0_i32 = arith.constant 0 : i32
    %c0_i32_0 = arith.constant 0 : i32
    return %arg0, %c0_i32 : i32, i32
  }
  func.func @transform_1(%arg0: i32) -> (i32, i32) {
    %c0_i32 = arith.constant 0 : i32
    %c0_i32_0 = arith.constant 0 : i32
    %c0_i32_1 = arith.constant 0 : i32
    return %c0_i32, %c0_i32_0 : i32, i32
  }
  func.func @transform_2(%arg0: i32) -> (i32, i32) {
    %c0_i32 = arith.constant 0 : i32
    %c0_i32_0 = arith.constant 0 : i32
    %c0_i32_1 = arith.constant 0 : i32
    return %c0_i32, %c0_i32_0 : i32, i32
  }
  func.func @transform_3(%arg0: i32) -> (i32, i32) {
    %c0_i32 = arith.constant 0 : i32
    %c0_i32_0 = arith.constant 0 : i32
    return %arg0, %c0_i32 : i32, i32
  }
}

module attributes {stable_mosaic.version = 14 : i64} {
  func.func @_enc_combine_body(%arg0: i32, %arg1: memref<1000x128xf32, #tpu.memory_space<vmem>>, %arg2: memref<128x128xf32, #tpu.memory_space<vmem>>, %arg3: memref<1x128xf32, #tpu.memory_space<vmem>>, %arg4: memref<2x1000x128xf32, #tpu.memory_space<vmem>>, %arg5: memref<2x1000x128xf32, #tpu.memory_space<vmem>>, %arg6: memref<1000x128xf32, #tpu.memory_space<vmem>>) attributes {dimension_semantics = [#tpu.dimension_semantics<arbitrary>], iteration_bounds = array<i64: 10>, scalar_prefetch = 0 : i64, scratch_operands = 0 : i64, tpu.core_type = #tpu.core_type<tc>, window_params = [{transform_indices = @transform_0, window_bounds = array<i64: 1000, 128>}, {pipeline_mode = #tpu.pipeline_mode<synchronous>, transform_indices = @transform_1, window_bounds = array<i64: 128, 128>}, {pipeline_mode = #tpu.pipeline_mode<synchronous>, transform_indices = @transform_2, window_bounds = array<i64: 1, 128>}, {transform_indices = @transform_3, window_bounds = array<i64: 2, 1000, 128>}, {transform_indices = @transform_4, window_bounds = array<i64: 2, 1000, 128>}, {transform_indices = @transform_5, window_bounds = array<i64: 1000, 128>}]} {
    %get3A = arith.constant 0 : index
    %get3A_0 = arith.constant 0 : index
    %get3A_1 = vector.load %arg1[%get3A, %get3A_0] : memref<1000x128xf32, #tpu.memory_space<vmem>>, vector<1000x128xf32>
    %get3A_2 = arith.constant 0 : index
    %get3A_3 = arith.constant 0 : index
    %get3A_4 = vector.load %arg2[%get3A_2, %get3A_3] : memref<128x128xf32, #tpu.memory_space<vmem>>, vector<128x128xf32>
    %dot_general3A = arith.constant dense<0.000000e+00> : vector<1000x128xf32>
    %dot_general3A_5 = tpu.matmul %get3A_1, %get3A_4, %dot_general3A {dimension_numbers = #tpu.dot_dimension_numbers<[1], [0], [0], [1], [0, 0, 1, 1], [], []>, transpose_lhs_hint = false} : vector<1000x128xf32>, vector<128x128xf32>, vector<1000x128xf32> -> vector<1000x128xf32>
    %get3A_6 = arith.constant 0 : index
    %get3A_7 = arith.constant 0 : index
    %get3A_8 = vector.load %arg3[%get3A_6, %get3A_7] : memref<1x128xf32, #tpu.memory_space<vmem>>, vector<1x128xf32>
    %add3A = vector.broadcast %get3A_8 : vector<1x128xf32> to vector<1000x128xf32>
    %add3A_9 = arith.addf %dot_general3A_5, %add3A : vector<1000x128xf32>
    %lt3A = arith.constant 2 : i32
    %lt3A_10 = arith.cmpi slt, %arg0, %lt3A : i32
    %convert_element_type3A = arith.extui %lt3A_10 : i1 to i32
    %cond3A = arith.constant 0 : i32
    %cond3A_11 = arith.cmpi ne, %convert_element_type3A, %cond3A : i32
    scf.if %cond3A_11 {
      %get3A_16 = arith.constant 0 : index
      %get3A_17 = arith.constant 0 : index
      %get3A_18 = arith.constant 0 : index
      %get3A_19 = vector.load %arg4[%get3A_16, %get3A_17, %get3A_18] : memref<2x1000x128xf32, #tpu.memory_space<vmem>>, vector<1x1000x128xf32>
      %get3A_20 = vector.shape_cast %get3A_19 : vector<1x1000x128xf32> to vector<1000x128xf32>
      %get3A_21 = arith.constant 1 : index
      %get3A_22 = arith.constant 0 : index
      %get3A_23 = arith.constant 0 : index
      %get3A_24 = vector.load %arg4[%get3A_21, %get3A_22, %get3A_23] : memref<2x1000x128xf32, #tpu.memory_space<vmem>>, vector<1x1000x128xf32>
      %get3A_25 = vector.shape_cast %get3A_24 : vector<1x1000x128xf32> to vector<1000x128xf32>
      %add3A_26 = arith.addf %get3A_20, %get3A_25 : vector<1000x128xf32>
      %get3A_27 = arith.constant 0 : index
      %get3A_28 = arith.constant 0 : index
      %get3A_29 = arith.constant 0 : index
      %get3A_30 = vector.load %arg5[%get3A_27, %get3A_28, %get3A_29] : memref<2x1000x128xf32, #tpu.memory_space<vmem>>, vector<1x1000x1xf32>
      %get3A_31 = vector.shape_cast %get3A_30 : vector<1x1000x1xf32> to vector<1000x1xf32>
      %get3A_32 = arith.constant 1 : index
      %get3A_33 = arith.constant 0 : index
      %get3A_34 = arith.constant 0 : index
      %get3A_35 = vector.load %arg5[%get3A_32, %get3A_33, %get3A_34] : memref<2x1000x128xf32, #tpu.memory_space<vmem>>, vector<1x1000x1xf32>
      %get3A_36 = vector.shape_cast %get3A_35 : vector<1x1000x1xf32> to vector<1000x1xf32>
      %add3A_37 = arith.addf %get3A_31, %get3A_36 : vector<1000x1xf32>
      %max3A = arith.constant 1.000000e+00 : f32
      %max3A_38 = vector.broadcast %max3A : f32 to vector<1000x1xf32>
      %max3A_39 = arith.maximumf %add3A_37, %max3A_38 : vector<1000x1xf32>
      %div3A = vector.broadcast %max3A_39 : vector<1000x1xf32> to vector<1000x128xf32>
      %div3A_40 = arith.divf %add3A_26, %div3A : vector<1000x128xf32>
      %add3A_41 = arith.addf %add3A_9, %div3A_40 : vector<1000x128xf32>
      %swap3A = arith.constant 0 : index
      %swap3A_42 = arith.constant 0 : index
      %swap3A_43 = vector.load %arg6[%swap3A, %swap3A_42] : memref<1000x128xf32, #tpu.memory_space<vmem>>, vector<1000x128xf32>
      tpu.vector_store %arg6[%swap3A, %swap3A_42], %add3A_41 {strides = array<i32>} : memref<1000x128xf32, #tpu.memory_space<vmem>>, vector<1000x128xf32>,
    } else {
    }
    %ge3A = arith.constant 2 : i32
    %ge3A_12 = arith.cmpi sge, %arg0, %ge3A : i32
    %convert_element_type3A_13 = arith.extui %ge3A_12 : i1 to i32
    %cond3A_14 = arith.constant 0 : i32
    %cond3A_15 = arith.cmpi ne, %convert_element_type3A_13, %cond3A_14 : i32
    scf.if %cond3A_15 {
      %swap3A = arith.constant 0 : index
      %swap3A_16 = arith.constant 0 : index
      %swap3A_17 = vector.load %arg6[%swap3A, %swap3A_16] : memref<1000x128xf32, #tpu.memory_space<vmem>>, vector<1000x128xf32>
      tpu.vector_store %arg6[%swap3A, %swap3A_16], %add3A_9 {strides = array<i32>} : memref<1000x128xf32, #tpu.memory_space<vmem>>, vector<1000x128xf32>,
    } else {
    }
    return
  }
  func.func @transform_0(%arg0: i32) -> (i32, i32) {
    %c0_i32 = arith.constant 0 : i32
    %c0_i32_0 = arith.constant 0 : i32
    return %arg0, %c0_i32 : i32, i32
  }
  func.func @transform_1(%arg0: i32) -> (i32, i32) {
    %c0_i32 = arith.constant 0 : i32
    %c0_i32_0 = arith.constant 0 : i32
    %c0_i32_1 = arith.constant 0 : i32
    return %c0_i32, %c0_i32_0 : i32, i32
  }
  func.func @transform_2(%arg0: i32) -> (i32, i32) {
    %c0_i32 = arith.constant 0 : i32
    %c0_i32_0 = arith.constant 0 : i32
    %c0_i32_1 = arith.constant 0 : i32
    return %c0_i32, %c0_i32_0 : i32, i32
  }
  func.func @transform_3(%arg0: i32) -> (i32, i32, i32) {
    %min3A = arith.constant 1 : i32
    %min3A_0 = arith.minsi %arg0, %min3A : i32
    %c0_i32 = arith.constant 0 : i32
    %c0_i32_1 = arith.constant 0 : i32
    %c0_i32_2 = arith.constant 0 : i32
    return %c0_i32, %min3A_0, %c0_i32_1 : i32, i32, i32
  }
  func.func @transform_4(%arg0: i32) -> (i32, i32, i32) {
    %min3A = arith.constant 1 : i32
    %min3A_0 = arith.minsi %arg0, %min3A : i32
    %c0_i32 = arith.constant 0 : i32
    %c0_i32_1 = arith.constant 0 : i32
    %c0_i32_2 = arith.constant 0 : i32
    return %c0_i32, %min3A_0, %c0_i32_1 : i32, i32, i32
  }
  func.func @transform_5(%arg0: i32) -> (i32, i32) {
    %c0_i32 = arith.constant 0 : i32
    %c0_i32_0 = arith.constant 0 : i32
    return %arg0, %c0_i32 : i32, i32
  }
}

module attributes {stable_mosaic.version = 14 : i64} {
  func.func @_layer_a_body(%arg0: i32, %arg1: memref<1000x128xf32, #tpu.memory_space<vmem>>, %arg2: memref<2x1000x128xf32, #tpu.memory_space<vmem>>, %arg3: memref<128x256xf32, #tpu.memory_space<vmem>>, %arg4: memref<1x256xf32, #tpu.memory_space<vmem>>, %arg5: memref<1x1xf32, #tpu.memory_space<vmem>>, %arg6: memref<1000x256xf32, #tpu.memory_space<vmem>>, %arg7: memref<2x256xf32, #tpu.memory_space<vmem>>) attributes {dimension_semantics = [#tpu.dimension_semantics<arbitrary>], iteration_bounds = array<i64: 10>, scalar_prefetch = 0 : i64, scratch_operands = 0 : i64, tpu.core_type = #tpu.core_type<tc>, window_params = [{transform_indices = @transform_0, window_bounds = array<i64: 1000, 128>}, {transform_indices = @transform_1, window_bounds = array<i64: 2, 1000, 128>}, {pipeline_mode = #tpu.pipeline_mode<synchronous>, transform_indices = @transform_2, window_bounds = array<i64: 128, 256>}, {pipeline_mode = #tpu.pipeline_mode<synchronous>, transform_indices = @transform_3, window_bounds = array<i64: 1, 256>}, {pipeline_mode = #tpu.pipeline_mode<synchronous>, transform_indices = @transform_4, window_bounds = array<i64: 1, 1>}, {transform_indices = @transform_5, window_bounds = array<i64: 1000, 256>}, {pipeline_mode = #tpu.pipeline_mode<synchronous>, transform_indices = @transform_6, window_bounds = array<i64: 2, 256>}]} {
    %get3A = arith.constant 0 : index
    %get3A_0 = arith.constant 0 : index
    %get3A_1 = vector.load %arg5[%get3A, %get3A_0] : memref<1x1xf32, #tpu.memory_space<vmem>>, vector<1x1xf32>
    %get3A_2 = vector.extract %get3A_1[0, 0] : f32 from vector<1x1xf32>
    %add3A = arith.constant 1.000000e+00 : f32
    %add3A_3 = arith.addf %add3A, %get3A_2 : f32
    %get3A_4 = arith.constant 0 : index
    %get3A_5 = arith.constant 0 : index
    %get3A_6 = vector.load %arg1[%get3A_4, %get3A_5] : memref<1000x128xf32, #tpu.memory_space<vmem>>, vector<1000x128xf32>
    %mul3A = vector.broadcast %add3A_3 : f32 to vector<1000x128xf32>
    %mul3A_7 = arith.mulf %mul3A, %get3A_6 : vector<1000x128xf32>
    %get3A_8 = arith.constant 0 : index
    %get3A_9 = arith.constant 0 : index
    %get3A_10 = arith.constant 0 : index
    %get3A_11 = vector.load %arg2[%get3A_8, %get3A_9, %get3A_10] : memref<2x1000x128xf32, #tpu.memory_space<vmem>>, vector<1x1000x128xf32>
    %get3A_12 = vector.shape_cast %get3A_11 : vector<1x1000x128xf32> to vector<1000x128xf32>
    %add3A_13 = arith.addf %mul3A_7, %get3A_12 : vector<1000x128xf32>
    %get3A_14 = arith.constant 1 : index
    %get3A_15 = arith.constant 0 : index
    %get3A_16 = arith.constant 0 : index
    %get3A_17 = vector.load %arg2[%get3A_14, %get3A_15, %get3A_16] : memref<2x1000x128xf32, #tpu.memory_space<vmem>>, vector<1x1000x128xf32>
    %get3A_18 = vector.shape_cast %get3A_17 : vector<1x1000x128xf32> to vector<1000x128xf32>
    %add3A_19 = arith.addf %add3A_13, %get3A_18 : vector<1000x128xf32>
    %get3A_20 = arith.constant 0 : index
    %get3A_21 = arith.constant 0 : index
    %get3A_22 = vector.load %arg3[%get3A_20, %get3A_21] : memref<128x256xf32, #tpu.memory_space<vmem>>, vector<128x256xf32>
    %dot_general3A = arith.constant dense<0.000000e+00> : vector<1000x256xf32>
    %dot_general3A_23 = tpu.matmul %add3A_19, %get3A_22, %dot_general3A {dimension_numbers = #tpu.dot_dimension_numbers<[1], [0], [0], [1], [0, 0, 1, 1], [], []>, transpose_lhs_hint = false} : vector<1000x128xf32>, vector<128x256xf32>, vector<1000x256xf32> -> vector<1000x256xf32>
    %get3A_24 = arith.constant 0 : index
    %get3A_25 = arith.constant 0 : index
    %get3A_26 = vector.load %arg4[%get3A_24, %get3A_25] : memref<1x256xf32, #tpu.memory_space<vmem>>, vector<1x256xf32>
    %add3A_27 = vector.broadcast %get3A_26 : vector<1x256xf32> to vector<1000x256xf32>
    %add3A_28 = arith.addf %dot_general3A_23, %add3A_27 : vector<1000x256xf32>
    %swap3A = arith.constant 0 : index
    %swap3A_29 = arith.constant 0 : index
    %swap3A_30 = vector.load %arg6[%swap3A, %swap3A_29] : memref<1000x256xf32, #tpu.memory_space<vmem>>, vector<1000x256xf32>
    tpu.vector_store %arg6[%swap3A, %swap3A_29], %add3A_28 {strides = array<i32>} : memref<1000x256xf32, #tpu.memory_space<vmem>>, vector<1000x256xf32>,
    %eq3A = arith.constant 0 : i32
    %eq3A_31 = arith.cmpi eq, %arg0, %eq3A : i32
    %convert_element_type3A = arith.extui %eq3A_31 : i1 to i32
    %cond3A = arith.constant 0 : i32
    %cond3A_32 = arith.cmpi ne, %convert_element_type3A, %cond3A : i32
    scf.if %cond3A_32 {
      %broadcast_in_dim3A_52 = arith.constant 0.000000e+00 : f32
      %broadcast_in_dim3A_53 = vector.broadcast %broadcast_in_dim3A_52 : f32 to vector<2x256xf32>
      %swap3A_54 = arith.constant 0 : index
      %swap3A_55 = arith.constant 0 : index
      %swap3A_56 = vector.load %arg7[%swap3A_54, %swap3A_55] : memref<2x256xf32, #tpu.memory_space<vmem>>, vector<2x256xf32>
      tpu.vector_store %arg7[%swap3A_54, %swap3A_55], %broadcast_in_dim3A_53 {strides = array<i32>} : memref<2x256xf32, #tpu.memory_space<vmem>>, vector<2x256xf32>,
    } else {
    }
    %get3A_33 = arith.constant 0 : index
    %get3A_34 = arith.constant 0 : index
    %get3A_35 = vector.load %arg7[%get3A_33, %get3A_34] : memref<2x256xf32, #tpu.memory_space<vmem>>, vector<1x256xf32>
    %reduce_sum3A = arith.constant dense<0.000000e+00> : vector<256xf32>
    %reduce_sum3A_36 = vector.multi_reduction <add>, %add3A_28, %reduce_sum3A [0] : vector<1000x256xf32> to vector<256xf32>
    %broadcast_in_dim3A = vector.shape_cast %reduce_sum3A_36 : vector<256xf32> to vector<1x256xf32>
    %add3A_37 = arith.addf %get3A_35, %broadcast_in_dim3A : vector<1x256xf32>
    %swap3A_38 = arith.constant 0 : index
    %swap3A_39 = arith.constant 0 : index
    %swap3A_40 = vector.load %arg7[%swap3A_38, %swap3A_39] : memref<2x256xf32, #tpu.memory_space<vmem>>, vector<1x256xf32>
    tpu.vector_store %arg7[%swap3A_38, %swap3A_39], %add3A_37 {strides = array<i32>} : memref<2x256xf32, #tpu.memory_space<vmem>>, vector<1x256xf32>,
    %get3A_41 = arith.constant 1 : index
    %get3A_42 = arith.constant 0 : index
    %get3A_43 = vector.load %arg7[%get3A_41, %get3A_42] : memref<2x256xf32, #tpu.memory_space<vmem>>, vector<1x256xf32>
    %mul3A_44 = arith.mulf %add3A_28, %add3A_28 : vector<1000x256xf32>
    %reduce_sum3A_45 = arith.constant dense<0.000000e+00> : vector<256xf32>
    %reduce_sum3A_46 = vector.multi_reduction <add>, %mul3A_44, %reduce_sum3A_45 [0] : vector<1000x256xf32> to vector<256xf32>
    %broadcast_in_dim3A_47 = vector.shape_cast %reduce_sum3A_46 : vector<256xf32> to vector<1x256xf32>
    %add3A_48 = arith.addf %get3A_43, %broadcast_in_dim3A_47 : vector<1x256xf32>
    %swap3A_49 = arith.constant 1 : index
    %swap3A_50 = arith.constant 0 : index
    %swap3A_51 = vector.load %arg7[%swap3A_49, %swap3A_50] : memref<2x256xf32, #tpu.memory_space<vmem>>, vector<1x256xf32>
    tpu.vector_store %arg7[%swap3A_49, %swap3A_50], %add3A_48 {strides = array<i32>} : memref<2x256xf32, #tpu.memory_space<vmem>>, vector<1x256xf32>,
    return
  }
  func.func @transform_0(%arg0: i32) -> (i32, i32) {
    %c0_i32 = arith.constant 0 : i32
    %c0_i32_0 = arith.constant 0 : i32
    return %arg0, %c0_i32 : i32, i32
  }
  func.func @transform_1(%arg0: i32) -> (i32, i32, i32) {
    %c0_i32 = arith.constant 0 : i32
    %c0_i32_0 = arith.constant 0 : i32
    %c0_i32_1 = arith.constant 0 : i32
    return %c0_i32, %arg0, %c0_i32_0 : i32, i32, i32
  }
  func.func @transform_2(%arg0: i32) -> (i32, i32) {
    %c0_i32 = arith.constant 0 : i32
    %c0_i32_0 = arith.constant 0 : i32
    %c0_i32_1 = arith.constant 0 : i32
    return %c0_i32, %c0_i32_0 : i32, i32
  }
  func.func @transform_3(%arg0: i32) -> (i32, i32) {
    %c0_i32 = arith.constant 0 : i32
    %c0_i32_0 = arith.constant 0 : i32
    %c0_i32_1 = arith.constant 0 : i32
    return %c0_i32, %c0_i32_0 : i32, i32
  }
  func.func @transform_4(%arg0: i32) -> (i32, i32) {
    %c0_i32 = arith.constant 0 : i32
    %c0_i32_0 = arith.constant 0 : i32
    %c0_i32_1 = arith.constant 0 : i32
    return %c0_i32, %c0_i32_0 : i32, i32
  }
  func.func @transform_5(%arg0: i32) -> (i32, i32) {
    %c0_i32 = arith.constant 0 : i32
    %c0_i32_0 = arith.constant 0 : i32
    return %arg0, %c0_i32 : i32, i32
  }
  func.func @transform_6(%arg0: i32) -> (i32, i32) {
    %c0_i32 = arith.constant 0 : i32
    %c0_i32_0 = arith.constant 0 : i32
    %c0_i32_1 = arith.constant 0 : i32
    return %c0_i32, %c0_i32_0 : i32, i32
  }
}

module attributes {stable_mosaic.version = 14 : i64} {
  func.func @_layer_b_body(%arg0: i32, %arg1: memref<1000x256xf32, #tpu.memory_space<vmem>>, %arg2: memref<2x256xf32, #tpu.memory_space<vmem>>, %arg3: memref<1x256xf32, #tpu.memory_space<vmem>>, %arg4: memref<1x256xf32, #tpu.memory_space<vmem>>, %arg5: memref<256x128xf32, #tpu.memory_space<vmem>>, %arg6: memref<1x128xf32, #tpu.memory_space<vmem>>, %arg7: memref<1000x128xf32, #tpu.memory_space<vmem>>, %arg8: memref<2x128xf32, #tpu.memory_space<vmem>>) attributes {dimension_semantics = [#tpu.dimension_semantics<arbitrary>], iteration_bounds = array<i64: 10>, scalar_prefetch = 0 : i64, scratch_operands = 0 : i64, tpu.core_type = #tpu.core_type<tc>, window_params = [{transform_indices = @transform_0, window_bounds = array<i64: 1000, 256>}, {pipeline_mode = #tpu.pipeline_mode<synchronous>, transform_indices = @transform_1, window_bounds = array<i64: 2, 256>}, {pipeline_mode = #tpu.pipeline_mode<synchronous>, transform_indices = @transform_2, window_bounds = array<i64: 1, 256>}, {pipeline_mode = #tpu.pipeline_mode<synchronous>, transform_indices = @transform_3, window_bounds = array<i64: 1, 256>}, {pipeline_mode = #tpu.pipeline_mode<synchronous>, transform_indices = @transform_4, window_bounds = array<i64: 256, 128>}, {pipeline_mode = #tpu.pipeline_mode<synchronous>, transform_indices = @transform_5, window_bounds = array<i64: 1, 128>}, {transform_indices = @transform_6, window_bounds = array<i64: 1000, 128>}, {pipeline_mode = #tpu.pipeline_mode<synchronous>, transform_indices = @transform_7, window_bounds = array<i64: 2, 128>}]} {
    %get3A = arith.constant 0 : index
    %get3A_0 = arith.constant 0 : index
    %get3A_1 = vector.load %arg2[%get3A, %get3A_0] : memref<2x256xf32, #tpu.memory_space<vmem>>, vector<1x256xf32>
    %mul3A = arith.constant 9.99999974E-5 : f32
    %mul3A_2 = vector.broadcast %mul3A : f32 to vector<1x256xf32>
    %mul3A_3 = arith.mulf %get3A_1, %mul3A_2 : vector<1x256xf32>
    %get3A_4 = arith.constant 1 : index
    %get3A_5 = arith.constant 0 : index
    %get3A_6 = vector.load %arg2[%get3A_4, %get3A_5] : memref<2x256xf32, #tpu.memory_space<vmem>>, vector<1x256xf32>
    %mul3A_7 = arith.constant 9.99999974E-5 : f32
    %mul3A_8 = vector.broadcast %mul3A_7 : f32 to vector<1x256xf32>
    %mul3A_9 = arith.mulf %get3A_6, %mul3A_8 : vector<1x256xf32>
    %mul3A_10 = arith.mulf %mul3A_3, %mul3A_3 : vector<1x256xf32>
    %sub3A = arith.subf %mul3A_9, %mul3A_10 : vector<1x256xf32>
    %get3A_11 = arith.constant 0 : index
    %get3A_12 = arith.constant 0 : index
    %get3A_13 = vector.load %arg1[%get3A_11, %get3A_12] : memref<1000x256xf32, #tpu.memory_space<vmem>>, vector<1000x256xf32>
    %sub3A_14 = vector.broadcast %mul3A_3 : vector<1x256xf32> to vector<1000x256xf32>
    %sub3A_15 = arith.subf %get3A_13, %sub3A_14 : vector<1000x256xf32>
    %add3A = arith.constant 9.99999974E-6 : f32
    %add3A_16 = vector.broadcast %add3A : f32 to vector<1x256xf32>
    %add3A_17 = arith.addf %sub3A, %add3A_16 : vector<1x256xf32>
    %rsqrt3A = math.rsqrt %add3A_17 : vector<1x256xf32>
    %mul3A_18 = vector.broadcast %rsqrt3A : vector<1x256xf32> to vector<1000x256xf32>
    %mul3A_19 = arith.mulf %sub3A_15, %mul3A_18 : vector<1000x256xf32>
    %get3A_20 = arith.constant 0 : index
    %get3A_21 = arith.constant 0 : index
    %get3A_22 = vector.load %arg3[%get3A_20, %get3A_21] : memref<1x256xf32, #tpu.memory_space<vmem>>, vector<1x256xf32>
    %mul3A_23 = vector.broadcast %get3A_22 : vector<1x256xf32> to vector<1000x256xf32>
    %mul3A_24 = arith.mulf %mul3A_19, %mul3A_23 : vector<1000x256xf32>
    %get3A_25 = arith.constant 0 : index
    %get3A_26 = arith.constant 0 : index
    %get3A_27 = vector.load %arg4[%get3A_25, %get3A_26] : memref<1x256xf32, #tpu.memory_space<vmem>>, vector<1x256xf32>
    %add3A_28 = vector.broadcast %get3A_27 : vector<1x256xf32> to vector<1000x256xf32>
    %add3A_29 = arith.addf %mul3A_24, %add3A_28 : vector<1000x256xf32>
    %max3A = arith.constant 0.000000e+00 : f32
    %max3A_30 = vector.broadcast %max3A : f32 to vector<1000x256xf32>
    %max3A_31 = arith.maximumf %add3A_29, %max3A_30 : vector<1000x256xf32>
    %get3A_32 = arith.constant 0 : index
    %get3A_33 = arith.constant 0 : index
    %get3A_34 = vector.load %arg5[%get3A_32, %get3A_33] : memref<256x128xf32, #tpu.memory_space<vmem>>, vector<256x128xf32>
    %dot_general3A = arith.constant dense<0.000000e+00> : vector<1000x128xf32>
    %dot_general3A_35 = tpu.matmul %max3A_31, %get3A_34, %dot_general3A {dimension_numbers = #tpu.dot_dimension_numbers<[1], [0], [0], [1], [0, 0, 1, 1], [], []>, transpose_lhs_hint = false} : vector<1000x256xf32>, vector<256x128xf32>, vector<1000x128xf32> -> vector<1000x128xf32>
    %get3A_36 = arith.constant 0 : index
    %get3A_37 = arith.constant 0 : index
    %get3A_38 = vector.load %arg6[%get3A_36, %get3A_37] : memref<1x128xf32, #tpu.memory_space<vmem>>, vector<1x128xf32>
    %add3A_39 = vector.broadcast %get3A_38 : vector<1x128xf32> to vector<1000x128xf32>
    %add3A_40 = arith.addf %dot_general3A_35, %add3A_39 : vector<1000x128xf32>
    %swap3A = arith.constant 0 : index
    %swap3A_41 = arith.constant 0 : index
    %swap3A_42 = vector.load %arg7[%swap3A, %swap3A_41] : memref<1000x128xf32, #tpu.memory_space<vmem>>, vector<1000x128xf32>
    tpu.vector_store %arg7[%swap3A, %swap3A_41], %add3A_40 {strides = array<i32>} : memref<1000x128xf32, #tpu.memory_space<vmem>>, vector<1000x128xf32>,
    %eq3A = arith.constant 0 : i32
    %eq3A_43 = arith.cmpi eq, %arg0, %eq3A : i32
    %convert_element_type3A = arith.extui %eq3A_43 : i1 to i32
    %cond3A = arith.constant 0 : i32
    %cond3A_44 = arith.cmpi ne, %convert_element_type3A, %cond3A : i32
    scf.if %cond3A_44 {
      %broadcast_in_dim3A_64 = arith.constant 0.000000e+00 : f32
      %broadcast_in_dim3A_65 = vector.broadcast %broadcast_in_dim3A_64 : f32 to vector<2x128xf32>
      %swap3A_66 = arith.constant 0 : index
      %swap3A_67 = arith.constant 0 : index
      %swap3A_68 = vector.load %arg8[%swap3A_66, %swap3A_67] : memref<2x128xf32, #tpu.memory_space<vmem>>, vector<2x128xf32>
      tpu.vector_store %arg8[%swap3A_66, %swap3A_67], %broadcast_in_dim3A_65 {strides = array<i32>} : memref<2x128xf32, #tpu.memory_space<vmem>>, vector<2x128xf32>,
    } else {
    }
    %get3A_45 = arith.constant 0 : index
    %get3A_46 = arith.constant 0 : index
    %get3A_47 = vector.load %arg8[%get3A_45, %get3A_46] : memref<2x128xf32, #tpu.memory_space<vmem>>, vector<1x128xf32>
    %reduce_sum3A = arith.constant dense<0.000000e+00> : vector<128xf32>
    %reduce_sum3A_48 = vector.multi_reduction <add>, %add3A_40, %reduce_sum3A [0] : vector<1000x128xf32> to vector<128xf32>
    %broadcast_in_dim3A = vector.shape_cast %reduce_sum3A_48 : vector<128xf32> to vector<1x128xf32>
    %add3A_49 = arith.addf %get3A_47, %broadcast_in_dim3A : vector<1x128xf32>
    %swap3A_50 = arith.constant 0 : index
    %swap3A_51 = arith.constant 0 : index
    %swap3A_52 = vector.load %arg8[%swap3A_50, %swap3A_51] : memref<2x128xf32, #tpu.memory_space<vmem>>, vector<1x128xf32>
    tpu.vector_store %arg8[%swap3A_50, %swap3A_51], %add3A_49 {strides = array<i32>} : memref<2x128xf32, #tpu.memory_space<vmem>>, vector<1x128xf32>,
    %get3A_53 = arith.constant 1 : index
    %get3A_54 = arith.constant 0 : index
    %get3A_55 = vector.load %arg8[%get3A_53, %get3A_54] : memref<2x128xf32, #tpu.memory_space<vmem>>, vector<1x128xf32>
    %mul3A_56 = arith.mulf %add3A_40, %add3A_40 : vector<1000x128xf32>
    %reduce_sum3A_57 = arith.constant dense<0.000000e+00> : vector<128xf32>
    %reduce_sum3A_58 = vector.multi_reduction <add>, %mul3A_56, %reduce_sum3A_57 [0] : vector<1000x128xf32> to vector<128xf32>
    %broadcast_in_dim3A_59 = vector.shape_cast %reduce_sum3A_58 : vector<128xf32> to vector<1x128xf32>
    %add3A_60 = arith.addf %get3A_55, %broadcast_in_dim3A_59 : vector<1x128xf32>
    %swap3A_61 = arith.constant 1 : index
    %swap3A_62 = arith.constant 0 : index
    %swap3A_63 = vector.load %arg8[%swap3A_61, %swap3A_62] : memref<2x128xf32, #tpu.memory_space<vmem>>, vector<1x128xf32>
    tpu.vector_store %arg8[%swap3A_61, %swap3A_62], %add3A_60 {strides = array<i32>} : memref<2x128xf32, #tpu.memory_space<vmem>>, vector<1x128xf32>,
    return
  }
  func.func @transform_0(%arg0: i32) -> (i32, i32) {
    %c0_i32 = arith.constant 0 : i32
    %c0_i32_0 = arith.constant 0 : i32
    return %arg0, %c0_i32 : i32, i32
  }
  func.func @transform_1(%arg0: i32) -> (i32, i32) {
    %c0_i32 = arith.constant 0 : i32
    %c0_i32_0 = arith.constant 0 : i32
    %c0_i32_1 = arith.constant 0 : i32
    return %c0_i32, %c0_i32_0 : i32, i32
  }
  func.func @transform_2(%arg0: i32) -> (i32, i32) {
    %c0_i32 = arith.constant 0 : i32
    %c0_i32_0 = arith.constant 0 : i32
    %c0_i32_1 = arith.constant 0 : i32
    return %c0_i32, %c0_i32_0 : i32, i32
  }
  func.func @transform_3(%arg0: i32) -> (i32, i32) {
    %c0_i32 = arith.constant 0 : i32
    %c0_i32_0 = arith.constant 0 : i32
    %c0_i32_1 = arith.constant 0 : i32
    return %c0_i32, %c0_i32_0 : i32, i32
  }
  func.func @transform_4(%arg0: i32) -> (i32, i32) {
    %c0_i32 = arith.constant 0 : i32
    %c0_i32_0 = arith.constant 0 : i32
    %c0_i32_1 = arith.constant 0 : i32
    return %c0_i32, %c0_i32_0 : i32, i32
  }
  func.func @transform_5(%arg0: i32) -> (i32, i32) {
    %c0_i32 = arith.constant 0 : i32
    %c0_i32_0 = arith.constant 0 : i32
    %c0_i32_1 = arith.constant 0 : i32
    return %c0_i32, %c0_i32_0 : i32, i32
  }
  func.func @transform_6(%arg0: i32) -> (i32, i32) {
    %c0_i32 = arith.constant 0 : i32
    %c0_i32_0 = arith.constant 0 : i32
    return %arg0, %c0_i32 : i32, i32
  }
  func.func @transform_7(%arg0: i32) -> (i32, i32) {
    %c0_i32 = arith.constant 0 : i32
    %c0_i32_0 = arith.constant 0 : i32
    %c0_i32_1 = arith.constant 0 : i32
    return %c0_i32, %c0_i32_0 : i32, i32
  }
}

module attributes {stable_mosaic.version = 14 : i64} {
  func.func @_layer_c_body(%arg0: i32, %arg1: memref<1000x128xf32, #tpu.memory_space<vmem>>, %arg2: memref<2x128xf32, #tpu.memory_space<vmem>>, %arg3: memref<1x128xf32, #tpu.memory_space<vmem>>, %arg4: memref<1x128xf32, #tpu.memory_space<vmem>>, %arg5: memref<1000x128xf32, #tpu.memory_space<vmem>>) attributes {dimension_semantics = [#tpu.dimension_semantics<arbitrary>], iteration_bounds = array<i64: 10>, scalar_prefetch = 0 : i64, scratch_operands = 0 : i64, tpu.core_type = #tpu.core_type<tc>, window_params = [{transform_indices = @transform_0, window_bounds = array<i64: 1000, 128>}, {pipeline_mode = #tpu.pipeline_mode<synchronous>, transform_indices = @transform_1, window_bounds = array<i64: 2, 128>}, {pipeline_mode = #tpu.pipeline_mode<synchronous>, transform_indices = @transform_2, window_bounds = array<i64: 1, 128>}, {pipeline_mode = #tpu.pipeline_mode<synchronous>, transform_indices = @transform_3, window_bounds = array<i64: 1, 128>}, {transform_indices = @transform_4, window_bounds = array<i64: 1000, 128>}]} {
    %get3A = arith.constant 0 : index
    %get3A_0 = arith.constant 0 : index
    %get3A_1 = vector.load %arg2[%get3A, %get3A_0] : memref<2x128xf32, #tpu.memory_space<vmem>>, vector<1x128xf32>
    %mul3A = arith.constant 9.99999974E-5 : f32
    %mul3A_2 = vector.broadcast %mul3A : f32 to vector<1x128xf32>
    %mul3A_3 = arith.mulf %get3A_1, %mul3A_2 : vector<1x128xf32>
    %get3A_4 = arith.constant 1 : index
    %get3A_5 = arith.constant 0 : index
    %get3A_6 = vector.load %arg2[%get3A_4, %get3A_5] : memref<2x128xf32, #tpu.memory_space<vmem>>, vector<1x128xf32>
    %mul3A_7 = arith.constant 9.99999974E-5 : f32
    %mul3A_8 = vector.broadcast %mul3A_7 : f32 to vector<1x128xf32>
    %mul3A_9 = arith.mulf %get3A_6, %mul3A_8 : vector<1x128xf32>
    %mul3A_10 = arith.mulf %mul3A_3, %mul3A_3 : vector<1x128xf32>
    %sub3A = arith.subf %mul3A_9, %mul3A_10 : vector<1x128xf32>
    %get3A_11 = arith.constant 0 : index
    %get3A_12 = arith.constant 0 : index
    %get3A_13 = vector.load %arg1[%get3A_11, %get3A_12] : memref<1000x128xf32, #tpu.memory_space<vmem>>, vector<1000x128xf32>
    %sub3A_14 = vector.broadcast %mul3A_3 : vector<1x128xf32> to vector<1000x128xf32>
    %sub3A_15 = arith.subf %get3A_13, %sub3A_14 : vector<1000x128xf32>
    %add3A = arith.constant 9.99999974E-6 : f32
    %add3A_16 = vector.broadcast %add3A : f32 to vector<1x128xf32>
    %add3A_17 = arith.addf %sub3A, %add3A_16 : vector<1x128xf32>
    %rsqrt3A = math.rsqrt %add3A_17 : vector<1x128xf32>
    %mul3A_18 = vector.broadcast %rsqrt3A : vector<1x128xf32> to vector<1000x128xf32>
    %mul3A_19 = arith.mulf %sub3A_15, %mul3A_18 : vector<1000x128xf32>
    %get3A_20 = arith.constant 0 : index
    %get3A_21 = arith.constant 0 : index
    %get3A_22 = vector.load %arg3[%get3A_20, %get3A_21] : memref<1x128xf32, #tpu.memory_space<vmem>>, vector<1x128xf32>
    %mul3A_23 = vector.broadcast %get3A_22 : vector<1x128xf32> to vector<1000x128xf32>
    %mul3A_24 = arith.mulf %mul3A_19, %mul3A_23 : vector<1000x128xf32>
    %get3A_25 = arith.constant 0 : index
    %get3A_26 = arith.constant 0 : index
    %get3A_27 = vector.load %arg4[%get3A_25, %get3A_26] : memref<1x128xf32, #tpu.memory_space<vmem>>, vector<1x128xf32>
    %add3A_28 = vector.broadcast %get3A_27 : vector<1x128xf32> to vector<1000x128xf32>
    %add3A_29 = arith.addf %mul3A_24, %add3A_28 : vector<1000x128xf32>
    %max3A = arith.constant 0.000000e+00 : f32
    %max3A_30 = vector.broadcast %max3A : f32 to vector<1000x128xf32>
    %max3A_31 = arith.maximumf %add3A_29, %max3A_30 : vector<1000x128xf32>
    %swap3A = arith.constant 0 : index
    %swap3A_32 = arith.constant 0 : index
    %swap3A_33 = vector.load %arg5[%swap3A, %swap3A_32] : memref<1000x128xf32, #tpu.memory_space<vmem>>, vector<1000x128xf32>
    tpu.vector_store %arg5[%swap3A, %swap3A_32], %max3A_31 {strides = array<i32>} : memref<1000x128xf32, #tpu.memory_space<vmem>>, vector<1000x128xf32>,
    return
  }
  func.func @transform_0(%arg0: i32) -> (i32, i32) {
    %c0_i32 = arith.constant 0 : i32
    %c0_i32_0 = arith.constant 0 : i32
    return %arg0, %c0_i32 : i32, i32
  }
  func.func @transform_1(%arg0: i32) -> (i32, i32) {
    %c0_i32 = arith.constant 0 : i32
    %c0_i32_0 = arith.constant 0 : i32
    %c0_i32_1 = arith.constant 0 : i32
    return %c0_i32, %c0_i32_0 : i32, i32
  }
  func.func @transform_2(%arg0: i32) -> (i32, i32) {
    %c0_i32 = arith.constant 0 : i32
    %c0_i32_0 = arith.constant 0 : i32
    %c0_i32_1 = arith.constant 0 : i32
    return %c0_i32, %c0_i32_0 : i32, i32
  }
  func.func @transform_3(%arg0: i32) -> (i32, i32) {
    %c0_i32 = arith.constant 0 : i32
    %c0_i32_0 = arith.constant 0 : i32
    %c0_i32_1 = arith.constant 0 : i32
    return %c0_i32, %c0_i32_0 : i32, i32
  }
  func.func @transform_4(%arg0: i32) -> (i32, i32) {
    %c0_i32 = arith.constant 0 : i32
    %c0_i32_0 = arith.constant 0 : i32
    return %arg0, %c0_i32 : i32, i32
  }
}

module attributes {stable_mosaic.version = 14 : i64} {
  func.func @_pool2_body(%arg0: i32, %arg1: memref<1000x128xf32, #tpu.memory_space<vmem>>, %arg2: memref<2x128xf32, #tpu.memory_space<vmem>>, %arg3: memref<1x128xf32, #tpu.memory_space<vmem>>, %arg4: memref<1x128xf32, #tpu.memory_space<vmem>>, %arg5: memref<128x128xf32, #tpu.memory_space<vmem>>, %arg6: memref<1x128xf32, #tpu.memory_space<vmem>>, %arg7: memref<128x128xf32, #tpu.memory_space<vmem>>, %arg8: memref<1x128xf32, #tpu.memory_space<vmem>>, %arg9: memref<128x128xf32, #tpu.memory_space<vmem>>, %arg10: memref<1x128xf32, #tpu.memory_space<vmem>>, %arg11: memref<128x1xf32, #tpu.memory_space<vmem>>, %arg12: memref<1x1xf32, #tpu.memory_space<vmem>>, %arg13: memref<1x1x1000xi32, #tpu.memory_space<vmem>>, %arg14: memref<64x1xf32, #tpu.memory_space<vmem>>, %arg15: memref<64x128xf32, #tpu.memory_space<vmem>>, %arg16: memref<64x128xf32, #tpu.memory_space<vmem>>) attributes {dimension_semantics = [#tpu.dimension_semantics<arbitrary>], iteration_bounds = array<i64: 10>, scalar_prefetch = 0 : i64, scratch_operands = 2 : i64, tpu.core_type = #tpu.core_type<tc>, window_params = [{transform_indices = @transform_0, window_bounds = array<i64: 1000, 128>}, {pipeline_mode = #tpu.pipeline_mode<synchronous>, transform_indices = @transform_1, window_bounds = array<i64: 2, 128>}, {pipeline_mode = #tpu.pipeline_mode<synchronous>, transform_indices = @transform_2, window_bounds = array<i64: 1, 128>}, {pipeline_mode = #tpu.pipeline_mode<synchronous>, transform_indices = @transform_3, window_bounds = array<i64: 1, 128>}, {pipeline_mode = #tpu.pipeline_mode<synchronous>, transform_indices = @transform_4, window_bounds = array<i64: 128, 128>}, {pipeline_mode = #tpu.pipeline_mode<synchronous>, transform_indices = @transform_5, window_bounds = array<i64: 1, 128>}, {pipeline_mode = #tpu.pipeline_mode<synchronous>, transform_indices = @transform_6, window_bounds = array<i64: 128, 128>}, {pipeline_mode = #tpu.pipeline_mode<synchronous>, transform_indices = @transform_7, window_bounds = array<i64: 1, 128>}, {pipeline_mode = #tpu.pipeline_mode<synchronous>, transform_indices = @transform_8, window_bounds = array<i64: 128, 128>}, {pipeline_mode = #tpu.pipeline_mode<synchronous>, transform_indices = @transform_9, window_bounds = array<i64: 1, 128>}, {pipeline_mode = #tpu.pipeline_mode<synchronous>, transform_indices = @transform_10, window_bounds = array<i64: 128, 1>}, {pipeline_mode = #tpu.pipeline_mode<synchronous>, transform_indices = @transform_11, window_bounds = array<i64: 1, 1>}, {transform_indices = @transform_12, window_bounds = array<i64: 1, 1, 1000>}, {pipeline_mode = #tpu.pipeline_mode<synchronous>, transform_indices = @transform_13, window_bounds = array<i64: 64, 1>}]} {
    %get3A = arith.constant 0 : index
    %get3A_0 = arith.constant 0 : index
    %get3A_1 = vector.load %arg2[%get3A, %get3A_0] : memref<2x128xf32, #tpu.memory_space<vmem>>, vector<1x128xf32>
    %mul3A = arith.constant 9.99999974E-5 : f32
    %mul3A_2 = vector.broadcast %mul3A : f32 to vector<1x128xf32>
    %mul3A_3 = arith.mulf %get3A_1, %mul3A_2 : vector<1x128xf32>
    %get3A_4 = arith.constant 1 : index
    %get3A_5 = arith.constant 0 : index
    %get3A_6 = vector.load %arg2[%get3A_4, %get3A_5] : memref<2x128xf32, #tpu.memory_space<vmem>>, vector<1x128xf32>
    %mul3A_7 = arith.constant 9.99999974E-5 : f32
    %mul3A_8 = vector.broadcast %mul3A_7 : f32 to vector<1x128xf32>
    %mul3A_9 = arith.mulf %get3A_6, %mul3A_8 : vector<1x128xf32>
    %mul3A_10 = arith.mulf %mul3A_3, %mul3A_3 : vector<1x128xf32>
    %sub3A = arith.subf %mul3A_9, %mul3A_10 : vector<1x128xf32>
    %get3A_11 = arith.constant 0 : index
    %get3A_12 = arith.constant 0 : index
    %get3A_13 = vector.load %arg1[%get3A_11, %get3A_12] : memref<1000x128xf32, #tpu.memory_space<vmem>>, vector<1000x128xf32>
    %sub3A_14 = vector.broadcast %mul3A_3 : vector<1x128xf32> to vector<1000x128xf32>
    %sub3A_15 = arith.subf %get3A_13, %sub3A_14 : vector<1000x128xf32>
    %add3A = arith.constant 9.99999974E-6 : f32
    %add3A_16 = vector.broadcast %add3A : f32 to vector<1x128xf32>
    %add3A_17 = arith.addf %sub3A, %add3A_16 : vector<1x128xf32>
    %rsqrt3A = math.rsqrt %add3A_17 : vector<1x128xf32>
    %mul3A_18 = vector.broadcast %rsqrt3A : vector<1x128xf32> to vector<1000x128xf32>
    %mul3A_19 = arith.mulf %sub3A_15, %mul3A_18 : vector<1000x128xf32>
    %get3A_20 = arith.constant 0 : index
    %get3A_21 = arith.constant 0 : index
    %get3A_22 = vector.load %arg3[%get3A_20, %get3A_21] : memref<1x128xf32, #tpu.memory_space<vmem>>, vector<1x128xf32>
    %mul3A_23 = vector.broadcast %get3A_22 : vector<1x128xf32> to vector<1000x128xf32>
    %mul3A_24 = arith.mulf %mul3A_19, %mul3A_23 : vector<1000x128xf32>
    %get3A_25 = arith.constant 0 : index
    %get3A_26 = arith.constant 0 : index
    %get3A_27 = vector.load %arg4[%get3A_25, %get3A_26] : memref<1x128xf32, #tpu.memory_space<vmem>>, vector<1x128xf32>
    %add3A_28 = vector.broadcast %get3A_27 : vector<1x128xf32> to vector<1000x128xf32>
    %add3A_29 = arith.addf %mul3A_24, %add3A_28 : vector<1000x128xf32>
    %max3A = arith.constant 0.000000e+00 : f32
    %max3A_30 = vector.broadcast %max3A : f32 to vector<1000x128xf32>
    %max3A_31 = arith.maximumf %add3A_29, %max3A_30 : vector<1000x128xf32>
    %get3A_32 = arith.constant 0 : index
    %get3A_33 = arith.constant 0 : index
    %get3A_34 = vector.load %arg5[%get3A_32, %get3A_33] : memref<128x128xf32, #tpu.memory_space<vmem>>, vector<128x128xf32>
    %dot_general3A = arith.constant dense<0.000000e+00> : vector<1000x128xf32>
    %dot_general3A_35 = tpu.matmul %max3A_31, %get3A_34, %dot_general3A {dimension_numbers = #tpu.dot_dimension_numbers<[1], [0], [0], [1], [0, 0, 1, 1], [], []>, transpose_lhs_hint = false} : vector<1000x128xf32>, vector<128x128xf32>, vector<1000x128xf32> -> vector<1000x128xf32>
    %get3A_36 = arith.constant 0 : index
    %get3A_37 = arith.constant 0 : index
    %get3A_38 = vector.load %arg6[%get3A_36, %get3A_37] : memref<1x128xf32, #tpu.memory_space<vmem>>, vector<1x128xf32>
    %add3A_39 = vector.broadcast %get3A_38 : vector<1x128xf32> to vector<1000x128xf32>
    %add3A_40 = arith.addf %dot_general3A_35, %add3A_39 : vector<1000x128xf32>
    %max3A_41 = arith.constant 0.000000e+00 : f32
    %max3A_42 = vector.broadcast %max3A_41 : f32 to vector<1000x128xf32>
    %max3A_43 = arith.maximumf %add3A_40, %max3A_42 : vector<1000x128xf32>
    %get3A_44 = arith.constant 0 : index
    %get3A_45 = arith.constant 0 : index
    %get3A_46 = vector.load %arg7[%get3A_44, %get3A_45] : memref<128x128xf32, #tpu.memory_space<vmem>>, vector<128x128xf32>
    %dot_general3A_47 = arith.constant dense<0.000000e+00> : vector<1000x128xf32>
    %dot_general3A_48 = tpu.matmul %max3A_43, %get3A_46, %dot_general3A_47 {dimension_numbers = #tpu.dot_dimension_numbers<[1], [0], [0], [1], [0, 0, 1, 1], [], []>, transpose_lhs_hint = false} : vector<1000x128xf32>, vector<128x128xf32>, vector<1000x128xf32> -> vector<1000x128xf32>
    %get3A_49 = arith.constant 0 : index
    %get3A_50 = arith.constant 0 : index
    %get3A_51 = vector.load %arg8[%get3A_49, %get3A_50] : memref<1x128xf32, #tpu.memory_space<vmem>>, vector<1x128xf32>
    %add3A_52 = vector.broadcast %get3A_51 : vector<1x128xf32> to vector<1000x128xf32>
    %add3A_53 = arith.addf %dot_general3A_48, %add3A_52 : vector<1000x128xf32>
    %max3A_54 = arith.constant 0.000000e+00 : f32
    %max3A_55 = vector.broadcast %max3A_54 : f32 to vector<1000x128xf32>
    %max3A_56 = arith.maximumf %add3A_53, %max3A_55 : vector<1000x128xf32>
    %get3A_57 = arith.constant 0 : index
    %get3A_58 = arith.constant 0 : index
    %get3A_59 = arith.constant 0 : index
    %get3A_60 = vector.load %arg13[%get3A_57, %get3A_58, %get3A_59] : memref<1x1x1000xi32, #tpu.memory_space<vmem>>, vector<1x1x1000xi32>
    %get3A_61 = vector.shape_cast %get3A_60 : vector<1x1x1000xi32> to vector<1000xi32>
    %broadcast_in_dim3A = vector.shape_cast %get3A_61 : vector<1000xi32> to vector<1000x1xi32>
    %iota3A = tpu.iota {dimensions = array<i32: 1>} : vector<1000x64xi32>
    %eq3A = vector.broadcast %broadcast_in_dim3A : vector<1000x1xi32> to vector<1000x64xi32>
    %eq3A_62 = arith.cmpi eq, %eq3A, %iota3A : vector<1000x64xi32>
    %convert_element_type3A = arith.extui %eq3A_62 : vector<1000x64xi1> to vector<1000x64xi32>
    %convert_element_type3A_63 = arith.sitofp %convert_element_type3A : vector<1000x64xi32> to vector<1000x64xf32>
    %eq3A_64 = arith.constant 0 : i32
    %eq3A_65 = arith.cmpi eq, %arg0, %eq3A_64 : i32
    %convert_element_type3A_66 = arith.extui %eq3A_65 : i1 to i32
    %cond3A = arith.constant 0 : i32
    %cond3A_67 = arith.cmpi ne, %convert_element_type3A_66, %cond3A : i32
    scf.if %cond3A_67 {
      %broadcast_in_dim3A_92 = arith.constant 0.000000e+00 : f32
      %broadcast_in_dim3A_93 = vector.broadcast %broadcast_in_dim3A_92 : f32 to vector<64x128xf32>
      %swap3A_94 = arith.constant 0 : index
      %swap3A_95 = arith.constant 0 : index
      %swap3A_96 = vector.load %arg15[%swap3A_94, %swap3A_95] : memref<64x128xf32, #tpu.memory_space<vmem>>, vector<64x128xf32>
      tpu.vector_store %arg15[%swap3A_94, %swap3A_95], %broadcast_in_dim3A_93 {strides = array<i32>} : memref<64x128xf32, #tpu.memory_space<vmem>>, vector<64x128xf32>,
      %broadcast_in_dim3A_97 = arith.constant 0.000000e+00 : f32
      %broadcast_in_dim3A_98 = vector.broadcast %broadcast_in_dim3A_97 : f32 to vector<64x128xf32>
      %swap3A_99 = arith.constant 0 : index
      %swap3A_100 = arith.constant 0 : index
      %swap3A_101 = vector.load %arg16[%swap3A_99, %swap3A_100] : memref<64x128xf32, #tpu.memory_space<vmem>>, vector<64x128xf32>
      tpu.vector_store %arg16[%swap3A_99, %swap3A_100], %broadcast_in_dim3A_98 {strides = array<i32>} : memref<64x128xf32, #tpu.memory_space<vmem>>, vector<64x128xf32>,
    } else {
    }
    %get3A_68 = arith.constant 0 : index
    %get3A_69 = arith.constant 0 : index
    %get3A_70 = vector.load %arg15[%get3A_68, %get3A_69] : memref<64x128xf32, #tpu.memory_space<vmem>>, vector<64x128xf32>
    %dot_general3A_71 = arith.constant dense<0.000000e+00> : vector<64x128xf32>
    %dot_general3A_72 = tpu.matmul %convert_element_type3A_63, %max3A_56, %dot_general3A_71 {dimension_numbers = #tpu.dot_dimension_numbers<[0], [0], [1], [1], [0, 1, 1, 1], [], []>, transpose_lhs_hint = false} : vector<1000x64xf32>, vector<1000x128xf32>, vector<64x128xf32> -> vector<64x128xf32>
    %add3A_73 = arith.addf %get3A_70, %dot_general3A_72 : vector<64x128xf32>
    %swap3A = arith.constant 0 : index
    %swap3A_74 = arith.constant 0 : index
    %swap3A_75 = vector.load %arg15[%swap3A, %swap3A_74] : memref<64x128xf32, #tpu.memory_space<vmem>>, vector<64x128xf32>
    tpu.vector_store %arg15[%swap3A, %swap3A_74], %add3A_73 {strides = array<i32>} : memref<64x128xf32, #tpu.memory_space<vmem>>, vector<64x128xf32>,
    %get3A_76 = arith.constant 0 : index
    %get3A_77 = arith.constant 0 : index
    %get3A_78 = vector.load %arg16[%get3A_76, %get3A_77] : memref<64x128xf32, #tpu.memory_space<vmem>>, vector<64x128xf32>
    %reduce_sum3A = arith.constant dense<0.000000e+00> : vector<64xf32>
    %reduce_sum3A_79 = vector.multi_reduction <add>, %convert_element_type3A_63, %reduce_sum3A [0] : vector<1000x64xf32> to vector<64xf32>
    %broadcast_in_dim3A_80 = vector.shape_cast %reduce_sum3A_79 : vector<64xf32> to vector<64x1xf32>
    %broadcast_in_dim3A_81 = vector.shape_cast %broadcast_in_dim3A_80 : vector<64x1xf32> to vector<64x1xf32>
    %broadcast_in_dim3A_82 = vector.broadcast %broadcast_in_dim3A_81 : vector<64x1xf32> to vector<64x128xf32>
    %add3A_83 = arith.addf %get3A_78, %broadcast_in_dim3A_82 : vector<64x128xf32>
    %swap3A_84 = arith.constant 0 : index
    %swap3A_85 = arith.constant 0 : index
    %swap3A_86 = vector.load %arg16[%swap3A_84, %swap3A_85] : memref<64x128xf32, #tpu.memory_space<vmem>>, vector<64x128xf32>
    tpu.vector_store %arg16[%swap3A_84, %swap3A_85], %add3A_83 {strides = array<i32>} : memref<64x128xf32, #tpu.memory_space<vmem>>, vector<64x128xf32>,
    %eq3A_87 = arith.constant 9 : i32
    %eq3A_88 = arith.cmpi eq, %arg0, %eq3A_87 : i32
    %convert_element_type3A_89 = arith.extui %eq3A_88 : i1 to i32
    %cond3A_90 = arith.constant 0 : i32
    %cond3A_91 = arith.cmpi ne, %convert_element_type3A_89, %cond3A_90 : i32
    scf.if %cond3A_91 {
      %get3A_92 = arith.constant 0 : index
      %get3A_93 = arith.constant 0 : index
      %get3A_94 = vector.load %arg15[%get3A_92, %get3A_93] : memref<64x128xf32, #tpu.memory_space<vmem>>, vector<64x128xf32>
      %get3A_95 = arith.constant 0 : index
      %get3A_96 = arith.constant 0 : index
      %get3A_97 = vector.load %arg16[%get3A_95, %get3A_96] : memref<64x128xf32, #tpu.memory_space<vmem>>, vector<64x128xf32>
      %max3A_98 = arith.constant 1.000000e+00 : f32
      %max3A_99 = vector.broadcast %max3A_98 : f32 to vector<64x128xf32>
      %max3A_100 = arith.maximumf %get3A_97, %max3A_99 : vector<64x128xf32>
      %div3A = arith.divf %get3A_94, %max3A_100 : vector<64x128xf32>
      %get3A_101 = arith.constant 0 : index
      %get3A_102 = arith.constant 0 : index
      %get3A_103 = vector.load %arg9[%get3A_101, %get3A_102] : memref<128x128xf32, #tpu.memory_space<vmem>>, vector<128x128xf32>
      %dot_general3A_104 = arith.constant dense<0.000000e+00> : vector<64x128xf32>
      %dot_general3A_105 = tpu.matmul %div3A, %get3A_103, %dot_general3A_104 {dimension_numbers = #tpu.dot_dimension_numbers<[1], [0], [0], [1], [0, 0, 1, 1], [], []>, transpose_lhs_hint = false} : vector<64x128xf32>, vector<128x128xf32>, vector<64x128xf32> -> vector<64x128xf32>
      %get3A_106 = arith.constant 0 : index
      %get3A_107 = arith.constant 0 : index
      %get3A_108 = vector.load %arg10[%get3A_106, %get3A_107] : memref<1x128xf32, #tpu.memory_space<vmem>>, vector<1x128xf32>
      %add3A_109 = vector.broadcast %get3A_108 : vector<1x128xf32> to vector<64x128xf32>
      %add3A_110 = arith.addf %dot_general3A_105, %add3A_109 : vector<64x128xf32>
      %max3A_111 = arith.constant 0.000000e+00 : f32
      %max3A_112 = vector.broadcast %max3A_111 : f32 to vector<64x128xf32>
      %max3A_113 = arith.maximumf %add3A_110, %max3A_112 : vector<64x128xf32>
      %get3A_114 = arith.constant 0 : index
      %get3A_115 = arith.constant 0 : index
      %get3A_116 = vector.load %arg11[%get3A_114, %get3A_115] : memref<128x1xf32, #tpu.memory_space<vmem>>, vector<128x1xf32>
      %dot_general3A_117 = arith.constant dense<0.000000e+00> : vector<64x1xf32>
      %dot_general3A_118 = tpu.matmul %max3A_113, %get3A_116, %dot_general3A_117 {dimension_numbers = #tpu.dot_dimension_numbers<[1], [0], [0], [1], [0, 0, 1, 1], [], []>, transpose_lhs_hint = false} : vector<64x128xf32>, vector<128x1xf32>, vector<64x1xf32> -> vector<64x1xf32>
      %get3A_119 = arith.constant 0 : index
      %get3A_120 = arith.constant 0 : index
      %get3A_121 = vector.load %arg12[%get3A_119, %get3A_120] : memref<1x1xf32, #tpu.memory_space<vmem>>, vector<1x1xf32>
      %add3A_122 = vector.broadcast %get3A_121 : vector<1x1xf32> to vector<64x1xf32>
      %add3A_123 = arith.addf %dot_general3A_118, %add3A_122 : vector<64x1xf32>
      %swap3A_124 = arith.constant 0 : index
      %swap3A_125 = arith.constant 0 : index
      %swap3A_126 = vector.load %arg14[%swap3A_124, %swap3A_125] : memref<64x1xf32, #tpu.memory_space<vmem>>, vector<64x1xf32>
      tpu.vector_store %arg14[%swap3A_124, %swap3A_125], %add3A_123 {strides = array<i32>} : memref<64x1xf32, #tpu.memory_space<vmem>>, vector<64x1xf32>,
    } else {
    }
    return
  }
  func.func @transform_0(%arg0: i32) -> (i32, i32) {
    %c0_i32 = arith.constant 0 : i32
    %c0_i32_0 = arith.constant 0 : i32
    return %arg0, %c0_i32 : i32, i32
  }
  func.func @transform_1(%arg0: i32) -> (i32, i32) {
    %c0_i32 = arith.constant 0 : i32
    %c0_i32_0 = arith.constant 0 : i32
    %c0_i32_1 = arith.constant 0 : i32
    return %c0_i32, %c0_i32_0 : i32, i32
  }
  func.func @transform_2(%arg0: i32) -> (i32, i32) {
    %c0_i32 = arith.constant 0 : i32
    %c0_i32_0 = arith.constant 0 : i32
    %c0_i32_1 = arith.constant 0 : i32
    return %c0_i32, %c0_i32_0 : i32, i32
  }
  func.func @transform_3(%arg0: i32) -> (i32, i32) {
    %c0_i32 = arith.constant 0 : i32
    %c0_i32_0 = arith.constant 0 : i32
    %c0_i32_1 = arith.constant 0 : i32
    return %c0_i32, %c0_i32_0 : i32, i32
  }
  func.func @transform_4(%arg0: i32) -> (i32, i32) {
    %c0_i32 = arith.constant 0 : i32
    %c0_i32_0 = arith.constant 0 : i32
    %c0_i32_1 = arith.constant 0 : i32
    return %c0_i32, %c0_i32_0 : i32, i32
  }
  func.func @transform_5(%arg0: i32) -> (i32, i32) {
    %c0_i32 = arith.constant 0 : i32
    %c0_i32_0 = arith.constant 0 : i32
    %c0_i32_1 = arith.constant 0 : i32
    return %c0_i32, %c0_i32_0 : i32, i32
  }
  func.func @transform_6(%arg0: i32) -> (i32, i32) {
    %c0_i32 = arith.constant 0 : i32
    %c0_i32_0 = arith.constant 0 : i32
    %c0_i32_1 = arith.constant 0 : i32
    return %c0_i32, %c0_i32_0 : i32, i32
  }
  func.func @transform_7(%arg0: i32) -> (i32, i32) {
    %c0_i32 = arith.constant 0 : i32
    %c0_i32_0 = arith.constant 0 : i32
    %c0_i32_1 = arith.constant 0 : i32
    return %c0_i32, %c0_i32_0 : i32, i32
  }
  func.func @transform_8(%arg0: i32) -> (i32, i32) {
    %c0_i32 = arith.constant 0 : i32
    %c0_i32_0 = arith.constant 0 : i32
    %c0_i32_1 = arith.constant 0 : i32
    return %c0_i32, %c0_i32_0 : i32, i32
  }
  func.func @transform_9(%arg0: i32) -> (i32, i32) {
    %c0_i32 = arith.constant 0 : i32
    %c0_i32_0 = arith.constant 0 : i32
    %c0_i32_1 = arith.constant 0 : i32
    return %c0_i32, %c0_i32_0 : i32, i32
  }
  func.func @transform_10(%arg0: i32) -> (i32, i32) {
    %c0_i32 = arith.constant 0 : i32
    %c0_i32_0 = arith.constant 0 : i32
    %c0_i32_1 = arith.constant 0 : i32
    return %c0_i32, %c0_i32_0 : i32, i32
  }
  func.func @transform_11(%arg0: i32) -> (i32, i32) {
    %c0_i32 = arith.constant 0 : i32
    %c0_i32_0 = arith.constant 0 : i32
    %c0_i32_1 = arith.constant 0 : i32
    return %c0_i32, %c0_i32_0 : i32, i32
  }
  func.func @transform_12(%arg0: i32) -> (i32, i32, i32) {
    %c0_i32 = arith.constant 0 : i32
    %c0_i32_0 = arith.constant 0 : i32
    %c0_i32_1 = arith.constant 0 : i32
    return %arg0, %c0_i32, %c0_i32_0 : i32, i32, i32
  }
  func.func @transform_13(%arg0: i32) -> (i32, i32) {
    %c0_i32 = arith.constant 0 : i32
    %c0_i32_0 = arith.constant 0 : i32
    %c0_i32_1 = arith.constant 0 : i32
    return %c0_i32, %c0_i32_0 : i32, i32
  }
}

</mosaic_0001>

<sc_bundles>
// kernel: kernel.14.cloned.1.call-start
scs
__scs_entry_jumppad:
0x0: {  	(pc) =	sbr.rel $0x88, $3  }
0x1: {  	(tag) =	ssettag $0x0;
	lr =	simm.s32 $0x1  }
0x2: {  	[smem:$0x3F7A] =	sst lr;
	_ =	strace $0xD0000000  }
0x3: {  	_ = 	snop  }
0x4: {  	_ = 	snop  }
0x5: {  	_ = 	snop  }
0x6: {  	_ = 	snop  }
0x7: {  	_ = 	snop  }
__scs_overlays_trampoline_lowered:
0x8: {  	[smem:$0x3F89] =	sst s0  }
0x9: {  	[smem:$0x3F8A] =	sst s1  }
0xa: {  	[smem:$0x3F8B] =	sst s2  }
0xb: {  	[smem:$0x3F8C] =	sst s3  }
0xc: {  	[smem:$0x3F8D] =	sst s4  }
0xd: {  	[smem:$0x3F8E] =	sst s5  }
0xe: {  	[smem:$0x3F8F] =	sst s6  }
0xf: {  	[smem:$0x3F90] =	sst s7  }
0x10: {  	[smem:$0x3F91] =	sst s8  }
0x11: {  	[smem:$0x3F92] =	sst s9;
	s0 =	simm.s32 @!p0 $0x0  }
0x12: {  	s1 =	sld [smem:$0x3F78];
	s0 =	simm.s32 @p0 $0x1  }
0x13: {  	[smem:$0x3F93] =	sst s0;
	s0 =	simm.s32 @!p1 $0x0  }
0x14: {  	s2 =	sld [smem:$0x3F77];
	s0 =	simm.s32 @p1 $0x1  }
0x15: {  	[smem:$0x3F94] =	sst s0;
	s0 =	simm.s32 @!p2 $0x0  }
0x16: {  	s3 =	sld [smem:$0x3FDB];
	s0 =	simm.s32 @p2 $0x1  }
0x17: {  	s4 =	simm.s32 $0x1BF5;
	[smem:$0x3F96] =	sst s0  }
0x18: {  	s0 =	sld [smem:$0x3F79];
	_ =	swait.ge [sflag:s4], $0x0  }
0x19: {  	s7 =	sld [smem:$0x3F7A]  }
0x1a: {  	s8 =	sadd.s32 $0xFFFFE003, lr  }
0x1b: {  	s9 =	sadd.s32 $0xFFFFFEF7, lr;
	s5 =	simm.s32 $0xFFFFFFFF;
	p2 =	slt.u32 s8, $0xFFFFF086  }
0x1c: {  	p1 =	slt.u32 s9, $0xF7A;
	s5 =	simm.s32 @!p2 $0x0  }
0x1d: {  	s5 =	simm.s32 @p1 $0x1;
	p0 =	seq.s32 s7, s2  }
0x1e: {  	s7 =	smul.u32 @!p0 $0xF7A, s2;
	p2 =	seq.s32 @!p0 s5, $0x0  }
0x1f: {  	s9 =	smul.u32 $0xF7A, s1;
	s8 =	simm.s32 @!p0 $0x1BF5;
	p2 =	por !p2, p0  }
0x20: {  	[sflag:s8] =	ssyncset.s32 @!p0 $0xFFFFF086;
	s6 =	sadd.s32 @!p0 s3, s7;
	s7 =	simm.s32 @!p0 $0x108  }
0x21: {  	s3 =	sadd.s32 s3, s9;
	s6 =	sadd.s32 @!p0 $0x88, s6;
	s7 =	simm.s32 @p2 $0x1082  }
0x22: {  	[simem:s7], [sflag:s8] =	dma.local @!p0 [hbm:s6], $0xF7A  }
0x23: {  	s9 =	sor.u32 $0xD0000000, s2;
	s6 =	simm.s32 $0x108;
	_ =	swait.ge @!p0 [sflag:s8], $0x0  }
0x24: {  	s3 =	sadd.s32 $0x88, s3;
	s6 =	simm.s32 @!p1 $0x1082;
	[sflag:s4] =	ssyncset.s32 $0xFFFFF086  }
0x25: {  	[simem:s6], [sflag:s4] =	dma.local [hbm:s3], $0xF7A  }
0x26: {  	[smem:$0x3F7A] =	sst s1;
	(tag) =	ssettag s2;
	_ =	strace s9  }
0x27: {  	s1 =	sld [smem:$0x3F8A]  }
0x28: {  	s2 =	sld [smem:$0x3F8B]  }
0x29: {  	s4 =	sld [smem:$0x3F8D]  }
0x2a: {  	p0 =	seq.s32 s5, $0x0;
	s5 =	sld [smem:$0x3F8E]  }
0x2b: {  	s6 =	sld [smem:$0x3F8F]  }
0x2c: {  	s7 =	sld [smem:$0x3F90]  }
0x2d: {  	s3 =	simm.s32 $0x108;
	s8 =	sld [smem:$0x3F91]  }
0x2e: {  	s3 =	simm.s32 @!p0 $0x1082;
	s9 =	sld [smem:$0x3F92]  }
0x2f: {  	lr =	sadd.s32 s0, s3;
	s0 =	sld [smem:$0x3F89]  }
0x30: {  	s3 =	sld [smem:$0x3F8C]  }
0x31: {  	[smem:$0x3F95] =	sst s10  }
0x32: {  	s10 =	sld [smem:$0x3F93];
	_ =	sdelay $0x3  }
0x33: {  	p0 =	seq.s32 s10, $0x1;
	s10 =	sld [smem:$0x3F95];
	_ =	sdelay $0x3  }
0x34: {  	[smem:$0x3F95] =	sst s10  }
0x35: {  	s10 =	sld [smem:$0x3F94];
	_ =	sdelay $0x3  }
0x36: {  	p1 =	seq.s32 s10, $0x1;
	s10 =	sld [smem:$0x3F95];
	_ =	sdelay $0x3  }
0x37: {  	[smem:$0x3F95] =	sst s10  }
0x38: {  	s10 =	sld [smem:$0x3F96]  }
0x39: {  	_ = 	snop;
	(pc) =	sbr.ind lr, $3  }
0x3a: {  	_ = 	snop  }
0x3b: {  	_ = 	snop  }
0x3c: {  	p2 =	seq.s32 s10, $0x1;
	s10 =	sld [smem:$0x3F95]  }
0x3d: {  	_ =	shalt  }
0x3e: {  	_ =	shalt  }
0x3f: {  	_ =	shalt  }
0x40: {  	_ =	shalt  }
0x41: {  	_ =	shalt  }
0x42: {  	_ =	shalt  }
0x43: {  	_ =	shalt  }
0x44: {  	_ =	shalt  }
0x45: {  	_ =	shalt  }
0x46: {  	_ =	shalt  }
0x47: {  	_ =	shalt  }
0x48: {  	_ =	shalt  }
0x49: {  	_ =	shalt  }
0x4a: {  	_ =	shalt  }
0x4b: {  	_ =	shalt  }
0x4c: {  	_ =	shalt  }
0x4d: {  	_ =	shalt  }
0x4e: {  	_ =	shalt  }
0x4f: {  	_ =	shalt  }
0x50: {  	_ =	shalt  }
0x51: {  	_ =	shalt  }
0x52: {  	_ =	shalt  }
0x53: {  	_ =	shalt  }
0x54: {  	_ =	shalt  }
0x55: {  	_ =	shalt  }
0x56: {  	_ =	shalt  }
0x57: {  	_ =	shalt  }
0x58: {  	_ =	shalt  }
0x59: {  	_ =	shalt  }
0x5a: {  	_ =	shalt  }
0x5b: {  	_ =	shalt  }
0x5c: {  	_ =	shalt  }
0x5d: {  	_ =	shalt  }
0x5e: {  	_ =	shalt  }
0x5f: {  	_ =	shalt  }
0x60: {  	_ =	shalt  }
0x61: {  	_ =	shalt  }
0x62: {  	_ =	shalt  }
0x63: {  	_ =	shalt  }
0x64: {  	_ =	shalt  }
0x65: {  	_ =	shalt  }
0x66: {  	_ =	shalt  }
0x67: {  	_ =	shalt  }
0x68: {  	_ =	shalt  }
0x69: {  	_ =	shalt  }
0x6a: {  	_ =	shalt  }
0x6b: {  	_ =	shalt  }
0x6c: {  	_ =	shalt  }
0x6d: {  	_ =	shalt  }
0x6e: {  	_ =	shalt  }
0x6f: {  	_ =	shalt  }
0x70: {  	_ =	shalt  }
0x71: {  	_ =	shalt  }
0x72: {  	_ =	shalt  }
0x73: {  	_ =	shalt  }
0x74: {  	_ =	shalt  }
0x75: {  	_ =	shalt  }
0x76: {  	_ =	shalt  }
0x77: {  	_ =	shalt  }
0x78: {  	_ =	shalt  }
0x79: {  	_ =	shalt  }
0x7a: {  	_ =	shalt  }
0x7b: {  	_ =	shalt  }
0x7c: {  	_ =	shalt  }
0x7d: {  	_ =	shalt  }
0x7e: {  	_ =	shalt  }
0x7f: {  	_ =	shalt  }
0x80: {  	_ =	shalt  }
0x81: {  	_ =	shalt  }
0x82: {  	_ =	shalt  }
0x83: {  	_ =	shalt  }
0x84: {  	_ =	shalt  }
0x85: {  	_ =	shalt  }
0x86: {  	_ =	shalt  }
0x87: {  	_ =	shalt  }
.Lfunc_end0:
.L_simem_size_0:
called_computation_lowered:
.L_overlay_start_0:
0x88: {  	s2 =	sld [smem:$0x3FD9]  }
0x89: {  	s3 =	sld [smem:$0x3FFE];
	_ =	sdelay $0x1  }
0x8a: {  	s1 =	srdreg.scid  }
0x8b: {  	s0 =	sand.u32 $0x1, s1  }
0x8c: {  	s17 =	sshll.u32 s0, $0xA;
	s2 =	sadd.s32 s3, s2  }
0x8d: {  	s2 =	sadd.s32 s2, s17  }
0x8e: {  	[smem:$0x3FA1] =	sst s2  }
0x8f: {  	_ = 	snop  }
0x90: {  	s2 =	sld [smem:$0x3FC6]  }
0x91: {  	s18 =	sld [smem:$0x3FBD];
	(tm) =	ssettm $0x1  }
0x92: {  	s4 =	sld [smem:$0x3FFB];
	_ =	sdelay $0x3  }
0x93: {  	_ =	strace s4  }
0x94: {  	s4 =	sld [smem:$0x3FFC];
	_ =	sdelay $0x3  }
0x95: {  	_ =	strace s4  }
0x96: {  	s4 =	sld [smem:$0x3FFD];
	_ =	sdelay $0x3  }
0x97: {  	_ =	strace s4  }
0x98: {  	_ =	strace $0x8FFFFFFF  }
0x99: {  	s19 =	sld [smem:$0x3FDB];
	_ =	sdelay $0x1  }
0x9a: {  	s5 =	simm.s32 $_scs_section_size  }
0x9b: {  	s6 =	simm.s32 $_size__tile_overlayer_lowered;
	s7 =	simm.s32 $_tile_overlayer_lowered  }
0x9c: {  	s22 =	simm.s32 $0x1BFF;
	s21 =	sshll.u32 s7, $0x1;
	s4 =	sadd.s32 s5, s19  }
0x9d: {  	s8 =	simm.s32 $0x0;
	s20 =	sshll.u32 s6, $0x1;
	s6 =	sadd.s32 s21, s4  }
0x9e: {  	[timem:s8], [sflag:s22] =	dma.local [hbm:s6], s20  }
0x9f: {  	_ =	swait.ge [sflag:s22], s20  }
0xa0: {  	s5 =	ssub.s32 $0x0, s20;
	[sflag:s22] =	ssyncset.done $0x0  }
0xa1: {  	[sflag:s22] =	ssyncadd.s32 s5;
	_ =	sdelay $0x1  }
0xa2: {  	s23 =	simm.s32 $0x1B8B  }
0xa3: {  	_ =	swait.ge [sflag:s23], $0x1  }
0xa4: {  	[sflag:s23] =	ssyncset.done $0x0  }
0xa5: {  	s25 =	simm.s32 $0x1B8E;
	s24 =	sld [smem:$0x3FFE];
	[sflag:s23] =	ssyncadd.s32 $0xFFFFFFFF  }
0xa6: {  	s26 =	simm.s32 $execute0_lowered;
	[smem:$0x3FD2] =	sst s25  }
0xa7: {  	s6 =	sshll.u32 s26, $0x1;
	_ =	strace $0x80000046;
	[dreg:$0x1] =	wrdreg $0xFFFFFFFF  }
0xa8: {  	s28 =	simm.s32 $_size_execute0_lowered;
	s4 =	sadd.s32 s4, s6;
	[dreg:$0x0] =	wrdreg $0x0  }
0xa9: {  	s6 =	sshll.u32 s28, $0x1;
	[dreg:$0x2] =	wrdreg s4  }
0xaa: {  	[dreg:$0x3] =	wrdreg s6  }
0xab: {  	[dreg:$0x4] =	wrdreg $0xC0  }
0xac: {  	_ =	task [dreg:s8], $0x5FFFF  }
0xad: {  	[dreg:$0x1] =	wrdreg $0xFFFFFFFF  }
0xae: {  	[dreg:$0x0] =	wrdreg $0x60  }
0xaf: {  	[dreg:$0x2] =	wrdreg s18  }
0xb0: {  	[dreg:$0x3] =	wrdreg s2  }
0xb1: {  	[dreg:$0x4] =	wrdreg s24  }
0xb2: {  	[dreg:$0x5] =	wrdreg $0x158000  }
0xb3: {  	[dreg:$0x6] =	wrdreg $0x198000  }
0xb4: {  	[dreg:$0x7] =	wrdreg $0x9  }
0xb5: {  	_ =	task.clear_ibuf [dreg:s8], $0x8FFFF;
	_ =	strace $0x90000046  }
0xb6: {  	s29 =	simm.s32 $0x9;
	_ =	strace $0x80000048  }
0xb7: {  	_ =	swait.ge [sflag:s29], $0x1  }
0xb8: {  	[sflag:s29] =	ssyncadd.s32 $0xFFFFFFFF  }
0xb9: {  	_ =	strace $0x90000048  }
0xba: {  	_ =	sfence  }
0xbb: {  	s30 =	sld [smem:$0x0];
	_ =	sdelay $0x2  }
0xbc: {  	s31 =	sshll.u32 s1, $0xD;
	s1 =	sshrl.u32 s1, $0x2  }
0xbd: {  	s3 =	sand.u32 $0x4000, s31;
	s1 =	sadd.s32 s1, s30  }
0xbe: {  	s0 =	sor.u32 s3, s0;
	s1 =	sshll.u32 s1, $0x11  }
0xbf: {  	s0 =	sor.u32 s1, s0  }
0xc0: {  	s0 =	sadd.s32 $0x8F2B, s0  }
0xc1: {  	[sflag:s0] =	ssyncadd.remote.s32 $0x1  }
0xc2: {  	_ =	sfence.sel $0xFFFF  }
0xc3: {  	[dreg:$0x0] =	wrdreg $0xFFFFFFFF;
	(pc) =	sbr.abs _section_cstart, $3  }
0xc4: {  	[dreg:$0x1] =	wrdreg $0xFFFFFFFF  }
0xc5: {  	_ =	task.clear_ibuf [dreg:s8], $0x2FFFF;
	_ =	strace $0x9FFFFFFF  }
0xc6: {  	(tm) =	ssettm $0x7FFFFFFF  }
0xc7: {  	_ =	shalt  }
tec
execute0_lowered:
.L_overlay_start_1:
0x0: {  	(tag) =	ssettag $0x1  }
0x1: {  	s23 =	rddreg [dreg:$0x0];
	s3 =	srdreg.scid  }
0x2: {  	s31 =	rddreg [dreg:$0x1];
	s0 =	sand.u32 $0x1, s3  }
0x3: {  	s2 =	rddreg [dreg:$0x2];
	s14 =	stileid.u32;
	s3 =	sshll.u32 s0, $0x4  }
0x4: {  	s25 =	rddreg [dreg:$0x3];
	s3 =	sor.u32 s14, s3  }
0x5: {  	s26 =	rddreg [dreg:$0x4];
	s6 =	simm.s32 $0x0;
	s3 =	smul.u32 $0x500, s3  }
0x6: {  	[smem:$0x7FF] =	sst s6;
	s7 =	sadd.s32 $0x6C00, s2;
	s8 =	sadd.s32 $0x10000, s2  }
0x7: {  	s9 =	sadd.s32 $0x5800, s2;
	[smem:$0x7FC] =	sst s0;
	s3 =	sshrl.u32 s3, $0x3  }
0x8: {  	_ =	strace $0x80000047;
	[dreg:$0x6] =	wrdreg s8;
	s12 =	sadd.s32 s7, s3  }
0x9: {  	s13 =	sadd.s32 s9, s3;
	s10 =	sor.u32 $0x10, s3;
	[dreg:$0x7] =	wrdreg s12  }
0xa: {  	[dreg:$0x8] =	wrdreg s13;
	s15 =	sadd.s32 s7, s10  }
0xb: {  	s17 =	sadd.s32 $0x20, s3;
	s16 =	sadd.s32 s9, s10;
	[dreg:$0x9] =	wrdreg s15  }
0xc: {  	s11 =	sshll.u32 s14, $0xB;
	s18 =	sadd.s32 s7, s17;
	[dreg:$0xa] =	wrdreg s16  }
0xd: {  	s20 =	sadd.s32 $0x30, s3;
	s19 =	sadd.s32 s9, s17;
	[dreg:$0xb] =	wrdreg s18  }
0xe: {  	s11 =	sadd.s32 s11, s2;
	s21 =	sadd.s32 s7, s20;
	[dreg:$0xc] =	wrdreg s19  }
0xf: {  	s24 =	sadd.s32 $0x40, s3;
	s22 =	sadd.s32 s9, s20;
	[dreg:$0xd] =	wrdreg s21  }
0x10: {  	s30 =	sadd.s32 $0x50, s3;
	s28 =	sadd.s32 s7, s24;
	[dreg:$0xe] =	wrdreg s22  }
0x11: {  	s4 =	sadd.s32 $0x60, s3;
	s29 =	sadd.s32 s9, s24;
	[dreg:$0xf] =	wrdreg s28  }
0x12: {  	s13 =	sshll.u32 s0, $0x12;
	s0 =	sadd.s32 s7, s30;
	[dreg:$0x10] =	wrdreg s29  }
0x13: {  	s12 =	sshll.u32 s14, $0xE;
	s1 =	sadd.s32 s9, s30;
	[dreg:$0x11] =	wrdreg s0  }
0x14: {  	s5 =	sadd.s32 s7, s4;
	s13 =	sor.u32 s12, s13;
	[dreg:$0x12] =	wrdreg s1  }
0x15: {  	[dreg:$0x13] =	wrdreg s5;
	s15 =	sadd.s32 s9, s4;
	s16 =	sadd.s32 $0x70, s3  }
0x16: {  	s19 =	sadd.s32 $0x80, s3;
	[dreg:$0x14] =	wrdreg s15;
	s17 =	sadd.s32 s7, s16  }
0x17: {  	s3 =	sadd.s32 $0x90, s3;
	s18 =	sadd.s32 s9, s16;
	[dreg:$0x15] =	wrdreg s17  }
0x18: {  	s22 =	sadd.s32 s12, s25;
	s20 =	sadd.s32 s7, s19;
	[dreg:$0x16] =	wrdreg s18  }
0x19: {  	s28 =	sadd.s32 $0x8000, s11;
	s21 =	sadd.s32 s9, s19;
	[dreg:$0x17] =	wrdreg s20  }
0x1a: {  	s13 =	sshrl.u32 s13, $0x3;
	s24 =	sadd.s32 s7, s3;
	[dreg:$0x18] =	wrdreg s21  }
0x1b: {  	s3 =	sadd.s32 s9, s3;
	s2 =	sadd.s32 s13, s2;
	[dreg:$0x19] =	wrdreg s24  }
0x1c: {  	s29 =	sshll.u32 s14, $0x6;
	[dreg:$0x1a] =	wrdreg s3;
	s30 =	sadd.s32 $0x10800, s2  }
0x1d: {  	s4 =	sor.u32 $0x1C08, s29;
	s2 =	sadd.s32 $0x20800, s2;
	[dreg:$0x1b] =	wrdreg s30  }
0x1e: {  	s29 =	sshrl.u32 s22, $0x3;
	s9 =	simm.s32 $0x8;
	[dreg:$0x1c] =	wrdreg s2  }
0x1f: {  	[spmem:s29], [sflag:s4] =	dma.local [hbm:s28], $0x800  }
0x20: {  	_ =	swait.ge [sflag:s9], $0x800  }
0x21: {  	s0 =	sadd.s32 s12, s26;
	[sflag:s9] =	ssyncset.done $0x0  }
0x22: {  	s19 =	sshrl.u32 s0, $0x3;
	[dreg:$0x1d] =	wrdreg s28;
	[sflag:s9] =	ssyncadd.s32 $0xFFFFF800  }
0x23: {  	[spmem:s19], [sflag:s4] =	dma.local [hbm:s28], $0x800  }
0x24: {  	_ =	swait.ge [sflag:s9], $0x800  }
0x25: {  	[sflag:s9] =	ssyncset.done $0x0  }
0x26: {  	s24 =	simm.s32 $0x11800;
	s1 =	rddreg [dreg:$0x6];
	[sflag:s9] =	ssyncadd.s32 $0xFFFFF800  }
0x27: {  	[tilespmem:s24], [sflag:$0x8] =	stream.linear.gather [hbm4b:s1+s6], $0x4000, $0x38;
	[tilespmem:$0x1D800] =	vst v63  }
0x28: {  	_ =	swait.ge [sflag:s9], $0x4000  }
0x29: {  	[sflag:s9] =	ssyncset.done $0x0  }
0x2a: {  	s3 =	rddreg [dreg:$0x7];
	[sflag:s9] =	ssyncadd.s32 $0xFFFFC000  }
0x2b: {  	[tilespmem:s6], [sflag:$0x1] =	stream.linear.gather [hbm4b:s3+s6], $0x80, $0x38;
	[tilespmem:$0x1D800] =	vst v63  }
0x2c: {  	s13 =	simm.s32 $0x800;
	s5 =	rddreg [dreg:$0x8]  }
0x2d: {  	[tilespmem:s13], [sflag:$0x1] =	stream.linear.gather [hbm4b:s5+s6], $0x80, $0x38;
	[tilespmem:$0x1D800] =	vst v63  }
0x2e: {  	s14 =	simm.s32 $0x80;
	s7 =	rddreg [dreg:$0x9]  }
0x2f: {  	[tilespmem:s14], [sflag:$0x1] =	stream.linear.gather [hbm4b:s7+s6], $0x80, $0x38;
	[tilespmem:$0x1D800] =	vst v63  }
0x30: {  	s15 =	simm.s32 $0x880;
	s8 =	rddreg [dreg:$0xa]  }
0x31: {  	[tilespmem:s15], [sflag:$0x1] =	stream.linear.gather [hbm4b:s8+s6], $0x80, $0x38;
	[tilespmem:$0x1D800] =	vst v63  }
0x32: {  	s16 =	simm.s32 $0x100;
	s10 =	rddreg [dreg:$0xb]  }
0x33: {  	[tilespmem:s16], [sflag:$0x1] =	stream.linear.gather [hbm4b:s10+s6], $0x80, $0x38;
	[tilespmem:$0x1D800] =	vst v63  }
0x34: {  	s17 =	simm.s32 $0x900;
	s11 =	rddreg [dreg:$0xc]  }
0x35: {  	[tilespmem:s17], [sflag:$0x1] =	stream.linear.gather [hbm4b:s11+s6], $0x80, $0x38;
	[tilespmem:$0x1D800] =	vst v63  }
0x36: {  	s12 =	rddreg [dreg:$0xd];
	s11 =	simm.s32 $0x180  }
0x37: {  	[tilespmem:s11], [sflag:$0x1] =	stream.linear.gather [hbm4b:s12+s6], $0x80, $0x38;
	[tilespmem:$0x1D800] =	vst v63  }
0x38: {  	s18 =	rddreg [dreg:$0xe];
	s12 =	simm.s32 $0x980  }
0x39: {  	[tilespmem:s12], [sflag:$0x1] =	stream.linear.gather [hbm4b:s18+s6], $0x80, $0x38;
	[tilespmem:$0x1D800] =	vst v63  }
0x3a: {  	s20 =	rddreg [dreg:$0xf];
	s10 =	simm.s32 $0x200  }
0x3b: {  	[tilespmem:s10], [sflag:$0x1] =	stream.linear.gather [hbm4b:s20+s6], $0x80, $0x38;
	[tilespmem:$0x1D800] =	vst v63  }
0x3c: {  	s22 =	simm.s32 $0xA00;
	s21 =	rddreg [dreg:$0x10]  }
0x3d: {  	[tilespmem:s22], [sflag:$0x1] =	stream.linear.gather [hbm4b:s21+s6], $0x80, $0x38;
	[tilespmem:$0x1D800] =	vst v63  }
0x3e: {  	s28 =	rddreg [dreg:$0x11];
	s20 =	simm.s32 $0x280  }
0x3f: {  	[tilespmem:s20], [sflag:$0x1] =	stream.linear.gather [hbm4b:s28+s6], $0x80, $0x38;
	[tilespmem:$0x1D800] =	vst v63  }
0x40: {  	s30 =	rddreg [dreg:$0x12];
	s22 =	simm.s32 $0xA80  }
0x41: {  	[tilespmem:s22], [sflag:$0x1] =	stream.linear.gather [hbm4b:s30+s6], $0x80, $0x38;
	[tilespmem:$0x1D800] =	vst v63  }
0x42: {  	s0 =	rddreg [dreg:$0x13];
	s8 =	simm.s32 $0x300  }
0x43: {  	[tilespmem:s8], [sflag:$0x1] =	stream.linear.gather [hbm4b:s0+s6], $0x80, $0x38;
	[tilespmem:$0x1D800] =	vst v63  }
0x44: {  	s2 =	simm.s32 $0xB00;
	s1 =	rddreg [dreg:$0x14]  }
0x45: {  	[tilespmem:s2], [sflag:$0x1] =	stream.linear.gather [hbm4b:s1+s6], $0x80, $0x38;
	[tilespmem:$0x1D800] =	vst v63  }
0x46: {  	s5 =	rddreg [dreg:$0x15];
	s0 =	simm.s32 $0x380  }
0x47: {  	[tilespmem:s0], [sflag:$0x1] =	stream.linear.gather [hbm4b:s5+s6], $0x80, $0x38;
	[tilespmem:$0x1D800] =	vst v63  }
0x48: {  	s7 =	rddreg [dreg:$0x16];
	s28 =	simm.s32 $0xB80  }
0x49: {  	[tilespmem:s28], [sflag:$0x1] =	stream.linear.gather [hbm4b:s7+s6], $0x80, $0x38;
	[tilespmem:$0x1D800] =	vst v63  }
0x4a: {  	s21 =	rddreg [dreg:$0x17];
	s5 =	simm.s32 $0x400  }
0x4b: {  	[tilespmem:s5], [sflag:$0x1] =	stream.linear.gather [hbm4b:s21+s6], $0x80, $0x38;
	[tilespmem:$0x1D800] =	vst v63  }
0x4c: {  	s30 =	rddreg [dreg:$0x18];
	s2 =	simm.s32 $0xC00  }
0x4d: {  	[tilespmem:s2], [sflag:$0x1] =	stream.linear.gather [hbm4b:s30+s6], $0x80, $0x38;
	[tilespmem:$0x1D800] =	vst v63  }
0x4e: {  	s21 =	rddreg [dreg:$0x19];
	s30 =	simm.s32 $0x480  }
0x4f: {  	[tilespmem:s30], [sflag:$0x1] =	stream.linear.gather [hbm4b:s21+s6], $0x80, $0x38;
	[tilespmem:$0x1D800] =	vst v63  }
0x50: {  	s3 =	rddreg [dreg:$0x1a];
	s21 =	simm.s32 $0xC80  }
0x51: {  	[tilespmem:s21], [sflag:$0x1] =	stream.linear.gather [hbm4b:s3+s6], $0x80, $0x38;
	[tilespmem:$0x1D800] =	vst v63  }
0x52: {  	s3 =	simm.s32 $0x1  }
0x53: {  	_ =	swait.ge [sflag:s3], $0x80  }
0x54: {  	[sflag:s3] =	ssyncset.done $0x0  }
0x55: {  	[sflag:s3] =	ssyncadd.s32 $0xFFFFFF80  }
0x56: {  	_ =	swait.ge [sflag:s3], $0x80  }
0x57: {  	[sflag:s3] =	ssyncset.done $0x0  }
0x58: {  	[sflag:s3] =	ssyncadd.s32 $0xFFFFFF80  }
0x59: {  	_ =	swait.ge [sflag:s3], $0x80  }
0x5a: {  	[sflag:s3] =	ssyncset.done $0x0  }
0x5b: {  	[sflag:s3] =	ssyncadd.s32 $0xFFFFFF80  }
0x5c: {  	_ =	swait.ge [sflag:s3], $0x80  }
0x5d: {  	[sflag:s3] =	ssyncset.done $0x0  }
0x5e: {  	[sflag:s3] =	ssyncadd.s32 $0xFFFFFF80  }
0x5f: {  	_ =	swait.ge [sflag:s3], $0x80  }
0x60: {  	[sflag:s3] =	ssyncset.done $0x0  }
0x61: {  	[sflag:s3] =	ssyncadd.s32 $0xFFFFFF80  }
0x62: {  	_ =	swait.ge [sflag:s3], $0x80  }
0x63: {  	[sflag:s3] =	ssyncset.done $0x0  }
0x64: {  	[sflag:s3] =	ssyncadd.s32 $0xFFFFFF80  }
0x65: {  	_ =	swait.ge [sflag:s3], $0x80  }
0x66: {  	[sflag:s3] =	ssyncset.done $0x0  }
0x67: {  	[sflag:s3] =	ssyncadd.s32 $0xFFFFFF80  }
0x68: {  	_ =	swait.ge [sflag:s3], $0x80  }
0x69: {  	[sflag:s3] =	ssyncset.done $0x0  }
0x6a: {  	[sflag:s3] =	ssyncadd.s32 $0xFFFFFF80  }
0x6b: {  	_ =	swait.ge [sflag:s3], $0x80  }
0x6c: {  	[sflag:s3] =	ssyncset.done $0x0  }
0x6d: {  	[sflag:s3] =	ssyncadd.s32 $0xFFFFFF80  }
0x6e: {  	_ =	swait.ge [sflag:s3], $0x80  }
0x6f: {  	[sflag:s3] =	ssyncset.done $0x0  }
0x70: {  	[sflag:s3] =	ssyncadd.s32 $0xFFFFFF80  }
0x71: {  	_ =	swait.ge [sflag:s3], $0x80  }
0x72: {  	[sflag:s3] =	ssyncset.done $0x0  }
0x73: {  	[sflag:s3] =	ssyncadd.s32 $0xFFFFFF80  }
0x74: {  	_ =	swait.ge [sflag:s3], $0x80  }
0x75: {  	[sflag:s3] =	ssyncset.done $0x0  }
0x76: {  	[sflag:s3] =	ssyncadd.s32 $0xFFFFFF80  }
0x77: {  	_ =	swait.ge [sflag:s3], $0x80  }
0x78: {  	[sflag:s3] =	ssyncset.done $0x0  }
0x79: {  	[sflag:s3] =	ssyncadd.s32 $0xFFFFFF80  }
0x7a: {  	_ =	swait.ge [sflag:s3], $0x80  }
0x7b: {  	[sflag:s3] =	ssyncset.done $0x0  }
0x7c: {  	[sflag:s3] =	ssyncadd.s32 $0xFFFFFF80  }
0x7d: {  	_ =	swait.ge [sflag:s3], $0x80  }
0x7e: {  	[sflag:s3] =	ssyncset.done $0x0  }
0x7f: {  	[sflag:s3] =	ssyncadd.s32 $0xFFFFFF80  }
0x80: {  	_ =	swait.ge [sflag:s3], $0x80  }
0x81: {  	[sflag:s3] =	ssyncset.done $0x0  }
0x82: {  	[sflag:s3] =	ssyncadd.s32 $0xFFFFFF80  }
0x83: {  	_ =	swait.ge [sflag:s3], $0x80  }
0x84: {  	[sflag:s3] =	ssyncset.done $0x0  }
0x85: {  	[sflag:s3] =	ssyncadd.s32 $0xFFFFFF80  }
0x86: {  	_ =	swait.ge [sflag:s3], $0x80  }
0x87: {  	[sflag:s3] =	ssyncset.done $0x0  }
0x88: {  	[sflag:s3] =	ssyncadd.s32 $0xFFFFFF80  }
0x89: {  	_ =	swait.ge [sflag:s3], $0x80  }
0x8a: {  	[sflag:s3] =	ssyncset.done $0x0  }
0x8b: {  	[sflag:s3] =	ssyncadd.s32 $0xFFFFFF80  }
0x8c: {  	_ =	swait.ge [sflag:s3], $0x80  }
0x8d: {  	[sflag:s3] =	ssyncset.done $0x0  }
0x8e: {  	[sflag:s3] =	ssyncadd.s32 $0xFFFFFF80  }
0x8f: {  	[bflag:$0x0] =	sbarrier.arrive $0xFFFF  }
0x90: {  	[spmem:s26] =	stream.indirect.scatter.add.f32 [tilespmem:s24], [sflag:$0x3], $0x80, s13, s14, $0xb8;
	[tilespmem:$0x1D800] =	vst v63  }
0x91: {  	_ = 	snop  }
0x92: {  	[spmem:s26] =	stream.indirect.scatter.add.f32 [tilespmem:s24], [sflag:$0x3], $0x80, s15, s14, $0xb8;
	[tilespmem:$0x1D800] =	vst v63  }
0x93: {  	_ = 	snop  }
0x94: {  	[spmem:s26] =	stream.indirect.scatter.add.f32 [tilespmem:s24], [sflag:$0x3], $0x80, s17, s14, $0xb8;
	[tilespmem:$0x1D800] =	vst v63  }
0x95: {  	_ = 	snop  }
0x96: {  	[spmem:s26] =	stream.indirect.scatter.add.f32 [tilespmem:s24], [sflag:$0x3], $0x80, s12, s14, $0xb8;
	[tilespmem:$0x1D800] =	vst v63  }
0x97: {  	s18 =	simm.s32 $0xA00  }
0x98: {  	[spmem:s26] =	stream.indirect.scatter.add.f32 [tilespmem:s24], [sflag:$0x3], $0x80, s18, s14, $0xb8;
	[tilespmem:$0x1D800] =	vst v63  }
0x99: {  	_ = 	snop  }
0x9a: {  	[spmem:s26] =	stream.indirect.scatter.add.f32 [tilespmem:s24], [sflag:$0x3], $0x80, s22, s14, $0xb8;
	[tilespmem:$0x1D800] =	vst v63  }
0x9b: {  	s1 =	simm.s32 $0xB00  }
0x9c: {  	[spmem:s26] =	stream.indirect.scatter.add.f32 [tilespmem:s24], [sflag:$0x3], $0x80, s1, s14, $0xb8;
	[tilespmem:$0x1D800] =	vst v63  }
0x9d: {  	_ = 	snop  }
0x9e: {  	[spmem:s26] =	stream.indirect.scatter.add.f32 [tilespmem:s24], [sflag:$0x3], $0x80, s28, s14, $0xb8;
	[tilespmem:$0x1D800] =	vst v63  }
0x9f: {  	s7 =	simm.s32 $0xC00  }
0xa0: {  	[spmem:s26] =	stream.indirect.scatter.add.f32 [tilespmem:s24], [sflag:$0x3], $0x80, s7, s14, $0xb8;
	[tilespmem:$0x1D800] =	vst v63  }
0xa1: {  	_ = 	snop  }
0xa2: {  	[spmem:s26] =	stream.indirect.scatter.add.f32 [tilespmem:s24], [sflag:$0x3], $0x80, s21, s14, $0xb8;
	[tilespmem:$0x1D800] =	vst v63  }
0xa3: {  	s26 =	simm.s32 $0x1000  }
0xa4: {  	[tilespmem:s26], [sflag:$0x2] =	stream.indirect.gather [hbm4b:s31+s14], $0x1, s6, s14, $0xb8;
	[tilespmem:$0x1D800] =	vst v63  }
0xa5: {  	s18 =	simm.s32 $0x1080  }
0xa6: {  	[tilespmem:s18], [sflag:$0x2] =	stream.indirect.gather [hbm4b:s31+s14], $0x1, s14, s14, $0xb8;
	[tilespmem:$0x1D800] =	vst v63  }
0xa7: {  	s1 =	simm.s32 $0x1100  }
0xa8: {  	[tilespmem:s1], [sflag:$0x2] =	stream.indirect.gather [hbm4b:s31+s14], $0x1, s16, s14, $0xb8;
	[tilespmem:$0x1D800] =	vst v63  }
0xa9: {  	s16 =	simm.s32 $0x1180  }
0xaa: {  	[tilespmem:s16], [sflag:$0x2] =	stream.indirect.gather [hbm4b:s31+s14], $0x1, s11, s14, $0xb8;
	[tilespmem:$0x1D800] =	vst v63  }
0xab: {  	s11 =	simm.s32 $0x1200  }
0xac: {  	[tilespmem:s11], [sflag:$0x2] =	stream.indirect.gather [hbm4b:s31+s14], $0x1, s10, s14, $0xb8;
	[tilespmem:$0x1D800] =	vst v63  }
0xad: {  	s10 =	simm.s32 $0x1280  }
0xae: {  	[tilespmem:s10], [sflag:$0x2] =	stream.indirect.gather [hbm4b:s31+s14], $0x1, s20, s14, $0xb8;
	[tilespmem:$0x1D800] =	vst v63  }
0xaf: {  	s2 =	simm.s32 $0x1300  }
0xb0: {  	[tilespmem:s2], [sflag:$0x2] =	stream.indirect.gather [hbm4b:s31+s14], $0x1, s8, s14, $0xb8;
	[tilespmem:$0x1D800] =	vst v63  }
0xb1: {  	s8 =	simm.s32 $0x1380  }
0xb2: {  	[tilespmem:s8], [sflag:$0x2] =	stream.indirect.gather [hbm4b:s31+s14], $0x1, s0, s14, $0xb8;
	[tilespmem:$0x1D800] =	vst v63  }
0xb3: {  	s7 =	simm.s32 $0x1400  }
0xb4: {  	[tilespmem:s7], [sflag:$0x2] =	stream.indirect.gather [hbm4b:s31+s14], $0x1, s5, s14, $0xb8;
	[tilespmem:$0x1D800] =	vst v63  }
0xb5: {  	s20 =	simm.s32 $0x2;
	s5 =	simm.s32 $0x1480  }
0xb6: {  	[tilespmem:s5], [sflag:$0x2] =	stream.indirect.gather [hbm4b:s31+s14], $0x1, s30, s14, $0xb8;
	[tilespmem:$0x1D800] =	vst v63  }
0xb7: {  	_ =	swait.ge [sflag:s20], $0x80  }
0xb8: {  	[sflag:s20] =	ssyncset.done $0x0  }
0xb9: {  	[sflag:s20] =	ssyncadd.s32 $0xFFFFFF80  }
0xba: {  	_ =	swait.ge [sflag:s20], $0x80  }
0xbb: {  	[sflag:s20] =	ssyncset.done $0x0  }
0xbc: {  	[sflag:s20] =	ssyncadd.s32 $0xFFFFFF80  }
0xbd: {  	_ =	swait.ge [sflag:s20], $0x80  }
0xbe: {  	[sflag:s20] =	ssyncset.done $0x0  }
0xbf: {  	[sflag:s20] =	ssyncadd.s32 $0xFFFFFF80  }
0xc0: {  	_ =	swait.ge [sflag:s20], $0x80  }
0xc1: {  	[sflag:s20] =	ssyncset.done $0x0  }
0xc2: {  	[sflag:s20] =	ssyncadd.s32 $0xFFFFFF80  }
0xc3: {  	_ =	swait.ge [sflag:s20], $0x80  }
0xc4: {  	[sflag:s20] =	ssyncset.done $0x0  }
0xc5: {  	[sflag:s20] =	ssyncadd.s32 $0xFFFFFF80  }
0xc6: {  	_ =	swait.ge [sflag:s20], $0x80  }
0xc7: {  	[sflag:s20] =	ssyncset.done $0x0  }
0xc8: {  	[sflag:s20] =	ssyncadd.s32 $0xFFFFFF80  }
0xc9: {  	_ =	swait.ge [sflag:s20], $0x80  }
0xca: {  	[sflag:s20] =	ssyncset.done $0x0  }
0xcb: {  	[sflag:s20] =	ssyncadd.s32 $0xFFFFFF80  }
0xcc: {  	_ =	swait.ge [sflag:s20], $0x80  }
0xcd: {  	[sflag:s20] =	ssyncset.done $0x0  }
0xce: {  	[sflag:s20] =	ssyncadd.s32 $0xFFFFFF80  }
0xcf: {  	_ =	swait.ge [sflag:s20], $0x80  }
0xd0: {  	[sflag:s20] =	ssyncset.done $0x0  }
0xd1: {  	[sflag:s20] =	ssyncadd.s32 $0xFFFFFF80  }
0xd2: {  	_ =	swait.ge [sflag:s20], $0x80  }
0xd3: {  	[sflag:s20] =	ssyncset.done $0x0  }
0xd4: {  	s30 =	simm.s32 $0x1800;
	[sflag:s20] =	ssyncadd.s32 $0xFFFFFF80  }
0xd5: {  	[tilespmem:s30], [sflag:$0x4] =	stream.indirect.gather [hbm4b:s23+s14], $0x80, s26, s14, $0xb8;
	[tilespmem:$0x1D800] =	vst v63  }
0xd6: {  	s31 =	simm.s32 $0x5800;
	s26 =	simm.s32 $0x4  }
0xd7: {  	[tilespmem:s31], [sflag:$0x4] =	stream.indirect.gather [hbm4b:s23+s14], $0x80, s18, s14, $0xb8;
	[tilespmem:$0x1D800] =	vst v63  }
0xd8: {  	_ =	swait.ge [sflag:s26], $0x4000  }
0xd9: {  	[sflag:s26] =	ssyncset.done $0x0  }
0xda: {  	[sflag:s26] =	ssyncadd.s32 $0xFFFFC000  }
0xdb: {  	_ =	swait.ge [sflag:s26], $0x4000  }
0xdc: {  	[sflag:s26] =	ssyncset.done $0x0  }
0xdd: {  	s0 =	simm.s32 $0x9800;
	[sflag:s26] =	ssyncadd.s32 $0xFFFFC000  }
0xde: {  	[tilespmem:s0], [sflag:$0x5] =	stream.indirect.gather [hbm4b:s23+s14], $0x80, s1, s14, $0xb8;
	[tilespmem:$0x1D800] =	vst v63  }
0xdf: {  	s1 =	simm.s32 $0xD800  }
0xe0: {  	[tilespmem:s1], [sflag:$0x5] =	stream.indirect.gather [hbm4b:s23+s14], $0x80, s16, s14, $0xb8;
	[tilespmem:$0x1D800] =	vst v63  }
0xe1: {  	_ = 	snop  }
0xe2: {  	[spmem:s25] =	stream.indirect.scatter.add.f32 [tilespmem:s30], [sflag:$0x6], $0x80, s13, s14, $0xb8;
	[tilespmem:$0x1D800] =	vst v63  }
0xe3: {  	s16 =	simm.s32 $0x5  }
0xe4: {  	[spmem:s25] =	stream.indirect.scatter.add.f32 [tilespmem:s31], [sflag:$0x6], $0x80, s15, s14, $0xb8;
	[tilespmem:$0x1D800] =	vst v63  }
0xe5: {  	_ =	swait.ge [sflag:s16], $0x4000  }
0xe6: {  	[sflag:s16] =	ssyncset.done $0x0  }
0xe7: {  	[sflag:s16] =	ssyncadd.s32 $0xFFFFC000  }
0xe8: {  	_ =	swait.ge [sflag:s16], $0x4000  }
0xe9: {  	[sflag:s16] =	ssyncset.done $0x0  }
0xea: {  	s18 =	simm.s32 $0x6;
	[sflag:s16] =	ssyncadd.s32 $0xFFFFC000  }
0xeb: {  	_ =	swait.ge [sflag:s18], $0x4000  }
0xec: {  	[sflag:s18] =	ssyncset.done $0x0  }
0xed: {  	[sflag:s18] =	ssyncadd.s32 $0xFFFFC000  }
0xee: {  	_ =	swait.ge [sflag:s18], $0x4000  }
0xef: {  	[sflag:s18] =	ssyncset.done $0x0  }
0xf0: {  	[sflag:s18] =	ssyncadd.s32 $0xFFFFC000  }
0xf1: {  	[tilespmem:s30], [sflag:$0x4] =	stream.indirect.gather [hbm4b:s23+s14], $0x80, s11, s14, $0xb8;
	[tilespmem:$0x1D800] =	vst v63  }
0xf2: {  	_ = 	snop  }
0xf3: {  	[tilespmem:s31], [sflag:$0x4] =	stream.indirect.gather [hbm4b:s23+s14], $0x80, s10, s14, $0xb8;
	[tilespmem:$0x1D800] =	vst v63  }
0xf4: {  	_ = 	snop  }
0xf5: {  	[spmem:s25] =	stream.indirect.scatter.add.f32 [tilespmem:s0], [sflag:$0x7], $0x80, s17, s14, $0xb8;
	[tilespmem:$0x1D800] =	vst v63  }
0xf6: {  	_ = 	snop  }
0xf7: {  	[spmem:s25] =	stream.indirect.scatter.add.f32 [tilespmem:s1], [sflag:$0x7], $0x80, s12, s14, $0xb8;
	[tilespmem:$0x1D800] =	vst v63  }
0xf8: {  	_ =	swait.ge [sflag:s26], $0x4000  }
0xf9: {  	[sflag:s26] =	ssyncset.done $0x0  }
0xfa: {  	[sflag:s26] =	ssyncadd.s32 $0xFFFFC000  }
0xfb: {  	_ =	swait.ge [sflag:s26], $0x4000  }
0xfc: {  	[sflag:s26] =	ssyncset.done $0x0  }
0xfd: {  	s13 =	simm.s32 $0x7;
	[sflag:s26] =	ssyncadd.s32 $0xFFFFC000  }
0xfe: {  	_ =	swait.ge [sflag:s13], $0x4000  }
0xff: {  	[sflag:s13] =	ssyncset.done $0x0  }
0x100: {  	[sflag:s13] =	ssyncadd.s32 $0xFFFFC000  }
0x101: {  	_ =	swait.ge [sflag:s13], $0x4000  }
0x102: {  	[sflag:s13] =	ssyncset.done $0x0  }
0x103: {  	[sflag:s13] =	ssyncadd.s32 $0xFFFFC000  }
0x104: {  	[tilespmem:s0], [sflag:$0x5] =	stream.indirect.gather [hbm4b:s23+s14], $0x80, s2, s14, $0xb8;
	[tilespmem:$0x1D800] =	vst v63  }
0x105: {  	_ = 	snop  }
0x106: {  	[tilespmem:s1], [sflag:$0x5] =	stream.indirect.gather [hbm4b:s23+s14], $0x80, s8, s14, $0xb8;
	[tilespmem:$0x1D800] =	vst v63  }
0x107: {  	s17 =	simm.s32 $0xA00  }
0x108: {  	[spmem:s25] =	stream.indirect.scatter.add.f32 [tilespmem:s30], [sflag:$0x6], $0x80, s17, s14, $0xb8;
	[tilespmem:$0x1D800] =	vst v63  }
0x109: {  	_ = 	snop  }
0x10a: {  	[spmem:s25] =	stream.indirect.scatter.add.f32 [tilespmem:s31], [sflag:$0x6], $0x80, s22, s14, $0xb8;
	[tilespmem:$0x1D800] =	vst v63  }
0x10b: {  	_ =	swait.ge [sflag:s16], $0x4000  }
0x10c: {  	[sflag:s16] =	ssyncset.done $0x0  }
0x10d: {  	[sflag:s16] =	ssyncadd.s32 $0xFFFFC000  }
0x10e: {  	_ =	swait.ge [sflag:s16], $0x4000  }
0x10f: {  	[sflag:s16] =	ssyncset.done $0x0  }
0x110: {  	[sflag:s16] =	ssyncadd.s32 $0xFFFFC000  }
0x111: {  	_ =	swait.ge [sflag:s18], $0x4000  }
0x112: {  	[sflag:s18] =	ssyncset.done $0x0  }
0x113: {  	[sflag:s18] =	ssyncadd.s32 $0xFFFFC000  }
0x114: {  	_ =	swait.ge [sflag:s18], $0x4000  }
0x115: {  	[sflag:s18] =	ssyncset.done $0x0  }
0x116: {  	[sflag:s18] =	ssyncadd.s32 $0xFFFFC000  }
0x117: {  	[tilespmem:s30], [sflag:$0x4] =	stream.indirect.gather [hbm4b:s23+s14], $0x80, s7, s14, $0xb8;
	[tilespmem:$0x1D800] =	vst v63  }
0x118: {  	_ = 	snop  }
0x119: {  	[tilespmem:s31], [sflag:$0x4] =	stream.indirect.gather [hbm4b:s23+s14], $0x80, s5, s14, $0xb8;
	[tilespmem:$0x1D800] =	vst v63  }
0x11a: {  	s22 =	simm.s32 $0xB00  }
0x11b: {  	[spmem:s25] =	stream.indirect.scatter.add.f32 [tilespmem:s0], [sflag:$0x7], $0x80, s22, s14, $0xb8;
	[tilespmem:$0x1D800] =	vst v63  }
0x11c: {  	_ = 	snop  }
0x11d: {  	[spmem:s25] =	stream.indirect.scatter.add.f32 [tilespmem:s1], [sflag:$0x7], $0x80, s28, s14, $0xb8;
	[tilespmem:$0x1D800] =	vst v63  }
0x11e: {  	_ =	swait.ge [sflag:s26], $0x4000  }
0x11f: {  	[sflag:s26] =	ssyncset.done $0x0  }
0x120: {  	[sflag:s26] =	ssyncadd.s32 $0xFFFFC000  }
0x121: {  	_ =	swait.ge [sflag:s26], $0x4000  }
0x122: {  	[sflag:s26] =	ssyncset.done $0x0  }
0x123: {  	s23 =	simm.s32 $0xC00;
	[sflag:s26] =	ssyncadd.s32 $0xFFFFC000  }
0x124: {  	[spmem:s25] =	stream.indirect.scatter.add.f32 [tilespmem:s30], [sflag:$0x6], $0x80, s23, s14, $0xb8;
	[tilespmem:$0x1D800] =	vst v63  }
0x125: {  	_ = 	snop  }
0x126: {  	[spmem:s25] =	stream.indirect.scatter.add.f32 [tilespmem:s31], [sflag:$0x6], $0x80, s21, s14, $0xb8;
	[tilespmem:$0x1D800] =	vst v63  }
0x127: {  	_ =	swait.ge [sflag:s13], $0x4000  }
0x128: {  	[sflag:s13] =	ssyncset.done $0x0  }
0x129: {  	[sflag:s13] =	ssyncadd.s32 $0xFFFFC000  }
0x12a: {  	_ =	swait.ge [sflag:s13], $0x4000  }
0x12b: {  	[sflag:s13] =	ssyncset.done $0x0  }
0x12c: {  	[sflag:s13] =	ssyncadd.s32 $0xFFFFC000  }
0x12d: {  	_ =	swait.ge [sflag:s18], $0x4000  }
0x12e: {  	[sflag:s18] =	ssyncset.done $0x0  }
0x12f: {  	[sflag:s18] =	ssyncadd.s32 $0xFFFFC000  }
0x130: {  	_ =	swait.ge [sflag:s18], $0x4000  }
0x131: {  	[sflag:s18] =	ssyncset.done $0x0  }
0x132: {  	s15 =	simm.s32 $0x3;
	[sflag:s18] =	ssyncadd.s32 $0xFFFFC000  }
0x133: {  	_ =	swait.ge [sflag:s15], $0x4000  }
0x134: {  	[sflag:s15] =	ssyncset.done $0x0  }
0x135: {  	[sflag:s15] =	ssyncadd.s32 $0xFFFFC000  }
0x136: {  	_ =	swait.ge [sflag:s15], $0x4000  }
0x137: {  	[sflag:s15] =	ssyncset.done $0x0  }
0x138: {  	[sflag:s15] =	ssyncadd.s32 $0xFFFFC000  }
0x139: {  	_ =	swait.ge [sflag:s15], $0x4000  }
0x13a: {  	[sflag:s15] =	ssyncset.done $0x0  }
0x13b: {  	[sflag:s15] =	ssyncadd.s32 $0xFFFFC000  }
0x13c: {  	_ =	swait.ge [sflag:s15], $0x4000  }
0x13d: {  	[sflag:s15] =	ssyncset.done $0x0  }
0x13e: {  	[sflag:s15] =	ssyncadd.s32 $0xFFFFC000  }
0x13f: {  	_ =	swait.ge [sflag:s15], $0x4000  }
0x140: {  	[sflag:s15] =	ssyncset.done $0x0  }
0x141: {  	[sflag:s15] =	ssyncadd.s32 $0xFFFFC000  }
0x142: {  	_ =	swait.ge [sflag:s15], $0x4000  }
0x143: {  	[sflag:s15] =	ssyncset.done $0x0  }
0x144: {  	[sflag:s15] =	ssyncadd.s32 $0xFFFFC000  }
0x145: {  	_ =	swait.ge [sflag:s15], $0x4000  }
0x146: {  	[sflag:s15] =	ssyncset.done $0x0  }
0x147: {  	[sflag:s15] =	ssyncadd.s32 $0xFFFFC000  }
0x148: {  	_ =	swait.ge [sflag:s15], $0x4000  }
0x149: {  	[sflag:s15] =	ssyncset.done $0x0  }
0x14a: {  	[sflag:s15] =	ssyncadd.s32 $0xFFFFC000  }
0x14b: {  	_ =	swait.ge [sflag:s15], $0x4000  }
0x14c: {  	[sflag:s15] =	ssyncset.done $0x0  }
0x14d: {  	[sflag:s15] =	ssyncadd.s32 $0xFFFFC000  }
0x14e: {  	_ =	swait.ge [sflag:s15], $0x4000  }
0x14f: {  	[sflag:s15] =	ssyncset.done $0x0  }
0x150: {  	[sflag:s15] =	ssyncadd.s32 $0xFFFFC000  }
0x151: {  	[bflag:$0x0] =	sbarrier.arrive $0xFFFF  }
0x152: {  	s25 =	rddreg [dreg:$0x1b]  }
0x153: {  	[dreg:$0x1e] =	wrdreg s29  }
0x154: {  	[hbm:s25], [sflag:s4] =	dma.local [spmem:s29], $0x800  }
0x155: {  	_ =	swait.ge [sflag:s9], $0x800  }
0x156: {  	s28 =	sld [smem:$0x7FC];
	_ =	sdelay $0x2  }
0x157: {  	s29 =	ssub.s32 $0x2, s28  }
0x158: {  	s31 =	sshrl.u32 s29, $0x1  }
0x159: {  	s17 =	ssub.s32 s29, s31  }
0x15a: {  	s17 =	smax.u32 s17, $0x1  }
0x15b: {  	[dreg:$0x1f] =	wrdreg s19;
	p0 =	sne.s32 s17, $0x1  }
.Ltmp0:
0x15c: {  	s30 =	rddreg [dreg:$0x1c];
	[sflag:s9] =	ssyncset.done $0x0;
	(pc) =	sbr.rel @!p0 .LBB2_3-.Ltmp0, $4  }
0x15d: {  	[smem:$0x7FD] =	sst s4;
	[sflag:s9] =	ssyncadd.s32 $0xFFFFF800  }
0x15e: {  	[hbm:s30], [sflag:s4] =	dma.local [spmem:s19], $0x800  }
0x15f: {  	_ =	swait.ge [sflag:s9], $0x800  }
0x160: {  	[sflag:s9] =	ssyncset.done $0x0;
	s17 =	sadd.s32 $0xFFFFFFFF, s17  }
0x161: {  	s23 =	simm.s32 $0x800;
	s25 =	simm.s32 $0x880;
	s30 =	simm.s32 $0x900  }
.LBB2_2:
0x162: {  	s0 =	sld [smem:$0x7FD]  }
0x163: {  	s2 =	rddreg [dreg:$0x1d]  }
0x164: {  	[sflag:s9] =	ssyncadd.s32 $0xFFFFF800;
	s1 =	rddreg [dreg:$0x1e]  }
0x165: {  	[spmem:s1], [sflag:s0] =	dma.local [hbm:s2], $0x800  }
0x166: {  	_ =	swait.ge [sflag:s9], $0x800  }
0x167: {  	[sflag:s9] =	ssyncset.done $0x0  }
0x168: {  	s5 =	rddreg [dreg:$0x1f];
	[sflag:s9] =	ssyncadd.s32 $0xFFFFF800  }
0x169: {  	[spmem:s5], [sflag:s0] =	dma.local [hbm:s2], $0x800  }
0x16a: {  	_ =	swait.ge [sflag:s9], $0x800  }
0x16b: {  	[sflag:s9] =	ssyncset.done $0x0  }
0x16c: {  	s19 =	rddreg [dreg:$0x6];
	[sflag:s9] =	ssyncadd.s32 $0xFFFFF800  }
0x16d: {  	[tilespmem:s24], [sflag:$0x8] =	stream.linear.gather [hbm4b:s19+s6], $0x4000, $0x38;
	[tilespmem:$0x1D800] =	vst v63  }
0x16e: {  	_ =	swait.ge [sflag:s9], $0x4000  }
0x16f: {  	[sflag:s9] =	ssyncset.done $0x0  }
0x170: {  	s7 =	rddreg [dreg:$0x7];
	[sflag:s9] =	ssyncadd.s32 $0xFFFFC000  }
0x171: {  	[tilespmem:s6], [sflag:$0x1] =	stream.linear.gather [hbm4b:s7+s6], $0x80, $0x38;
	[tilespmem:$0x1D800] =	vst v63  }
0x172: {  	s21 =	rddreg [dreg:$0x8]  }
0x173: {  	[tilespmem:s23], [sflag:$0x1] =	stream.linear.gather [hbm4b:s21+s6], $0x80, $0x38;
	[tilespmem:$0x1D800] =	vst v63  }
0x174: {  	s8 =	rddreg [dreg:$0x9]  }
0x175: {  	[tilespmem:s14], [sflag:$0x1] =	stream.linear.gather [hbm4b:s8+s6], $0x80, $0x38;
	[tilespmem:$0x1D800] =	vst v63  }
0x176: {  	s10 =	rddreg [dreg:$0xa]  }
0x177: {  	[tilespmem:s25], [sflag:$0x1] =	stream.linear.gather [hbm4b:s10+s6], $0x80, $0x38;
	[tilespmem:$0x1D800] =	vst v63  }
0x178: {  	s28 =	simm.s32 $0x100;
	s11 =	rddreg [dreg:$0xb]  }
0x179: {  	[tilespmem:s28], [sflag:$0x1] =	stream.linear.gather [hbm4b:s11+s6], $0x80, $0x38;
	[tilespmem:$0x1D800] =	vst v63  }
0x17a: {  	s12 =	rddreg [dreg:$0xc]  }
0x17b: {  	[tilespmem:s30], [sflag:$0x1] =	stream.linear.gather [hbm4b:s12+s6], $0x80, $0x38;
	[tilespmem:$0x1D800] =	vst v63  }
0x17c: {  	s2 =	simm.s32 $0x180;
	s22 =	rddreg [dreg:$0xd]  }
0x17d: {  	[tilespmem:s2], [sflag:$0x1] =	stream.linear.gather [hbm4b:s22+s6], $0x80, $0x38;
	[tilespmem:$0x1D800] =	vst v63  }
0x17e: {  	s29 =	rddreg [dreg:$0xe];
	s7 =	simm.s32 $0x980  }
0x17f: {  	[tilespmem:s7], [sflag:$0x1] =	stream.linear.gather [hbm4b:s29+s6], $0x80, $0x38;
	[tilespmem:$0x1D800] =	vst v63  }
0x180: {  	s31 =	rddreg [dreg:$0xf];
	s10 =	simm.s32 $0x200  }
0x181: {  	[tilespmem:s10], [sflag:$0x1] =	stream.linear.gather [hbm4b:s31+s6], $0x80, $0x38;
	[tilespmem:$0x1D800] =	vst v63  }
0x182: {  	s5 =	simm.s32 $0xA00;
	s1 =	rddreg [dreg:$0x10]  }
0x183: {  	[tilespmem:s5], [sflag:$0x1] =	stream.linear.gather [hbm4b:s1+s6], $0x80, $0x38;
	[tilespmem:$0x1D800] =	vst v63  }
0x184: {  	s4 =	rddreg [dreg:$0x11];
	s22 =	simm.s32 $0x280  }
0x185: {  	[tilespmem:s22], [sflag:$0x1] =	stream.linear.gather [hbm4b:s4+s6], $0x80, $0x38;
	[tilespmem:$0x1D800] =	vst v63  }
0x186: {  	s8 =	rddreg [dreg:$0x12];
	s12 =	simm.s32 $0xA80  }
0x187: {  	[tilespmem:s12], [sflag:$0x1] =	stream.linear.gather [hbm4b:s8+s6], $0x80, $0x38;
	[tilespmem:$0x1D800] =	vst v63  }
0x188: {  	s11 =	rddreg [dreg:$0x13];
	s8 =	simm.s32 $0x300  }
0x189: {  	[tilespmem:s8], [sflag:$0x1] =	stream.linear.gather [hbm4b:s11+s6], $0x80, $0x38;
	[tilespmem:$0x1D800] =	vst v63  }
0x18a: {  	s29 =	rddreg [dreg:$0x14];
	s4 =	simm.s32 $0xB00  }
0x18b: {  	[tilespmem:s4], [sflag:$0x1] =	stream.linear.gather [hbm4b:s29+s6], $0x80, $0x38;
	[tilespmem:$0x1D800] =	vst v63  }
0x18c: {  	s31 =	rddreg [dreg:$0x15];
	s4 =	simm.s32 $0x380  }
0x18d: {  	[tilespmem:s4], [sflag:$0x1] =	stream.linear.gather [hbm4b:s31+s6], $0x80, $0x38;
	[tilespmem:$0x1D800] =	vst v63  }
0x18e: {  	s5 =	rddreg [dreg:$0x16];
	s31 =	simm.s32 $0xB80  }
0x18f: {  	[tilespmem:s31], [sflag:$0x1] =	stream.linear.gather [hbm4b:s5+s6], $0x80, $0x38;
	[tilespmem:$0x1D800] =	vst v63  }
0x190: {  	s11 =	rddreg [dreg:$0x17];
	s5 =	simm.s32 $0x400  }
0x191: {  	[tilespmem:s5], [sflag:$0x1] =	stream.linear.gather [hbm4b:s11+s6], $0x80, $0x38;
	[tilespmem:$0x1D800] =	vst v63  }
0x192: {  	s1 =	rddreg [dreg:$0x18];
	s11 =	simm.s32 $0xC00  }
0x193: {  	[tilespmem:s11], [sflag:$0x1] =	stream.linear.gather [hbm4b:s1+s6], $0x80, $0x38;
	[tilespmem:$0x1D800] =	vst v63  }
0x194: {  	s31 =	rddreg [dreg:$0x19];
	s1 =	simm.s32 $0x480  }
0x195: {  	[tilespmem:s1], [sflag:$0x1] =	stream.linear.gather [hbm4b:s31+s6], $0x80, $0x38;
	[tilespmem:$0x1D800] =	vst v63  }
0x196: {  	s21 =	rddreg [dreg:$0x1a];
	s31 =	simm.s32 $0xC80  }
0x197: {  	[tilespmem:s31], [sflag:$0x1] =	stream.linear.gather [hbm4b:s21+s6], $0x80, $0x38;
	[tilespmem:$0x1D800] =	vst v63  }
0x198: {  	_ =	swait.ge [sflag:s3], $0x80  }
0x199: {  	[sflag:s3] =	ssyncset.done $0x0  }
0x19a: {  	[sflag:s3] =	ssyncadd.s32 $0xFFFFFF80  }
0x19b: {  	_ =	swait.ge [sflag:s3], $0x80  }
0x19c: {  	[sflag:s3] =	ssyncset.done $0x0  }
0x19d: {  	[sflag:s3] =	ssyncadd.s32 $0xFFFFFF80  }
0x19e: {  	_ =	swait.ge [sflag:s3], $0x80  }
0x19f: {  	[sflag:s3] =	ssyncset.done $0x0  }
0x1a0: {  	[sflag:s3] =	ssyncadd.s32 $0xFFFFFF80  }
0x1a1: {  	_ =	swait.ge [sflag:s3], $0x80  }
0x1a2: {  	[sflag:s3] =	ssyncset.done $0x0  }
0x1a3: {  	[sflag:s3] =	ssyncadd.s32 $0xFFFFFF80  }
0x1a4: {  	_ =	swait.ge [sflag:s3], $0x80  }
0x1a5: {  	[sflag:s3] =	ssyncset.done $0x0  }
0x1a6: {  	[sflag:s3] =	ssyncadd.s32 $0xFFFFFF80  }
0x1a7: {  	_ =	swait.ge [sflag:s3], $0x80  }
0x1a8: {  	[sflag:s3] =	ssyncset.done $0x0  }
0x1a9: {  	[sflag:s3] =	ssyncadd.s32 $0xFFFFFF80  }
0x1aa: {  	_ =	swait.ge [sflag:s3], $0x80  }
0x1ab: {  	[sflag:s3] =	ssyncset.done $0x0  }
0x1ac: {  	[sflag:s3] =	ssyncadd.s32 $0xFFFFFF80  }
0x1ad: {  	_ =	swait.ge [sflag:s3], $0x80  }
0x1ae: {  	[sflag:s3] =	ssyncset.done $0x0  }
0x1af: {  	[sflag:s3] =	ssyncadd.s32 $0xFFFFFF80  }
0x1b0: {  	_ =	swait.ge [sflag:s3], $0x80  }
0x1b1: {  	[sflag:s3] =	ssyncset.done $0x0  }
0x1b2: {  	[sflag:s3] =	ssyncadd.s32 $0xFFFFFF80  }
0x1b3: {  	_ =	swait.ge [sflag:s3], $0x80  }
0x1b4: {  	[sflag:s3] =	ssyncset.done $0x0  }
0x1b5: {  	[sflag:s3] =	ssyncadd.s32 $0xFFFFFF80  }
0x1b6: {  	_ =	swait.ge [sflag:s3], $0x80  }
0x1b7: {  	[sflag:s3] =	ssyncset.done $0x0  }
0x1b8: {  	[sflag:s3] =	ssyncadd.s32 $0xFFFFFF80  }
0x1b9: {  	_ =	swait.ge [sflag:s3], $0x80  }
0x1ba: {  	[sflag:s3] =	ssyncset.done $0x0  }
0x1bb: {  	[sflag:s3] =	ssyncadd.s32 $0xFFFFFF80  }
0x1bc: {  	_ =	swait.ge [sflag:s3], $0x80  }
0x1bd: {  	[sflag:s3] =	ssyncset.done $0x0  }
0x1be: {  	[sflag:s3] =	ssyncadd.s32 $0xFFFFFF80  }
0x1bf: {  	_ =	swait.ge [sflag:s3], $0x80  }
0x1c0: {  	[sflag:s3] =	ssyncset.done $0x0  }
0x1c1: {  	[sflag:s3] =	ssyncadd.s32 $0xFFFFFF80  }
0x1c2: {  	_ =	swait.ge [sflag:s3], $0x80  }
0x1c3: {  	[sflag:s3] =	ssyncset.done $0x0  }
0x1c4: {  	[sflag:s3] =	ssyncadd.s32 $0xFFFFFF80  }
0x1c5: {  	_ =	swait.ge [sflag:s3], $0x80  }
0x1c6: {  	[sflag:s3] =	ssyncset.done $0x0  }
0x1c7: {  	[sflag:s3] =	ssyncadd.s32 $0xFFFFFF80  }
0x1c8: {  	_ =	swait.ge [sflag:s3], $0x80  }
0x1c9: {  	[sflag:s3] =	ssyncset.done $0x0  }
0x1ca: {  	[sflag:s3] =	ssyncadd.s32 $0xFFFFFF80  }
0x1cb: {  	_ =	swait.ge [sflag:s3], $0x80  }
0x1cc: {  	[sflag:s3] =	ssyncset.done $0x0  }
0x1cd: {  	[sflag:s3] =	ssyncadd.s32 $0xFFFFFF80  }
0x1ce: {  	_ =	swait.ge [sflag:s3], $0x80  }
0x1cf: {  	[sflag:s3] =	ssyncset.done $0x0  }
0x1d0: {  	[sflag:s3] =	ssyncadd.s32 $0xFFFFFF80  }
0x1d1: {  	_ =	swait.ge [sflag:s3], $0x80  }
0x1d2: {  	[sflag:s3] =	ssyncset.done $0x0  }
0x1d3: {  	[sflag:s3] =	ssyncadd.s32 $0xFFFFFF80  }
0x1d4: {  	[bflag:$0x0] =	sbarrier.arrive $0xFFFF  }
0x1d5: {  	s19 =	rddreg [dreg:$0x4]  }
0x1d6: {  	[spmem:s19] =	stream.indirect.scatter.add.f32 [tilespmem:s24], [sflag:$0x3], $0x80, s23, s14, $0xb8;
	[tilespmem:$0x1D800] =	vst v63  }
0x1d7: {  	_ = 	snop  }
0x1d8: {  	[spmem:s19] =	stream.indirect.scatter.add.f32 [tilespmem:s24], [sflag:$0x3], $0x80, s25, s14, $0xb8;
	[tilespmem:$0x1D800] =	vst v63  }
0x1d9: {  	_ = 	snop  }
0x1da: {  	[spmem:s19] =	stream.indirect.scatter.add.f32 [tilespmem:s24], [sflag:$0x3], $0x80, s30, s14, $0xb8;
	[tilespmem:$0x1D800] =	vst v63  }
0x1db: {  	_ = 	snop  }
0x1dc: {  	[spmem:s19] =	stream.indirect.scatter.add.f32 [tilespmem:s24], [sflag:$0x3], $0x80, s7, s14, $0xb8;
	[tilespmem:$0x1D800] =	vst v63  }
0x1dd: {  	s31 =	simm.s32 $0xA00  }
0x1de: {  	[spmem:s19] =	stream.indirect.scatter.add.f32 [tilespmem:s24], [sflag:$0x3], $0x80, s31, s14, $0xb8;
	[tilespmem:$0x1D800] =	vst v63  }
0x1df: {  	s31 =	simm.s32 $0xA80  }
0x1e0: {  	[spmem:s19] =	stream.indirect.scatter.add.f32 [tilespmem:s24], [sflag:$0x3], $0x80, s31, s14, $0xb8;
	[tilespmem:$0x1D800] =	vst v63  }
0x1e1: {  	s12 =	simm.s32 $0xB00  }
0x1e2: {  	[spmem:s19] =	stream.indirect.scatter.add.f32 [tilespmem:s24], [sflag:$0x3], $0x80, s12, s14, $0xb8;
	[tilespmem:$0x1D800] =	vst v63  }
0x1e3: {  	s29 =	simm.s32 $0xB80  }
0x1e4: {  	[spmem:s19] =	stream.indirect.scatter.add.f32 [tilespmem:s24], [sflag:$0x3], $0x80, s29, s14, $0xb8;
	[tilespmem:$0x1D800] =	vst v63  }
0x1e5: {  	s11 =	simm.s32 $0xC00  }
0x1e6: {  	[spmem:s19] =	stream.indirect.scatter.add.f32 [tilespmem:s24], [sflag:$0x3], $0x80, s11, s14, $0xb8;
	[tilespmem:$0x1D800] =	vst v63  }
0x1e7: {  	s21 =	simm.s32 $0xC80  }
0x1e8: {  	[spmem:s19] =	stream.indirect.scatter.add.f32 [tilespmem:s24], [sflag:$0x3], $0x80, s21, s14, $0xb8;
	[tilespmem:$0x1D800] =	vst v63  }
0x1e9: {  	s19 =	rddreg [dreg:$0x1];
	s21 =	simm.s32 $0x1000  }
0x1ea: {  	[tilespmem:s21], [sflag:$0x2] =	stream.indirect.gather [hbm4b:s19+s14], $0x1, s6, s14, $0xb8;
	[tilespmem:$0x1D800] =	vst v63  }
0x1eb: {  	s12 =	simm.s32 $0x1080  }
0x1ec: {  	[tilespmem:s12], [sflag:$0x2] =	stream.indirect.gather [hbm4b:s19+s14], $0x1, s14, s14, $0xb8;
	[tilespmem:$0x1D800] =	vst v63  }
0x1ed: {  	s29 =	simm.s32 $0x1100  }
0x1ee: {  	[tilespmem:s29], [sflag:$0x2] =	stream.indirect.gather [hbm4b:s19+s14], $0x1, s28, s14, $0xb8;
	[tilespmem:$0x1D800] =	vst v63  }
0x1ef: {  	s28 =	simm.s32 $0x1180  }
0x1f0: {  	[tilespmem:s28], [sflag:$0x2] =	stream.indirect.gather [hbm4b:s19+s14], $0x1, s2, s14, $0xb8;
	[tilespmem:$0x1D800] =	vst v63  }
0x1f1: {  	s11 =	simm.s32 $0x1200  }
0x1f2: {  	[tilespmem:s11], [sflag:$0x2] =	stream.indirect.gather [hbm4b:s19+s14], $0x1, s10, s14, $0xb8;
	[tilespmem:$0x1D800] =	vst v63  }
0x1f3: {  	s10 =	simm.s32 $0x1280  }
0x1f4: {  	[tilespmem:s10], [sflag:$0x2] =	stream.indirect.gather [hbm4b:s19+s14], $0x1, s22, s14, $0xb8;
	[tilespmem:$0x1D800] =	vst v63  }
0x1f5: {  	s22 =	simm.s32 $0x1300  }
0x1f6: {  	[tilespmem:s22], [sflag:$0x2] =	stream.indirect.gather [hbm4b:s19+s14], $0x1, s8, s14, $0xb8;
	[tilespmem:$0x1D800] =	vst v63  }
0x1f7: {  	s8 =	simm.s32 $0x1380  }
0x1f8: {  	[tilespmem:s8], [sflag:$0x2] =	stream.indirect.gather [hbm4b:s19+s14], $0x1, s4, s14, $0xb8;
	[tilespmem:$0x1D800] =	vst v63  }
0x1f9: {  	s31 =	simm.s32 $0x1400  }
0x1fa: {  	[tilespmem:s31], [sflag:$0x2] =	stream.indirect.gather [hbm4b:s19+s14], $0x1, s5, s14, $0xb8;
	[tilespmem:$0x1D800] =	vst v63  }
0x1fb: {  	s5 =	simm.s32 $0x1480  }
0x1fc: {  	[tilespmem:s5], [sflag:$0x2] =	stream.indirect.gather [hbm4b:s19+s14], $0x1, s1, s14, $0xb8;
	[tilespmem:$0x1D800] =	vst v63  }
0x1fd: {  	_ =	swait.ge [sflag:s20], $0x80  }
0x1fe: {  	[sflag:s20] =	ssyncset.done $0x0  }
0x1ff: {  	[sflag:s20] =	ssyncadd.s32 $0xFFFFFF80  }
0x200: {  	_ =	swait.ge [sflag:s20], $0x80  }
0x201: {  	[sflag:s20] =	ssyncset.done $0x0  }
0x202: {  	[sflag:s20] =	ssyncadd.s32 $0xFFFFFF80  }
0x203: {  	_ =	swait.ge [sflag:s20], $0x80  }
0x204: {  	[sflag:s20] =	ssyncset.done $0x0  }
0x205: {  	[sflag:s20] =	ssyncadd.s32 $0xFFFFFF80  }
0x206: {  	_ =	swait.ge [sflag:s20], $0x80  }
0x207: {  	[sflag:s20] =	ssyncset.done $0x0  }
0x208: {  	[sflag:s20] =	ssyncadd.s32 $0xFFFFFF80  }
0x209: {  	_ =	swait.ge [sflag:s20], $0x80  }
0x20a: {  	[sflag:s20] =	ssyncset.done $0x0  }
0x20b: {  	[sflag:s20] =	ssyncadd.s32 $0xFFFFFF80  }
0x20c: {  	_ =	swait.ge [sflag:s20], $0x80  }
0x20d: {  	[sflag:s20] =	ssyncset.done $0x0  }
0x20e: {  	[sflag:s20] =	ssyncadd.s32 $0xFFFFFF80  }
0x20f: {  	_ =	swait.ge [sflag:s20], $0x80  }
0x210: {  	[sflag:s20] =	ssyncset.done $0x0  }
0x211: {  	[sflag:s20] =	ssyncadd.s32 $0xFFFFFF80  }
0x212: {  	_ =	swait.ge [sflag:s20], $0x80  }
0x213: {  	[sflag:s20] =	ssyncset.done $0x0  }
0x214: {  	[sflag:s20] =	ssyncadd.s32 $0xFFFFFF80  }
0x215: {  	_ =	swait.ge [sflag:s20], $0x80  }
0x216: {  	[sflag:s20] =	ssyncset.done $0x0  }
0x217: {  	[sflag:s20] =	ssyncadd.s32 $0xFFFFFF80  }
0x218: {  	_ =	swait.ge [sflag:s20], $0x80  }
0x219: {  	[sflag:s20] =	ssyncset.done $0x0  }
0x21a: {  	[sflag:s20] =	ssyncadd.s32 $0xFFFFFF80  }
0x21b: {  	s1 =	simm.s32 $0x1800;
	s2 =	rddreg [dreg:$0x0]  }
0x21c: {  	[tilespmem:s1], [sflag:$0x4] =	stream.indirect.gather [hbm4b:s2+s14], $0x80, s21, s14, $0xb8;
	[tilespmem:$0x1D800] =	vst v63  }
0x21d: {  	s19 =	simm.s32 $0x5800  }
0x21e: {  	[tilespmem:s19], [sflag:$0x4] =	stream.indirect.gather [hbm4b:s2+s14], $0x80, s12, s14, $0xb8;
	[tilespmem:$0x1D800] =	vst v63  }
0x21f: {  	_ =	swait.ge [sflag:s26], $0x4000  }
0x220: {  	[sflag:s26] =	ssyncset.done $0x0  }
0x221: {  	[sflag:s26] =	ssyncadd.s32 $0xFFFFC000  }
0x222: {  	_ =	swait.ge [sflag:s26], $0x4000  }
0x223: {  	[sflag:s26] =	ssyncset.done $0x0  }
0x224: {  	s21 =	simm.s32 $0x9800;
	[sflag:s26] =	ssyncadd.s32 $0xFFFFC000  }
0x225: {  	[tilespmem:s21], [sflag:$0x5] =	stream.indirect.gather [hbm4b:s2+s14], $0x80, s29, s14, $0xb8;
	[tilespmem:$0x1D800] =	vst v63  }
0x226: {  	s4 =	simm.s32 $0xD800  }
0x227: {  	[tilespmem:s4], [sflag:$0x5] =	stream.indirect.gather [hbm4b:s2+s14], $0x80, s28, s14, $0xb8;
	[tilespmem:$0x1D800] =	vst v63  }
0x228: {  	s28 =	rddreg [dreg:$0x3]  }
0x229: {  	[spmem:s28] =	stream.indirect.scatter.add.f32 [tilespmem:s1], [sflag:$0x6], $0x80, s23, s14, $0xb8;
	[tilespmem:$0x1D800] =	vst v63  }
0x22a: {  	_ = 	snop  }
0x22b: {  	[spmem:s28] =	stream.indirect.scatter.add.f32 [tilespmem:s19], [sflag:$0x6], $0x80, s25, s14, $0xb8;
	[tilespmem:$0x1D800] =	vst v63  }
0x22c: {  	_ =	swait.ge [sflag:s16], $0x4000  }
0x22d: {  	[sflag:s16] =	ssyncset.done $0x0  }
0x22e: {  	[sflag:s16] =	ssyncadd.s32 $0xFFFFC000  }
0x22f: {  	_ =	swait.ge [sflag:s16], $0x4000  }
0x230: {  	[sflag:s16] =	ssyncset.done $0x0  }
0x231: {  	[sflag:s16] =	ssyncadd.s32 $0xFFFFC000  }
0x232: {  	_ =	swait.ge [sflag:s18], $0x4000  }
0x233: {  	[sflag:s18] =	ssyncset.done $0x0  }
0x234: {  	[sflag:s18] =	ssyncadd.s32 $0xFFFFC000  }
0x235: {  	_ =	swait.ge [sflag:s18], $0x4000  }
0x236: {  	[sflag:s18] =	ssyncset.done $0x0  }
0x237: {  	[sflag:s18] =	ssyncadd.s32 $0xFFFFC000  }
0x238: {  	[tilespmem:s1], [sflag:$0x4] =	stream.indirect.gather [hbm4b:s2+s14], $0x80, s11, s14, $0xb8;
	[tilespmem:$0x1D800] =	vst v63  }
0x239: {  	_ = 	snop  }
0x23a: {  	[tilespmem:s19], [sflag:$0x4] =	stream.indirect.gather [hbm4b:s2+s14], $0x80, s10, s14, $0xb8;
	[tilespmem:$0x1D800] =	vst v63  }
0x23b: {  	_ = 	snop  }
0x23c: {  	[spmem:s28] =	stream.indirect.scatter.add.f32 [tilespmem:s21], [sflag:$0x7], $0x80, s30, s14, $0xb8;
	[tilespmem:$0x1D800] =	vst v63  }
0x23d: {  	_ = 	snop  }
0x23e: {  	[spmem:s28] =	stream.indirect.scatter.add.f32 [tilespmem:s4], [sflag:$0x7], $0x80, s7, s14, $0xb8;
	[tilespmem:$0x1D800] =	vst v63  }
0x23f: {  	_ =	swait.ge [sflag:s26], $0x4000  }
0x240: {  	[sflag:s26] =	ssyncset.done $0x0  }
0x241: {  	[sflag:s26] =	ssyncadd.s32 $0xFFFFC000  }
0x242: {  	_ =	swait.ge [sflag:s26], $0x4000  }
0x243: {  	[sflag:s26] =	ssyncset.done $0x0  }
0x244: {  	[sflag:s26] =	ssyncadd.s32 $0xFFFFC000  }
0x245: {  	_ =	swait.ge [sflag:s13], $0x4000  }
0x246: {  	[sflag:s13] =	ssyncset.done $0x0  }
0x247: {  	[sflag:s13] =	ssyncadd.s32 $0xFFFFC000  }
0x248: {  	_ =	swait.ge [sflag:s13], $0x4000  }
0x249: {  	[sflag:s13] =	ssyncset.done $0x0  }
0x24a: {  	[sflag:s13] =	ssyncadd.s32 $0xFFFFC000  }
0x24b: {  	[tilespmem:s21], [sflag:$0x5] =	stream.indirect.gather [hbm4b:s2+s14], $0x80, s22, s14, $0xb8;
	[tilespmem:$0x1D800] =	vst v63  }
0x24c: {  	_ = 	snop  }
0x24d: {  	[tilespmem:s4], [sflag:$0x5] =	stream.indirect.gather [hbm4b:s2+s14], $0x80, s8, s14, $0xb8;
	[tilespmem:$0x1D800] =	vst v63  }
0x24e: {  	s29 =	simm.s32 $0xA00  }
0x24f: {  	[spmem:s28] =	stream.indirect.scatter.add.f32 [tilespmem:s1], [sflag:$0x6], $0x80, s29, s14, $0xb8;
	[tilespmem:$0x1D800] =	vst v63  }
0x250: {  	s8 =	simm.s32 $0xA80  }
0x251: {  	[spmem:s28] =	stream.indirect.scatter.add.f32 [tilespmem:s19], [sflag:$0x6], $0x80, s8, s14, $0xb8;
	[tilespmem:$0x1D800] =	vst v63  }
0x252: {  	_ =	swait.ge [sflag:s16], $0x4000  }
0x253: {  	[sflag:s16] =	ssyncset.done $0x0  }
0x254: {  	[sflag:s16] =	ssyncadd.s32 $0xFFFFC000  }
0x255: {  	_ =	swait.ge [sflag:s16], $0x4000  }
0x256: {  	[sflag:s16] =	ssyncset.done $0x0  }
0x257: {  	[sflag:s16] =	ssyncadd.s32 $0xFFFFC000  }
0x258: {  	_ =	swait.ge [sflag:s18], $0x4000  }
0x259: {  	[sflag:s18] =	ssyncset.done $0x0  }
0x25a: {  	[sflag:s18] =	ssyncadd.s32 $0xFFFFC000  }
0x25b: {  	_ =	swait.ge [sflag:s18], $0x4000  }
0x25c: {  	[sflag:s18] =	ssyncset.done $0x0  }
0x25d: {  	[sflag:s18] =	ssyncadd.s32 $0xFFFFC000  }
0x25e: {  	[tilespmem:s1], [sflag:$0x4] =	stream.indirect.gather [hbm4b:s2+s14], $0x80, s31, s14, $0xb8;
	[tilespmem:$0x1D800] =	vst v63  }
0x25f: {  	_ = 	snop  }
0x260: {  	[tilespmem:s19], [sflag:$0x4] =	stream.indirect.gather [hbm4b:s2+s14], $0x80, s5, s14, $0xb8;
	[tilespmem:$0x1D800] =	vst v63  }
0x261: {  	s10 =	simm.s32 $0xB00  }
0x262: {  	[spmem:s28] =	stream.indirect.scatter.add.f32 [tilespmem:s21], [sflag:$0x7], $0x80, s10, s14, $0xb8;
	[tilespmem:$0x1D800] =	vst v63  }
0x263: {  	s11 =	simm.s32 $0xB80  }
0x264: {  	[spmem:s28] =	stream.indirect.scatter.add.f32 [tilespmem:s4], [sflag:$0x7], $0x80, s11, s14, $0xb8;
	[tilespmem:$0x1D800] =	vst v63  }
0x265: {  	_ =	swait.ge [sflag:s26], $0x4000  }
0x266: {  	[sflag:s26] =	ssyncset.done $0x0  }
0x267: {  	[sflag:s26] =	ssyncadd.s32 $0xFFFFC000  }
0x268: {  	_ =	swait.ge [sflag:s26], $0x4000  }
0x269: {  	[sflag:s26] =	ssyncset.done $0x0  }
0x26a: {  	s12 =	simm.s32 $0xC00;
	[sflag:s26] =	ssyncadd.s32 $0xFFFFC000  }
0x26b: {  	[spmem:s28] =	stream.indirect.scatter.add.f32 [tilespmem:s1], [sflag:$0x6], $0x80, s12, s14, $0xb8;
	[tilespmem:$0x1D800] =	vst v63  }
0x26c: {  	s21 =	simm.s32 $0xC80  }
0x26d: {  	[spmem:s28] =	stream.indirect.scatter.add.f32 [tilespmem:s19], [sflag:$0x6], $0x80, s21, s14, $0xb8;
	[tilespmem:$0x1D800] =	vst v63  }
0x26e: {  	_ =	swait.ge [sflag:s13], $0x4000  }
0x26f: {  	[sflag:s13] =	ssyncset.done $0x0  }
0x270: {  	[sflag:s13] =	ssyncadd.s32 $0xFFFFC000  }
0x271: {  	_ =	swait.ge [sflag:s13], $0x4000  }
0x272: {  	[sflag:s13] =	ssyncset.done $0x0  }
0x273: {  	[sflag:s13] =	ssyncadd.s32 $0xFFFFC000  }
0x274: {  	_ =	swait.ge [sflag:s18], $0x4000  }
0x275: {  	[sflag:s18] =	ssyncset.done $0x0  }
0x276: {  	[sflag:s18] =	ssyncadd.s32 $0xFFFFC000  }
0x277: {  	_ =	swait.ge [sflag:s18], $0x4000  }
0x278: {  	[sflag:s18] =	ssyncset.done $0x0  }
0x279: {  	[sflag:s18] =	ssyncadd.s32 $0xFFFFC000  }
0x27a: {  	_ =	swait.ge [sflag:s15], $0x4000  }
0x27b: {  	[sflag:s15] =	ssyncset.done $0x0  }
0x27c: {  	[sflag:s15] =	ssyncadd.s32 $0xFFFFC000  }
0x27d: {  	_ =	swait.ge [sflag:s15], $0x4000  }
0x27e: {  	[sflag:s15] =	ssyncset.done $0x0  }
0x27f: {  	[sflag:s15] =	ssyncadd.s32 $0xFFFFC000  }
0x280: {  	_ =	swait.ge [sflag:s15], $0x4000  }
0x281: {  	[sflag:s15] =	ssyncset.done $0x0  }
0x282: {  	[sflag:s15] =	ssyncadd.s32 $0xFFFFC000  }
0x283: {  	_ =	swait.ge [sflag:s15], $0x4000  }
0x284: {  	[sflag:s15] =	ssyncset.done $0x0  }
0x285: {  	[sflag:s15] =	ssyncadd.s32 $0xFFFFC000  }
0x286: {  	_ =	swait.ge [sflag:s15], $0x4000  }
0x287: {  	[sflag:s15] =	ssyncset.done $0x0  }
0x288: {  	[sflag:s15] =	ssyncadd.s32 $0xFFFFC000  }
0x289: {  	_ =	swait.ge [sflag:s15], $0x4000  }
0x28a: {  	[sflag:s15] =	ssyncset.done $0x0  }
0x28b: {  	[sflag:s15] =	ssyncadd.s32 $0xFFFFC000  }
0x28c: {  	_ =	swait.ge [sflag:s15], $0x4000  }
0x28d: {  	[sflag:s15] =	ssyncset.done $0x0  }
0x28e: {  	[sflag:s15] =	ssyncadd.s32 $0xFFFFC000  }
0x28f: {  	_ =	swait.ge [sflag:s15], $0x4000  }
0x290: {  	[sflag:s15] =	ssyncset.done $0x0  }
0x291: {  	[sflag:s15] =	ssyncadd.s32 $0xFFFFC000  }
0x292: {  	_ =	swait.ge [sflag:s15], $0x4000  }
0x293: {  	[sflag:s15] =	ssyncset.done $0x0  }
0x294: {  	[sflag:s15] =	ssyncadd.s32 $0xFFFFC000  }
0x295: {  	_ =	swait.ge [sflag:s15], $0x4000  }
0x296: {  	[sflag:s15] =	ssyncset.done $0x0  }
0x297: {  	[sflag:s15] =	ssyncadd.s32 $0xFFFFC000  }
0x298: {  	[bflag:$0x0] =	sbarrier.arrive $0xFFFF  }
0x299: {  	s22 =	rddreg [dreg:$0x1b]  }
0x29a: {  	s28 =	rddreg [dreg:$0x1e]  }
0x29b: {  	[hbm:s22], [sflag:s0] =	dma.local [spmem:s28], $0x800  }
0x29c: {  	p0 =	sne.s32 s17, $0x1;
	_ =	swait.ge [sflag:s9], $0x800  }
.Ltmp1:
0x29d: {  	[sflag:s9] =	ssyncset.done $0x0;
	s29 =	rddreg [dreg:$0x1c];
	(pc) =	sbr.rel @p0 .LBB2_2-.Ltmp1, $4  }
0x29e: {  	s31 =	rddreg [dreg:$0x1f];
	[sflag:s9] =	ssyncadd.s32 $0xFFFFF800  }
0x29f: {  	[hbm:s29], [sflag:s0] =	dma.local [spmem:s31], $0x800  }
0x2a0: {  	_ =	swait.ge [sflag:s9], $0x800  }
0x2a1: {  	s17 =	sadd.s32 $0xFFFFFFFF, s17;
	[sflag:s9] =	ssyncset.done $0x0  }
.LBB2_3:
0x2a2: {  	[sflag:s9] =	ssyncadd.s32 $0xFFFFF800  }
0x2a3: {  	_ =	sfence.sel $0x180000  }
0x2a4: {  	[bflag:$0x0] =	sbarrier.arrive $0xFFFF  }
0x2a5: {  	_ =	strace $0x90000047  }
0x2a6: {  	s0 =	stileid.u32;
	[bflag:$0x2] =	sbarrier.arrive $0xFFFF  }
0x2a7: {  	p0 =	sne.s32 s0, $0x0;
	s0 =	rddreg [dreg:$0x5]  }
0x2a8: {  	s0 =	sadd.s32 @!p0 $0x100000, s0  }
0x2a9: {  	[sflag:s0] =	ssyncadd.tile.s32 @!p0 $0x1;
	_ =	shalt  }
.Lfunc_end2:
_tile_overlayer_lowered:
.L_overlay_start_2:
0x2aa: {  	(tag) =	ssettag $0x2  }
0x2ab: {  	s0 =	rddreg [dreg:$0x0];
	s2 =	stileid.u32  }
0x2ac: {  	s1 =	rddreg [dreg:$0x1];
	p0 =	sne.s32 s2, $0x0  }
0x2ad: {  	s3 =	rddreg [dreg:$0x2];
	[bflag:$0x3] =	sbarrier.arrive $0xFFFF;
	s2 =	simm.s32 @!p0 $0x1C08  }
0x2ae: {  	[timem:s3], [sflag:s2] =	dma.local @!p0 [hbm:s0], s1  }
0x2af: {  	s0 =	simm.s32 @!p0 $0x8  }
0x2b0: {  	_ =	swait.ge @!p0 [sflag:s0], s1  }
0x2b1: {  	s1 =	ssub.s32 @!p0 $0x0, s1;
	[sflag:s0] =	ssyncset.done @!p0 $0x0  }
0x2b2: {  	[sflag:s0] =	ssyncadd.s32 @!p0 s1  }
0x2b3: {  	[bflag:$0x3] =	sbarrier.arrive $0xFFFF  }
0x2b4: {  	_ =	shalt  }

// kernel: kernel.17.cloned.1.call-start
scs
__scs_entry_jumppad:
0x0: {  	(pc) =	sbr.rel $0x88, $3  }
0x1: {  	(tag) =	ssettag $0x0;
	lr =	simm.s32 $0x1  }
0x2: {  	[smem:$0x3F7A] =	sst lr;
	_ =	strace $0xD0000000  }
0x3: {  	_ = 	snop  }
0x4: {  	_ = 	snop  }
0x5: {  	_ = 	snop  }
0x6: {  	_ = 	snop  }
0x7: {  	_ = 	snop  }
__scs_overlays_trampoline_lowered:
0x8: {  	[smem:$0x3F89] =	sst s0  }
0x9: {  	[smem:$0x3F8A] =	sst s1  }
0xa: {  	[smem:$0x3F8B] =	sst s2  }
0xb: {  	[smem:$0x3F8C] =	sst s3  }
0xc: {  	[smem:$0x3F8D] =	sst s4  }
0xd: {  	[smem:$0x3F8E] =	sst s5  }
0xe: {  	[smem:$0x3F8F] =	sst s6  }
0xf: {  	[smem:$0x3F90] =	sst s7  }
0x10: {  	[smem:$0x3F91] =	sst s8  }
0x11: {  	[smem:$0x3F92] =	sst s9;
	s0 =	simm.s32 @!p0 $0x0  }
0x12: {  	s1 =	sld [smem:$0x3F78];
	s0 =	simm.s32 @p0 $0x1  }
0x13: {  	[smem:$0x3F93] =	sst s0;
	s0 =	simm.s32 @!p1 $0x0  }
0x14: {  	s2 =	sld [smem:$0x3F77];
	s0 =	simm.s32 @p1 $0x1  }
0x15: {  	[smem:$0x3F94] =	sst s0;
	s0 =	simm.s32 @!p2 $0x0  }
0x16: {  	s3 =	sld [smem:$0x3FDB];
	s0 =	simm.s32 @p2 $0x1  }
0x17: {  	s4 =	simm.s32 $0x1BF5;
	[smem:$0x3F96] =	sst s0  }
0x18: {  	s0 =	sld [smem:$0x3F79];
	_ =	swait.ge [sflag:s4], $0x0  }
0x19: {  	s7 =	sld [smem:$0x3F7A]  }
0x1a: {  	s8 =	sadd.s32 $0xFFFFE003, lr  }
0x1b: {  	s9 =	sadd.s32 $0xFFFFFEF7, lr;
	s5 =	simm.s32 $0xFFFFFFFF;
	p2 =	slt.u32 s8, $0xFFFFF086  }
0x1c: {  	p1 =	slt.u32 s9, $0xF7A;
	s5 =	simm.s32 @!p2 $0x0  }
0x1d: {  	s5 =	simm.s32 @p1 $0x1;
	p0 =	seq.s32 s7, s2  }
0x1e: {  	s7 =	smul.u32 @!p0 $0xF7A, s2;
	p2 =	seq.s32 @!p0 s5, $0x0  }
0x1f: {  	s9 =	smul.u32 $0xF7A, s1;
	s8 =	simm.s32 @!p0 $0x1BF5;
	p2 =	por !p2, p0  }
0x20: {  	[sflag:s8] =	ssyncset.s32 @!p0 $0xFFFFF086;
	s6 =	sadd.s32 @!p0 s3, s7;
	s7 =	simm.s32 @!p0 $0x108  }
0x21: {  	s3 =	sadd.s32 s3, s9;
	s6 =	sadd.s32 @!p0 $0x88, s6;
	s7 =	simm.s32 @p2 $0x1082  }
0x22: {  	[simem:s7], [sflag:s8] =	dma.local @!p0 [hbm:s6], $0xF7A  }
0x23: {  	s9 =	sor.u32 $0xD0000000, s2;
	s6 =	simm.s32 $0x108;
	_ =	swait.ge @!p0 [sflag:s8], $0x0  }
0x24: {  	s3 =	sadd.s32 $0x88, s3;
	s6 =	simm.s32 @!p1 $0x1082;
	[sflag:s4] =	ssyncset.s32 $0xFFFFF086  }
0x25: {  	[simem:s6], [sflag:s4] =	dma.local [hbm:s3], $0xF7A  }
0x26: {  	[smem:$0x3F7A] =	sst s1;
	(tag) =	ssettag s2;
	_ =	strace s9  }
0x27: {  	s1 =	sld [smem:$0x3F8A]  }
0x28: {  	s2 =	sld [smem:$0x3F8B]  }
0x29: {  	s4 =	sld [smem:$0x3F8D]  }
0x2a: {  	p0 =	seq.s32 s5, $0x0;
	s5 =	sld [smem:$0x3F8E]  }
0x2b: {  	s6 =	sld [smem:$0x3F8F]  }
0x2c: {  	s7 =	sld [smem:$0x3F90]  }
0x2d: {  	s3 =	simm.s32 $0x108;
	s8 =	sld [smem:$0x3F91]  }
0x2e: {  	s3 =	simm.s32 @!p0 $0x1082;
	s9 =	sld [smem:$0x3F92]  }
0x2f: {  	lr =	sadd.s32 s0, s3;
	s0 =	sld [smem:$0x3F89]  }
0x30: {  	s3 =	sld [smem:$0x3F8C]  }
0x31: {  	[smem:$0x3F95] =	sst s10  }
0x32: {  	s10 =	sld [smem:$0x3F93];
	_ =	sdelay $0x3  }
0x33: {  	p0 =	seq.s32 s10, $0x1;
	s10 =	sld [smem:$0x3F95];
	_ =	sdelay $0x3  }
0x34: {  	[smem:$0x3F95] =	sst s10  }
0x35: {  	s10 =	sld [smem:$0x3F94];
	_ =	sdelay $0x3  }
0x36: {  	p1 =	seq.s32 s10, $0x1;
	s10 =	sld [smem:$0x3F95];
	_ =	sdelay $0x3  }
0x37: {  	[smem:$0x3F95] =	sst s10  }
0x38: {  	s10 =	sld [smem:$0x3F96]  }
0x39: {  	_ = 	snop;
	(pc) =	sbr.ind lr, $3  }
0x3a: {  	_ = 	snop  }
0x3b: {  	_ = 	snop  }
0x3c: {  	p2 =	seq.s32 s10, $0x1;
	s10 =	sld [smem:$0x3F95]  }
0x3d: {  	_ =	shalt  }
0x3e: {  	_ =	shalt  }
0x3f: {  	_ =	shalt  }
0x40: {  	_ =	shalt  }
0x41: {  	_ =	shalt  }
0x42: {  	_ =	shalt  }
0x43: {  	_ =	shalt  }
0x44: {  	_ =	shalt  }
0x45: {  	_ =	shalt  }
0x46: {  	_ =	shalt  }
0x47: {  	_ =	shalt  }
0x48: {  	_ =	shalt  }
0x49: {  	_ =	shalt  }
0x4a: {  	_ =	shalt  }
0x4b: {  	_ =	shalt  }
0x4c: {  	_ =	shalt  }
0x4d: {  	_ =	shalt  }
0x4e: {  	_ =	shalt  }
0x4f: {  	_ =	shalt  }
0x50: {  	_ =	shalt  }
0x51: {  	_ =	shalt  }
0x52: {  	_ =	shalt  }
0x53: {  	_ =	shalt  }
0x54: {  	_ =	shalt  }
0x55: {  	_ =	shalt  }
0x56: {  	_ =	shalt  }
0x57: {  	_ =	shalt  }
0x58: {  	_ =	shalt  }
0x59: {  	_ =	shalt  }
0x5a: {  	_ =	shalt  }
0x5b: {  	_ =	shalt  }
0x5c: {  	_ =	shalt  }
0x5d: {  	_ =	shalt  }
0x5e: {  	_ =	shalt  }
0x5f: {  	_ =	shalt  }
0x60: {  	_ =	shalt  }
0x61: {  	_ =	shalt  }
0x62: {  	_ =	shalt  }
0x63: {  	_ =	shalt  }
0x64: {  	_ =	shalt  }
0x65: {  	_ =	shalt  }
0x66: {  	_ =	shalt  }
0x67: {  	_ =	shalt  }
0x68: {  	_ =	shalt  }
0x69: {  	_ =	shalt  }
0x6a: {  	_ =	shalt  }
0x6b: {  	_ =	shalt  }
0x6c: {  	_ =	shalt  }
0x6d: {  	_ =	shalt  }
0x6e: {  	_ =	shalt  }
0x6f: {  	_ =	shalt  }
0x70: {  	_ =	shalt  }
0x71: {  	_ =	shalt  }
0x72: {  	_ =	shalt  }
0x73: {  	_ =	shalt  }
0x74: {  	_ =	shalt  }
0x75: {  	_ =	shalt  }
0x76: {  	_ =	shalt  }
0x77: {  	_ =	shalt  }
0x78: {  	_ =	shalt  }
0x79: {  	_ =	shalt  }
0x7a: {  	_ =	shalt  }
0x7b: {  	_ =	shalt  }
0x7c: {  	_ =	shalt  }
0x7d: {  	_ =	shalt  }
0x7e: {  	_ =	shalt  }
0x7f: {  	_ =	shalt  }
0x80: {  	_ =	shalt  }
0x81: {  	_ =	shalt  }
0x82: {  	_ =	shalt  }
0x83: {  	_ =	shalt  }
0x84: {  	_ =	shalt  }
0x85: {  	_ =	shalt  }
0x86: {  	_ =	shalt  }
0x87: {  	_ =	shalt  }
.Lfunc_end0:
.L_simem_size_0:
called_computation.1_lowered:
.L_overlay_start_0:
0x88: {  	s2 =	sld [smem:$0x3FD9]  }
0x89: {  	s3 =	sld [smem:$0x3FFE];
	_ =	sdelay $0x1  }
0x8a: {  	s1 =	srdreg.scid  }
0x8b: {  	s0 =	sand.u32 $0x1, s1  }
0x8c: {  	s16 =	sshll.u32 s0, $0xA;
	s2 =	sadd.s32 s3, s2  }
0x8d: {  	s2 =	sadd.s32 s2, s16  }
0x8e: {  	[smem:$0x3FA1] =	sst s2  }
0x8f: {  	_ = 	snop  }
0x90: {  	(tm) =	ssettm $0x1  }
0x91: {  	s17 =	sld [smem:$0x3FFB];
	_ =	sdelay $0x3  }
0x92: {  	_ =	strace s17  }
0x93: {  	s2 =	sld [smem:$0x3FFC];
	_ =	sdelay $0x3  }
0x94: {  	_ =	strace s2  }
0x95: {  	s2 =	sld [smem:$0x3FFD];
	_ =	sdelay $0x3  }
0x96: {  	_ =	strace s2  }
0x97: {  	_ =	strace $0x8FFFFFFF  }
0x98: {  	s18 =	sld [smem:$0x3FDB];
	_ =	sdelay $0x1  }
0x99: {  	s19 =	simm.s32 $_scs_section_size  }
0x9a: {  	s4 =	simm.s32 $_size__tile_overlayer_lowered;
	s5 =	simm.s32 $_tile_overlayer_lowered  }
0x9b: {  	s22 =	simm.s32 $0x1BFF;
	s21 =	sshll.u32 s5, $0x1;
	s2 =	sadd.s32 s19, s18  }
0x9c: {  	s6 =	simm.s32 $0x0;
	s20 =	sshll.u32 s4, $0x1;
	s4 =	sadd.s32 s21, s2  }
0x9d: {  	[timem:s6], [sflag:s22] =	dma.local [hbm:s4], s20  }
0x9e: {  	_ =	swait.ge [sflag:s22], s20  }
0x9f: {  	s3 =	ssub.s32 $0x0, s20;
	[sflag:s22] =	ssyncset.done $0x0  }
0xa0: {  	[sflag:s22] =	ssyncadd.s32 s3;
	_ =	sdelay $0x1  }
0xa1: {  	s23 =	simm.s32 $0x1B8B  }
0xa2: {  	_ =	swait.ge [sflag:s23], $0x1  }
0xa3: {  	[sflag:s23] =	ssyncset.done $0x0  }
0xa4: {  	s25 =	simm.s32 $0x1B8E;
	s24 =	sld [smem:$0x3FFE];
	[sflag:s23] =	ssyncadd.s32 $0xFFFFFFFF  }
0xa5: {  	s26 =	simm.s32 $execute0_lowered;
	[smem:$0x3FD2] =	sst s25  }
0xa6: {  	s4 =	sshll.u32 s26, $0x1;
	_ =	strace $0x80000049;
	[dreg:$0x1] =	wrdreg $0xFFFFFFFF  }
0xa7: {  	s28 =	simm.s32 $_size_execute0_lowered;
	s2 =	sadd.s32 s2, s4;
	[dreg:$0x0] =	wrdreg $0x0  }
0xa8: {  	s4 =	sshll.u32 s28, $0x1;
	[dreg:$0x2] =	wrdreg s2  }
0xa9: {  	[dreg:$0x3] =	wrdreg s4  }
0xaa: {  	[dreg:$0x4] =	wrdreg $0xC0  }
0xab: {  	_ =	task [dreg:s6], $0x5FFFF  }
0xac: {  	[dreg:$0x1] =	wrdreg $0xFFFFFFFF  }
0xad: {  	[dreg:$0x0] =	wrdreg $0x60  }
0xae: {  	[dreg:$0x2] =	wrdreg s24  }
0xaf: {  	[dreg:$0x3] =	wrdreg $0xA2000  }
0xb0: {  	[dreg:$0x4] =	wrdreg $0x9  }
0xb1: {  	_ =	task.clear_ibuf [dreg:s6], $0x5FFFF;
	_ =	strace $0x90000049  }
0xb2: {  	s29 =	simm.s32 $0x9;
	_ =	strace $0x8000004B  }
0xb3: {  	_ =	swait.ge [sflag:s29], $0x1  }
0xb4: {  	[sflag:s29] =	ssyncadd.s32 $0xFFFFFFFF  }
0xb5: {  	_ =	strace $0x9000004B  }
0xb6: {  	_ =	sfence  }
0xb7: {  	s30 =	sld [smem:$0x0];
	_ =	sdelay $0x2  }
0xb8: {  	s31 =	sshll.u32 s1, $0xD;
	s1 =	sshrl.u32 s1, $0x2  }
0xb9: {  	s3 =	sand.u32 $0x4000, s31;
	s1 =	sadd.s32 s1, s30  }
0xba: {  	s0 =	sor.u32 s3, s0;
	s1 =	sshll.u32 s1, $0x11  }
0xbb: {  	s0 =	sor.u32 s1, s0  }
0xbc: {  	s0 =	sadd.s32 $0x8F2B, s0  }
0xbd: {  	[sflag:s0] =	ssyncadd.remote.s32 $0x1  }
0xbe: {  	_ =	sfence.sel $0xFFFF  }
0xbf: {  	[dreg:$0x0] =	wrdreg $0xFFFFFFFF;
	(pc) =	sbr.abs _section_cstart, $3  }
0xc0: {  	[dreg:$0x1] =	wrdreg $0xFFFFFFFF  }
0xc1: {  	_ =	task.clear_ibuf [dreg:s6], $0x2FFFF;
	_ =	strace $0x9FFFFFFF  }
0xc2: {  	(tm) =	ssettm $0x7FFFFFFF  }
0xc3: {  	_ =	shalt  }
tec
execute0_lowered:
.L_overlay_start_1:
0x0: {  	(tag) =	ssettag $0x1  }
0x1: {  	s0 =	rddreg [dreg:$0x0]  }
0x2: {  	s2 =	rddreg [dreg:$0x1];
	s3 =	simm.s32 $0x0  }
0x3: {  	s13 =	stileid.u32;
	s1 =	srdreg.scid;
	s18 =	simm.s32 $0x6  }
0x4: {  	s28 =	simm.s32 $0x7A00;
	s29 =	simm.s32 $0x1;
	s30 =	simm.s32 $0x4  }
0x5: {  	s31 =	simm.s32 $0x2;
	s16 =	simm.s32 $0x0;
	[smem:$0x7FF] =	sst s3  }
0x6: {  	s8 =	smul.u32 $0x14000, s13;
	s4 =	sadd.s32 $0x5800, s0;
	s5 =	sadd.s32 $0x512800, s0  }
0x7: {  	s1 =	sand.u32 $0x1, s1;
	s6 =	sadd.s32 $0x9FE600, s0;
	s7 =	sadd.s32 $0x9F4800, s0  }
0x8: {  	s11 =	smul.u32 $0x50000, s13;
	s23 =	sshll.u32 s13, $0x6;
	_ =	strace $0x8000004A  }
0x9: {  	s9 =	smul.u32 $0x140000, s1;
	s19 =	sshll.u32 s1, $0x4;
	s1 =	ssub.s32 $0x2, s1  }
0xa: {  	s10 =	sshrl.u32 s8, $0x3;
	s20 =	sor.u32 s13, s19;
	s21 =	sshrl.u32 s1, $0x1  }
0xb: {  	s11 =	sshrl.u32 s11, $0x2;
	s19 =	simm.s32 $0x80;
	s10 =	sadd.s32 s10, s0  }
0xc: {  	s8 =	sadd.s32 s8, s9;
	s12 =	smul.u32 $0x2710, s20;
	s1 =	ssub.s32 s1, s21  }
0xd: {  	s11 =	sadd.s32 s11, s2;
	s9 =	sor.u32 $0x1C06, s23;
	s21 =	simm.s32 $0x50  }
0xe: {  	s23 =	simm.s32 $0x2A00;
	s8 =	sshrl.u32 s8, $0x3;
	s22 =	sadd.s32 $0xA08400, s10  }
0xf: {  	s26 =	smax.u32 s1, $0x1;
	s17 =	sshrl.u32 s11, $0x3;
	s1 =	simm.s32 $0x0  }
0x10: {  	s0 =	sadd.s32 s8, s0;
	[dreg:$0x3] =	wrdreg s22;
	s24 =	sshrl.u32 s12, $0x3  }
0x11: {  	s8 =	smul.u32 $0x27100, s20;
	s13 =	sadd.s32 $0x50, s12;
	s14 =	sadd.s32 $0xA0, s12  }
0x12: {  	[dreg:$0x8] =	wrdreg s26;
	s20 =	simm.s32 $0x3;
	s25 =	sadd.s32 s6, s24  }
0x13: {  	s22 =	simm.s32 $0x200;
	s10 =	sadd.s32 s7, s24;
	[dreg:$0x4] =	wrdreg s25  }
0x14: {  	s26 =	simm.s32 $0x5200;
	s0 =	sadd.s32 $0xA30400, s0;
	[dreg:$0x5] =	wrdreg s10  }
0x15: {  	s24 =	simm.s32 $0x100;
	s8 =	sadd.s32 s5, s8;
	[dreg:$0x7] =	wrdreg s0  }
0x16: {  	s25 =	simm.s32 $0x180;
	s0 =	simm.s32 $0x5;
	[dreg:$0x6] =	wrdreg s8  }
.LBB2_1:
0x17: {  	s8 =	rddreg [dreg:$0x3]  }
0x18: {  	[spmem:s17], [sflag:s9] =	dma.local [hbm:s8], $0x2800  }
0x19: {  	_ =	swait.ge [sflag:s18], $0x2800  }
0x1a: {  	[sflag:s18] =	ssyncset.done $0x0  }
0x1b: {  	[sflag:s18] =	ssyncadd.s32 $0xFFFFD800  }
0x1c: {  	[bflag:$0x0] =	sbarrier.arrive $0xFFFF  }
0x1d: {  	s11 =	rddreg [dreg:$0x4]  }
0x1e: {  	[tilespmem:s3], [sflag:$0x3] =	stream.linear.gather [hbm4b:s11+s3], $0x50, $0x38;
	[tilespmem:$0x1E200] =	vst v63  }
0x1f: {  	s12 =	rddreg [dreg:$0x5]  }
0x20: {  	[tilespmem:s19], [sflag:$0x3] =	stream.linear.gather [hbm4b:s12+s3], $0x50, $0x38;
	[tilespmem:$0x1E200] =	vst v63  }
0x21: {  	_ =	swait.ge [sflag:s20], $0x50  }
0x22: {  	[sflag:s20] =	ssyncset.done $0x0  }
0x23: {  	[sflag:s20] =	ssyncadd.s32 $0xFFFFFFB0  }
0x24: {  	_ =	swait.ge [sflag:s20], $0x50  }
0x25: {  	[sflag:s20] =	ssyncset.done $0x0  }
0x26: {  	[sflag:s20] =	ssyncadd.s32 $0xFFFFFFB0  }
0x27: {  	[tilespmem:s22], [sflag:$0x1] =	stream.indirect.gather [hbm4b:s4+s21], $0x80, s3, s21, $0xb8;
	[tilespmem:$0x1E200] =	vst v63  }
0x28: {  	s8 =	simm.s32 $0x0;
	s15 =	rddreg [dreg:$0x6]  }
0x29: {  	[tilespmem:s23], [sflag:$0x1] =	stream.linear.gather [hbm4b:s15+s3], $0x2800, $0x38;
	[tilespmem:$0x1E200] =	vst v63  }
.LBB2_2:
0x2a: {  	p0 =	seq.s32 s8, $0x0;
	s10 =	smul.u32 $0xA0, s8  }
0x2b: {  	s11 =	simm.s32 @!p0 $0x5  }
0x2c: {  	_ =	swait.ge @!p0 [sflag:s11], $0x2800;
	s12 =	sadd.s32 s10, s13  }
0x2d: {  	[sflag:s11] =	ssyncset.done @!p0 $0x0;
	s15 =	sshrl.u32 s12, $0x3  }
0x2e: {  	[sflag:s11] =	ssyncadd.s32 @!p0 $0xFFFFD800;
	s11 =	sadd.s32 s6, s15  }
0x2f: {  	[tilespmem:s24], [sflag:$0x3] =	stream.linear.gather [hbm4b:s11+s16], $0x50, $0x38;
	[tilespmem:$0x1E200] =	vst v63  }
0x30: {  	s15 =	sadd.s32 s7, s15  }
0x31: {  	[tilespmem:s25], [sflag:$0x3] =	stream.linear.gather [hbm4b:s15+s16], $0x50, $0x38;
	[tilespmem:$0x1E200] =	vst v63  }
0x32: {  	_ =	swait.ge [sflag:s20], $0x50  }
0x33: {  	[sflag:s20] =	ssyncset.done $0x0  }
0x34: {  	[sflag:s20] =	ssyncadd.s32 $0xFFFFFFB0  }
0x35: {  	_ =	swait.ge [sflag:s20], $0x50  }
0x36: {  	[sflag:s20] =	ssyncset.done $0x0  }
0x37: {  	s15 =	sshll.u32 s12, $0x4;
	[sflag:s20] =	ssyncadd.s32 $0xFFFFFFB0  }
0x38: {  	[tilespmem:s26], [sflag:$0x2] =	stream.indirect.gather [hbm4b:s4+s21], $0x80, s24, s21, $0xb8;
	[tilespmem:$0x1E200] =	vst v63  }
0x39: {  	s11 =	sadd.s32 s5, s15  }
0x3a: {  	[tilespmem:s28], [sflag:$0x2] =	stream.linear.gather [hbm4b:s11+s16], $0x2800, $0x38;
	[tilespmem:$0x1E200] =	vst v63  }
0x3b: {  	_ =	swait.ge [sflag:s29], $0x2800  }
0x3c: {  	[sflag:s29] =	ssyncset.done $0x0  }
0x3d: {  	[sflag:s29] =	ssyncadd.s32 $0xFFFFD800  }
0x3e: {  	_ =	swait.ge [sflag:s29], $0x2800  }
0x3f: {  	[sflag:s29] =	ssyncset.done $0x0  }
0x40: {  	s11 =	simm.s32 $0x0;
	[sflag:s29] =	ssyncadd.s32 $0xFFFFD800  }
0x41: {  	v6 =	vld [tilespmem:s11+$0x200]  }
0x42: {  	v11 =	vld [tilespmem:s11+$0x210]  }
0x43: {  	v5 =	vld [tilespmem:s11+$0x220]  }
0x44: {  	v4 =	vld [tilespmem:s11+$0x230]  }
0x45: {  	v3 =	vld [tilespmem:s11+$0x240]  }
0x46: {  	v2 =	vld [tilespmem:s11+$0x250]  }
0x47: {  	v1 =	vld [tilespmem:s11+$0x260]  }
0x48: {  	v0 =	vld [tilespmem:s11+$0x270]  }
0x49: {  	v12 =	vld [tilespmem:s11+$0x2A00]  }
0x4a: {  	v13 =	vld [tilespmem:s11+$0x2A10]  }
0x4b: {  	v10 =	vld [tilespmem:s11+$0x2A20]  }
0x4c: {  	v9 =	vld [tilespmem:s11+$0x2A30]  }
0x4d: {  	v8 =	vld [tilespmem:s11+$0x2A40]  }
0x4e: {  	v7 =	vld [tilespmem:s11+$0x2A50];
	v12 =	vadd.f32 v12, v6  }
0x4f: {  	s12 =	simm.s32 $0x200;
	v11 =	vadd.f32 v13, v11;
	v6 =	vld [tilespmem:s11+$0x2A60]  }
.LBB2_3:
0x50: {  	s15 =	sshra.s32 s12, $0x2;
	p0 =	sne.s32 s12, $0x9E00;
	v12 =	vmax.f32 v12, $0.0e+00;
	v5 =	vadd.f32 v10, v5;
	v10 =	vld [tilespmem:s11+$0x2A70]  }
0x51: {  	v13 =	vld [tilespmem:s15+$0x200];
	[tilespmem:s11+$0x2A00] =	vst v12;
	v11 =	vmax.f32 v11, $0.0e+00;
	v4 =	vadd.f32 v9, v4  }
0x52: {  	v14 =	vld [tilespmem:s15+$0x210];
	[tilespmem:s11+$0x2A10] =	vst v11;
	v9 =	vmax.f32 v5, $0.0e+00;
	v3 =	vadd.f32 v8, v3  }
0x53: {  	v5 =	vld [tilespmem:s15+$0x220];
	[tilespmem:s11+$0x2A20] =	vst v9;
	v8 =	vmax.f32 v4, $0.0e+00;
	v2 =	vadd.f32 v7, v2  }
0x54: {  	v4 =	vld [tilespmem:s15+$0x230];
	[tilespmem:s11+$0x2A30] =	vst v8;
	v7 =	vmax.f32 v3, $0.0e+00;
	v1 =	vadd.f32 v6, v1  }
0x55: {  	v3 =	vld [tilespmem:s15+$0x240];
	[tilespmem:s11+$0x2A40] =	vst v7;
	v6 =	vmax.f32 v2, $0.0e+00;
	v0 =	vadd.f32 v10, v0  }
0x56: {  	v2 =	vld [tilespmem:s15+$0x250];
	[tilespmem:s11+$0x2A50] =	vst v6;
	v6 =	vmax.f32 v1, $0.0e+00  }
0x57: {  	v1 =	vld [tilespmem:s15+$0x260];
	[tilespmem:s11+$0x2A60] =	vst v6;
	v6 =	vmax.f32 v0, $0.0e+00  }
0x58: {  	v0 =	vld [tilespmem:s15+$0x270];
	[tilespmem:s11+$0x2A70] =	vst v6;
	s11 =	smov.u32 s15  }
0x59: {  	v6 =	vld [tilespmem:s11+$0x2A00]  }
0x5a: {  	v11 =	vld [tilespmem:s11+$0x2A10]  }
.Ltmp0:
0x5b: {  	v10 =	vld [tilespmem:s11+$0x2A20];
	(pc) =	sbr.rel @p0 .LBB2_3-.Ltmp0, $4  }
0x5c: {  	v9 =	vld [tilespmem:s11+$0x2A30]  }
0x5d: {  	v8 =	vld [tilespmem:s11+$0x2A40]  }
0x5e: {  	v12 =	vadd.f32 v6, v13;
	v7 =	vld [tilespmem:s11+$0x2A50]  }
0x5f: {  	s12 =	sadd.s32 $0x200, s12;
	v11 =	vadd.f32 v11, v14;
	v6 =	vld [tilespmem:s11+$0x2A60]  }
0x60: {  	v12 =	vmax.f32 v12, $0.0e+00;
	v5 =	vadd.f32 v10, v5;
	v10 =	vld [tilespmem:s11+$0x2A70]  }
0x61: {  	[tilespmem:s11+$0x2A00] =	vst v12;
	v11 =	vmax.f32 v11, $0.0e+00;
	v4 =	vadd.f32 v9, v4  }
0x62: {  	[tilespmem:s11+$0x2A10] =	vst v11;
	v5 =	vmax.f32 v5, $0.0e+00;
	v3 =	vadd.f32 v8, v3  }
0x63: {  	[tilespmem:s11+$0x2A20] =	vst v5;
	v4 =	vmax.f32 v4, $0.0e+00;
	v2 =	vadd.f32 v7, v2  }
0x64: {  	[tilespmem:s11+$0x2A30] =	vst v4;
	v3 =	vmax.f32 v3, $0.0e+00;
	v1 =	vadd.f32 v6, v1  }
0x65: {  	[tilespmem:s11+$0x2A40] =	vst v3;
	v2 =	vmax.f32 v2, $0.0e+00;
	v0 =	vadd.f32 v10, v0  }
0x66: {  	[tilespmem:s11+$0x2A50] =	vst v2;
	v1 =	vmax.f32 v1, $0.0e+00  }
0x67: {  	[tilespmem:s11+$0x2A60] =	vst v1;
	v0 =	vmax.f32 v0, $0.0e+00  }
0x68: {  	[tilespmem:s11+$0x2A70] =	vst v0  }
0x69: {  	[spmem:s2] =	stream.indirect.scatter.add.f32 [tilespmem:s23], [sflag:$0x4], $0x80, s19, s21, $0xb8;
	[tilespmem:$0x1E200] =	vst v63  }
0x6a: {  	s10 =	sadd.s32 s10, s14;
	_ =	swait.ge [sflag:s30], $0x2800  }
0x6b: {  	s11 =	sshrl.u32 s10, $0x3;
	[sflag:s30] =	ssyncset.done $0x0  }
0x6c: {  	s15 =	simm.s32 $0x0;
	s12 =	sadd.s32 s6, s11;
	[sflag:s30] =	ssyncadd.s32 $0xFFFFD800  }
0x6d: {  	[tilespmem:s15], [sflag:$0x3] =	stream.linear.gather [hbm4b:s12+s15], $0x50, $0x38;
	[tilespmem:$0x1E200] =	vst v63  }
0x6e: {  	s11 =	sadd.s32 s7, s11  }
0x6f: {  	[tilespmem:s19], [sflag:$0x3] =	stream.linear.gather [hbm4b:s11+s15], $0x50, $0x38;
	[tilespmem:$0x1E200] =	vst v63  }
0x70: {  	_ =	swait.ge [sflag:s20], $0x50  }
0x71: {  	[sflag:s20] =	ssyncset.done $0x0  }
0x72: {  	[sflag:s20] =	ssyncadd.s32 $0xFFFFFFB0  }
0x73: {  	_ =	swait.ge [sflag:s20], $0x50  }
0x74: {  	[sflag:s20] =	ssyncset.done $0x0  }
0x75: {  	s10 =	sshll.u32 s10, $0x4;
	[sflag:s20] =	ssyncadd.s32 $0xFFFFFFB0  }
0x76: {  	[tilespmem:s22], [sflag:$0x1] =	stream.indirect.gather [hbm4b:s4+s21], $0x80, s15, s21, $0xb8;
	[tilespmem:$0x1E200] =	vst v63  }
0x77: {  	s10 =	sadd.s32 s5, s10  }
0x78: {  	[tilespmem:s23], [sflag:$0x1] =	stream.linear.gather [hbm4b:s10+s15], $0x2800, $0x38;
	[tilespmem:$0x1E200] =	vst v63  }
0x79: {  	_ =	swait.ge [sflag:s31], $0x2800  }
0x7a: {  	[sflag:s31] =	ssyncset.done $0x0  }
0x7b: {  	[sflag:s31] =	ssyncadd.s32 $0xFFFFD800  }
0x7c: {  	_ =	swait.ge [sflag:s31], $0x2800  }
0x7d: {  	[sflag:s31] =	ssyncset.done $0x0  }
0x7e: {  	s10 =	simm.s32 $0x0;
	[sflag:s31] =	ssyncadd.s32 $0xFFFFD800  }
0x7f: {  	v6 =	vld [tilespmem:s10+$0x5200]  }
0x80: {  	v11 =	vld [tilespmem:s10+$0x5210]  }
0x81: {  	v5 =	vld [tilespmem:s10+$0x5220]  }
0x82: {  	v4 =	vld [tilespmem:s10+$0x5230]  }
0x83: {  	v3 =	vld [tilespmem:s10+$0x5240]  }
0x84: {  	v2 =	vld [tilespmem:s10+$0x5250]  }
0x85: {  	v1 =	vld [tilespmem:s10+$0x5260]  }
0x86: {  	v0 =	vld [tilespmem:s10+$0x5270]  }
0x87: {  	v12 =	vld [tilespmem:s10+$0x7A00]  }
0x88: {  	v13 =	vld [tilespmem:s10+$0x7A10]  }
0x89: {  	v10 =	vld [tilespmem:s10+$0x7A20]  }
0x8a: {  	v9 =	vld [tilespmem:s10+$0x7A30]  }
0x8b: {  	v8 =	vld [tilespmem:s10+$0x7A40]  }
0x8c: {  	v7 =	vld [tilespmem:s10+$0x7A50];
	v12 =	vadd.f32 v12, v6  }
0x8d: {  	s11 =	simm.s32 $0x200;
	v11 =	vadd.f32 v13, v11;
	v6 =	vld [tilespmem:s10+$0x7A60]  }
.LBB2_5:
0x8e: {  	s12 =	sshra.s32 s11, $0x2;
	p0 =	sne.s32 s11, $0x9E00;
	v12 =	vmax.f32 v12, $0.0e+00;
	v5 =	vadd.f32 v10, v5;
	v10 =	vld [tilespmem:s10+$0x7A70]  }
0x8f: {  	v13 =	vld [tilespmem:s12+$0x5200];
	[tilespmem:s10+$0x7A00] =	vst v12;
	v11 =	vmax.f32 v11, $0.0e+00;
	v4 =	vadd.f32 v9, v4  }
0x90: {  	v14 =	vld [tilespmem:s12+$0x5210];
	[tilespmem:s10+$0x7A10] =	vst v11;
	v9 =	vmax.f32 v5, $0.0e+00;
	v3 =	vadd.f32 v8, v3  }
0x91: {  	v5 =	vld [tilespmem:s12+$0x5220];
	[tilespmem:s10+$0x7A20] =	vst v9;
	v8 =	vmax.f32 v4, $0.0e+00;
	v2 =	vadd.f32 v7, v2  }
0x92: {  	v4 =	vld [tilespmem:s12+$0x5230];
	[tilespmem:s10+$0x7A30] =	vst v8;
	v7 =	vmax.f32 v3, $0.0e+00;
	v1 =	vadd.f32 v6, v1  }
0x93: {  	v3 =	vld [tilespmem:s12+$0x5240];
	[tilespmem:s10+$0x7A40] =	vst v7;
	v6 =	vmax.f32 v2, $0.0e+00;
	v0 =	vadd.f32 v10, v0  }
0x94: {  	v2 =	vld [tilespmem:s12+$0x5250];
	[tilespmem:s10+$0x7A50] =	vst v6;
	v6 =	vmax.f32 v1, $0.0e+00  }
0x95: {  	v1 =	vld [tilespmem:s12+$0x5260];
	[tilespmem:s10+$0x7A60] =	vst v6;
	v6 =	vmax.f32 v0, $0.0e+00  }
0x96: {  	v0 =	vld [tilespmem:s12+$0x5270];
	[tilespmem:s10+$0x7A70] =	vst v6;
	s10 =	smov.u32 s12  }
0x97: {  	v6 =	vld [tilespmem:s10+$0x7A00]  }
0x98: {  	v11 =	vld [tilespmem:s10+$0x7A10]  }
.Ltmp1:
0x99: {  	v10 =	vld [tilespmem:s10+$0x7A20];
	(pc) =	sbr.rel @p0 .LBB2_5-.Ltmp1, $4  }
0x9a: {  	v9 =	vld [tilespmem:s10+$0x7A30]  }
0x9b: {  	v8 =	vld [tilespmem:s10+$0x7A40]  }
0x9c: {  	v12 =	vadd.f32 v6, v13;
	v7 =	vld [tilespmem:s10+$0x7A50]  }
0x9d: {  	s11 =	sadd.s32 $0x200, s11;
	v11 =	vadd.f32 v11, v14;
	v6 =	vld [tilespmem:s10+$0x7A60]  }
0x9e: {  	v12 =	vmax.f32 v12, $0.0e+00;
	v5 =	vadd.f32 v10, v5;
	v63 =	vld [tilespmem:s10+$0x7A70]  }
0x9f: {  	[tilespmem:s10+$0x7A00] =	vst v12;
	v11 =	vmax.f32 v11, $0.0e+00;
	v4 =	vadd.f32 v9, v4  }
0xa0: {  	[tilespmem:s10+$0x7A10] =	vst v11;
	v5 =	vmax.f32 v5, $0.0e+00;
	v3 =	vadd.f32 v8, v3  }
0xa1: {  	s8 =	sadd.s32 $0x1, s8;
	[tilespmem:s10+$0x7A20] =	vst v5;
	v4 =	vmax.f32 v4, $0.0e+00;
	v2 =	vadd.f32 v7, v2  }
0xa2: {  	p0 =	sne.s32 s8, $0x3E;
	[tilespmem:s10+$0x7A30] =	vst v4;
	v3 =	vmax.f32 v3, $0.0e+00;
	v1 =	vadd.f32 v6, v1  }
.Ltmp2:
0xa3: {  	[tilespmem:s10+$0x7A40] =	vst v3;
	v2 =	vmax.f32 v2, $0.0e+00;
	v0 =	vadd.f32 v63, v0;
	(pc) =	sbr.rel @p0 .LBB2_2-.Ltmp2, $4  }
0xa4: {  	[tilespmem:s10+$0x7A50] =	vst v2;
	v1 =	vmax.f32 v1, $0.0e+00  }
0xa5: {  	[tilespmem:s10+$0x7A60] =	vst v1;
	v0 =	vmax.f32 v0, $0.0e+00  }
0xa6: {  	[tilespmem:s10+$0x7A70] =	vst v0  }
0xa7: {  	[spmem:s2] =	stream.indirect.scatter.add.f32 [tilespmem:s28], [sflag:$0x5], $0x80, s25, s21, $0xb8;
	[tilespmem:$0x1E200] =	vst v63  }
0xa8: {  	_ =	swait.ge [sflag:s29], $0x2800  }
0xa9: {  	[sflag:s29] =	ssyncset.done $0x0  }
0xaa: {  	[sflag:s29] =	ssyncadd.s32 $0xFFFFD800  }
0xab: {  	_ =	swait.ge [sflag:s29], $0x2800  }
0xac: {  	[sflag:s29] =	ssyncset.done $0x0  }
0xad: {  	s8 =	simm.s32 $0x0;
	[sflag:s29] =	ssyncadd.s32 $0xFFFFD800  }
0xae: {  	v6 =	vld [tilespmem:s8+$0x200]  }
0xaf: {  	v11 =	vld [tilespmem:s8+$0x210]  }
0xb0: {  	v5 =	vld [tilespmem:s8+$0x220]  }
0xb1: {  	v4 =	vld [tilespmem:s8+$0x230]  }
0xb2: {  	v3 =	vld [tilespmem:s8+$0x240]  }
0xb3: {  	v2 =	vld [tilespmem:s8+$0x250]  }
0xb4: {  	v1 =	vld [tilespmem:s8+$0x260]  }
0xb5: {  	v0 =	vld [tilespmem:s8+$0x270]  }
0xb6: {  	v12 =	vld [tilespmem:s8+$0x2A00]  }
0xb7: {  	v13 =	vld [tilespmem:s8+$0x2A10]  }
0xb8: {  	v10 =	vld [tilespmem:s8+$0x2A20]  }
0xb9: {  	v9 =	vld [tilespmem:s8+$0x2A30]  }
0xba: {  	v8 =	vld [tilespmem:s8+$0x2A40]  }
0xbb: {  	v7 =	vld [tilespmem:s8+$0x2A50];
	v12 =	vadd.f32 v12, v6  }
0xbc: {  	s10 =	simm.s32 $0x200;
	v11 =	vadd.f32 v13, v11;
	v6 =	vld [tilespmem:s8+$0x2A60]  }
.LBB2_8:
0xbd: {  	s11 =	sshra.s32 s10, $0x2;
	p0 =	sne.s32 s10, $0x9E00;
	v12 =	vmax.f32 v12, $0.0e+00;
	v5 =	vadd.f32 v10, v5;
	v10 =	vld [tilespmem:s8+$0x2A70]  }
0xbe: {  	v13 =	vld [tilespmem:s11+$0x200];
	[tilespmem:s8+$0x2A00] =	vst v12;
	v11 =	vmax.f32 v11, $0.0e+00;
	v4 =	vadd.f32 v9, v4  }
0xbf: {  	v14 =	vld [tilespmem:s11+$0x210];
	[tilespmem:s8+$0x2A10] =	vst v11;
	v9 =	vmax.f32 v5, $0.0e+00;
	v3 =	vadd.f32 v8, v3  }
0xc0: {  	v5 =	vld [tilespmem:s11+$0x220];
	[tilespmem:s8+$0x2A20] =	vst v9;
	v8 =	vmax.f32 v4, $0.0e+00;
	v2 =	vadd.f32 v7, v2  }
0xc1: {  	v4 =	vld [tilespmem:s11+$0x230];
	[tilespmem:s8+$0x2A30] =	vst v8;
	v7 =	vmax.f32 v3, $0.0e+00;
	v1 =	vadd.f32 v6, v1  }
0xc2: {  	v3 =	vld [tilespmem:s11+$0x240];
	[tilespmem:s8+$0x2A40] =	vst v7;
	v6 =	vmax.f32 v2, $0.0e+00;
	v0 =	vadd.f32 v10, v0  }
0xc3: {  	v2 =	vld [tilespmem:s11+$0x250];
	[tilespmem:s8+$0x2A50] =	vst v6;
	v6 =	vmax.f32 v1, $0.0e+00  }
0xc4: {  	v1 =	vld [tilespmem:s11+$0x260];
	[tilespmem:s8+$0x2A60] =	vst v6;
	v6 =	vmax.f32 v0, $0.0e+00  }
0xc5: {  	v0 =	vld [tilespmem:s11+$0x270];
	[tilespmem:s8+$0x2A70] =	vst v6;
	s8 =	smov.u32 s11  }
0xc6: {  	v6 =	vld [tilespmem:s8+$0x2A00]  }
0xc7: {  	v11 =	vld [tilespmem:s8+$0x2A10]  }
.Ltmp3:
0xc8: {  	v10 =	vld [tilespmem:s8+$0x2A20];
	(pc) =	sbr.rel @p0 .LBB2_8-.Ltmp3, $4  }
0xc9: {  	v9 =	vld [tilespmem:s8+$0x2A30]  }
0xca: {  	v8 =	vld [tilespmem:s8+$0x2A40]  }
0xcb: {  	v12 =	vadd.f32 v6, v13;
	v7 =	vld [tilespmem:s8+$0x2A50]  }
0xcc: {  	s10 =	sadd.s32 $0x200, s10;
	v11 =	vadd.f32 v11, v14;
	v6 =	vld [tilespmem:s8+$0x2A60]  }
0xcd: {  	v12 =	vmax.f32 v12, $0.0e+00;
	v5 =	vadd.f32 v10, v5;
	v63 =	vld [tilespmem:s8+$0x2A70]  }
0xce: {  	[tilespmem:s8+$0x2A00] =	vst v12;
	v11 =	vmax.f32 v11, $0.0e+00;
	v4 =	vadd.f32 v9, v4  }
0xcf: {  	[tilespmem:s8+$0x2A10] =	vst v11;
	v5 =	vmax.f32 v5, $0.0e+00;
	v3 =	vadd.f32 v8, v3  }
0xd0: {  	[tilespmem:s8+$0x2A20] =	vst v5;
	v4 =	vmax.f32 v4, $0.0e+00;
	v2 =	vadd.f32 v7, v2  }
0xd1: {  	[tilespmem:s8+$0x2A30] =	vst v4;
	v3 =	vmax.f32 v3, $0.0e+00;
	v1 =	vadd.f32 v6, v1  }
0xd2: {  	[tilespmem:s8+$0x2A40] =	vst v3;
	v2 =	vmax.f32 v2, $0.0e+00;
	v0 =	vadd.f32 v63, v0  }
0xd3: {  	[tilespmem:s8+$0x2A50] =	vst v2;
	v1 =	vmax.f32 v1, $0.0e+00  }
0xd4: {  	[tilespmem:s8+$0x2A60] =	vst v1;
	v0 =	vmax.f32 v0, $0.0e+00  }
0xd5: {  	[tilespmem:s8+$0x2A70] =	vst v0  }
0xd6: {  	_ =	swait.ge [sflag:s0], $0x2800  }
0xd7: {  	[sflag:s0] =	ssyncset.done $0x0  }
0xd8: {  	[sflag:s0] =	ssyncadd.s32 $0xFFFFD800  }
0xd9: {  	[spmem:s2] =	stream.indirect.scatter.add.f32 [tilespmem:s23], [sflag:$0x6], $0x80, s19, s21, $0xb8;
	[tilespmem:$0x1E200] =	vst v63  }
0xda: {  	_ =	swait.ge [sflag:s18], $0x2800  }
0xdb: {  	[sflag:s18] =	ssyncset.done $0x0  }
0xdc: {  	[sflag:s18] =	ssyncadd.s32 $0xFFFFD800  }
0xdd: {  	[bflag:$0x0] =	sbarrier.arrive $0xFFFF  }
0xde: {  	s12 =	rddreg [dreg:$0x7]  }
0xdf: {  	[hbm:s12], [sflag:s9] =	dma.local [spmem:s17], $0x2800  }
0xe0: {  	_ =	swait.ge [sflag:s18], $0x2800  }
0xe1: {  	s1 =	sadd.s32 $0x1, s1;
	s15 =	rddreg [dreg:$0x8]  }
0xe2: {  	p0 =	sne.s32 s1, s15  }
.Ltmp4:
0xe3: {  	_ = 	snop;
	(pc) =	sbr.rel @p0 .LBB2_1-.Ltmp4, $3  }
0xe4: {  	_ =	sdelay $0x1  }
0xe5: {  	[sflag:s18] =	ssyncset.done $0x0  }
0xe6: {  	[sflag:s18] =	ssyncadd.s32 $0xFFFFD800  }
0xe7: {  	_ =	sfence.sel $0x180000  }
0xe8: {  	[bflag:$0x0] =	sbarrier.arrive $0xFFFF  }
0xe9: {  	_ =	strace $0x9000004A  }
0xea: {  	s0 =	stileid.u32;
	[bflag:$0x2] =	sbarrier.arrive $0xFFFF  }
0xeb: {  	p0 =	sne.s32 s0, $0x0;
	s0 =	rddreg [dreg:$0x2]  }
0xec: {  	s0 =	sadd.s32 @!p0 $0x100000, s0  }
0xed: {  	[sflag:s0] =	ssyncadd.tile.s32 @!p0 $0x1;
	_ =	shalt  }
.Lfunc_end2:
_tile_overlayer_lowered:
.L_overlay_start_2:
0xee: {  	(tag) =	ssettag $0x2  }
0xef: {  	s0 =	rddreg [dreg:$0x0];
	s2 =	stileid.u32  }
0xf0: {  	s1 =	rddreg [dreg:$0x1];
	p0 =	sne.s32 s2, $0x0  }
0xf1: {  	s3 =	rddreg [dreg:$0x2];
	[bflag:$0x3] =	sbarrier.arrive $0xFFFF;
	s2 =	simm.s32 @!p0 $0x1C06  }
0xf2: {  	[timem:s3], [sflag:s2] =	dma.local @!p0 [hbm:s0], s1  }
0xf3: {  	s0 =	simm.s32 @!p0 $0x6  }
0xf4: {  	_ =	swait.ge @!p0 [sflag:s0], s1  }
0xf5: {  	s1 =	ssub.s32 @!p0 $0x0, s1;
	[sflag:s0] =	ssyncset.done @!p0 $0x0  }
0xf6: {  	[sflag:s0] =	ssyncadd.s32 @!p0 s1  }
0xf7: {  	[bflag:$0x3] =	sbarrier.arrive $0xFFFF  }
0xf8: {  	_ =	shalt  }

// kernel: kernel.20.cloned.1.call-start
scs
__scs_entry_jumppad:
0x0: {  	(pc) =	sbr.rel $0x88, $3  }
0x1: {  	(tag) =	ssettag $0x0;
	lr =	simm.s32 $0x1  }
0x2: {  	[smem:$0x3F7A] =	sst lr;
	_ =	strace $0xD0000000  }
0x3: {  	_ = 	snop  }
0x4: {  	_ = 	snop  }
0x5: {  	_ = 	snop  }
0x6: {  	_ = 	snop  }
0x7: {  	_ = 	snop  }
__scs_overlays_trampoline_lowered:
0x8: {  	[smem:$0x3F89] =	sst s0  }
0x9: {  	[smem:$0x3F8A] =	sst s1  }
0xa: {  	[smem:$0x3F8B] =	sst s2  }
0xb: {  	[smem:$0x3F8C] =	sst s3  }
0xc: {  	[smem:$0x3F8D] =	sst s4  }
0xd: {  	[smem:$0x3F8E] =	sst s5  }
0xe: {  	[smem:$0x3F8F] =	sst s6  }
0xf: {  	[smem:$0x3F90] =	sst s7  }
0x10: {  	[smem:$0x3F91] =	sst s8  }
0x11: {  	[smem:$0x3F92] =	sst s9;
	s0 =	simm.s32 @!p0 $0x0  }
0x12: {  	s1 =	sld [smem:$0x3F78];
	s0 =	simm.s32 @p0 $0x1  }
0x13: {  	[smem:$0x3F93] =	sst s0;
	s0 =	simm.s32 @!p1 $0x0  }
0x14: {  	s2 =	sld [smem:$0x3F77];
	s0 =	simm.s32 @p1 $0x1  }
0x15: {  	[smem:$0x3F94] =	sst s0;
	s0 =	simm.s32 @!p2 $0x0  }
0x16: {  	s3 =	sld [smem:$0x3FDB];
	s0 =	simm.s32 @p2 $0x1  }
0x17: {  	s4 =	simm.s32 $0x1BF5;
	[smem:$0x3F96] =	sst s0  }
0x18: {  	s0 =	sld [smem:$0x3F79];
	_ =	swait.ge [sflag:s4], $0x0  }
0x19: {  	s7 =	sld [smem:$0x3F7A]  }
0x1a: {  	s8 =	sadd.s32 $0xFFFFE003, lr  }
0x1b: {  	s9 =	sadd.s32 $0xFFFFFEF7, lr;
	s5 =	simm.s32 $0xFFFFFFFF;
	p2 =	slt.u32 s8, $0xFFFFF086  }
0x1c: {  	p1 =	slt.u32 s9, $0xF7A;
	s5 =	simm.s32 @!p2 $0x0  }
0x1d: {  	s5 =	simm.s32 @p1 $0x1;
	p0 =	seq.s32 s7, s2  }
0x1e: {  	s7 =	smul.u32 @!p0 $0xF7A, s2;
	p2 =	seq.s32 @!p0 s5, $0x0  }
0x1f: {  	s9 =	smul.u32 $0xF7A, s1;
	s8 =	simm.s32 @!p0 $0x1BF5;
	p2 =	por !p2, p0  }
0x20: {  	[sflag:s8] =	ssyncset.s32 @!p0 $0xFFFFF086;
	s6 =	sadd.s32 @!p0 s3, s7;
	s7 =	simm.s32 @!p0 $0x108  }
0x21: {  	s3 =	sadd.s32 s3, s9;
	s6 =	sadd.s32 @!p0 $0x88, s6;
	s7 =	simm.s32 @p2 $0x1082  }
0x22: {  	[simem:s7], [sflag:s8] =	dma.local @!p0 [hbm:s6], $0xF7A  }
0x23: {  	s9 =	sor.u32 $0xD0000000, s2;
	s6 =	simm.s32 $0x108;
	_ =	swait.ge @!p0 [sflag:s8], $0x0  }
0x24: {  	s3 =	sadd.s32 $0x88, s3;
	s6 =	simm.s32 @!p1 $0x1082;
	[sflag:s4] =	ssyncset.s32 $0xFFFFF086  }
0x25: {  	[simem:s6], [sflag:s4] =	dma.local [hbm:s3], $0xF7A  }
0x26: {  	[smem:$0x3F7A] =	sst s1;
	(tag) =	ssettag s2;
	_ =	strace s9  }
0x27: {  	s1 =	sld [smem:$0x3F8A]  }
0x28: {  	s2 =	sld [smem:$0x3F8B]  }
0x29: {  	s4 =	sld [smem:$0x3F8D]  }
0x2a: {  	p0 =	seq.s32 s5, $0x0;
	s5 =	sld [smem:$0x3F8E]  }
0x2b: {  	s6 =	sld [smem:$0x3F8F]  }
0x2c: {  	s7 =	sld [smem:$0x3F90]  }
0x2d: {  	s3 =	simm.s32 $0x108;
	s8 =	sld [smem:$0x3F91]  }
0x2e: {  	s3 =	simm.s32 @!p0 $0x1082;
	s9 =	sld [smem:$0x3F92]  }
0x2f: {  	lr =	sadd.s32 s0, s3;
	s0 =	sld [smem:$0x3F89]  }
0x30: {  	s3 =	sld [smem:$0x3F8C]  }
0x31: {  	[smem:$0x3F95] =	sst s10  }
0x32: {  	s10 =	sld [smem:$0x3F93];
	_ =	sdelay $0x3  }
0x33: {  	p0 =	seq.s32 s10, $0x1;
	s10 =	sld [smem:$0x3F95];
	_ =	sdelay $0x3  }
0x34: {  	[smem:$0x3F95] =	sst s10  }
0x35: {  	s10 =	sld [smem:$0x3F94];
	_ =	sdelay $0x3  }
0x36: {  	p1 =	seq.s32 s10, $0x1;
	s10 =	sld [smem:$0x3F95];
	_ =	sdelay $0x3  }
0x37: {  	[smem:$0x3F95] =	sst s10  }
0x38: {  	s10 =	sld [smem:$0x3F96]  }
0x39: {  	_ = 	snop;
	(pc) =	sbr.ind lr, $3  }
0x3a: {  	_ = 	snop  }
0x3b: {  	_ = 	snop  }
0x3c: {  	p2 =	seq.s32 s10, $0x1;
	s10 =	sld [smem:$0x3F95]  }
0x3d: {  	_ =	shalt  }
0x3e: {  	_ =	shalt  }
0x3f: {  	_ =	shalt  }
0x40: {  	_ =	shalt  }
0x41: {  	_ =	shalt  }
0x42: {  	_ =	shalt  }
0x43: {  	_ =	shalt  }
0x44: {  	_ =	shalt  }
0x45: {  	_ =	shalt  }
0x46: {  	_ =	shalt  }
0x47: {  	_ =	shalt  }
0x48: {  	_ =	shalt  }
0x49: {  	_ =	shalt  }
0x4a: {  	_ =	shalt  }
0x4b: {  	_ =	shalt  }
0x4c: {  	_ =	shalt  }
0x4d: {  	_ =	shalt  }
0x4e: {  	_ =	shalt  }
0x4f: {  	_ =	shalt  }
0x50: {  	_ =	shalt  }
0x51: {  	_ =	shalt  }
0x52: {  	_ =	shalt  }
0x53: {  	_ =	shalt  }
0x54: {  	_ =	shalt  }
0x55: {  	_ =	shalt  }
0x56: {  	_ =	shalt  }
0x57: {  	_ =	shalt  }
0x58: {  	_ =	shalt  }
0x59: {  	_ =	shalt  }
0x5a: {  	_ =	shalt  }
0x5b: {  	_ =	shalt  }
0x5c: {  	_ =	shalt  }
0x5d: {  	_ =	shalt  }
0x5e: {  	_ =	shalt  }
0x5f: {  	_ =	shalt  }
0x60: {  	_ =	shalt  }
0x61: {  	_ =	shalt  }
0x62: {  	_ =	shalt  }
0x63: {  	_ =	shalt  }
0x64: {  	_ =	shalt  }
0x65: {  	_ =	shalt  }
0x66: {  	_ =	shalt  }
0x67: {  	_ =	shalt  }
0x68: {  	_ =	shalt  }
0x69: {  	_ =	shalt  }
0x6a: {  	_ =	shalt  }
0x6b: {  	_ =	shalt  }
0x6c: {  	_ =	shalt  }
0x6d: {  	_ =	shalt  }
0x6e: {  	_ =	shalt  }
0x6f: {  	_ =	shalt  }
0x70: {  	_ =	shalt  }
0x71: {  	_ =	shalt  }
0x72: {  	_ =	shalt  }
0x73: {  	_ =	shalt  }
0x74: {  	_ =	shalt  }
0x75: {  	_ =	shalt  }
0x76: {  	_ =	shalt  }
0x77: {  	_ =	shalt  }
0x78: {  	_ =	shalt  }
0x79: {  	_ =	shalt  }
0x7a: {  	_ =	shalt  }
0x7b: {  	_ =	shalt  }
0x7c: {  	_ =	shalt  }
0x7d: {  	_ =	shalt  }
0x7e: {  	_ =	shalt  }
0x7f: {  	_ =	shalt  }
0x80: {  	_ =	shalt  }
0x81: {  	_ =	shalt  }
0x82: {  	_ =	shalt  }
0x83: {  	_ =	shalt  }
0x84: {  	_ =	shalt  }
0x85: {  	_ =	shalt  }
0x86: {  	_ =	shalt  }
0x87: {  	_ =	shalt  }
.Lfunc_end0:
.L_simem_size_0:
called_computation.2_lowered:
.L_overlay_start_0:
0x88: {  	s2 =	sld [smem:$0x3FD9]  }
0x89: {  	s3 =	sld [smem:$0x3FFE];
	_ =	sdelay $0x1  }
0x8a: {  	s1 =	srdreg.scid  }
0x8b: {  	s0 =	sand.u32 $0x1, s1  }
0x8c: {  	s16 =	sshll.u32 s0, $0xA;
	s2 =	sadd.s32 s3, s2  }
0x8d: {  	s2 =	sadd.s32 s2, s16  }
0x8e: {  	[smem:$0x3FA1] =	sst s2  }
0x8f: {  	_ = 	snop  }
0x90: {  	(tm) =	ssettm $0x1  }
0x91: {  	s17 =	sld [smem:$0x3FFB];
	_ =	sdelay $0x3  }
0x92: {  	_ =	strace s17  }
0x93: {  	s2 =	sld [smem:$0x3FFC];
	_ =	sdelay $0x3  }
0x94: {  	_ =	strace s2  }
0x95: {  	s2 =	sld [smem:$0x3FFD];
	_ =	sdelay $0x3  }
0x96: {  	_ =	strace s2  }
0x97: {  	_ =	strace $0x8FFFFFFF  }
0x98: {  	s18 =	sld [smem:$0x3FDB];
	_ =	sdelay $0x1  }
0x99: {  	s19 =	simm.s32 $_scs_section_size  }
0x9a: {  	s4 =	simm.s32 $_size__tile_overlayer_lowered;
	s5 =	simm.s32 $_tile_overlayer_lowered  }
0x9b: {  	s22 =	simm.s32 $0x1BFF;
	s21 =	sshll.u32 s5, $0x1;
	s2 =	sadd.s32 s19, s18  }
0x9c: {  	s6 =	simm.s32 $0x0;
	s20 =	sshll.u32 s4, $0x1;
	s4 =	sadd.s32 s21, s2  }
0x9d: {  	[timem:s6], [sflag:s22] =	dma.local [hbm:s4], s20  }
0x9e: {  	_ =	swait.ge [sflag:s22], s20  }
0x9f: {  	s3 =	ssub.s32 $0x0, s20;
	[sflag:s22] =	ssyncset.done $0x0  }
0xa0: {  	[sflag:s22] =	ssyncadd.s32 s3;
	_ =	sdelay $0x1  }
0xa1: {  	s23 =	simm.s32 $0x1B8B  }
0xa2: {  	_ =	swait.ge [sflag:s23], $0x1  }
0xa3: {  	[sflag:s23] =	ssyncset.done $0x0  }
0xa4: {  	s25 =	simm.s32 $0x1B8E;
	s24 =	sld [smem:$0x3FFE];
	[sflag:s23] =	ssyncadd.s32 $0xFFFFFFFF  }
0xa5: {  	s26 =	simm.s32 $execute0_lowered;
	[smem:$0x3FD2] =	sst s25  }
0xa6: {  	s4 =	sshll.u32 s26, $0x1;
	_ =	strace $0x8000004C;
	[dreg:$0x1] =	wrdreg $0xFFFFFFFF  }
0xa7: {  	s28 =	simm.s32 $_size_execute0_lowered;
	s2 =	sadd.s32 s2, s4;
	[dreg:$0x0] =	wrdreg $0x0  }
0xa8: {  	s4 =	sshll.u32 s28, $0x1;
	[dreg:$0x2] =	wrdreg s2  }
0xa9: {  	[dreg:$0x3] =	wrdreg s4  }
0xaa: {  	[dreg:$0x4] =	wrdreg $0xC0  }
0xab: {  	_ =	task [dreg:s6], $0x5FFFF  }
0xac: {  	[dreg:$0x1] =	wrdreg $0xFFFFFFFF  }
0xad: {  	[dreg:$0x0] =	wrdreg $0x60  }
0xae: {  	[dreg:$0x2] =	wrdreg s24  }
0xaf: {  	[dreg:$0x3] =	wrdreg $0xA2000  }
0xb0: {  	[dreg:$0x4] =	wrdreg $0x9  }
0xb1: {  	_ =	task.clear_ibuf [dreg:s6], $0x5FFFF;
	_ =	strace $0x9000004C  }
0xb2: {  	s29 =	simm.s32 $0x9;
	_ =	strace $0x8000004E  }
0xb3: {  	_ =	swait.ge [sflag:s29], $0x1  }
0xb4: {  	[sflag:s29] =	ssyncadd.s32 $0xFFFFFFFF  }
0xb5: {  	_ =	strace $0x9000004E  }
0xb6: {  	_ =	sfence  }
0xb7: {  	s30 =	sld [smem:$0x0];
	_ =	sdelay $0x2  }
0xb8: {  	s31 =	sshll.u32 s1, $0xD;
	s1 =	sshrl.u32 s1, $0x2  }
0xb9: {  	s3 =	sand.u32 $0x4000, s31;
	s1 =	sadd.s32 s1, s30  }
0xba: {  	s0 =	sor.u32 s3, s0;
	s1 =	sshll.u32 s1, $0x11  }
0xbb: {  	s0 =	sor.u32 s1, s0  }
0xbc: {  	s0 =	sadd.s32 $0x8F2B, s0  }
0xbd: {  	[sflag:s0] =	ssyncadd.remote.s32 $0x1  }
0xbe: {  	_ =	sfence.sel $0xFFFF  }
0xbf: {  	[dreg:$0x0] =	wrdreg $0xFFFFFFFF;
	(pc) =	sbr.abs _section_cstart, $3  }
0xc0: {  	[dreg:$0x1] =	wrdreg $0xFFFFFFFF  }
0xc1: {  	_ =	task.clear_ibuf [dreg:s6], $0x2FFFF;
	_ =	strace $0x9FFFFFFF  }
0xc2: {  	(tm) =	ssettm $0x7FFFFFFF  }
0xc3: {  	_ =	shalt  }
tec
execute0_lowered:
.L_overlay_start_1:
0x0: {  	(tag) =	ssettag $0x1  }
0x1: {  	s0 =	rddreg [dreg:$0x0]  }
0x2: {  	s2 =	rddreg [dreg:$0x1];
	s3 =	simm.s32 $0x0  }
0x3: {  	s13 =	stileid.u32;
	s1 =	srdreg.scid;
	s18 =	simm.s32 $0x6  }
0x4: {  	s28 =	simm.s32 $0x7A00;
	s29 =	simm.s32 $0x1;
	s30 =	simm.s32 $0x4  }
0x5: {  	s31 =	simm.s32 $0x2;
	[smem:$0x7FF] =	sst s3;
	s8 =	smul.u32 $0x14000, s13  }
0x6: {  	s16 =	simm.s32 $0x0;
	s4 =	sadd.s32 $0xA30400, s0;
	s5 =	sadd.s32 $0xA80400, s0  }
0x7: {  	s1 =	sand.u32 $0x1, s1;
	s6 =	sadd.s32 $0x9FE600, s0;
	s7 =	sadd.s32 $0x9F4800, s0  }
0x8: {  	s11 =	smul.u32 $0x50000, s13;
	s23 =	sshll.u32 s13, $0x6;
	_ =	strace $0x8000004D  }
0x9: {  	s9 =	smul.u32 $0x140000, s1;
	s19 =	sshll.u32 s1, $0x4;
	s1 =	ssub.s32 $0x2, s1  }
0xa: {  	s10 =	sshrl.u32 s8, $0x3;
	s20 =	sor.u32 s13, s19;
	s21 =	sshrl.u32 s1, $0x1  }
0xb: {  	s11 =	sshrl.u32 s11, $0x2;
	s19 =	simm.s32 $0x80;
	s10 =	sadd.s32 s10, s0  }
0xc: {  	s8 =	sadd.s32 s8, s9;
	s12 =	smul.u32 $0x2710, s20;
	s1 =	ssub.s32 s1, s21  }
0xd: {  	s11 =	sadd.s32 s11, s2;
	s9 =	sor.u32 $0x1C06, s23;
	s21 =	simm.s32 $0x50  }
0xe: {  	s23 =	simm.s32 $0x2A00;
	s8 =	sshrl.u32 s8, $0x3;
	s22 =	sadd.s32 $0xA08400, s10  }
0xf: {  	s26 =	smax.u32 s1, $0x1;
	s17 =	sshrl.u32 s11, $0x3;
	s1 =	simm.s32 $0x0  }
0x10: {  	s0 =	sadd.s32 s8, s0;
	[dreg:$0x3] =	wrdreg s22;
	s24 =	sshrl.u32 s12, $0x3  }
0x11: {  	s8 =	smul.u32 $0x27100, s20;
	s13 =	sadd.s32 $0x50, s12;
	s14 =	sadd.s32 $0xA0, s12  }
0x12: {  	[dreg:$0x8] =	wrdreg s26;
	s20 =	simm.s32 $0x3;
	s25 =	sadd.s32 s6, s24  }
0x13: {  	s22 =	simm.s32 $0x200;
	s10 =	sadd.s32 s7, s24;
	[dreg:$0x4] =	wrdreg s25  }
0x14: {  	s26 =	simm.s32 $0x5200;
	s0 =	sadd.s32 $0x5800, s0;
	[dreg:$0x5] =	wrdreg s10  }
0x15: {  	s24 =	simm.s32 $0x100;
	s8 =	sadd.s32 s5, s8;
	[dreg:$0x7] =	wrdreg s0  }
0x16: {  	s25 =	simm.s32 $0x180;
	s0 =	simm.s32 $0x5;
	[dreg:$0x6] =	wrdreg s8  }
.LBB2_1:
0x17: {  	s8 =	rddreg [dreg:$0x3]  }
0x18: {  	[spmem:s17], [sflag:s9] =	dma.local [hbm:s8], $0x2800  }
0x19: {  	_ =	swait.ge [sflag:s18], $0x2800  }
0x1a: {  	[sflag:s18] =	ssyncset.done $0x0  }
0x1b: {  	[sflag:s18] =	ssyncadd.s32 $0xFFFFD800  }
0x1c: {  	[bflag:$0x0] =	sbarrier.arrive $0xFFFF  }
0x1d: {  	s11 =	rddreg [dreg:$0x4]  }
0x1e: {  	[tilespmem:s3], [sflag:$0x3] =	stream.linear.gather [hbm4b:s11+s3], $0x50, $0x38;
	[tilespmem:$0x1E200] =	vst v63  }
0x1f: {  	s12 =	rddreg [dreg:$0x5]  }
0x20: {  	[tilespmem:s19], [sflag:$0x3] =	stream.linear.gather [hbm4b:s12+s3], $0x50, $0x38;
	[tilespmem:$0x1E200] =	vst v63  }
0x21: {  	_ =	swait.ge [sflag:s20], $0x50  }
0x22: {  	[sflag:s20] =	ssyncset.done $0x0  }
0x23: {  	[sflag:s20] =	ssyncadd.s32 $0xFFFFFFB0  }
0x24: {  	_ =	swait.ge [sflag:s20], $0x50  }
0x25: {  	[sflag:s20] =	ssyncset.done $0x0  }
0x26: {  	[sflag:s20] =	ssyncadd.s32 $0xFFFFFFB0  }
0x27: {  	[tilespmem:s22], [sflag:$0x1] =	stream.indirect.gather [hbm4b:s4+s21], $0x80, s3, s21, $0xb8;
	[tilespmem:$0x1E200] =	vst v63  }
0x28: {  	s8 =	simm.s32 $0x0;
	s15 =	rddreg [dreg:$0x6]  }
0x29: {  	[tilespmem:s23], [sflag:$0x1] =	stream.linear.gather [hbm4b:s15+s3], $0x2800, $0x38;
	[tilespmem:$0x1E200] =	vst v63  }
.LBB2_2:
0x2a: {  	p0 =	seq.s32 s8, $0x0;
	s10 =	smul.u32 $0xA0, s8  }
0x2b: {  	s11 =	simm.s32 @!p0 $0x5  }
0x2c: {  	_ =	swait.ge @!p0 [sflag:s11], $0x2800;
	s12 =	sadd.s32 s10, s13  }
0x2d: {  	[sflag:s11] =	ssyncset.done @!p0 $0x0;
	s15 =	sshrl.u32 s12, $0x3  }
0x2e: {  	[sflag:s11] =	ssyncadd.s32 @!p0 $0xFFFFD800;
	s11 =	sadd.s32 s6, s15  }
0x2f: {  	[tilespmem:s24], [sflag:$0x3] =	stream.linear.gather [hbm4b:s11+s16], $0x50, $0x38;
	[tilespmem:$0x1E200] =	vst v63  }
0x30: {  	s15 =	sadd.s32 s7, s15  }
0x31: {  	[tilespmem:s25], [sflag:$0x3] =	stream.linear.gather [hbm4b:s15+s16], $0x50, $0x38;
	[tilespmem:$0x1E200] =	vst v63  }
0x32: {  	_ =	swait.ge [sflag:s20], $0x50  }
0x33: {  	[sflag:s20] =	ssyncset.done $0x0  }
0x34: {  	[sflag:s20] =	ssyncadd.s32 $0xFFFFFFB0  }
0x35: {  	_ =	swait.ge [sflag:s20], $0x50  }
0x36: {  	[sflag:s20] =	ssyncset.done $0x0  }
0x37: {  	s15 =	sshll.u32 s12, $0x4;
	[sflag:s20] =	ssyncadd.s32 $0xFFFFFFB0  }
0x38: {  	[tilespmem:s26], [sflag:$0x2] =	stream.indirect.gather [hbm4b:s4+s21], $0x80, s24, s21, $0xb8;
	[tilespmem:$0x1E200] =	vst v63  }
0x39: {  	s11 =	sadd.s32 s5, s15  }
0x3a: {  	[tilespmem:s28], [sflag:$0x2] =	stream.linear.gather [hbm4b:s11+s16], $0x2800, $0x38;
	[tilespmem:$0x1E200] =	vst v63  }
0x3b: {  	_ =	swait.ge [sflag:s29], $0x2800  }
0x3c: {  	[sflag:s29] =	ssyncset.done $0x0  }
0x3d: {  	[sflag:s29] =	ssyncadd.s32 $0xFFFFD800  }
0x3e: {  	_ =	swait.ge [sflag:s29], $0x2800  }
0x3f: {  	[sflag:s29] =	ssyncset.done $0x0  }
0x40: {  	s11 =	simm.s32 $0x0;
	[sflag:s29] =	ssyncadd.s32 $0xFFFFD800  }
0x41: {  	v6 =	vld [tilespmem:s11+$0x200]  }
0x42: {  	v11 =	vld [tilespmem:s11+$0x210]  }
0x43: {  	v5 =	vld [tilespmem:s11+$0x220]  }
0x44: {  	v4 =	vld [tilespmem:s11+$0x230]  }
0x45: {  	v3 =	vld [tilespmem:s11+$0x240]  }
0x46: {  	v2 =	vld [tilespmem:s11+$0x250]  }
0x47: {  	v1 =	vld [tilespmem:s11+$0x260]  }
0x48: {  	v0 =	vld [tilespmem:s11+$0x270]  }
0x49: {  	v12 =	vld [tilespmem:s11+$0x2A00]  }
0x4a: {  	v13 =	vld [tilespmem:s11+$0x2A10]  }
0x4b: {  	v10 =	vld [tilespmem:s11+$0x2A20]  }
0x4c: {  	v9 =	vld [tilespmem:s11+$0x2A30]  }
0x4d: {  	v8 =	vld [tilespmem:s11+$0x2A40]  }
0x4e: {  	v7 =	vld [tilespmem:s11+$0x2A50];
	v12 =	vadd.f32 v12, v6  }
0x4f: {  	s12 =	simm.s32 $0x200;
	v11 =	vadd.f32 v13, v11;
	v6 =	vld [tilespmem:s11+$0x2A60]  }
.LBB2_3:
0x50: {  	s15 =	sshra.s32 s12, $0x2;
	p0 =	sne.s32 s12, $0x9E00;
	v12 =	vmax.f32 v12, $0.0e+00;
	v5 =	vadd.f32 v10, v5;
	v10 =	vld [tilespmem:s11+$0x2A70]  }
0x51: {  	v13 =	vld [tilespmem:s15+$0x200];
	[tilespmem:s11+$0x2A00] =	vst v12;
	v11 =	vmax.f32 v11, $0.0e+00;
	v4 =	vadd.f32 v9, v4  }
0x52: {  	v14 =	vld [tilespmem:s15+$0x210];
	[tilespmem:s11+$0x2A10] =	vst v11;
	v9 =	vmax.f32 v5, $0.0e+00;
	v3 =	vadd.f32 v8, v3  }
0x53: {  	v5 =	vld [tilespmem:s15+$0x220];
	[tilespmem:s11+$0x2A20] =	vst v9;
	v8 =	vmax.f32 v4, $0.0e+00;
	v2 =	vadd.f32 v7, v2  }
0x54: {  	v4 =	vld [tilespmem:s15+$0x230];
	[tilespmem:s11+$0x2A30] =	vst v8;
	v7 =	vmax.f32 v3, $0.0e+00;
	v1 =	vadd.f32 v6, v1  }
0x55: {  	v3 =	vld [tilespmem:s15+$0x240];
	[tilespmem:s11+$0x2A40] =	vst v7;
	v6 =	vmax.f32 v2, $0.0e+00;
	v0 =	vadd.f32 v10, v0  }
0x56: {  	v2 =	vld [tilespmem:s15+$0x250];
	[tilespmem:s11+$0x2A50] =	vst v6;
	v6 =	vmax.f32 v1, $0.0e+00  }
0x57: {  	v1 =	vld [tilespmem:s15+$0x260];
	[tilespmem:s11+$0x2A60] =	vst v6;
	v6 =	vmax.f32 v0, $0.0e+00  }
0x58: {  	v0 =	vld [tilespmem:s15+$0x270];
	[tilespmem:s11+$0x2A70] =	vst v6;
	s11 =	smov.u32 s15  }
0x59: {  	v6 =	vld [tilespmem:s11+$0x2A00]  }
0x5a: {  	v11 =	vld [tilespmem:s11+$0x2A10]  }
.Ltmp0:
0x5b: {  	v10 =	vld [tilespmem:s11+$0x2A20];
	(pc) =	sbr.rel @p0 .LBB2_3-.Ltmp0, $4  }
0x5c: {  	v9 =	vld [tilespmem:s11+$0x2A30]  }
0x5d: {  	v8 =	vld [tilespmem:s11+$0x2A40]  }
0x5e: {  	v12 =	vadd.f32 v6, v13;
	v7 =	vld [tilespmem:s11+$0x2A50]  }
0x5f: {  	s12 =	sadd.s32 $0x200, s12;
	v11 =	vadd.f32 v11, v14;
	v6 =	vld [tilespmem:s11+$0x2A60]  }
0x60: {  	v12 =	vmax.f32 v12, $0.0e+00;
	v5 =	vadd.f32 v10, v5;
	v10 =	vld [tilespmem:s11+$0x2A70]  }
0x61: {  	[tilespmem:s11+$0x2A00] =	vst v12;
	v11 =	vmax.f32 v11, $0.0e+00;
	v4 =	vadd.f32 v9, v4  }
0x62: {  	[tilespmem:s11+$0x2A10] =	vst v11;
	v5 =	vmax.f32 v5, $0.0e+00;
	v3 =	vadd.f32 v8, v3  }
0x63: {  	[tilespmem:s11+$0x2A20] =	vst v5;
	v4 =	vmax.f32 v4, $0.0e+00;
	v2 =	vadd.f32 v7, v2  }
0x64: {  	[tilespmem:s11+$0x2A30] =	vst v4;
	v3 =	vmax.f32 v3, $0.0e+00;
	v1 =	vadd.f32 v6, v1  }
0x65: {  	[tilespmem:s11+$0x2A40] =	vst v3;
	v2 =	vmax.f32 v2, $0.0e+00;
	v0 =	vadd.f32 v10, v0  }
0x66: {  	[tilespmem:s11+$0x2A50] =	vst v2;
	v1 =	vmax.f32 v1, $0.0e+00  }
0x67: {  	[tilespmem:s11+$0x2A60] =	vst v1;
	v0 =	vmax.f32 v0, $0.0e+00  }
0x68: {  	[tilespmem:s11+$0x2A70] =	vst v0  }
0x69: {  	[spmem:s2] =	stream.indirect.scatter.add.f32 [tilespmem:s23], [sflag:$0x4], $0x80, s19, s21, $0xb8;
	[tilespmem:$0x1E200] =	vst v63  }
0x6a: {  	s10 =	sadd.s32 s10, s14;
	_ =	swait.ge [sflag:s30], $0x2800  }
0x6b: {  	s11 =	sshrl.u32 s10, $0x3;
	[sflag:s30] =	ssyncset.done $0x0  }
0x6c: {  	s15 =	simm.s32 $0x0;
	s12 =	sadd.s32 s6, s11;
	[sflag:s30] =	ssyncadd.s32 $0xFFFFD800  }
0x6d: {  	[tilespmem:s15], [sflag:$0x3] =	stream.linear.gather [hbm4b:s12+s15], $0x50, $0x38;
	[tilespmem:$0x1E200] =	vst v63  }
0x6e: {  	s11 =	sadd.s32 s7, s11  }
0x6f: {  	[tilespmem:s19], [sflag:$0x3] =	stream.linear.gather [hbm4b:s11+s15], $0x50, $0x38;
	[tilespmem:$0x1E200] =	vst v63  }
0x70: {  	_ =	swait.ge [sflag:s20], $0x50  }
0x71: {  	[sflag:s20] =	ssyncset.done $0x0  }
0x72: {  	[sflag:s20] =	ssyncadd.s32 $0xFFFFFFB0  }
0x73: {  	_ =	swait.ge [sflag:s20], $0x50  }
0x74: {  	[sflag:s20] =	ssyncset.done $0x0  }
0x75: {  	s10 =	sshll.u32 s10, $0x4;
	[sflag:s20] =	ssyncadd.s32 $0xFFFFFFB0  }
0x76: {  	[tilespmem:s22], [sflag:$0x1] =	stream.indirect.gather [hbm4b:s4+s21], $0x80, s15, s21, $0xb8;
	[tilespmem:$0x1E200] =	vst v63  }
0x77: {  	s10 =	sadd.s32 s5, s10  }
0x78: {  	[tilespmem:s23], [sflag:$0x1] =	stream.linear.gather [hbm4b:s10+s15], $0x2800, $0x38;
	[tilespmem:$0x1E200] =	vst v63  }
0x79: {  	_ =	swait.ge [sflag:s31], $0x2800  }
0x7a: {  	[sflag:s31] =	ssyncset.done $0x0  }
0x7b: {  	[sflag:s31] =	ssyncadd.s32 $0xFFFFD800  }
0x7c: {  	_ =	swait.ge [sflag:s31], $0x2800  }
0x7d: {  	[sflag:s31] =	ssyncset.done $0x0  }
0x7e: {  	s10 =	simm.s32 $0x0;
	[sflag:s31] =	ssyncadd.s32 $0xFFFFD800  }
0x7f: {  	v6 =	vld [tilespmem:s10+$0x5200]  }
0x80: {  	v11 =	vld [tilespmem:s10+$0x5210]  }
0x81: {  	v5 =	vld [tilespmem:s10+$0x5220]  }
0x82: {  	v4 =	vld [tilespmem:s10+$0x5230]  }
0x83: {  	v3 =	vld [tilespmem:s10+$0x5240]  }
0x84: {  	v2 =	vld [tilespmem:s10+$0x5250]  }
0x85: {  	v1 =	vld [tilespmem:s10+$0x5260]  }
0x86: {  	v0 =	vld [tilespmem:s10+$0x5270]  }
0x87: {  	v12 =	vld [tilespmem:s10+$0x7A00]  }
0x88: {  	v13 =	vld [tilespmem:s10+$0x7A10]  }
0x89: {  	v10 =	vld [tilespmem:s10+$0x7A20]  }
0x8a: {  	v9 =	vld [tilespmem:s10+$0x7A30]  }
0x8b: {  	v8 =	vld [tilespmem:s10+$0x7A40]  }
0x8c: {  	v7 =	vld [tilespmem:s10+$0x7A50];
	v12 =	vadd.f32 v12, v6  }
0x8d: {  	s11 =	simm.s32 $0x200;
	v11 =	vadd.f32 v13, v11;
	v6 =	vld [tilespmem:s10+$0x7A60]  }
.LBB2_5:
0x8e: {  	s12 =	sshra.s32 s11, $0x2;
	p0 =	sne.s32 s11, $0x9E00;
	v12 =	vmax.f32 v12, $0.0e+00;
	v5 =	vadd.f32 v10, v5;
	v10 =	vld [tilespmem:s10+$0x7A70]  }
0x8f: {  	v13 =	vld [tilespmem:s12+$0x5200];
	[tilespmem:s10+$0x7A00] =	vst v12;
	v11 =	vmax.f32 v11, $0.0e+00;
	v4 =	vadd.f32 v9, v4  }
0x90: {  	v14 =	vld [tilespmem:s12+$0x5210];
	[tilespmem:s10+$0x7A10] =	vst v11;
	v9 =	vmax.f32 v5, $0.0e+00;
	v3 =	vadd.f32 v8, v3  }
0x91: {  	v5 =	vld [tilespmem:s12+$0x5220];
	[tilespmem:s10+$0x7A20] =	vst v9;
	v8 =	vmax.f32 v4, $0.0e+00;
	v2 =	vadd.f32 v7, v2  }
0x92: {  	v4 =	vld [tilespmem:s12+$0x5230];
	[tilespmem:s10+$0x7A30] =	vst v8;
	v7 =	vmax.f32 v3, $0.0e+00;
	v1 =	vadd.f32 v6, v1  }
0x93: {  	v3 =	vld [tilespmem:s12+$0x5240];
	[tilespmem:s10+$0x7A40] =	vst v7;
	v6 =	vmax.f32 v2, $0.0e+00;
	v0 =	vadd.f32 v10, v0  }
0x94: {  	v2 =	vld [tilespmem:s12+$0x5250];
	[tilespmem:s10+$0x7A50] =	vst v6;
	v6 =	vmax.f32 v1, $0.0e+00  }
0x95: {  	v1 =	vld [tilespmem:s12+$0x5260];
	[tilespmem:s10+$0x7A60] =	vst v6;
	v6 =	vmax.f32 v0, $0.0e+00  }
0x96: {  	v0 =	vld [tilespmem:s12+$0x5270];
	[tilespmem:s10+$0x7A70] =	vst v6;
	s10 =	smov.u32 s12  }
0x97: {  	v6 =	vld [tilespmem:s10+$0x7A00]  }
0x98: {  	v11 =	vld [tilespmem:s10+$0x7A10]  }
.Ltmp1:
0x99: {  	v10 =	vld [tilespmem:s10+$0x7A20];
	(pc) =	sbr.rel @p0 .LBB2_5-.Ltmp1, $4  }
0x9a: {  	v9 =	vld [tilespmem:s10+$0x7A30]  }
0x9b: {  	v8 =	vld [tilespmem:s10+$0x7A40]  }
0x9c: {  	v12 =	vadd.f32 v6, v13;
	v7 =	vld [tilespmem:s10+$0x7A50]  }
0x9d: {  	s11 =	sadd.s32 $0x200, s11;
	v11 =	vadd.f32 v11, v14;
	v6 =	vld [tilespmem:s10+$0x7A60]  }
0x9e: {  	v12 =	vmax.f32 v12, $0.0e+00;
	v5 =	vadd.f32 v10, v5;
	v63 =	vld [tilespmem:s10+$0x7A70]  }
0x9f: {  	[tilespmem:s10+$0x7A00] =	vst v12;
	v11 =	vmax.f32 v11, $0.0e+00;
	v4 =	vadd.f32 v9, v4  }
0xa0: {  	[tilespmem:s10+$0x7A10] =	vst v11;
	v5 =	vmax.f32 v5, $0.0e+00;
	v3 =	vadd.f32 v8, v3  }
0xa1: {  	s8 =	sadd.s32 $0x1, s8;
	[tilespmem:s10+$0x7A20] =	vst v5;
	v4 =	vmax.f32 v4, $0.0e+00;
	v2 =	vadd.f32 v7, v2  }
0xa2: {  	p0 =	sne.s32 s8, $0x3E;
	[tilespmem:s10+$0x7A30] =	vst v4;
	v3 =	vmax.f32 v3, $0.0e+00;
	v1 =	vadd.f32 v6, v1  }
.Ltmp2:
0xa3: {  	[tilespmem:s10+$0x7A40] =	vst v3;
	v2 =	vmax.f32 v2, $0.0e+00;
	v0 =	vadd.f32 v63, v0;
	(pc) =	sbr.rel @p0 .LBB2_2-.Ltmp2, $4  }
0xa4: {  	[tilespmem:s10+$0x7A50] =	vst v2;
	v1 =	vmax.f32 v1, $0.0e+00  }
0xa5: {  	[tilespmem:s10+$0x7A60] =	vst v1;
	v0 =	vmax.f32 v0, $0.0e+00  }
0xa6: {  	[tilespmem:s10+$0x7A70] =	vst v0  }
0xa7: {  	[spmem:s2] =	stream.indirect.scatter.add.f32 [tilespmem:s28], [sflag:$0x5], $0x80, s25, s21, $0xb8;
	[tilespmem:$0x1E200] =	vst v63  }
0xa8: {  	_ =	swait.ge [sflag:s29], $0x2800  }
0xa9: {  	[sflag:s29] =	ssyncset.done $0x0  }
0xaa: {  	[sflag:s29] =	ssyncadd.s32 $0xFFFFD800  }
0xab: {  	_ =	swait.ge [sflag:s29], $0x2800  }
0xac: {  	[sflag:s29] =	ssyncset.done $0x0  }
0xad: {  	s8 =	simm.s32 $0x0;
	[sflag:s29] =	ssyncadd.s32 $0xFFFFD800  }
0xae: {  	v6 =	vld [tilespmem:s8+$0x200]  }
0xaf: {  	v11 =	vld [tilespmem:s8+$0x210]  }
0xb0: {  	v5 =	vld [tilespmem:s8+$0x220]  }
0xb1: {  	v4 =	vld [tilespmem:s8+$0x230]  }
0xb2: {  	v3 =	vld [tilespmem:s8+$0x240]  }
0xb3: {  	v2 =	vld [tilespmem:s8+$0x250]  }
0xb4: {  	v1 =	vld [tilespmem:s8+$0x260]  }
0xb5: {  	v0 =	vld [tilespmem:s8+$0x270]  }
0xb6: {  	v12 =	vld [tilespmem:s8+$0x2A00]  }
0xb7: {  	v13 =	vld [tilespmem:s8+$0x2A10]  }
0xb8: {  	v10 =	vld [tilespmem:s8+$0x2A20]  }
0xb9: {  	v9 =	vld [tilespmem:s8+$0x2A30]  }
0xba: {  	v8 =	vld [tilespmem:s8+$0x2A40]  }
0xbb: {  	v7 =	vld [tilespmem:s8+$0x2A50];
	v12 =	vadd.f32 v12, v6  }
0xbc: {  	s10 =	simm.s32 $0x200;
	v11 =	vadd.f32 v13, v11;
	v6 =	vld [tilespmem:s8+$0x2A60]  }
.LBB2_8:
0xbd: {  	s11 =	sshra.s32 s10, $0x2;
	p0 =	sne.s32 s10, $0x9E00;
	v12 =	vmax.f32 v12, $0.0e+00;
	v5 =	vadd.f32 v10, v5;
	v10 =	vld [tilespmem:s8+$0x2A70]  }
0xbe: {  	v13 =	vld [tilespmem:s11+$0x200];
	[tilespmem:s8+$0x2A00] =	vst v12;
	v11 =	vmax.f32 v11, $0.0e+00;
	v4 =	vadd.f32 v9, v4  }
0xbf: {  	v14 =	vld [tilespmem:s11+$0x210];
	[tilespmem:s8+$0x2A10] =	vst v11;
	v9 =	vmax.f32 v5, $0.0e+00;
	v3 =	vadd.f32 v8, v3  }
0xc0: {  	v5 =	vld [tilespmem:s11+$0x220];
	[tilespmem:s8+$0x2A20] =	vst v9;
	v8 =	vmax.f32 v4, $0.0e+00;
	v2 =	vadd.f32 v7, v2  }
0xc1: {  	v4 =	vld [tilespmem:s11+$0x230];
	[tilespmem:s8+$0x2A30] =	vst v8;
	v7 =	vmax.f32 v3, $0.0e+00;
	v1 =	vadd.f32 v6, v1  }
0xc2: {  	v3 =	vld [tilespmem:s11+$0x240];
	[tilespmem:s8+$0x2A40] =	vst v7;
	v6 =	vmax.f32 v2, $0.0e+00;
	v0 =	vadd.f32 v10, v0  }
0xc3: {  	v2 =	vld [tilespmem:s11+$0x250];
	[tilespmem:s8+$0x2A50] =	vst v6;
	v6 =	vmax.f32 v1, $0.0e+00  }
0xc4: {  	v1 =	vld [tilespmem:s11+$0x260];
	[tilespmem:s8+$0x2A60] =	vst v6;
	v6 =	vmax.f32 v0, $0.0e+00  }
0xc5: {  	v0 =	vld [tilespmem:s11+$0x270];
	[tilespmem:s8+$0x2A70] =	vst v6;
	s8 =	smov.u32 s11  }
0xc6: {  	v6 =	vld [tilespmem:s8+$0x2A00]  }
0xc7: {  	v11 =	vld [tilespmem:s8+$0x2A10]  }
.Ltmp3:
0xc8: {  	v10 =	vld [tilespmem:s8+$0x2A20];
	(pc) =	sbr.rel @p0 .LBB2_8-.Ltmp3, $4  }
0xc9: {  	v9 =	vld [tilespmem:s8+$0x2A30]  }
0xca: {  	v8 =	vld [tilespmem:s8+$0x2A40]  }
0xcb: {  	v12 =	vadd.f32 v6, v13;
	v7 =	vld [tilespmem:s8+$0x2A50]  }
0xcc: {  	s10 =	sadd.s32 $0x200, s10;
	v11 =	vadd.f32 v11, v14;
	v6 =	vld [tilespmem:s8+$0x2A60]  }
0xcd: {  	v12 =	vmax.f32 v12, $0.0e+00;
	v5 =	vadd.f32 v10, v5;
	v63 =	vld [tilespmem:s8+$0x2A70]  }
0xce: {  	[tilespmem:s8+$0x2A00] =	vst v12;
	v11 =	vmax.f32 v11, $0.0e+00;
	v4 =	vadd.f32 v9, v4  }
0xcf: {  	[tilespmem:s8+$0x2A10] =	vst v11;
	v5 =	vmax.f32 v5, $0.0e+00;
	v3 =	vadd.f32 v8, v3  }
0xd0: {  	[tilespmem:s8+$0x2A20] =	vst v5;
	v4 =	vmax.f32 v4, $0.0e+00;
	v2 =	vadd.f32 v7, v2  }
0xd1: {  	[tilespmem:s8+$0x2A30] =	vst v4;
	v3 =	vmax.f32 v3, $0.0e+00;
	v1 =	vadd.f32 v6, v1  }
0xd2: {  	[tilespmem:s8+$0x2A40] =	vst v3;
	v2 =	vmax.f32 v2, $0.0e+00;
	v0 =	vadd.f32 v63, v0  }
0xd3: {  	[tilespmem:s8+$0x2A50] =	vst v2;
	v1 =	vmax.f32 v1, $0.0e+00  }
0xd4: {  	[tilespmem:s8+$0x2A60] =	vst v1;
	v0 =	vmax.f32 v0, $0.0e+00  }
0xd5: {  	[tilespmem:s8+$0x2A70] =	vst v0  }
0xd6: {  	_ =	swait.ge [sflag:s0], $0x2800  }
0xd7: {  	[sflag:s0] =	ssyncset.done $0x0  }
0xd8: {  	[sflag:s0] =	ssyncadd.s32 $0xFFFFD800  }
0xd9: {  	[spmem:s2] =	stream.indirect.scatter.add.f32 [tilespmem:s23], [sflag:$0x6], $0x80, s19, s21, $0xb8;
	[tilespmem:$0x1E200] =	vst v63  }
0xda: {  	_ =	swait.ge [sflag:s18], $0x2800  }
0xdb: {  	[sflag:s18] =	ssyncset.done $0x0  }
0xdc: {  	[sflag:s18] =	ssyncadd.s32 $0xFFFFD800  }
0xdd: {  	[bflag:$0x0] =	sbarrier.arrive $0xFFFF  }
0xde: {  	s12 =	rddreg [dreg:$0x7]  }
0xdf: {  	[hbm:s12], [sflag:s9] =	dma.local [spmem:s17], $0x2800  }
0xe0: {  	_ =	swait.ge [sflag:s18], $0x2800  }
0xe1: {  	s1 =	sadd.s32 $0x1, s1;
	s15 =	rddreg [dreg:$0x8]  }
0xe2: {  	p0 =	sne.s32 s1, s15  }
.Ltmp4:
0xe3: {  	_ = 	snop;
	(pc) =	sbr.rel @p0 .LBB2_1-.Ltmp4, $3  }
0xe4: {  	_ =	sdelay $0x1  }
0xe5: {  	[sflag:s18] =	ssyncset.done $0x0  }
0xe6: {  	[sflag:s18] =	ssyncadd.s32 $0xFFFFD800  }
0xe7: {  	_ =	sfence.sel $0x180000  }
0xe8: {  	[bflag:$0x0] =	sbarrier.arrive $0xFFFF  }
0xe9: {  	_ =	strace $0x9000004D  }
0xea: {  	s0 =	stileid.u32;
	[bflag:$0x2] =	sbarrier.arrive $0xFFFF  }
0xeb: {  	p0 =	sne.s32 s0, $0x0;
	s0 =	rddreg [dreg:$0x2]  }
0xec: {  	s0 =	sadd.s32 @!p0 $0x100000, s0  }
0xed: {  	[sflag:s0] =	ssyncadd.tile.s32 @!p0 $0x1;
	_ =	shalt  }
.Lfunc_end2:
_tile_overlayer_lowered:
.L_overlay_start_2:
0xee: {  	(tag) =	ssettag $0x2  }
0xef: {  	s0 =	rddreg [dreg:$0x0];
	s2 =	stileid.u32  }
0xf0: {  	s1 =	rddreg [dreg:$0x1];
	p0 =	sne.s32 s2, $0x0  }
0xf1: {  	s3 =	rddreg [dreg:$0x2];
	[bflag:$0x3] =	sbarrier.arrive $0xFFFF;
	s2 =	simm.s32 @!p0 $0x1C06  }
0xf2: {  	[timem:s3], [sflag:s2] =	dma.local @!p0 [hbm:s0], s1  }
0xf3: {  	s0 =	simm.s32 @!p0 $0x6  }
0xf4: {  	_ =	swait.ge @!p0 [sflag:s0], s1  }
0xf5: {  	s1 =	ssub.s32 @!p0 $0x0, s1;
	[sflag:s0] =	ssyncset.done @!p0 $0x0  }
0xf6: {  	[sflag:s0] =	ssyncadd.s32 @!p0 s1  }
0xf7: {  	[bflag:$0x3] =	sbarrier.arrive $0xFFFF  }
0xf8: {  	_ =	shalt  }

</sc_bundles>
